<compile_context>
chip_gen: v7x
topology: tpu7x:2x2x1
jax: 0.10.2.dev20260603
libtpu: 0.0.44.dev20260713+nightly
codegen_flags: <defaults>
</compile_context>

<pallas_src>
import functools

import jax
import jax.numpy as jnp
from jax import lax
from jax.experimental import pallas as pl
from jax.experimental.pallas import tpu as pltpu
from jax.experimental.pallas import tpu_sc as plsc

B = 8
L2 = 3
N2 = 512
L1 = 6
N1 = 2048
IN = 256
MID = 128
OUT = 128
ORIG = 64
BN_EPS = 1e-5

SC_NC = 2
SC_NS = 16
SC_NW = SC_NC * SC_NS
CPI = 32
N_SLOT = MID // CPI
N_ITEMS = B * L1 * N_SLOT
ITEMS_PW = N_ITEMS // SC_NW
N_GRP = N1 // 16


def _stage1_body(feat_ref, wt_ref, wmid_ref, gamma_ref, beta_ref, h_ref):
    wt = wt_ref[0]
    s1 = jnp.zeros((MID, 1), jnp.float32)
    s2 = jnp.zeros((MID, 1), jnp.float32)
    for b in range(B):
        g = jnp.dot(wt, feat_ref[b, 0], preferred_element_type=jnp.float32)
        h_ref[0, b] = g
        s1 = s1 + jnp.sum(g, axis=1, keepdims=True)
        s2 = s2 + jnp.sum(g * g, axis=1, keepdims=True)
    inv_n = jnp.float32(1.0 / (B * N2))
    mean = s1 * inv_n
    var = s2 * inv_n - mean * mean
    rstd = lax.rsqrt(var + BN_EPS)
    scale = gamma_ref[...] * rstd
    bias = beta_ref[...] - mean * scale
    wmid = wmid_ref[...]
    for b in range(B):
        sf = jnp.maximum(h_ref[0, b] * scale + bias, 0.0)
        h_ref[0, b] = jnp.dot(wmid, sf, preferred_element_type=jnp.float32)


def _stage2_body(seed_ref, anchor_ref, orig_ref, worig_ref,
                 idx_ref, w_ref, part_ref):
    s = seed_ref[0, 0]
    a = anchor_ref[0, 0]
    dx = s[:, 0:1] - a[0:1, :]
    dy = s[:, 1:2] - a[1:2, :]
    dz = s[:, 2:3] - a[2:3, :]
    d2 = (dx * dx + dy * dy) + dz * dz

    iota_i = lax.broadcasted_iota(jnp.int32, (1, N2), 1)
    mlow = (iota_i & 15).astype(jnp.float32)
    mhigh = (iota_i >> 4).astype(jnp.float32)
    recips = []
    for k in range(3):
        mn = jnp.min(d2, axis=0, keepdims=True)
        sel = d2 == mn
        recips.append(1.0 / (mn + 1e-8))
        sel_f = sel.astype(jnp.float32)
        il = jnp.dot(mlow, sel_f, preferred_element_type=jnp.float32)
        ih = jnp.dot(mhigh, sel_f, preferred_element_type=jnp.float32)
        idx_f = il + 16.0 * ih
        idx_i = (idx_f + 0.5).astype(jnp.int32)
        idx_ref[0, 0, k:k + 1, :] = jnp.minimum(idx_i, N2 - 1)
        d2 = jnp.where(sel, jnp.float32(jnp.inf), d2)

    norm = (recips[0] + recips[1]) + recips[2]
    for k in range(3):
        w_ref[0, 0, k:k + 1, :] = recips[k] / norm

    part_ref[0, 0] = jnp.dot(worig_ref[...], orig_ref[0, 0],
                             preferred_element_type=jnp.float32)


def _sc_gather_body(ht_hbm, idx_hbm, w_hbm, part_hbm, out_hbm,
                    table_a, idx_a, w_a, tile_a, sem_a):
    wid = lax.axis_index("s") * SC_NC + lax.axis_index("c")

    def coords(it):
        item = wid * ITEMS_PW + jnp.minimum(it, ITEMS_PW - 1)
        s = item // N_SLOT
        cslot = item % N_SLOT
        return s // L1, s % L1, cslot * CPI

    def copies(it, table_v, idx_v, w_v, tile_v, sem):
        b, j, c0 = coords(it)
        return (
            pltpu.make_async_copy(ht_hbm.at[j, b, pl.ds(c0, CPI), :],
                                  table_v, sem),
            pltpu.make_async_copy(idx_hbm.at[b, j], idx_v, sem),
            pltpu.make_async_copy(w_hbm.at[b, j], w_v, sem),
            pltpu.make_async_copy(part_hbm.at[b, j, pl.ds(c0, CPI), :],
                                  tile_v, sem),
        )

    def fetch(it, *bufs):
        for c in copies(it, *bufs):
            c.start()

    def drain(it, *bufs):
        for c in copies(it, *bufs):
            c.wait()

    def compute(it, table_v, idx_v, w_v, tile_v, sem):
        b, j, c0 = coords(it)

        @plsc.parallel_loop(0, N_GRP, 1, unroll=2)
        def grp_body(g):
            o = g * 16
            i0 = idx_v[0, pl.ds(o, 16)]
            i1 = idx_v[1, pl.ds(o, 16)]
            i2 = idx_v[2, pl.ds(o, 16)]
            w0 = w_v[0, pl.ds(o, 16)]
            w1 = w_v[1, pl.ds(o, 16)]
            w2 = w_v[2, pl.ds(o, 16)]
            for c in range(CPI):
                cc = jnp.full((16,), c, jnp.int32)
                v = w0 * plsc.load_gather(table_v, [cc, i0])
                v = v + w1 * plsc.load_gather(table_v, [cc, i1])
                v = v + w2 * plsc.load_gather(table_v, [cc, i2])
                plsc.addupdate(tile_v.at[c, pl.ds(o, 16)], v)

        pltpu.sync_copy(tile_v, out_hbm.at[b, j, pl.ds(c0, CPI), :])

    bufs_a = (table_a, idx_a, w_a, tile_a, sem_a)

    def item_body(it, _):
        fetch(it, *bufs_a)
        drain(it, *bufs_a)
        compute(it, *bufs_a)
        return 0

    lax.fori_loop(0, ITEMS_PW, item_body, 0)


@jax.jit
def kernel(xyzs, original_xyzs, features, original_features, W_temporal,
           bn_gamma, bn_beta, W_spatial):
    w_taps = W_temporal.reshape(3, MID, IN)
    w_mid = W_spatial[:, :MID]
    w_orig = W_spatial[:, MID:]
    gamma = bn_gamma.reshape(MID, 1)
    beta = bn_beta.reshape(MID, 1)
    anchors_t = jnp.swapaxes(original_xyzs, 2, 3)

    h = pl.pallas_call(
        _stage1_body,
        grid=(L1,),
        in_specs=[
            pl.BlockSpec((B, 1, IN, N2), lambda j: (0, j // 2, 0, 0)),
            pl.BlockSpec((1, MID, IN), lambda j: (j % 2, 0, 0)),
            pl.BlockSpec((MID, MID), lambda j: (0, 0)),
            pl.BlockSpec((MID, 1), lambda j: (0, 0)),
            pl.BlockSpec((MID, 1), lambda j: (0, 0)),
        ],
        out_specs=pl.BlockSpec((1, B, MID, N2), lambda j: (j, 0, 0, 0)),
        out_shape=jax.ShapeDtypeStruct((L1, B, MID, N2), jnp.float32),
    )(features, w_taps, w_mid, gamma, beta)


    idx3, w3, partial = pl.pallas_call(
        _stage2_body,
        grid=(B, L1),
        in_specs=[
            pl.BlockSpec((1, 1, N2, 3), lambda b, j: (b, j // 2, 0, 0)),
            pl.BlockSpec((1, 1, 3, N1), lambda b, j: (b, j, 0, 0)),
            pl.BlockSpec((1, 1, ORIG, N1), lambda b, j: (b, j, 0, 0)),
            pl.BlockSpec((OUT, ORIG), lambda b, j: (0, 0)),
        ],
        out_specs=[
            pl.BlockSpec((1, 1, 3, N1), lambda b, j: (b, j, 0, 0)),
            pl.BlockSpec((1, 1, 3, N1), lambda b, j: (b, j, 0, 0)),
            pl.BlockSpec((1, 1, OUT, N1), lambda b, j: (b, j, 0, 0)),
        ],
        out_shape=[
            jax.ShapeDtypeStruct((B, L1, 3, N1), jnp.int32),
            jax.ShapeDtypeStruct((B, L1, 3, N1), jnp.float32),
            jax.ShapeDtypeStruct((B, L1, OUT, N1), jnp.float32),
        ],
    )(xyzs, anchors_t, original_features, w_orig)

    sc_call = functools.partial(
        pl.kernel,
        mesh=plsc.VectorSubcoreMesh(core_axis_name="c", subcore_axis_name="s"),
        out_type=jax.ShapeDtypeStruct((B, L1, OUT, N1), jnp.float32),
        scratch_types=[
            pltpu.VMEM((CPI, N2), jnp.float32),
            pltpu.VMEM((3, N1), jnp.int32),
            pltpu.VMEM((3, N1), jnp.float32),
            pltpu.VMEM((CPI, N1), jnp.float32),
            pltpu.SemaphoreType.DMA,
        ],
        compiler_params=pltpu.CompilerParams(needs_layout_passes=False),
    )(_sc_gather_body)

    new_features = sc_call(h, idx3, w3, partial)
    return original_xyzs, new_features

# --- scband reference (transcript-rebuilt; emitter-appended) ---
"""Pipeline reference for scband-pstconv-transpose-52913997087088 (READ-ONLY COPY).

The authoritative reference and input builder live on the scoring server;
editing this copy changes nothing except your own understanding.
"""

import jax, jax.numpy as jnp
import numpy as np

B = 8
L2 = 3
N2 = 512
L1 = 6
N1 = 2048
IN = 256
MID = 128
OUT = 128
ORIG = 64
K = 3
STRIDE = 2
PAD = (0, -1)
RADIUS = 1
BN_EPS = 1e-5


def setup_inputs(seed: int = 0) -> dict:
    key = jax.random.key(seed)
    ks = jax.random.split(key, 6)
    xyzs = jax.random.normal(ks[0], (B, L2, N2, 3), dtype=jnp.float32)
    original_xyzs = jax.random.normal(ks[1], (B, L1, N1, 3), dtype=jnp.float32)
    features = jax.random.normal(ks[2], (B, L2, IN, N2), dtype=jnp.float32)
    original_features = jax.random.normal(ks[3], (B, L1, ORIG, N1), dtype=jnp.float32)
    W_temporal = jax.random.normal(ks[4], (K * MID, IN), dtype=jnp.float32) * 0.02
    bn_gamma = jnp.ones((MID,), dtype=jnp.float32)
    bn_beta = jnp.zeros((MID,), dtype=jnp.float32)
    W_spatial = jax.random.normal(ks[5], (OUT, MID + ORIG), dtype=jnp.float32) * 0.02
    return {
        'xyzs': xyzs,
        'original_xyzs': original_xyzs,
        'features': features,
        'original_features': original_features,
        'W_temporal': W_temporal,
        'bn_gamma': bn_gamma,
        'bn_beta': bn_beta,
        'W_spatial': W_spatial,
    }


def _batch_norm(x, gamma, beta):
    # training-mode BatchNorm1d over (B, C, N): stats over dims (0, 2)
    mean = jnp.mean(x, axis=(0, 2), keepdims=True)
    var = jnp.var(x, axis=(0, 2), keepdims=True)
    return (x - mean) / jnp.sqrt(var + BN_EPS) * gamma[None, :, None] + beta[None, :, None]


def _forward(xyzs, original_xyzs, features, original_features, W_temporal, bn_gamma, bn_beta, W_spatial):
    xyz_list = [xyzs[:, t] for t in range(L2)]            # each (B, N2, 3)
    feat_list = [features[:, t] for t in range(L2)]       # each (B, IN, N2)
    orig_xyz_list = [original_xyzs[:, t] for t in range(L1)]     # (B, N1, 3)
    orig_feat_list = [original_features[:, t] for t in range(L1)]  # (B, ORIG, N1)

    # temporal transposed conv (1x1 conv producing K*MID channels, split into K taps)
    temporal_trans = []
    for f in feat_list:
        g = jnp.einsum('oc,bcn->bon', W_temporal, f)  # (B, K*MID, N2)
        temporal_trans.append([g[:, k * MID:(k + 1) * MID, :] for k in range(K)])

    middles = []
    deltas = []
    for t2 in range(1, L2 + 1):
        middle = t2 + (t2 - 1) * (STRIDE - 1) + RADIUS + PAD[0]
        middles.append(middle)
        deltas.append(range(middle - RADIUS, middle + RADIUS + PAD[1] + 1))

    new_features = []
    for t1 in range(1, L1 + 1):
        seed_xyzs = []
        seed_feats = []
        for t2 in range(L2):
            if t1 in deltas[t2]:
                seed_xyzs.append(xyz_list[t2])
                sf = temporal_trans[t2][t1 - middles[t2] + RADIUS]
                sf = _batch_norm(sf, bn_gamma, bn_beta)
                sf = jax.nn.relu(sf)
                seed_feats.append(sf)
        seed_xyz = jnp.concatenate(seed_xyzs, axis=1)   # (B, M, 3)
        seed_feat = jnp.concatenate(seed_feats, axis=2)  # (B, MID, M)

        anchor = orig_xyz_list[t1 - 1]  # (B, N1, 3)
        # brute-force 3-NN (pointnet2 three_nn returns squared distances)
        d2 = jnp.sum((anchor[:, :, None, :] - seed_xyz[:, None, :, :]) ** 2, axis=-1)  # (B, N1, M)
        neg_d, idx = jax.lax.top_k(-d2, 3)
        dist = -neg_d  # (B, N1, 3)
        dist_recip = 1.0 / (dist + 1e-8)
        norm = jnp.sum(dist_recip, axis=2, keepdims=True)
        weight = dist_recip / norm  # (B, N1, 3)

        # three_interpolate: gather neighbor features and blend
        gathered = jax.vmap(lambda f, i: f[:, i])(seed_feat, idx)  # (B, MID, N1, 3)
        interp = jnp.sum(gathered * weight[:, None, :, :], axis=-1)  # (B, MID, N1)

        newf = jnp.concatenate([interp, orig_feat_list[t1 - 1]], axis=1)  # (B, MID+ORIG, N1)
        newf = jnp.einsum('oc,bcn->bon', W_spatial, newf)  # (B, OUT, N1)
        new_features.append(newf)

    new_features = jnp.stack(new_features, axis=1)  # (B, L1, OUT, N1)
    return original_xyzs, new_features


def reference(xyzs, original_xyzs, features, original_features, W_temporal, bn_gamma, bn_beta, W_spatial):
    return _forward(xyzs, original_xyzs, features, original_features, W_temporal, bn_gamma, bn_beta, W_spatial)

if __name__ == "__main__":
    import jax
    _d = setup_inputs()
    print(jax.jit(kernel)(*tuple(_d.values())))

</pallas_src>

<mosaic_0001>
#map = affine_map<(d0, d1) -> (0, 0, 0, 0)>
module attributes {stable_mosaic.version = 14 : i64} {
  func.func @_sc_gather_body(%arg0: i32, %arg1: i32, %arg2: memref<6x8x128x512xf32, #tpu.memory_space<hbm>>, %arg3: memref<8x6x3x2048xi32, #tpu.memory_space<hbm>>, %arg4: memref<8x6x3x2048xf32, #tpu.memory_space<hbm>>, %arg5: memref<8x6x128x2048xf32, #tpu.memory_space<hbm>>, %arg6: memref<8x6x128x2048xf32, #tpu.memory_space<hbm>>, %arg7: memref<32x512xf32, #tpu.memory_space<vmem>>, %arg8: memref<3x2048xi32, #tpu.memory_space<vmem>>, %arg9: memref<3x2048xf32, #tpu.memory_space<vmem>>, %arg10: memref<32x2048xf32, #tpu.memory_space<vmem>>, %arg11: memref<!tpu.dma_semaphore, #tpu.memory_space<semaphore_mem>>) attributes {dimension_semantics = [#tpu.dimension_semantics<core_parallel>, #tpu.dimension_semantics<subcore_parallel>], iteration_bounds = array<i64: 2, 16>, scalar_prefetch = 0 : i64, scratch_operands = 5 : i64, tpu.core_type = #tpu.core_type<sc_vector_subcore>, window_params = [{transform_indices = #map}, {transform_indices = #map}, {transform_indices = #map}, {transform_indices = #map}, {transform_indices = #map}]} {
    %mul3A = arith.constant 2 : i32
    %mul3A_0 = arith.muli %arg1, %mul3A : i32
    %add3A = arith.addi %mul3A_0, %arg0 : i32
    %scan3A = arith.constant 0 : i32
    %scan3A_1 = arith.constant 0 : i32
    %scan3A_2 = arith.constant 6 : i32
    %scan3A_3 = arith.addi %scan3A_1, %scan3A_2 : i32
    %scan3A_4 = arith.constant 1 : i32
    %scan3A_5 = scf.for %scan3A_7 = %scan3A_1 to %scan3A_3 step %scan3A_4 iter_args(%scan3A_8 = %scan3A) -> (i32)  : i32 {
      %mul3A_9 = arith.constant 6 : i32
      %mul3A_10 = arith.muli %add3A, %mul3A_9 : i32
      %min3A = arith.constant 5 : i32
      %min3A_11 = arith.minsi %scan3A_7, %min3A : i32
      %add3A_12 = arith.addi %mul3A_10, %min3A_11 : i32
      %jit3A = arith.constant 4 : i32
      %div3A = arith.divsi %add3A_12, %jit3A : i32
      %sign3A = arith.constant 0 : i32
      %sign3A_13 = arith.cmpi sgt, %add3A_12, %sign3A : i32
      %sign3A_14 = arith.extui %sign3A_13 : i1 to i32
      %sign3A_15 = arith.constant 0 : i32
      %sign3A_16 = arith.cmpi slt, %add3A_12, %sign3A_15 : i32
      %sign3A_17 = arith.extui %sign3A_16 : i1 to i32
      %sign3A_18 = arith.subi %sign3A_14, %sign3A_17 : i32
      %sign3A_19 = arith.constant 0 : i32
      %sign3A_20 = arith.cmpi sgt, %jit3A, %sign3A_19 : i32
      %sign3A_21 = arith.extui %sign3A_20 : i1 to i32
      %sign3A_22 = arith.constant 0 : i32
      %sign3A_23 = arith.cmpi slt, %jit3A, %sign3A_22 : i32
      %sign3A_24 = arith.extui %sign3A_23 : i1 to i32
      %sign3A_25 = arith.subi %sign3A_21, %sign3A_24 : i32
      %ne3A = arith.cmpi ne, %sign3A_18, %sign3A_25 : i32
      %rem3A = arith.remsi %add3A_12, %jit3A : i32
      %ne3A_26 = arith.constant 0 : i32
      %ne3A_27 = arith.cmpi ne, %rem3A, %ne3A_26 : i32
      %and3A = arith.andi %ne3A, %ne3A_27 : i1
      %sub3A = arith.constant 1 : i32
      %sub3A_28 = arith.subi %div3A, %sub3A : i32
      %select_n3A = arith.select %and3A, %sub3A_28, %div3A : i32
      %jit3A_29 = arith.constant 4 : i32
      %eq3A = arith.constant 0 : i32
      %eq3A_30 = arith.cmpi eq, %jit3A_29, %eq3A : i32
      %jit3A_31 = arith.constant 1 : i32
      %select_n3A_32 = arith.select %eq3A_30, %jit3A_31, %jit3A_29 : i32
      %rem3A_33 = arith.remsi %add3A_12, %select_n3A_32 : i32
      %ne3A_34 = arith.constant 0 : i32
      %ne3A_35 = arith.cmpi ne, %rem3A_33, %ne3A_34 : i32
      %lt3A = arith.constant 0 : i32
      %lt3A_36 = arith.cmpi slt, %rem3A_33, %lt3A : i32
      %lt3A_37 = arith.constant 0 : i32
      %lt3A_38 = arith.cmpi slt, %select_n3A_32, %lt3A_37 : i32
      %ne3A_39 = arith.xori %lt3A_36, %lt3A_38 : i1
      %and3A_40 = arith.andi %ne3A_39, %ne3A_35 : i1
      %add3A_41 = arith.addi %rem3A_33, %select_n3A_32 : i32
      %select_n3A_42 = arith.select %and3A_40, %add3A_41, %rem3A_33 : i32
      %jit3A_43 = arith.constant 6 : i32
      %div3A_44 = arith.divsi %select_n3A, %jit3A_43 : i32
      %sign3A_45 = arith.constant 0 : i32
      %sign3A_46 = arith.cmpi sgt, %select_n3A, %sign3A_45 : i32
      %sign3A_47 = arith.extui %sign3A_46 : i1 to i32
      %sign3A_48 = arith.constant 0 : i32
      %sign3A_49 = arith.cmpi slt, %select_n3A, %sign3A_48 : i32
      %sign3A_50 = arith.extui %sign3A_49 : i1 to i32
      %sign3A_51 = arith.subi %sign3A_47, %sign3A_50 : i32
      %sign3A_52 = arith.constant 0 : i32
      %sign3A_53 = arith.cmpi sgt, %jit3A_43, %sign3A_52 : i32
      %sign3A_54 = arith.extui %sign3A_53 : i1 to i32
      %sign3A_55 = arith.constant 0 : i32
      %sign3A_56 = arith.cmpi slt, %jit3A_43, %sign3A_55 : i32
      %sign3A_57 = arith.extui %sign3A_56 : i1 to i32
      %sign3A_58 = arith.subi %sign3A_54, %sign3A_57 : i32
      %ne3A_59 = arith.cmpi ne, %sign3A_51, %sign3A_58 : i32
      %rem3A_60 = arith.remsi %select_n3A, %jit3A_43 : i32
      %ne3A_61 = arith.constant 0 : i32
      %ne3A_62 = arith.cmpi ne, %rem3A_60, %ne3A_61 : i32
      %and3A_63 = arith.andi %ne3A_59, %ne3A_62 : i1
      %sub3A_64 = arith.constant 1 : i32
      %sub3A_65 = arith.subi %div3A_44, %sub3A_64 : i32
      %select_n3A_66 = arith.select %and3A_63, %sub3A_65, %div3A_44 : i32
      %jit3A_67 = arith.constant 6 : i32
      %eq3A_68 = arith.constant 0 : i32
      %eq3A_69 = arith.cmpi eq, %jit3A_67, %eq3A_68 : i32
      %jit3A_70 = arith.constant 1 : i32
      %select_n3A_71 = arith.select %eq3A_69, %jit3A_70, %jit3A_67 : i32
      %rem3A_72 = arith.remsi %select_n3A, %select_n3A_71 : i32
      %ne3A_73 = arith.constant 0 : i32
      %ne3A_74 = arith.cmpi ne, %rem3A_72, %ne3A_73 : i32
      %lt3A_75 = arith.constant 0 : i32
      %lt3A_76 = arith.cmpi slt, %rem3A_72, %lt3A_75 : i32
      %lt3A_77 = arith.constant 0 : i32
      %lt3A_78 = arith.cmpi slt, %select_n3A_71, %lt3A_77 : i32
      %ne3A_79 = arith.xori %lt3A_76, %lt3A_78 : i1
      %and3A_80 = arith.andi %ne3A_79, %ne3A_74 : i1
      %add3A_81 = arith.addi %rem3A_72, %select_n3A_71 : i32
      %select_n3A_82 = arith.select %and3A_80, %add3A_81, %rem3A_72 : i32
      %mul3A_83 = arith.constant 32 : i32
      %mul3A_84 = arith.muli %select_n3A_42, %mul3A_83 : i32
      %dma_start3A = arith.constant 0 : i32
      %dma_start3A_85 = tpu.memref_slice %arg2[%select_n3A_82, %select_n3A_66, %mul3A_84, %dma_start3A] : memref<6x8x128x512xf32, #tpu.memory_space<hbm>> -> memref<1x1x32x512xf32, #tpu.memory_space<hbm>>
      %dma_start3A_86 = tpu.memref_squeeze %dma_start3A_85 : memref<1x1x32x512xf32, #tpu.memory_space<hbm>> -> memref<32x512xf32, #tpu.memory_space<hbm>>
      %dma_start3A_87 = arith.constant 0 : i32
      %dma_start3A_88 = tpu.memref_slice %arg2[%select_n3A_82, %select_n3A_66, %mul3A_84, %dma_start3A_87] : memref<6x8x128x512xf32, #tpu.memory_space<hbm>> -> memref<1x1x32x512xf32, #tpu.memory_space<hbm>>
      %dma_start3A_89 = tpu.memref_squeeze %dma_start3A_88 : memref<1x1x32x512xf32, #tpu.memory_space<hbm>> -> memref<32x512xf32, #tpu.memory_space<hbm>>
      tpu.enqueue_dma source(%dma_start3A_89 : memref<32x512xf32, #tpu.memory_space<hbm>>) target(%arg7 : memref<32x512xf32, #tpu.memory_space<vmem>>) target_semaphore(%arg11 : memref<!tpu.dma_semaphore, #tpu.memory_space<semaphore_mem>>)
      %dma_start3A_90 = arith.constant 0 : i32
      %dma_start3A_91 = arith.constant 0 : i32
      %dma_start3A_92 = tpu.memref_slice %arg3[%select_n3A_66, %select_n3A_82, %dma_start3A_90, %dma_start3A_91] : memref<8x6x3x2048xi32, #tpu.memory_space<hbm>> -> memref<1x1x3x2048xi32, #tpu.memory_space<hbm>>
      %dma_start3A_93 = tpu.memref_squeeze %dma_start3A_92 : memref<1x1x3x2048xi32, #tpu.memory_space<hbm>> -> memref<3x2048xi32, #tpu.memory_space<hbm>>
      %dma_start3A_94 = arith.constant 0 : i32
      %dma_start3A_95 = arith.constant 0 : i32
      %dma_start3A_96 = tpu.memref_slice %arg3[%select_n3A_66, %select_n3A_82, %dma_start3A_94, %dma_start3A_95] : memref<8x6x3x2048xi32, #tpu.memory_space<hbm>> -> memref<1x1x3x2048xi32, #tpu.memory_space<hbm>>
      %dma_start3A_97 = tpu.memref_squeeze %dma_start3A_96 : memref<1x1x3x2048xi32, #tpu.memory_space<hbm>> -> memref<3x2048xi32, #tpu.memory_space<hbm>>
      tpu.enqueue_dma source(%dma_start3A_97 : memref<3x2048xi32, #tpu.memory_space<hbm>>) target(%arg8 : memref<3x2048xi32, #tpu.memory_space<vmem>>) target_semaphore(%arg11 : memref<!tpu.dma_semaphore, #tpu.memory_space<semaphore_mem>>)
      %dma_start3A_98 = arith.constant 0 : i32
      %dma_start3A_99 = arith.constant 0 : i32
      %dma_start3A_100 = tpu.memref_slice %arg4[%select_n3A_66, %select_n3A_82, %dma_start3A_98, %dma_start3A_99] : memref<8x6x3x2048xf32, #tpu.memory_space<hbm>> -> memref<1x1x3x2048xf32, #tpu.memory_space<hbm>>
      %dma_start3A_101 = tpu.memref_squeeze %dma_start3A_100 : memref<1x1x3x2048xf32, #tpu.memory_space<hbm>> -> memref<3x2048xf32, #tpu.memory_space<hbm>>
      %dma_start3A_102 = arith.constant 0 : i32
      %dma_start3A_103 = arith.constant 0 : i32
      %dma_start3A_104 = tpu.memref_slice %arg4[%select_n3A_66, %select_n3A_82, %dma_start3A_102, %dma_start3A_103] : memref<8x6x3x2048xf32, #tpu.memory_space<hbm>> -> memref<1x1x3x2048xf32, #tpu.memory_space<hbm>>
      %dma_start3A_105 = tpu.memref_squeeze %dma_start3A_104 : memref<1x1x3x2048xf32, #tpu.memory_space<hbm>> -> memref<3x2048xf32, #tpu.memory_space<hbm>>
      tpu.enqueue_dma source(%dma_start3A_105 : memref<3x2048xf32, #tpu.memory_space<hbm>>) target(%arg9 : memref<3x2048xf32, #tpu.memory_space<vmem>>) target_semaphore(%arg11 : memref<!tpu.dma_semaphore, #tpu.memory_space<semaphore_mem>>)
      %dma_start3A_106 = arith.constant 0 : i32
      %dma_start3A_107 = tpu.memref_slice %arg5[%select_n3A_66, %select_n3A_82, %mul3A_84, %dma_start3A_106] : memref<8x6x128x2048xf32, #tpu.memory_space<hbm>> -> memref<1x1x32x2048xf32, #tpu.memory_space<hbm>>
      %dma_start3A_108 = tpu.memref_squeeze %dma_start3A_107 : memref<1x1x32x2048xf32, #tpu.memory_space<hbm>> -> memref<32x2048xf32, #tpu.memory_space<hbm>>
      %dma_start3A_109 = arith.constant 0 : i32
      %dma_start3A_110 = tpu.memref_slice %arg5[%select_n3A_66, %select_n3A_82, %mul3A_84, %dma_start3A_109] : memref<8x6x128x2048xf32, #tpu.memory_space<hbm>> -> memref<1x1x32x2048xf32, #tpu.memory_space<hbm>>
      %dma_start3A_111 = tpu.memref_squeeze %dma_start3A_110 : memref<1x1x32x2048xf32, #tpu.memory_space<hbm>> -> memref<32x2048xf32, #tpu.memory_space<hbm>>
      tpu.enqueue_dma source(%dma_start3A_111 : memref<32x2048xf32, #tpu.memory_space<hbm>>) target(%arg10 : memref<32x2048xf32, #tpu.memory_space<vmem>>) target_semaphore(%arg11 : memref<!tpu.dma_semaphore, #tpu.memory_space<semaphore_mem>>)
      %mul3A_112 = arith.constant 6 : i32
      %mul3A_113 = arith.muli %add3A, %mul3A_112 : i32
      %min3A_114 = arith.constant 5 : i32
      %min3A_115 = arith.minsi %scan3A_7, %min3A_114 : i32
      %add3A_116 = arith.addi %mul3A_113, %min3A_115 : i32
      %jit3A_117 = arith.constant 4 : i32
      %div3A_118 = arith.divsi %add3A_116, %jit3A_117 : i32
      %sign3A_119 = arith.constant 0 : i32
      %sign3A_120 = arith.cmpi sgt, %add3A_116, %sign3A_119 : i32
      %sign3A_121 = arith.extui %sign3A_120 : i1 to i32
      %sign3A_122 = arith.constant 0 : i32
      %sign3A_123 = arith.cmpi slt, %add3A_116, %sign3A_122 : i32
      %sign3A_124 = arith.extui %sign3A_123 : i1 to i32
      %sign3A_125 = arith.subi %sign3A_121, %sign3A_124 : i32
      %sign3A_126 = arith.constant 0 : i32
      %sign3A_127 = arith.cmpi sgt, %jit3A_117, %sign3A_126 : i32
      %sign3A_128 = arith.extui %sign3A_127 : i1 to i32
      %sign3A_129 = arith.constant 0 : i32
      %sign3A_130 = arith.cmpi slt, %jit3A_117, %sign3A_129 : i32
      %sign3A_131 = arith.extui %sign3A_130 : i1 to i32
      %sign3A_132 = arith.subi %sign3A_128, %sign3A_131 : i32
      %ne3A_133 = arith.cmpi ne, %sign3A_125, %sign3A_132 : i32
      %rem3A_134 = arith.remsi %add3A_116, %jit3A_117 : i32
      %ne3A_135 = arith.constant 0 : i32
      %ne3A_136 = arith.cmpi ne, %rem3A_134, %ne3A_135 : i32
      %and3A_137 = arith.andi %ne3A_133, %ne3A_136 : i1
      %sub3A_138 = arith.constant 1 : i32
      %sub3A_139 = arith.subi %div3A_118, %sub3A_138 : i32
      %select_n3A_140 = arith.select %and3A_137, %sub3A_139, %div3A_118 : i32
      %jit3A_141 = arith.constant 4 : i32
      %eq3A_142 = arith.constant 0 : i32
      %eq3A_143 = arith.cmpi eq, %jit3A_141, %eq3A_142 : i32
      %jit3A_144 = arith.constant 1 : i32
      %select_n3A_145 = arith.select %eq3A_143, %jit3A_144, %jit3A_141 : i32
      %rem3A_146 = arith.remsi %add3A_116, %select_n3A_145 : i32
      %ne3A_147 = arith.constant 0 : i32
      %ne3A_148 = arith.cmpi ne, %rem3A_146, %ne3A_147 : i32
      %lt3A_149 = arith.constant 0 : i32
      %lt3A_150 = arith.cmpi slt, %rem3A_146, %lt3A_149 : i32
      %lt3A_151 = arith.constant 0 : i32
      %lt3A_152 = arith.cmpi slt, %select_n3A_145, %lt3A_151 : i32
      %ne3A_153 = arith.xori %lt3A_150, %lt3A_152 : i1
      %and3A_154 = arith.andi %ne3A_153, %ne3A_148 : i1
      %add3A_155 = arith.addi %rem3A_146, %select_n3A_145 : i32
      %select_n3A_156 = arith.select %and3A_154, %add3A_155, %rem3A_146 : i32
      %jit3A_157 = arith.constant 6 : i32
      %div3A_158 = arith.divsi %select_n3A_140, %jit3A_157 : i32
      %sign3A_159 = arith.constant 0 : i32
      %sign3A_160 = arith.cmpi sgt, %select_n3A_140, %sign3A_159 : i32
      %sign3A_161 = arith.extui %sign3A_160 : i1 to i32
      %sign3A_162 = arith.constant 0 : i32
      %sign3A_163 = arith.cmpi slt, %select_n3A_140, %sign3A_162 : i32
      %sign3A_164 = arith.extui %sign3A_163 : i1 to i32
      %sign3A_165 = arith.subi %sign3A_161, %sign3A_164 : i32
      %sign3A_166 = arith.constant 0 : i32
      %sign3A_167 = arith.cmpi sgt, %jit3A_157, %sign3A_166 : i32
      %sign3A_168 = arith.extui %sign3A_167 : i1 to i32
      %sign3A_169 = arith.constant 0 : i32
      %sign3A_170 = arith.cmpi slt, %jit3A_157, %sign3A_169 : i32
      %sign3A_171 = arith.extui %sign3A_170 : i1 to i32
      %sign3A_172 = arith.subi %sign3A_168, %sign3A_171 : i32
      %ne3A_173 = arith.cmpi ne, %sign3A_165, %sign3A_172 : i32
      %rem3A_174 = arith.remsi %select_n3A_140, %jit3A_157 : i32
      %ne3A_175 = arith.constant 0 : i32
      %ne3A_176 = arith.cmpi ne, %rem3A_174, %ne3A_175 : i32
      %and3A_177 = arith.andi %ne3A_173, %ne3A_176 : i1
      %sub3A_178 = arith.constant 1 : i32
      %sub3A_179 = arith.subi %div3A_158, %sub3A_178 : i32
      %select_n3A_180 = arith.select %and3A_177, %sub3A_179, %div3A_158 : i32
      %jit3A_181 = arith.constant 6 : i32
      %eq3A_182 = arith.constant 0 : i32
      %eq3A_183 = arith.cmpi eq, %jit3A_181, %eq3A_182 : i32
      %jit3A_184 = arith.constant 1 : i32
      %select_n3A_185 = arith.select %eq3A_183, %jit3A_184, %jit3A_181 : i32
      %rem3A_186 = arith.remsi %select_n3A_140, %select_n3A_185 : i32
      %ne3A_187 = arith.constant 0 : i32
      %ne3A_188 = arith.cmpi ne, %rem3A_186, %ne3A_187 : i32
      %lt3A_189 = arith.constant 0 : i32
      %lt3A_190 = arith.cmpi slt, %rem3A_186, %lt3A_189 : i32
      %lt3A_191 = arith.constant 0 : i32
      %lt3A_192 = arith.cmpi slt, %select_n3A_185, %lt3A_191 : i32
      %ne3A_193 = arith.xori %lt3A_190, %lt3A_192 : i1
      %and3A_194 = arith.andi %ne3A_193, %ne3A_188 : i1
      %add3A_195 = arith.addi %rem3A_186, %select_n3A_185 : i32
      %select_n3A_196 = arith.select %and3A_194, %add3A_195, %rem3A_186 : i32
      %mul3A_197 = arith.constant 32 : i32
      %mul3A_198 = arith.muli %select_n3A_156, %mul3A_197 : i32
      %dma_wait3A = arith.constant 0 : i32
      %dma_wait3A_199 = tpu.memref_slice %arg2[%select_n3A_196, %select_n3A_180, %mul3A_198, %dma_wait3A] : memref<6x8x128x512xf32, #tpu.memory_space<hbm>> -> memref<1x1x32x512xf32, #tpu.memory_space<hbm>>
      %dma_wait3A_200 = tpu.memref_squeeze %dma_wait3A_199 : memref<1x1x32x512xf32, #tpu.memory_space<hbm>> -> memref<32x512xf32, #tpu.memory_space<hbm>>
      %dma_wait3A_201 = arith.constant 0 : i32
      %dma_wait3A_202 = tpu.memref_slice %arg2[%select_n3A_196, %select_n3A_180, %mul3A_198, %dma_wait3A_201] : memref<6x8x128x512xf32, #tpu.memory_space<hbm>> -> memref<1x1x32x512xf32, #tpu.memory_space<hbm>>
      %dma_wait3A_203 = tpu.memref_squeeze %dma_wait3A_202 : memref<1x1x32x512xf32, #tpu.memory_space<hbm>> -> memref<32x512xf32, #tpu.memory_space<hbm>>
      tpu.wait_dma2 semaphore(%arg11 : memref<!tpu.dma_semaphore, #tpu.memory_space<semaphore_mem>>) src(%dma_wait3A_203 : memref<32x512xf32, #tpu.memory_space<hbm>>) dst(%arg7 : memref<32x512xf32, #tpu.memory_space<vmem>>)
      %dma_wait3A_204 = arith.constant 0 : i32
      %dma_wait3A_205 = arith.constant 0 : i32
      %dma_wait3A_206 = tpu.memref_slice %arg3[%select_n3A_180, %select_n3A_196, %dma_wait3A_204, %dma_wait3A_205] : memref<8x6x3x2048xi32, #tpu.memory_space<hbm>> -> memref<1x1x3x2048xi32, #tpu.memory_space<hbm>>
      %dma_wait3A_207 = tpu.memref_squeeze %dma_wait3A_206 : memref<1x1x3x2048xi32, #tpu.memory_space<hbm>> -> memref<3x2048xi32, #tpu.memory_space<hbm>>
      %dma_wait3A_208 = arith.constant 0 : i32
      %dma_wait3A_209 = arith.constant 0 : i32
      %dma_wait3A_210 = tpu.memref_slice %arg3[%select_n3A_180, %select_n3A_196, %dma_wait3A_208, %dma_wait3A_209] : memref<8x6x3x2048xi32, #tpu.memory_space<hbm>> -> memref<1x1x3x2048xi32, #tpu.memory_space<hbm>>
      %dma_wait3A_211 = tpu.memref_squeeze %dma_wait3A_210 : memref<1x1x3x2048xi32, #tpu.memory_space<hbm>> -> memref<3x2048xi32, #tpu.memory_space<hbm>>
      tpu.wait_dma2 semaphore(%arg11 : memref<!tpu.dma_semaphore, #tpu.memory_space<semaphore_mem>>) src(%dma_wait3A_211 : memref<3x2048xi32, #tpu.memory_space<hbm>>) dst(%arg8 : memref<3x2048xi32, #tpu.memory_space<vmem>>)
      %dma_wait3A_212 = arith.constant 0 : i32
      %dma_wait3A_213 = arith.constant 0 : i32
      %dma_wait3A_214 = tpu.memref_slice %arg4[%select_n3A_180, %select_n3A_196, %dma_wait3A_212, %dma_wait3A_213] : memref<8x6x3x2048xf32, #tpu.memory_space<hbm>> -> memref<1x1x3x2048xf32, #tpu.memory_space<hbm>>
      %dma_wait3A_215 = tpu.memref_squeeze %dma_wait3A_214 : memref<1x1x3x2048xf32, #tpu.memory_space<hbm>> -> memref<3x2048xf32, #tpu.memory_space<hbm>>
      %dma_wait3A_216 = arith.constant 0 : i32
      %dma_wait3A_217 = arith.constant 0 : i32
      %dma_wait3A_218 = tpu.memref_slice %arg4[%select_n3A_180, %select_n3A_196, %dma_wait3A_216, %dma_wait3A_217] : memref<8x6x3x2048xf32, #tpu.memory_space<hbm>> -> memref<1x1x3x2048xf32, #tpu.memory_space<hbm>>
      %dma_wait3A_219 = tpu.memref_squeeze %dma_wait3A_218 : memref<1x1x3x2048xf32, #tpu.memory_space<hbm>> -> memref<3x2048xf32, #tpu.memory_space<hbm>>
      tpu.wait_dma2 semaphore(%arg11 : memref<!tpu.dma_semaphore, #tpu.memory_space<semaphore_mem>>) src(%dma_wait3A_219 : memref<3x2048xf32, #tpu.memory_space<hbm>>) dst(%arg9 : memref<3x2048xf32, #tpu.memory_space<vmem>>)
      %dma_wait3A_220 = arith.constant 0 : i32
      %dma_wait3A_221 = tpu.memref_slice %arg5[%select_n3A_180, %select_n3A_196, %mul3A_198, %dma_wait3A_220] : memref<8x6x128x2048xf32, #tpu.memory_space<hbm>> -> memref<1x1x32x2048xf32, #tpu.memory_space<hbm>>
      %dma_wait3A_222 = tpu.memref_squeeze %dma_wait3A_221 : memref<1x1x32x2048xf32, #tpu.memory_space<hbm>> -> memref<32x2048xf32, #tpu.memory_space<hbm>>
      %dma_wait3A_223 = arith.constant 0 : i32
      %dma_wait3A_224 = tpu.memref_slice %arg5[%select_n3A_180, %select_n3A_196, %mul3A_198, %dma_wait3A_223] : memref<8x6x128x2048xf32, #tpu.memory_space<hbm>> -> memref<1x1x32x2048xf32, #tpu.memory_space<hbm>>
      %dma_wait3A_225 = tpu.memref_squeeze %dma_wait3A_224 : memref<1x1x32x2048xf32, #tpu.memory_space<hbm>> -> memref<32x2048xf32, #tpu.memory_space<hbm>>
      tpu.wait_dma2 semaphore(%arg11 : memref<!tpu.dma_semaphore, #tpu.memory_space<semaphore_mem>>) src(%dma_wait3A_225 : memref<32x2048xf32, #tpu.memory_space<hbm>>) dst(%arg10 : memref<32x2048xf32, #tpu.memory_space<vmem>>)
      %mul3A_226 = arith.constant 6 : i32
      %mul3A_227 = arith.muli %add3A, %mul3A_226 : i32
      %min3A_228 = arith.constant 5 : i32
      %min3A_229 = arith.minsi %scan3A_7, %min3A_228 : i32
      %add3A_230 = arith.addi %mul3A_227, %min3A_229 : i32
      %jit3A_231 = arith.constant 4 : i32
      %div3A_232 = arith.divsi %add3A_230, %jit3A_231 : i32
      %sign3A_233 = arith.constant 0 : i32
      %sign3A_234 = arith.cmpi sgt, %add3A_230, %sign3A_233 : i32
      %sign3A_235 = arith.extui %sign3A_234 : i1 to i32
      %sign3A_236 = arith.constant 0 : i32
      %sign3A_237 = arith.cmpi slt, %add3A_230, %sign3A_236 : i32
      %sign3A_238 = arith.extui %sign3A_237 : i1 to i32
      %sign3A_239 = arith.subi %sign3A_235, %sign3A_238 : i32
      %sign3A_240 = arith.constant 0 : i32
      %sign3A_241 = arith.cmpi sgt, %jit3A_231, %sign3A_240 : i32
      %sign3A_242 = arith.extui %sign3A_241 : i1 to i32
      %sign3A_243 = arith.constant 0 : i32
      %sign3A_244 = arith.cmpi slt, %jit3A_231, %sign3A_243 : i32
      %sign3A_245 = arith.extui %sign3A_244 : i1 to i32
      %sign3A_246 = arith.subi %sign3A_242, %sign3A_245 : i32
      %ne3A_247 = arith.cmpi ne, %sign3A_239, %sign3A_246 : i32
      %rem3A_248 = arith.remsi %add3A_230, %jit3A_231 : i32
      %ne3A_249 = arith.constant 0 : i32
      %ne3A_250 = arith.cmpi ne, %rem3A_248, %ne3A_249 : i32
      %and3A_251 = arith.andi %ne3A_247, %ne3A_250 : i1
      %sub3A_252 = arith.constant 1 : i32
      %sub3A_253 = arith.subi %div3A_232, %sub3A_252 : i32
      %select_n3A_254 = arith.select %and3A_251, %sub3A_253, %div3A_232 : i32
      %jit3A_255 = arith.constant 4 : i32
      %eq3A_256 = arith.constant 0 : i32
      %eq3A_257 = arith.cmpi eq, %jit3A_255, %eq3A_256 : i32
      %jit3A_258 = arith.constant 1 : i32
      %select_n3A_259 = arith.select %eq3A_257, %jit3A_258, %jit3A_255 : i32
      %rem3A_260 = arith.remsi %add3A_230, %select_n3A_259 : i32
      %ne3A_261 = arith.constant 0 : i32
      %ne3A_262 = arith.cmpi ne, %rem3A_260, %ne3A_261 : i32
      %lt3A_263 = arith.constant 0 : i32
      %lt3A_264 = arith.cmpi slt, %rem3A_260, %lt3A_263 : i32
      %lt3A_265 = arith.constant 0 : i32
      %lt3A_266 = arith.cmpi slt, %select_n3A_259, %lt3A_265 : i32
      %ne3A_267 = arith.xori %lt3A_264, %lt3A_266 : i1
      %and3A_268 = arith.andi %ne3A_267, %ne3A_262 : i1
      %add3A_269 = arith.addi %rem3A_260, %select_n3A_259 : i32
      %select_n3A_270 = arith.select %and3A_268, %add3A_269, %rem3A_260 : i32
      %jit3A_271 = arith.constant 6 : i32
      %div3A_272 = arith.divsi %select_n3A_254, %jit3A_271 : i32
      %sign3A_273 = arith.constant 0 : i32
      %sign3A_274 = arith.cmpi sgt, %select_n3A_254, %sign3A_273 : i32
      %sign3A_275 = arith.extui %sign3A_274 : i1 to i32
      %sign3A_276 = arith.constant 0 : i32
      %sign3A_277 = arith.cmpi slt, %select_n3A_254, %sign3A_276 : i32
      %sign3A_278 = arith.extui %sign3A_277 : i1 to i32
      %sign3A_279 = arith.subi %sign3A_275, %sign3A_278 : i32
      %sign3A_280 = arith.constant 0 : i32
      %sign3A_281 = arith.cmpi sgt, %jit3A_271, %sign3A_280 : i32
      %sign3A_282 = arith.extui %sign3A_281 : i1 to i32
      %sign3A_283 = arith.constant 0 : i32
      %sign3A_284 = arith.cmpi slt, %jit3A_271, %sign3A_283 : i32
      %sign3A_285 = arith.extui %sign3A_284 : i1 to i32
      %sign3A_286 = arith.subi %sign3A_282, %sign3A_285 : i32
      %ne3A_287 = arith.cmpi ne, %sign3A_279, %sign3A_286 : i32
      %rem3A_288 = arith.remsi %select_n3A_254, %jit3A_271 : i32
      %ne3A_289 = arith.constant 0 : i32
      %ne3A_290 = arith.cmpi ne, %rem3A_288, %ne3A_289 : i32
      %and3A_291 = arith.andi %ne3A_287, %ne3A_290 : i1
      %sub3A_292 = arith.constant 1 : i32
      %sub3A_293 = arith.subi %div3A_272, %sub3A_292 : i32
      %select_n3A_294 = arith.select %and3A_291, %sub3A_293, %div3A_272 : i32
      %jit3A_295 = arith.constant 6 : i32
      %eq3A_296 = arith.constant 0 : i32
      %eq3A_297 = arith.cmpi eq, %jit3A_295, %eq3A_296 : i32
      %jit3A_298 = arith.constant 1 : i32
      %select_n3A_299 = arith.select %eq3A_297, %jit3A_298, %jit3A_295 : i32
      %rem3A_300 = arith.remsi %select_n3A_254, %select_n3A_299 : i32
      %ne3A_301 = arith.constant 0 : i32
      %ne3A_302 = arith.cmpi ne, %rem3A_300, %ne3A_301 : i32
      %lt3A_303 = arith.constant 0 : i32
      %lt3A_304 = arith.cmpi slt, %rem3A_300, %lt3A_303 : i32
      %lt3A_305 = arith.constant 0 : i32
      %lt3A_306 = arith.cmpi slt, %select_n3A_299, %lt3A_305 : i32
      %ne3A_307 = arith.xori %lt3A_304, %lt3A_306 : i1
      %and3A_308 = arith.andi %ne3A_307, %ne3A_302 : i1
      %add3A_309 = arith.addi %rem3A_300, %select_n3A_299 : i32
      %select_n3A_310 = arith.select %and3A_308, %add3A_309, %rem3A_300 : i32
      %mul3A_311 = arith.constant 32 : i32
      %mul3A_312 = arith.muli %select_n3A_270, %mul3A_311 : i32
      %parallel_loop3A = arith.constant 0 : i32
      %parallel_loop3A_313 = arith.constant 128 : i32
      %parallel_loop3A_314 = arith.constant 1 : i32
      scf.for %parallel_loop3A_316 = %parallel_loop3A to %parallel_loop3A_313 step %parallel_loop3A_314  : i32 {
        %parallel_loop3A_317 = arith.constant 16 : i32
        %parallel_loop3A_318 = arith.muli %parallel_loop3A_316, %parallel_loop3A_317 : i32
        %parallel_loop3A_319 = arith.constant 0 : i32
        %parallel_loop3A_320 = arith.index_cast %parallel_loop3A_319 : i32 to index
        %parallel_loop3A_321 = arith.index_cast %parallel_loop3A_318 : i32 to index
        %parallel_loop3A_322 = tpu.vector_load %arg8[%parallel_loop3A_320, %parallel_loop3A_321] {strides = array<i32>} : memref<3x2048xi32, #tpu.memory_space<vmem>>, vector<16xi32>,
        %parallel_loop3A_323 = arith.constant 1 : i32
        %parallel_loop3A_324 = arith.index_cast %parallel_loop3A_323 : i32 to index
        %parallel_loop3A_325 = arith.index_cast %parallel_loop3A_318 : i32 to index
        %parallel_loop3A_326 = tpu.vector_load %arg8[%parallel_loop3A_324, %parallel_loop3A_325] {strides = array<i32>} : memref<3x2048xi32, #tpu.memory_space<vmem>>, vector<16xi32>,
        %parallel_loop3A_327 = arith.constant 2 : i32
        %parallel_loop3A_328 = arith.index_cast %parallel_loop3A_327 : i32 to index
        %parallel_loop3A_329 = arith.index_cast %parallel_loop3A_318 : i32 to index
        %parallel_loop3A_330 = tpu.vector_load %arg8[%parallel_loop3A_328, %parallel_loop3A_329] {strides = array<i32>} : memref<3x2048xi32, #tpu.memory_space<vmem>>, vector<16xi32>,
        %parallel_loop3A_331 = arith.constant 0 : i32
        %parallel_loop3A_332 = arith.index_cast %parallel_loop3A_331 : i32 to index
        %parallel_loop3A_333 = arith.index_cast %parallel_loop3A_318 : i32 to index
        %parallel_loop3A_334 = tpu.vector_load %arg9[%parallel_loop3A_332, %parallel_loop3A_333] {strides = array<i32>} : memref<3x2048xf32, #tpu.memory_space<vmem>>, vector<16xf32>,
        %parallel_loop3A_335 = arith.constant 1 : i32
        %parallel_loop3A_336 = arith.index_cast %parallel_loop3A_335 : i32 to index
        %parallel_loop3A_337 = arith.index_cast %parallel_loop3A_318 : i32 to index
        %parallel_loop3A_338 = tpu.vector_load %arg9[%parallel_loop3A_336, %parallel_loop3A_337] {strides = array<i32>} : memref<3x2048xf32, #tpu.memory_space<vmem>>, vector<16xf32>,
        %parallel_loop3A_339 = arith.constant 2 : i32
        %parallel_loop3A_340 = arith.index_cast %parallel_loop3A_339 : i32 to index
        %parallel_loop3A_341 = arith.index_cast %parallel_loop3A_318 : i32 to index
        %parallel_loop3A_342 = tpu.vector_load %arg9[%parallel_loop3A_340, %parallel_loop3A_341] {strides = array<i32>} : memref<3x2048xf32, #tpu.memory_space<vmem>>, vector<16xf32>,
        %parallel_loop3A_343 = arith.constant 0 : i32
        %parallel_loop3A_344 = vector.broadcast %parallel_loop3A_343 : i32 to vector<16xi32>
        %parallel_loop3A_345 = tpu.vector_load_idx %arg7[%parallel_loop3A_344, %parallel_loop3A_322] : memref<32x512xf32, #tpu.memory_space<vmem>>[vector<16xi32>, vector<16xi32>], vector<16xf32>,
        %parallel_loop3A_346 = arith.mulf %parallel_loop3A_334, %parallel_loop3A_345 : vector<16xf32>
        %parallel_loop3A_347 = tpu.vector_load_idx %arg7[%parallel_loop3A_344, %parallel_loop3A_326] : memref<32x512xf32, #tpu.memory_space<vmem>>[vector<16xi32>, vector<16xi32>], vector<16xf32>,
        %parallel_loop3A_348 = arith.mulf %parallel_loop3A_338, %parallel_loop3A_347 : vector<16xf32>
        %parallel_loop3A_349 = arith.addf %parallel_loop3A_346, %parallel_loop3A_348 : vector<16xf32>
        %parallel_loop3A_350 = tpu.vector_load_idx %arg7[%parallel_loop3A_344, %parallel_loop3A_330] : memref<32x512xf32, #tpu.memory_space<vmem>>[vector<16xi32>, vector<16xi32>], vector<16xf32>,
        %parallel_loop3A_351 = arith.mulf %parallel_loop3A_342, %parallel_loop3A_350 : vector<16xf32>
        %parallel_loop3A_352 = arith.addf %parallel_loop3A_349, %parallel_loop3A_351 : vector<16xf32>
        %parallel_loop3A_353 = arith.constant 0 : i32
        %parallel_loop3A_354 = arith.index_cast %parallel_loop3A_353 : i32 to index
        %parallel_loop3A_355 = arith.index_cast %parallel_loop3A_318 : i32 to index
        %parallel_loop3A_356 = tpu.vector_load %arg10[%parallel_loop3A_354, %parallel_loop3A_355] {strides = array<i32>} : memref<32x2048xf32, #tpu.memory_space<vmem>>, vector<16xf32>,
        tpu.vector_store %arg10[%parallel_loop3A_354, %parallel_loop3A_355], %parallel_loop3A_352 {add = true, strides = array<i32>} : memref<32x2048xf32, #tpu.memory_space<vmem>>, vector<16xf32>,
        %parallel_loop3A_357 = arith.constant 1 : i32
        %parallel_loop3A_358 = vector.broadcast %parallel_loop3A_357 : i32 to vector<16xi32>
        %parallel_loop3A_359 = tpu.vector_load_idx %arg7[%parallel_loop3A_358, %parallel_loop3A_322] : memref<32x512xf32, #tpu.memory_space<vmem>>[vector<16xi32>, vector<16xi32>], vector<16xf32>,
        %parallel_loop3A_360 = arith.mulf %parallel_loop3A_334, %parallel_loop3A_359 : vector<16xf32>
        %parallel_loop3A_361 = tpu.vector_load_idx %arg7[%parallel_loop3A_358, %parallel_loop3A_326] : memref<32x512xf32, #tpu.memory_space<vmem>>[vector<16xi32>, vector<16xi32>], vector<16xf32>,
        %parallel_loop3A_362 = arith.mulf %parallel_loop3A_338, %parallel_loop3A_361 : vector<16xf32>
        %parallel_loop3A_363 = arith.addf %parallel_loop3A_360, %parallel_loop3A_362 : vector<16xf32>
        %parallel_loop3A_364 = tpu.vector_load_idx %arg7[%parallel_loop3A_358, %parallel_loop3A_330] : memref<32x512xf32, #tpu.memory_space<vmem>>[vector<16xi32>, vector<16xi32>], vector<16xf32>,
        %parallel_loop3A_365 = arith.mulf %parallel_loop3A_342, %parallel_loop3A_364 : vector<16xf32>
        %parallel_loop3A_366 = arith.addf %parallel_loop3A_363, %parallel_loop3A_365 : vector<16xf32>
        %parallel_loop3A_367 = arith.constant 1 : i32
        %parallel_loop3A_368 = arith.index_cast %parallel_loop3A_367 : i32 to index
        %parallel_loop3A_369 = arith.index_cast %parallel_loop3A_318 : i32 to index
        %parallel_loop3A_370 = tpu.vector_load %arg10[%parallel_loop3A_368, %parallel_loop3A_369] {strides = array<i32>} : memref<32x2048xf32, #tpu.memory_space<vmem>>, vector<16xf32>,
        tpu.vector_store %arg10[%parallel_loop3A_368, %parallel_loop3A_369], %parallel_loop3A_366 {add = true, strides = array<i32>} : memref<32x2048xf32, #tpu.memory_space<vmem>>, vector<16xf32>,
        %parallel_loop3A_371 = arith.constant 2 : i32
        %parallel_loop3A_372 = vector.broadcast %parallel_loop3A_371 : i32 to vector<16xi32>
        %parallel_loop3A_373 = tpu.vector_load_idx %arg7[%parallel_loop3A_372, %parallel_loop3A_322] : memref<32x512xf32, #tpu.memory_space<vmem>>[vector<16xi32>, vector<16xi32>], vector<16xf32>,
        %parallel_loop3A_374 = arith.mulf %parallel_loop3A_334, %parallel_loop3A_373 : vector<16xf32>
        %parallel_loop3A_375 = tpu.vector_load_idx %arg7[%parallel_loop3A_372, %parallel_loop3A_326] : memref<32x512xf32, #tpu.memory_space<vmem>>[vector<16xi32>, vector<16xi32>], vector<16xf32>,
        %parallel_loop3A_376 = arith.mulf %parallel_loop3A_338, %parallel_loop3A_375 : vector<16xf32>
        %parallel_loop3A_377 = arith.addf %parallel_loop3A_374, %parallel_loop3A_376 : vector<16xf32>
        %parallel_loop3A_378 = tpu.vector_load_idx %arg7[%parallel_loop3A_372, %parallel_loop3A_330] : memref<32x512xf32, #tpu.memory_space<vmem>>[vector<16xi32>, vector<16xi32>], vector<16xf32>,
        %parallel_loop3A_379 = arith.mulf %parallel_loop3A_342, %parallel_loop3A_378 : vector<16xf32>
        %parallel_loop3A_380 = arith.addf %parallel_loop3A_377, %parallel_loop3A_379 : vector<16xf32>
        %parallel_loop3A_381 = arith.constant 2 : i32
        %parallel_loop3A_382 = arith.index_cast %parallel_loop3A_381 : i32 to index
        %parallel_loop3A_383 = arith.index_cast %parallel_loop3A_318 : i32 to index
        %parallel_loop3A_384 = tpu.vector_load %arg10[%parallel_loop3A_382, %parallel_loop3A_383] {strides = array<i32>} : memref<32x2048xf32, #tpu.memory_space<vmem>>, vector<16xf32>,
        tpu.vector_store %arg10[%parallel_loop3A_382, %parallel_loop3A_383], %parallel_loop3A_380 {add = true, strides = array<i32>} : memref<32x2048xf32, #tpu.memory_space<vmem>>, vector<16xf32>,
        %parallel_loop3A_385 = arith.constant 3 : i32
        %parallel_loop3A_386 = vector.broadcast %parallel_loop3A_385 : i32 to vector<16xi32>
        %parallel_loop3A_387 = tpu.vector_load_idx %arg7[%parallel_loop3A_386, %parallel_loop3A_322] : memref<32x512xf32, #tpu.memory_space<vmem>>[vector<16xi32>, vector<16xi32>], vector<16xf32>,
        %parallel_loop3A_388 = arith.mulf %parallel_loop3A_334, %parallel_loop3A_387 : vector<16xf32>
        %parallel_loop3A_389 = tpu.vector_load_idx %arg7[%parallel_loop3A_386, %parallel_loop3A_326] : memref<32x512xf32, #tpu.memory_space<vmem>>[vector<16xi32>, vector<16xi32>], vector<16xf32>,
        %parallel_loop3A_390 = arith.mulf %parallel_loop3A_338, %parallel_loop3A_389 : vector<16xf32>
        %parallel_loop3A_391 = arith.addf %parallel_loop3A_388, %parallel_loop3A_390 : vector<16xf32>
        %parallel_loop3A_392 = tpu.vector_load_idx %arg7[%parallel_loop3A_386, %parallel_loop3A_330] : memref<32x512xf32, #tpu.memory_space<vmem>>[vector<16xi32>, vector<16xi32>], vector<16xf32>,
        %parallel_loop3A_393 = arith.mulf %parallel_loop3A_342, %parallel_loop3A_392 : vector<16xf32>
        %parallel_loop3A_394 = arith.addf %parallel_loop3A_391, %parallel_loop3A_393 : vector<16xf32>
        %parallel_loop3A_395 = arith.constant 3 : i32
        %parallel_loop3A_396 = arith.index_cast %parallel_loop3A_395 : i32 to index
        %parallel_loop3A_397 = arith.index_cast %parallel_loop3A_318 : i32 to index
        %parallel_loop3A_398 = tpu.vector_load %arg10[%parallel_loop3A_396, %parallel_loop3A_397] {strides = array<i32>} : memref<32x2048xf32, #tpu.memory_space<vmem>>, vector<16xf32>,
        tpu.vector_store %arg10[%parallel_loop3A_396, %parallel_loop3A_397], %parallel_loop3A_394 {add = true, strides = array<i32>} : memref<32x2048xf32, #tpu.memory_space<vmem>>, vector<16xf32>,
        %parallel_loop3A_399 = arith.constant 4 : i32
        %parallel_loop3A_400 = vector.broadcast %parallel_loop3A_399 : i32 to vector<16xi32>
        %parallel_loop3A_401 = tpu.vector_load_idx %arg7[%parallel_loop3A_400, %parallel_loop3A_322] : memref<32x512xf32, #tpu.memory_space<vmem>>[vector<16xi32>, vector<16xi32>], vector<16xf32>,
        %parallel_loop3A_402 = arith.mulf %parallel_loop3A_334, %parallel_loop3A_401 : vector<16xf32>
        %parallel_loop3A_403 = tpu.vector_load_idx %arg7[%parallel_loop3A_400, %parallel_loop3A_326] : memref<32x512xf32, #tpu.memory_space<vmem>>[vector<16xi32>, vector<16xi32>], vector<16xf32>,
        %parallel_loop3A_404 = arith.mulf %parallel_loop3A_338, %parallel_loop3A_403 : vector<16xf32>
        %parallel_loop3A_405 = arith.addf %parallel_loop3A_402, %parallel_loop3A_404 : vector<16xf32>
        %parallel_loop3A_406 = tpu.vector_load_idx %arg7[%parallel_loop3A_400, %parallel_loop3A_330] : memref<32x512xf32, #tpu.memory_space<vmem>>[vector<16xi32>, vector<16xi32>], vector<16xf32>,
        %parallel_loop3A_407 = arith.mulf %parallel_loop3A_342, %parallel_loop3A_406 : vector<16xf32>
        %parallel_loop3A_408 = arith.addf %parallel_loop3A_405, %parallel_loop3A_407 : vector<16xf32>
        %parallel_loop3A_409 = arith.constant 4 : i32
        %parallel_loop3A_410 = arith.index_cast %parallel_loop3A_409 : i32 to index
        %parallel_loop3A_411 = arith.index_cast %parallel_loop3A_318 : i32 to index
        %parallel_loop3A_412 = tpu.vector_load %arg10[%parallel_loop3A_410, %parallel_loop3A_411] {strides = array<i32>} : memref<32x2048xf32, #tpu.memory_space<vmem>>, vector<16xf32>,
        tpu.vector_store %arg10[%parallel_loop3A_410, %parallel_loop3A_411], %parallel_loop3A_408 {add = true, strides = array<i32>} : memref<32x2048xf32, #tpu.memory_space<vmem>>, vector<16xf32>,
        %parallel_loop3A_413 = arith.constant 5 : i32
        %parallel_loop3A_414 = vector.broadcast %parallel_loop3A_413 : i32 to vector<16xi32>
        %parallel_loop3A_415 = tpu.vector_load_idx %arg7[%parallel_loop3A_414, %parallel_loop3A_322] : memref<32x512xf32, #tpu.memory_space<vmem>>[vector<16xi32>, vector<16xi32>], vector<16xf32>,
        %parallel_loop3A_416 = arith.mulf %parallel_loop3A_334, %parallel_loop3A_415 : vector<16xf32>
        %parallel_loop3A_417 = tpu.vector_load_idx %arg7[%parallel_loop3A_414, %parallel_loop3A_326] : memref<32x512xf32, #tpu.memory_space<vmem>>[vector<16xi32>, vector<16xi32>], vector<16xf32>,
        %parallel_loop3A_418 = arith.mulf %parallel_loop3A_338, %parallel_loop3A_417 : vector<16xf32>
        %parallel_loop3A_419 = arith.addf %parallel_loop3A_416, %parallel_loop3A_418 : vector<16xf32>
        %parallel_loop3A_420 = tpu.vector_load_idx %arg7[%parallel_loop3A_414, %parallel_loop3A_330] : memref<32x512xf32, #tpu.memory_space<vmem>>[vector<16xi32>, vector<16xi32>], vector<16xf32>,
        %parallel_loop3A_421 = arith.mulf %parallel_loop3A_342, %parallel_loop3A_420 : vector<16xf32>
        %parallel_loop3A_422 = arith.addf %parallel_loop3A_419, %parallel_loop3A_421 : vector<16xf32>
        %parallel_loop3A_423 = arith.constant 5 : i32
        %parallel_loop3A_424 = arith.index_cast %parallel_loop3A_423 : i32 to index
        %parallel_loop3A_425 = arith.index_cast %parallel_loop3A_318 : i32 to index
        %parallel_loop3A_426 = tpu.vector_load %arg10[%parallel_loop3A_424, %parallel_loop3A_425] {strides = array<i32>} : memref<32x2048xf32, #tpu.memory_space<vmem>>, vector<16xf32>,
        tpu.vector_store %arg10[%parallel_loop3A_424, %parallel_loop3A_425], %parallel_loop3A_422 {add = true, strides = array<i32>} : memref<32x2048xf32, #tpu.memory_space<vmem>>, vector<16xf32>,
        %parallel_loop3A_427 = arith.constant 6 : i32
        %parallel_loop3A_428 = vector.broadcast %parallel_loop3A_427 : i32 to vector<16xi32>
        %parallel_loop3A_429 = tpu.vector_load_idx %arg7[%parallel_loop3A_428, %parallel_loop3A_322] : memref<32x512xf32, #tpu.memory_space<vmem>>[vector<16xi32>, vector<16xi32>], vector<16xf32>,
        %parallel_loop3A_430 = arith.mulf %parallel_loop3A_334, %parallel_loop3A_429 : vector<16xf32>
        %parallel_loop3A_431 = tpu.vector_load_idx %arg7[%parallel_loop3A_428, %parallel_loop3A_326] : memref<32x512xf32, #tpu.memory_space<vmem>>[vector<16xi32>, vector<16xi32>], vector<16xf32>,
        %parallel_loop3A_432 = arith.mulf %parallel_loop3A_338, %parallel_loop3A_431 : vector<16xf32>
        %parallel_loop3A_433 = arith.addf %parallel_loop3A_430, %parallel_loop3A_432 : vector<16xf32>
        %parallel_loop3A_434 = tpu.vector_load_idx %arg7[%parallel_loop3A_428, %parallel_loop3A_330] : memref<32x512xf32, #tpu.memory_space<vmem>>[vector<16xi32>, vector<16xi32>], vector<16xf32>,
        %parallel_loop3A_435 = arith.mulf %parallel_loop3A_342, %parallel_loop3A_434 : vector<16xf32>
        %parallel_loop3A_436 = arith.addf %parallel_loop3A_433, %parallel_loop3A_435 : vector<16xf32>
        %parallel_loop3A_437 = arith.constant 6 : i32
        %parallel_loop3A_438 = arith.index_cast %parallel_loop3A_437 : i32 to index
        %parallel_loop3A_439 = arith.index_cast %parallel_loop3A_318 : i32 to index
        %parallel_loop3A_440 = tpu.vector_load %arg10[%parallel_loop3A_438, %parallel_loop3A_439] {strides = array<i32>} : memref<32x2048xf32, #tpu.memory_space<vmem>>, vector<16xf32>,
        tpu.vector_store %arg10[%parallel_loop3A_438, %parallel_loop3A_439], %parallel_loop3A_436 {add = true, strides = array<i32>} : memref<32x2048xf32, #tpu.memory_space<vmem>>, vector<16xf32>,
        %parallel_loop3A_441 = arith.constant 7 : i32
        %parallel_loop3A_442 = vector.broadcast %parallel_loop3A_441 : i32 to vector<16xi32>
        %parallel_loop3A_443 = tpu.vector_load_idx %arg7[%parallel_loop3A_442, %parallel_loop3A_322] : memref<32x512xf32, #tpu.memory_space<vmem>>[vector<16xi32>, vector<16xi32>], vector<16xf32>,
        %parallel_loop3A_444 = arith.mulf %parallel_loop3A_334, %parallel_loop3A_443 : vector<16xf32>
        %parallel_loop3A_445 = tpu.vector_load_idx %arg7[%parallel_loop3A_442, %parallel_loop3A_326] : memref<32x512xf32, #tpu.memory_space<vmem>>[vector<16xi32>, vector<16xi32>], vector<16xf32>,
        %parallel_loop3A_446 = arith.mulf %parallel_loop3A_338, %parallel_loop3A_445 : vector<16xf32>
        %parallel_loop3A_447 = arith.addf %parallel_loop3A_444, %parallel_loop3A_446 : vector<16xf32>
        %parallel_loop3A_448 = tpu.vector_load_idx %arg7[%parallel_loop3A_442, %parallel_loop3A_330] : memref<32x512xf32, #tpu.memory_space<vmem>>[vector<16xi32>, vector<16xi32>], vector<16xf32>,
        %parallel_loop3A_449 = arith.mulf %parallel_loop3A_342, %parallel_loop3A_448 : vector<16xf32>
        %parallel_loop3A_450 = arith.addf %parallel_loop3A_447, %parallel_loop3A_449 : vector<16xf32>
        %parallel_loop3A_451 = arith.constant 7 : i32
        %parallel_loop3A_452 = arith.index_cast %parallel_loop3A_451 : i32 to index
        %parallel_loop3A_453 = arith.index_cast %parallel_loop3A_318 : i32 to index
        %parallel_loop3A_454 = tpu.vector_load %arg10[%parallel_loop3A_452, %parallel_loop3A_453] {strides = array<i32>} : memref<32x2048xf32, #tpu.memory_space<vmem>>, vector<16xf32>,
        tpu.vector_store %arg10[%parallel_loop3A_452, %parallel_loop3A_453], %parallel_loop3A_450 {add = true, strides = array<i32>} : memref<32x2048xf32, #tpu.memory_space<vmem>>, vector<16xf32>,
        %parallel_loop3A_455 = arith.constant 8 : i32
        %parallel_loop3A_456 = vector.broadcast %parallel_loop3A_455 : i32 to vector<16xi32>
        %parallel_loop3A_457 = tpu.vector_load_idx %arg7[%parallel_loop3A_456, %parallel_loop3A_322] : memref<32x512xf32, #tpu.memory_space<vmem>>[vector<16xi32>, vector<16xi32>], vector<16xf32>,
        %parallel_loop3A_458 = arith.mulf %parallel_loop3A_334, %parallel_loop3A_457 : vector<16xf32>
        %parallel_loop3A_459 = tpu.vector_load_idx %arg7[%parallel_loop3A_456, %parallel_loop3A_326] : memref<32x512xf32, #tpu.memory_space<vmem>>[vector<16xi32>, vector<16xi32>], vector<16xf32>,
        %parallel_loop3A_460 = arith.mulf %parallel_loop3A_338, %parallel_loop3A_459 : vector<16xf32>
        %parallel_loop3A_461 = arith.addf %parallel_loop3A_458, %parallel_loop3A_460 : vector<16xf32>
        %parallel_loop3A_462 = tpu.vector_load_idx %arg7[%parallel_loop3A_456, %parallel_loop3A_330] : memref<32x512xf32, #tpu.memory_space<vmem>>[vector<16xi32>, vector<16xi32>], vector<16xf32>,
        %parallel_loop3A_463 = arith.mulf %parallel_loop3A_342, %parallel_loop3A_462 : vector<16xf32>
        %parallel_loop3A_464 = arith.addf %parallel_loop3A_461, %parallel_loop3A_463 : vector<16xf32>
        %parallel_loop3A_465 = arith.constant 8 : i32
        %parallel_loop3A_466 = arith.index_cast %parallel_loop3A_465 : i32 to index
        %parallel_loop3A_467 = arith.index_cast %parallel_loop3A_318 : i32 to index
        %parallel_loop3A_468 = tpu.vector_load %arg10[%parallel_loop3A_466, %parallel_loop3A_467] {strides = array<i32>} : memref<32x2048xf32, #tpu.memory_space<vmem>>, vector<16xf32>,
        tpu.vector_store %arg10[%parallel_loop3A_466, %parallel_loop3A_467], %parallel_loop3A_464 {add = true, strides = array<i32>} : memref<32x2048xf32, #tpu.memory_space<vmem>>, vector<16xf32>,
        %parallel_loop3A_469 = arith.constant 9 : i32
        %parallel_loop3A_470 = vector.broadcast %parallel_loop3A_469 : i32 to vector<16xi32>
        %parallel_loop3A_471 = tpu.vector_load_idx %arg7[%parallel_loop3A_470, %parallel_loop3A_322] : memref<32x512xf32, #tpu.memory_space<vmem>>[vector<16xi32>, vector<16xi32>], vector<16xf32>,
        %parallel_loop3A_472 = arith.mulf %parallel_loop3A_334, %parallel_loop3A_471 : vector<16xf32>
        %parallel_loop3A_473 = tpu.vector_load_idx %arg7[%parallel_loop3A_470, %parallel_loop3A_326] : memref<32x512xf32, #tpu.memory_space<vmem>>[vector<16xi32>, vector<16xi32>], vector<16xf32>,
        %parallel_loop3A_474 = arith.mulf %parallel_loop3A_338, %parallel_loop3A_473 : vector<16xf32>
        %parallel_loop3A_475 = arith.addf %parallel_loop3A_472, %parallel_loop3A_474 : vector<16xf32>
        %parallel_loop3A_476 = tpu.vector_load_idx %arg7[%parallel_loop3A_470, %parallel_loop3A_330] : memref<32x512xf32, #tpu.memory_space<vmem>>[vector<16xi32>, vector<16xi32>], vector<16xf32>,
        %parallel_loop3A_477 = arith.mulf %parallel_loop3A_342, %parallel_loop3A_476 : vector<16xf32>
        %parallel_loop3A_478 = arith.addf %parallel_loop3A_475, %parallel_loop3A_477 : vector<16xf32>
        %parallel_loop3A_479 = arith.constant 9 : i32
        %parallel_loop3A_480 = arith.index_cast %parallel_loop3A_479 : i32 to index
        %parallel_loop3A_481 = arith.index_cast %parallel_loop3A_318 : i32 to index
        %parallel_loop3A_482 = tpu.vector_load %arg10[%parallel_loop3A_480, %parallel_loop3A_481] {strides = array<i32>} : memref<32x2048xf32, #tpu.memory_space<vmem>>, vector<16xf32>,
        tpu.vector_store %arg10[%parallel_loop3A_480, %parallel_loop3A_481], %parallel_loop3A_478 {add = true, strides = array<i32>} : memref<32x2048xf32, #tpu.memory_space<vmem>>, vector<16xf32>,
        %parallel_loop3A_483 = arith.constant 10 : i32
        %parallel_loop3A_484 = vector.broadcast %parallel_loop3A_483 : i32 to vector<16xi32>
        %parallel_loop3A_485 = tpu.vector_load_idx %arg7[%parallel_loop3A_484, %parallel_loop3A_322] : memref<32x512xf32, #tpu.memory_space<vmem>>[vector<16xi32>, vector<16xi32>], vector<16xf32>,
        %parallel_loop3A_486 = arith.mulf %parallel_loop3A_334, %parallel_loop3A_485 : vector<16xf32>
        %parallel_loop3A_487 = tpu.vector_load_idx %arg7[%parallel_loop3A_484, %parallel_loop3A_326] : memref<32x512xf32, #tpu.memory_space<vmem>>[vector<16xi32>, vector<16xi32>], vector<16xf32>,
        %parallel_loop3A_488 = arith.mulf %parallel_loop3A_338, %parallel_loop3A_487 : vector<16xf32>
        %parallel_loop3A_489 = arith.addf %parallel_loop3A_486, %parallel_loop3A_488 : vector<16xf32>
        %parallel_loop3A_490 = tpu.vector_load_idx %arg7[%parallel_loop3A_484, %parallel_loop3A_330] : memref<32x512xf32, #tpu.memory_space<vmem>>[vector<16xi32>, vector<16xi32>], vector<16xf32>,
        %parallel_loop3A_491 = arith.mulf %parallel_loop3A_342, %parallel_loop3A_490 : vector<16xf32>
        %parallel_loop3A_492 = arith.addf %parallel_loop3A_489, %parallel_loop3A_491 : vector<16xf32>
        %parallel_loop3A_493 = arith.constant 10 : i32
        %parallel_loop3A_494 = arith.index_cast %parallel_loop3A_493 : i32 to index
        %parallel_loop3A_495 = arith.index_cast %parallel_loop3A_318 : i32 to index
        %parallel_loop3A_496 = tpu.vector_load %arg10[%parallel_loop3A_494, %parallel_loop3A_495] {strides = array<i32>} : memref<32x2048xf32, #tpu.memory_space<vmem>>, vector<16xf32>,
        tpu.vector_store %arg10[%parallel_loop3A_494, %parallel_loop3A_495], %parallel_loop3A_492 {add = true, strides = array<i32>} : memref<32x2048xf32, #tpu.memory_space<vmem>>, vector<16xf32>,
        %parallel_loop3A_497 = arith.constant 11 : i32
        %parallel_loop3A_498 = vector.broadcast %parallel_loop3A_497 : i32 to vector<16xi32>
        %parallel_loop3A_499 = tpu.vector_load_idx %arg7[%parallel_loop3A_498, %parallel_loop3A_322] : memref<32x512xf32, #tpu.memory_space<vmem>>[vector<16xi32>, vector<16xi32>], vector<16xf32>,
        %parallel_loop3A_500 = arith.mulf %parallel_loop3A_334, %parallel_loop3A_499 : vector<16xf32>
        %parallel_loop3A_501 = tpu.vector_load_idx %arg7[%parallel_loop3A_498, %parallel_loop3A_326] : memref<32x512xf32, #tpu.memory_space<vmem>>[vector<16xi32>, vector<16xi32>], vector<16xf32>,
        %parallel_loop3A_502 = arith.mulf %parallel_loop3A_338, %parallel_loop3A_501 : vector<16xf32>
        %parallel_loop3A_503 = arith.addf %parallel_loop3A_500, %parallel_loop3A_502 : vector<16xf32>
        %parallel_loop3A_504 = tpu.vector_load_idx %arg7[%parallel_loop3A_498, %parallel_loop3A_330] : memref<32x512xf32, #tpu.memory_space<vmem>>[vector<16xi32>, vector<16xi32>], vector<16xf32>,
        %parallel_loop3A_505 = arith.mulf %parallel_loop3A_342, %parallel_loop3A_504 : vector<16xf32>
        %parallel_loop3A_506 = arith.addf %parallel_loop3A_503, %parallel_loop3A_505 : vector<16xf32>
        %parallel_loop3A_507 = arith.constant 11 : i32
        %parallel_loop3A_508 = arith.index_cast %parallel_loop3A_507 : i32 to index
        %parallel_loop3A_509 = arith.index_cast %parallel_loop3A_318 : i32 to index
        %parallel_loop3A_510 = tpu.vector_load %arg10[%parallel_loop3A_508, %parallel_loop3A_509] {strides = array<i32>} : memref<32x2048xf32, #tpu.memory_space<vmem>>, vector<16xf32>,
        tpu.vector_store %arg10[%parallel_loop3A_508, %parallel_loop3A_509], %parallel_loop3A_506 {add = true, strides = array<i32>} : memref<32x2048xf32, #tpu.memory_space<vmem>>, vector<16xf32>,
        %parallel_loop3A_511 = arith.constant 12 : i32
        %parallel_loop3A_512 = vector.broadcast %parallel_loop3A_511 : i32 to vector<16xi32>
        %parallel_loop3A_513 = tpu.vector_load_idx %arg7[%parallel_loop3A_512, %parallel_loop3A_322] : memref<32x512xf32, #tpu.memory_space<vmem>>[vector<16xi32>, vector<16xi32>], vector<16xf32>,
        %parallel_loop3A_514 = arith.mulf %parallel_loop3A_334, %parallel_loop3A_513 : vector<16xf32>
        %parallel_loop3A_515 = tpu.vector_load_idx %arg7[%parallel_loop3A_512, %parallel_loop3A_326] : memref<32x512xf32, #tpu.memory_space<vmem>>[vector<16xi32>, vector<16xi32>], vector<16xf32>,
        %parallel_loop3A_516 = arith.mulf %parallel_loop3A_338, %parallel_loop3A_515 : vector<16xf32>
        %parallel_loop3A_517 = arith.addf %parallel_loop3A_514, %parallel_loop3A_516 : vector<16xf32>
        %parallel_loop3A_518 = tpu.vector_load_idx %arg7[%parallel_loop3A_512, %parallel_loop3A_330] : memref<32x512xf32, #tpu.memory_space<vmem>>[vector<16xi32>, vector<16xi32>], vector<16xf32>,
        %parallel_loop3A_519 = arith.mulf %parallel_loop3A_342, %parallel_loop3A_518 : vector<16xf32>
        %parallel_loop3A_520 = arith.addf %parallel_loop3A_517, %parallel_loop3A_519 : vector<16xf32>
        %parallel_loop3A_521 = arith.constant 12 : i32
        %parallel_loop3A_522 = arith.index_cast %parallel_loop3A_521 : i32 to index
        %parallel_loop3A_523 = arith.index_cast %parallel_loop3A_318 : i32 to index
        %parallel_loop3A_524 = tpu.vector_load %arg10[%parallel_loop3A_522, %parallel_loop3A_523] {strides = array<i32>} : memref<32x2048xf32, #tpu.memory_space<vmem>>, vector<16xf32>,
        tpu.vector_store %arg10[%parallel_loop3A_522, %parallel_loop3A_523], %parallel_loop3A_520 {add = true, strides = array<i32>} : memref<32x2048xf32, #tpu.memory_space<vmem>>, vector<16xf32>,
        %parallel_loop3A_525 = arith.constant 13 : i32
        %parallel_loop3A_526 = vector.broadcast %parallel_loop3A_525 : i32 to vector<16xi32>
        %parallel_loop3A_527 = tpu.vector_load_idx %arg7[%parallel_loop3A_526, %parallel_loop3A_322] : memref<32x512xf32, #tpu.memory_space<vmem>>[vector<16xi32>, vector<16xi32>], vector<16xf32>,
        %parallel_loop3A_528 = arith.mulf %parallel_loop3A_334, %parallel_loop3A_527 : vector<16xf32>
        %parallel_loop3A_529 = tpu.vector_load_idx %arg7[%parallel_loop3A_526, %parallel_loop3A_326] : memref<32x512xf32, #tpu.memory_space<vmem>>[vector<16xi32>, vector<16xi32>], vector<16xf32>,
        %parallel_loop3A_530 = arith.mulf %parallel_loop3A_338, %parallel_loop3A_529 : vector<16xf32>
        %parallel_loop3A_531 = arith.addf %parallel_loop3A_528, %parallel_loop3A_530 : vector<16xf32>
        %parallel_loop3A_532 = tpu.vector_load_idx %arg7[%parallel_loop3A_526, %parallel_loop3A_330] : memref<32x512xf32, #tpu.memory_space<vmem>>[vector<16xi32>, vector<16xi32>], vector<16xf32>,
        %parallel_loop3A_533 = arith.mulf %parallel_loop3A_342, %parallel_loop3A_532 : vector<16xf32>
        %parallel_loop3A_534 = arith.addf %parallel_loop3A_531, %parallel_loop3A_533 : vector<16xf32>
        %parallel_loop3A_535 = arith.constant 13 : i32
        %parallel_loop3A_536 = arith.index_cast %parallel_loop3A_535 : i32 to index
        %parallel_loop3A_537 = arith.index_cast %parallel_loop3A_318 : i32 to index
        %parallel_loop3A_538 = tpu.vector_load %arg10[%parallel_loop3A_536, %parallel_loop3A_537] {strides = array<i32>} : memref<32x2048xf32, #tpu.memory_space<vmem>>, vector<16xf32>,
        tpu.vector_store %arg10[%parallel_loop3A_536, %parallel_loop3A_537], %parallel_loop3A_534 {add = true, strides = array<i32>} : memref<32x2048xf32, #tpu.memory_space<vmem>>, vector<16xf32>,
        %parallel_loop3A_539 = arith.constant 14 : i32
        %parallel_loop3A_540 = vector.broadcast %parallel_loop3A_539 : i32 to vector<16xi32>
        %parallel_loop3A_541 = tpu.vector_load_idx %arg7[%parallel_loop3A_540, %parallel_loop3A_322] : memref<32x512xf32, #tpu.memory_space<vmem>>[vector<16xi32>, vector<16xi32>], vector<16xf32>,
        %parallel_loop3A_542 = arith.mulf %parallel_loop3A_334, %parallel_loop3A_541 : vector<16xf32>
        %parallel_loop3A_543 = tpu.vector_load_idx %arg7[%parallel_loop3A_540, %parallel_loop3A_326] : memref<32x512xf32, #tpu.memory_space<vmem>>[vector<16xi32>, vector<16xi32>], vector<16xf32>,
        %parallel_loop3A_544 = arith.mulf %parallel_loop3A_338, %parallel_loop3A_543 : vector<16xf32>
        %parallel_loop3A_545 = arith.addf %parallel_loop3A_542, %parallel_loop3A_544 : vector<16xf32>
        %parallel_loop3A_546 = tpu.vector_load_idx %arg7[%parallel_loop3A_540, %parallel_loop3A_330] : memref<32x512xf32, #tpu.memory_space<vmem>>[vector<16xi32>, vector<16xi32>], vector<16xf32>,
        %parallel_loop3A_547 = arith.mulf %parallel_loop3A_342, %parallel_loop3A_546 : vector<16xf32>
        %parallel_loop3A_548 = arith.addf %parallel_loop3A_545, %parallel_loop3A_547 : vector<16xf32>
        %parallel_loop3A_549 = arith.constant 14 : i32
        %parallel_loop3A_550 = arith.index_cast %parallel_loop3A_549 : i32 to index
        %parallel_loop3A_551 = arith.index_cast %parallel_loop3A_318 : i32 to index
        %parallel_loop3A_552 = tpu.vector_load %arg10[%parallel_loop3A_550, %parallel_loop3A_551] {strides = array<i32>} : memref<32x2048xf32, #tpu.memory_space<vmem>>, vector<16xf32>,
        tpu.vector_store %arg10[%parallel_loop3A_550, %parallel_loop3A_551], %parallel_loop3A_548 {add = true, strides = array<i32>} : memref<32x2048xf32, #tpu.memory_space<vmem>>, vector<16xf32>,
        %parallel_loop3A_553 = arith.constant 15 : i32
        %parallel_loop3A_554 = vector.broadcast %parallel_loop3A_553 : i32 to vector<16xi32>
        %parallel_loop3A_555 = tpu.vector_load_idx %arg7[%parallel_loop3A_554, %parallel_loop3A_322] : memref<32x512xf32, #tpu.memory_space<vmem>>[vector<16xi32>, vector<16xi32>], vector<16xf32>,
        %parallel_loop3A_556 = arith.mulf %parallel_loop3A_334, %parallel_loop3A_555 : vector<16xf32>
        %parallel_loop3A_557 = tpu.vector_load_idx %arg7[%parallel_loop3A_554, %parallel_loop3A_326] : memref<32x512xf32, #tpu.memory_space<vmem>>[vector<16xi32>, vector<16xi32>], vector<16xf32>,
        %parallel_loop3A_558 = arith.mulf %parallel_loop3A_338, %parallel_loop3A_557 : vector<16xf32>
        %parallel_loop3A_559 = arith.addf %parallel_loop3A_556, %parallel_loop3A_558 : vector<16xf32>
        %parallel_loop3A_560 = tpu.vector_load_idx %arg7[%parallel_loop3A_554, %parallel_loop3A_330] : memref<32x512xf32, #tpu.memory_space<vmem>>[vector<16xi32>, vector<16xi32>], vector<16xf32>,
        %parallel_loop3A_561 = arith.mulf %parallel_loop3A_342, %parallel_loop3A_560 : vector<16xf32>
        %parallel_loop3A_562 = arith.addf %parallel_loop3A_559, %parallel_loop3A_561 : vector<16xf32>
        %parallel_loop3A_563 = arith.constant 15 : i32
        %parallel_loop3A_564 = arith.index_cast %parallel_loop3A_563 : i32 to index
        %parallel_loop3A_565 = arith.index_cast %parallel_loop3A_318 : i32 to index
        %parallel_loop3A_566 = tpu.vector_load %arg10[%parallel_loop3A_564, %parallel_loop3A_565] {strides = array<i32>} : memref<32x2048xf32, #tpu.memory_space<vmem>>, vector<16xf32>,
        tpu.vector_store %arg10[%parallel_loop3A_564, %parallel_loop3A_565], %parallel_loop3A_562 {add = true, strides = array<i32>} : memref<32x2048xf32, #tpu.memory_space<vmem>>, vector<16xf32>,
        %parallel_loop3A_567 = arith.constant 16 : i32
        %parallel_loop3A_568 = vector.broadcast %parallel_loop3A_567 : i32 to vector<16xi32>
        %parallel_loop3A_569 = tpu.vector_load_idx %arg7[%parallel_loop3A_568, %parallel_loop3A_322] : memref<32x512xf32, #tpu.memory_space<vmem>>[vector<16xi32>, vector<16xi32>], vector<16xf32>,
        %parallel_loop3A_570 = arith.mulf %parallel_loop3A_334, %parallel_loop3A_569 : vector<16xf32>
        %parallel_loop3A_571 = tpu.vector_load_idx %arg7[%parallel_loop3A_568, %parallel_loop3A_326] : memref<32x512xf32, #tpu.memory_space<vmem>>[vector<16xi32>, vector<16xi32>], vector<16xf32>,
        %parallel_loop3A_572 = arith.mulf %parallel_loop3A_338, %parallel_loop3A_571 : vector<16xf32>
        %parallel_loop3A_573 = arith.addf %parallel_loop3A_570, %parallel_loop3A_572 : vector<16xf32>
        %parallel_loop3A_574 = tpu.vector_load_idx %arg7[%parallel_loop3A_568, %parallel_loop3A_330] : memref<32x512xf32, #tpu.memory_space<vmem>>[vector<16xi32>, vector<16xi32>], vector<16xf32>,
        %parallel_loop3A_575 = arith.mulf %parallel_loop3A_342, %parallel_loop3A_574 : vector<16xf32>
        %parallel_loop3A_576 = arith.addf %parallel_loop3A_573, %parallel_loop3A_575 : vector<16xf32>
        %parallel_loop3A_577 = arith.constant 16 : i32
        %parallel_loop3A_578 = arith.index_cast %parallel_loop3A_577 : i32 to index
        %parallel_loop3A_579 = arith.index_cast %parallel_loop3A_318 : i32 to index
        %parallel_loop3A_580 = tpu.vector_load %arg10[%parallel_loop3A_578, %parallel_loop3A_579] {strides = array<i32>} : memref<32x2048xf32, #tpu.memory_space<vmem>>, vector<16xf32>,
        tpu.vector_store %arg10[%parallel_loop3A_578, %parallel_loop3A_579], %parallel_loop3A_576 {add = true, strides = array<i32>} : memref<32x2048xf32, #tpu.memory_space<vmem>>, vector<16xf32>,
        %parallel_loop3A_581 = arith.constant 17 : i32
        %parallel_loop3A_582 = vector.broadcast %parallel_loop3A_581 : i32 to vector<16xi32>
        %parallel_loop3A_583 = tpu.vector_load_idx %arg7[%parallel_loop3A_582, %parallel_loop3A_322] : memref<32x512xf32, #tpu.memory_space<vmem>>[vector<16xi32>, vector<16xi32>], vector<16xf32>,
        %parallel_loop3A_584 = arith.mulf %parallel_loop3A_334, %parallel_loop3A_583 : vector<16xf32>
        %parallel_loop3A_585 = tpu.vector_load_idx %arg7[%parallel_loop3A_582, %parallel_loop3A_326] : memref<32x512xf32, #tpu.memory_space<vmem>>[vector<16xi32>, vector<16xi32>], vector<16xf32>,
        %parallel_loop3A_586 = arith.mulf %parallel_loop3A_338, %parallel_loop3A_585 : vector<16xf32>
        %parallel_loop3A_587 = arith.addf %parallel_loop3A_584, %parallel_loop3A_586 : vector<16xf32>
        %parallel_loop3A_588 = tpu.vector_load_idx %arg7[%parallel_loop3A_582, %parallel_loop3A_330] : memref<32x512xf32, #tpu.memory_space<vmem>>[vector<16xi32>, vector<16xi32>], vector<16xf32>,
        %parallel_loop3A_589 = arith.mulf %parallel_loop3A_342, %parallel_loop3A_588 : vector<16xf32>
        %parallel_loop3A_590 = arith.addf %parallel_loop3A_587, %parallel_loop3A_589 : vector<16xf32>
        %parallel_loop3A_591 = arith.constant 17 : i32
        %parallel_loop3A_592 = arith.index_cast %parallel_loop3A_591 : i32 to index
        %parallel_loop3A_593 = arith.index_cast %parallel_loop3A_318 : i32 to index
        %parallel_loop3A_594 = tpu.vector_load %arg10[%parallel_loop3A_592, %parallel_loop3A_593] {strides = array<i32>} : memref<32x2048xf32, #tpu.memory_space<vmem>>, vector<16xf32>,
        tpu.vector_store %arg10[%parallel_loop3A_592, %parallel_loop3A_593], %parallel_loop3A_590 {add = true, strides = array<i32>} : memref<32x2048xf32, #tpu.memory_space<vmem>>, vector<16xf32>,
        %parallel_loop3A_595 = arith.constant 18 : i32
        %parallel_loop3A_596 = vector.broadcast %parallel_loop3A_595 : i32 to vector<16xi32>
        %parallel_loop3A_597 = tpu.vector_load_idx %arg7[%parallel_loop3A_596, %parallel_loop3A_322] : memref<32x512xf32, #tpu.memory_space<vmem>>[vector<16xi32>, vector<16xi32>], vector<16xf32>,
        %parallel_loop3A_598 = arith.mulf %parallel_loop3A_334, %parallel_loop3A_597 : vector<16xf32>
        %parallel_loop3A_599 = tpu.vector_load_idx %arg7[%parallel_loop3A_596, %parallel_loop3A_326] : memref<32x512xf32, #tpu.memory_space<vmem>>[vector<16xi32>, vector<16xi32>], vector<16xf32>,
        %parallel_loop3A_600 = arith.mulf %parallel_loop3A_338, %parallel_loop3A_599 : vector<16xf32>
        %parallel_loop3A_601 = arith.addf %parallel_loop3A_598, %parallel_loop3A_600 : vector<16xf32>
        %parallel_loop3A_602 = tpu.vector_load_idx %arg7[%parallel_loop3A_596, %parallel_loop3A_330] : memref<32x512xf32, #tpu.memory_space<vmem>>[vector<16xi32>, vector<16xi32>], vector<16xf32>,
        %parallel_loop3A_603 = arith.mulf %parallel_loop3A_342, %parallel_loop3A_602 : vector<16xf32>
        %parallel_loop3A_604 = arith.addf %parallel_loop3A_601, %parallel_loop3A_603 : vector<16xf32>
        %parallel_loop3A_605 = arith.constant 18 : i32
        %parallel_loop3A_606 = arith.index_cast %parallel_loop3A_605 : i32 to index
        %parallel_loop3A_607 = arith.index_cast %parallel_loop3A_318 : i32 to index
        %parallel_loop3A_608 = tpu.vector_load %arg10[%parallel_loop3A_606, %parallel_loop3A_607] {strides = array<i32>} : memref<32x2048xf32, #tpu.memory_space<vmem>>, vector<16xf32>,
        tpu.vector_store %arg10[%parallel_loop3A_606, %parallel_loop3A_607], %parallel_loop3A_604 {add = true, strides = array<i32>} : memref<32x2048xf32, #tpu.memory_space<vmem>>, vector<16xf32>,
        %parallel_loop3A_609 = arith.constant 19 : i32
        %parallel_loop3A_610 = vector.broadcast %parallel_loop3A_609 : i32 to vector<16xi32>
        %parallel_loop3A_611 = tpu.vector_load_idx %arg7[%parallel_loop3A_610, %parallel_loop3A_322] : memref<32x512xf32, #tpu.memory_space<vmem>>[vector<16xi32>, vector<16xi32>], vector<16xf32>,
        %parallel_loop3A_612 = arith.mulf %parallel_loop3A_334, %parallel_loop3A_611 : vector<16xf32>
        %parallel_loop3A_613 = tpu.vector_load_idx %arg7[%parallel_loop3A_610, %parallel_loop3A_326] : memref<32x512xf32, #tpu.memory_space<vmem>>[vector<16xi32>, vector<16xi32>], vector<16xf32>,
        %parallel_loop3A_614 = arith.mulf %parallel_loop3A_338, %parallel_loop3A_613 : vector<16xf32>
        %parallel_loop3A_615 = arith.addf %parallel_loop3A_612, %parallel_loop3A_614 : vector<16xf32>
        %parallel_loop3A_616 = tpu.vector_load_idx %arg7[%parallel_loop3A_610, %parallel_loop3A_330] : memref<32x512xf32, #tpu.memory_space<vmem>>[vector<16xi32>, vector<16xi32>], vector<16xf32>,
        %parallel_loop3A_617 = arith.mulf %parallel_loop3A_342, %parallel_loop3A_616 : vector<16xf32>
        %parallel_loop3A_618 = arith.addf %parallel_loop3A_615, %parallel_loop3A_617 : vector<16xf32>
        %parallel_loop3A_619 = arith.constant 19 : i32
        %parallel_loop3A_620 = arith.index_cast %parallel_loop3A_619 : i32 to index
        %parallel_loop3A_621 = arith.index_cast %parallel_loop3A_318 : i32 to index
        %parallel_loop3A_622 = tpu.vector_load %arg10[%parallel_loop3A_620, %parallel_loop3A_621] {strides = array<i32>} : memref<32x2048xf32, #tpu.memory_space<vmem>>, vector<16xf32>,
        tpu.vector_store %arg10[%parallel_loop3A_620, %parallel_loop3A_621], %parallel_loop3A_618 {add = true, strides = array<i32>} : memref<32x2048xf32, #tpu.memory_space<vmem>>, vector<16xf32>,
        %parallel_loop3A_623 = arith.constant 20 : i32
        %parallel_loop3A_624 = vector.broadcast %parallel_loop3A_623 : i32 to vector<16xi32>
        %parallel_loop3A_625 = tpu.vector_load_idx %arg7[%parallel_loop3A_624, %parallel_loop3A_322] : memref<32x512xf32, #tpu.memory_space<vmem>>[vector<16xi32>, vector<16xi32>], vector<16xf32>,
        %parallel_loop3A_626 = arith.mulf %parallel_loop3A_334, %parallel_loop3A_625 : vector<16xf32>
        %parallel_loop3A_627 = tpu.vector_load_idx %arg7[%parallel_loop3A_624, %parallel_loop3A_326] : memref<32x512xf32, #tpu.memory_space<vmem>>[vector<16xi32>, vector<16xi32>], vector<16xf32>,
        %parallel_loop3A_628 = arith.mulf %parallel_loop3A_338, %parallel_loop3A_627 : vector<16xf32>
        %parallel_loop3A_629 = arith.addf %parallel_loop3A_626, %parallel_loop3A_628 : vector<16xf32>
        %parallel_loop3A_630 = tpu.vector_load_idx %arg7[%parallel_loop3A_624, %parallel_loop3A_330] : memref<32x512xf32, #tpu.memory_space<vmem>>[vector<16xi32>, vector<16xi32>], vector<16xf32>,
        %parallel_loop3A_631 = arith.mulf %parallel_loop3A_342, %parallel_loop3A_630 : vector<16xf32>
        %parallel_loop3A_632 = arith.addf %parallel_loop3A_629, %parallel_loop3A_631 : vector<16xf32>
        %parallel_loop3A_633 = arith.constant 20 : i32
        %parallel_loop3A_634 = arith.index_cast %parallel_loop3A_633 : i32 to index
        %parallel_loop3A_635 = arith.index_cast %parallel_loop3A_318 : i32 to index
        %parallel_loop3A_636 = tpu.vector_load %arg10[%parallel_loop3A_634, %parallel_loop3A_635] {strides = array<i32>} : memref<32x2048xf32, #tpu.memory_space<vmem>>, vector<16xf32>,
        tpu.vector_store %arg10[%parallel_loop3A_634, %parallel_loop3A_635], %parallel_loop3A_632 {add = true, strides = array<i32>} : memref<32x2048xf32, #tpu.memory_space<vmem>>, vector<16xf32>,
        %parallel_loop3A_637 = arith.constant 21 : i32
        %parallel_loop3A_638 = vector.broadcast %parallel_loop3A_637 : i32 to vector<16xi32>
        %parallel_loop3A_639 = tpu.vector_load_idx %arg7[%parallel_loop3A_638, %parallel_loop3A_322] : memref<32x512xf32, #tpu.memory_space<vmem>>[vector<16xi32>, vector<16xi32>], vector<16xf32>,
        %parallel_loop3A_640 = arith.mulf %parallel_loop3A_334, %parallel_loop3A_639 : vector<16xf32>
        %parallel_loop3A_641 = tpu.vector_load_idx %arg7[%parallel_loop3A_638, %parallel_loop3A_326] : memref<32x512xf32, #tpu.memory_space<vmem>>[vector<16xi32>, vector<16xi32>], vector<16xf32>,
        %parallel_loop3A_642 = arith.mulf %parallel_loop3A_338, %parallel_loop3A_641 : vector<16xf32>
        %parallel_loop3A_643 = arith.addf %parallel_loop3A_640, %parallel_loop3A_642 : vector<16xf32>
        %parallel_loop3A_644 = tpu.vector_load_idx %arg7[%parallel_loop3A_638, %parallel_loop3A_330] : memref<32x512xf32, #tpu.memory_space<vmem>>[vector<16xi32>, vector<16xi32>], vector<16xf32>,
        %parallel_loop3A_645 = arith.mulf %parallel_loop3A_342, %parallel_loop3A_644 : vector<16xf32>
        %parallel_loop3A_646 = arith.addf %parallel_loop3A_643, %parallel_loop3A_645 : vector<16xf32>
        %parallel_loop3A_647 = arith.constant 21 : i32
        %parallel_loop3A_648 = arith.index_cast %parallel_loop3A_647 : i32 to index
        %parallel_loop3A_649 = arith.index_cast %parallel_loop3A_318 : i32 to index
        %parallel_loop3A_650 = tpu.vector_load %arg10[%parallel_loop3A_648, %parallel_loop3A_649] {strides = array<i32>} : memref<32x2048xf32, #tpu.memory_space<vmem>>, vector<16xf32>,
        tpu.vector_store %arg10[%parallel_loop3A_648, %parallel_loop3A_649], %parallel_loop3A_646 {add = true, strides = array<i32>} : memref<32x2048xf32, #tpu.memory_space<vmem>>, vector<16xf32>,
        %parallel_loop3A_651 = arith.constant 22 : i32
        %parallel_loop3A_652 = vector.broadcast %parallel_loop3A_651 : i32 to vector<16xi32>
        %parallel_loop3A_653 = tpu.vector_load_idx %arg7[%parallel_loop3A_652, %parallel_loop3A_322] : memref<32x512xf32, #tpu.memory_space<vmem>>[vector<16xi32>, vector<16xi32>], vector<16xf32>,
        %parallel_loop3A_654 = arith.mulf %parallel_loop3A_334, %parallel_loop3A_653 : vector<16xf32>
        %parallel_loop3A_655 = tpu.vector_load_idx %arg7[%parallel_loop3A_652, %parallel_loop3A_326] : memref<32x512xf32, #tpu.memory_space<vmem>>[vector<16xi32>, vector<16xi32>], vector<16xf32>,
        %parallel_loop3A_656 = arith.mulf %parallel_loop3A_338, %parallel_loop3A_655 : vector<16xf32>
        %parallel_loop3A_657 = arith.addf %parallel_loop3A_654, %parallel_loop3A_656 : vector<16xf32>
        %parallel_loop3A_658 = tpu.vector_load_idx %arg7[%parallel_loop3A_652, %parallel_loop3A_330] : memref<32x512xf32, #tpu.memory_space<vmem>>[vector<16xi32>, vector<16xi32>], vector<16xf32>,
        %parallel_loop3A_659 = arith.mulf %parallel_loop3A_342, %parallel_loop3A_658 : vector<16xf32>
        %parallel_loop3A_660 = arith.addf %parallel_loop3A_657, %parallel_loop3A_659 : vector<16xf32>
        %parallel_loop3A_661 = arith.constant 22 : i32
        %parallel_loop3A_662 = arith.index_cast %parallel_loop3A_661 : i32 to index
        %parallel_loop3A_663 = arith.index_cast %parallel_loop3A_318 : i32 to index
        %parallel_loop3A_664 = tpu.vector_load %arg10[%parallel_loop3A_662, %parallel_loop3A_663] {strides = array<i32>} : memref<32x2048xf32, #tpu.memory_space<vmem>>, vector<16xf32>,
        tpu.vector_store %arg10[%parallel_loop3A_662, %parallel_loop3A_663], %parallel_loop3A_660 {add = true, strides = array<i32>} : memref<32x2048xf32, #tpu.memory_space<vmem>>, vector<16xf32>,
        %parallel_loop3A_665 = arith.constant 23 : i32
        %parallel_loop3A_666 = vector.broadcast %parallel_loop3A_665 : i32 to vector<16xi32>
        %parallel_loop3A_667 = tpu.vector_load_idx %arg7[%parallel_loop3A_666, %parallel_loop3A_322] : memref<32x512xf32, #tpu.memory_space<vmem>>[vector<16xi32>, vector<16xi32>], vector<16xf32>,
        %parallel_loop3A_668 = arith.mulf %parallel_loop3A_334, %parallel_loop3A_667 : vector<16xf32>
        %parallel_loop3A_669 = tpu.vector_load_idx %arg7[%parallel_loop3A_666, %parallel_loop3A_326] : memref<32x512xf32, #tpu.memory_space<vmem>>[vector<16xi32>, vector<16xi32>], vector<16xf32>,
        %parallel_loop3A_670 = arith.mulf %parallel_loop3A_338, %parallel_loop3A_669 : vector<16xf32>
        %parallel_loop3A_671 = arith.addf %parallel_loop3A_668, %parallel_loop3A_670 : vector<16xf32>
        %parallel_loop3A_672 = tpu.vector_load_idx %arg7[%parallel_loop3A_666, %parallel_loop3A_330] : memref<32x512xf32, #tpu.memory_space<vmem>>[vector<16xi32>, vector<16xi32>], vector<16xf32>,
        %parallel_loop3A_673 = arith.mulf %parallel_loop3A_342, %parallel_loop3A_672 : vector<16xf32>
        %parallel_loop3A_674 = arith.addf %parallel_loop3A_671, %parallel_loop3A_673 : vector<16xf32>
        %parallel_loop3A_675 = arith.constant 23 : i32
        %parallel_loop3A_676 = arith.index_cast %parallel_loop3A_675 : i32 to index
        %parallel_loop3A_677 = arith.index_cast %parallel_loop3A_318 : i32 to index
        %parallel_loop3A_678 = tpu.vector_load %arg10[%parallel_loop3A_676, %parallel_loop3A_677] {strides = array<i32>} : memref<32x2048xf32, #tpu.memory_space<vmem>>, vector<16xf32>,
        tpu.vector_store %arg10[%parallel_loop3A_676, %parallel_loop3A_677], %parallel_loop3A_674 {add = true, strides = array<i32>} : memref<32x2048xf32, #tpu.memory_space<vmem>>, vector<16xf32>,
        %parallel_loop3A_679 = arith.constant 24 : i32
        %parallel_loop3A_680 = vector.broadcast %parallel_loop3A_679 : i32 to vector<16xi32>
        %parallel_loop3A_681 = tpu.vector_load_idx %arg7[%parallel_loop3A_680, %parallel_loop3A_322] : memref<32x512xf32, #tpu.memory_space<vmem>>[vector<16xi32>, vector<16xi32>], vector<16xf32>,
        %parallel_loop3A_682 = arith.mulf %parallel_loop3A_334, %parallel_loop3A_681 : vector<16xf32>
        %parallel_loop3A_683 = tpu.vector_load_idx %arg7[%parallel_loop3A_680, %parallel_loop3A_326] : memref<32x512xf32, #tpu.memory_space<vmem>>[vector<16xi32>, vector<16xi32>], vector<16xf32>,
        %parallel_loop3A_684 = arith.mulf %parallel_loop3A_338, %parallel_loop3A_683 : vector<16xf32>
        %parallel_loop3A_685 = arith.addf %parallel_loop3A_682, %parallel_loop3A_684 : vector<16xf32>
        %parallel_loop3A_686 = tpu.vector_load_idx %arg7[%parallel_loop3A_680, %parallel_loop3A_330] : memref<32x512xf32, #tpu.memory_space<vmem>>[vector<16xi32>, vector<16xi32>], vector<16xf32>,
        %parallel_loop3A_687 = arith.mulf %parallel_loop3A_342, %parallel_loop3A_686 : vector<16xf32>
        %parallel_loop3A_688 = arith.addf %parallel_loop3A_685, %parallel_loop3A_687 : vector<16xf32>
        %parallel_loop3A_689 = arith.constant 24 : i32
        %parallel_loop3A_690 = arith.index_cast %parallel_loop3A_689 : i32 to index
        %parallel_loop3A_691 = arith.index_cast %parallel_loop3A_318 : i32 to index
        %parallel_loop3A_692 = tpu.vector_load %arg10[%parallel_loop3A_690, %parallel_loop3A_691] {strides = array<i32>} : memref<32x2048xf32, #tpu.memory_space<vmem>>, vector<16xf32>,
        tpu.vector_store %arg10[%parallel_loop3A_690, %parallel_loop3A_691], %parallel_loop3A_688 {add = true, strides = array<i32>} : memref<32x2048xf32, #tpu.memory_space<vmem>>, vector<16xf32>,
        %parallel_loop3A_693 = arith.constant 25 : i32
        %parallel_loop3A_694 = vector.broadcast %parallel_loop3A_693 : i32 to vector<16xi32>
        %parallel_loop3A_695 = tpu.vector_load_idx %arg7[%parallel_loop3A_694, %parallel_loop3A_322] : memref<32x512xf32, #tpu.memory_space<vmem>>[vector<16xi32>, vector<16xi32>], vector<16xf32>,
        %parallel_loop3A_696 = arith.mulf %parallel_loop3A_334, %parallel_loop3A_695 : vector<16xf32>
        %parallel_loop3A_697 = tpu.vector_load_idx %arg7[%parallel_loop3A_694, %parallel_loop3A_326] : memref<32x512xf32, #tpu.memory_space<vmem>>[vector<16xi32>, vector<16xi32>], vector<16xf32>,
        %parallel_loop3A_698 = arith.mulf %parallel_loop3A_338, %parallel_loop3A_697 : vector<16xf32>
        %parallel_loop3A_699 = arith.addf %parallel_loop3A_696, %parallel_loop3A_698 : vector<16xf32>
        %parallel_loop3A_700 = tpu.vector_load_idx %arg7[%parallel_loop3A_694, %parallel_loop3A_330] : memref<32x512xf32, #tpu.memory_space<vmem>>[vector<16xi32>, vector<16xi32>], vector<16xf32>,
        %parallel_loop3A_701 = arith.mulf %parallel_loop3A_342, %parallel_loop3A_700 : vector<16xf32>
        %parallel_loop3A_702 = arith.addf %parallel_loop3A_699, %parallel_loop3A_701 : vector<16xf32>
        %parallel_loop3A_703 = arith.constant 25 : i32
        %parallel_loop3A_704 = arith.index_cast %parallel_loop3A_703 : i32 to index
        %parallel_loop3A_705 = arith.index_cast %parallel_loop3A_318 : i32 to index
        %parallel_loop3A_706 = tpu.vector_load %arg10[%parallel_loop3A_704, %parallel_loop3A_705] {strides = array<i32>} : memref<32x2048xf32, #tpu.memory_space<vmem>>, vector<16xf32>,
        tpu.vector_store %arg10[%parallel_loop3A_704, %parallel_loop3A_705], %parallel_loop3A_702 {add = true, strides = array<i32>} : memref<32x2048xf32, #tpu.memory_space<vmem>>, vector<16xf32>,
        %parallel_loop3A_707 = arith.constant 26 : i32
        %parallel_loop3A_708 = vector.broadcast %parallel_loop3A_707 : i32 to vector<16xi32>
        %parallel_loop3A_709 = tpu.vector_load_idx %arg7[%parallel_loop3A_708, %parallel_loop3A_322] : memref<32x512xf32, #tpu.memory_space<vmem>>[vector<16xi32>, vector<16xi32>], vector<16xf32>,
        %parallel_loop3A_710 = arith.mulf %parallel_loop3A_334, %parallel_loop3A_709 : vector<16xf32>
        %parallel_loop3A_711 = tpu.vector_load_idx %arg7[%parallel_loop3A_708, %parallel_loop3A_326] : memref<32x512xf32, #tpu.memory_space<vmem>>[vector<16xi32>, vector<16xi32>], vector<16xf32>,
        %parallel_loop3A_712 = arith.mulf %parallel_loop3A_338, %parallel_loop3A_711 : vector<16xf32>
        %parallel_loop3A_713 = arith.addf %parallel_loop3A_710, %parallel_loop3A_712 : vector<16xf32>
        %parallel_loop3A_714 = tpu.vector_load_idx %arg7[%parallel_loop3A_708, %parallel_loop3A_330] : memref<32x512xf32, #tpu.memory_space<vmem>>[vector<16xi32>, vector<16xi32>], vector<16xf32>,
        %parallel_loop3A_715 = arith.mulf %parallel_loop3A_342, %parallel_loop3A_714 : vector<16xf32>
        %parallel_loop3A_716 = arith.addf %parallel_loop3A_713, %parallel_loop3A_715 : vector<16xf32>
        %parallel_loop3A_717 = arith.constant 26 : i32
        %parallel_loop3A_718 = arith.index_cast %parallel_loop3A_717 : i32 to index
        %parallel_loop3A_719 = arith.index_cast %parallel_loop3A_318 : i32 to index
        %parallel_loop3A_720 = tpu.vector_load %arg10[%parallel_loop3A_718, %parallel_loop3A_719] {strides = array<i32>} : memref<32x2048xf32, #tpu.memory_space<vmem>>, vector<16xf32>,
        tpu.vector_store %arg10[%parallel_loop3A_718, %parallel_loop3A_719], %parallel_loop3A_716 {add = true, strides = array<i32>} : memref<32x2048xf32, #tpu.memory_space<vmem>>, vector<16xf32>,
        %parallel_loop3A_721 = arith.constant 27 : i32
        %parallel_loop3A_722 = vector.broadcast %parallel_loop3A_721 : i32 to vector<16xi32>
        %parallel_loop3A_723 = tpu.vector_load_idx %arg7[%parallel_loop3A_722, %parallel_loop3A_322] : memref<32x512xf32, #tpu.memory_space<vmem>>[vector<16xi32>, vector<16xi32>], vector<16xf32>,
        %parallel_loop3A_724 = arith.mulf %parallel_loop3A_334, %parallel_loop3A_723 : vector<16xf32>
        %parallel_loop3A_725 = tpu.vector_load_idx %arg7[%parallel_loop3A_722, %parallel_loop3A_326] : memref<32x512xf32, #tpu.memory_space<vmem>>[vector<16xi32>, vector<16xi32>], vector<16xf32>,
        %parallel_loop3A_726 = arith.mulf %parallel_loop3A_338, %parallel_loop3A_725 : vector<16xf32>
        %parallel_loop3A_727 = arith.addf %parallel_loop3A_724, %parallel_loop3A_726 : vector<16xf32>
        %parallel_loop3A_728 = tpu.vector_load_idx %arg7[%parallel_loop3A_722, %parallel_loop3A_330] : memref<32x512xf32, #tpu.memory_space<vmem>>[vector<16xi32>, vector<16xi32>], vector<16xf32>,
        %parallel_loop3A_729 = arith.mulf %parallel_loop3A_342, %parallel_loop3A_728 : vector<16xf32>
        %parallel_loop3A_730 = arith.addf %parallel_loop3A_727, %parallel_loop3A_729 : vector<16xf32>
        %parallel_loop3A_731 = arith.constant 27 : i32
        %parallel_loop3A_732 = arith.index_cast %parallel_loop3A_731 : i32 to index
        %parallel_loop3A_733 = arith.index_cast %parallel_loop3A_318 : i32 to index
        %parallel_loop3A_734 = tpu.vector_load %arg10[%parallel_loop3A_732, %parallel_loop3A_733] {strides = array<i32>} : memref<32x2048xf32, #tpu.memory_space<vmem>>, vector<16xf32>,
        tpu.vector_store %arg10[%parallel_loop3A_732, %parallel_loop3A_733], %parallel_loop3A_730 {add = true, strides = array<i32>} : memref<32x2048xf32, #tpu.memory_space<vmem>>, vector<16xf32>,
        %parallel_loop3A_735 = arith.constant 28 : i32
        %parallel_loop3A_736 = vector.broadcast %parallel_loop3A_735 : i32 to vector<16xi32>
        %parallel_loop3A_737 = tpu.vector_load_idx %arg7[%parallel_loop3A_736, %parallel_loop3A_322] : memref<32x512xf32, #tpu.memory_space<vmem>>[vector<16xi32>, vector<16xi32>], vector<16xf32>,
        %parallel_loop3A_738 = arith.mulf %parallel_loop3A_334, %parallel_loop3A_737 : vector<16xf32>
        %parallel_loop3A_739 = tpu.vector_load_idx %arg7[%parallel_loop3A_736, %parallel_loop3A_326] : memref<32x512xf32, #tpu.memory_space<vmem>>[vector<16xi32>, vector<16xi32>], vector<16xf32>,
        %parallel_loop3A_740 = arith.mulf %parallel_loop3A_338, %parallel_loop3A_739 : vector<16xf32>
        %parallel_loop3A_741 = arith.addf %parallel_loop3A_738, %parallel_loop3A_740 : vector<16xf32>
        %parallel_loop3A_742 = tpu.vector_load_idx %arg7[%parallel_loop3A_736, %parallel_loop3A_330] : memref<32x512xf32, #tpu.memory_space<vmem>>[vector<16xi32>, vector<16xi32>], vector<16xf32>,
        %parallel_loop3A_743 = arith.mulf %parallel_loop3A_342, %parallel_loop3A_742 : vector<16xf32>
        %parallel_loop3A_744 = arith.addf %parallel_loop3A_741, %parallel_loop3A_743 : vector<16xf32>
        %parallel_loop3A_745 = arith.constant 28 : i32
        %parallel_loop3A_746 = arith.index_cast %parallel_loop3A_745 : i32 to index
        %parallel_loop3A_747 = arith.index_cast %parallel_loop3A_318 : i32 to index
        %parallel_loop3A_748 = tpu.vector_load %arg10[%parallel_loop3A_746, %parallel_loop3A_747] {strides = array<i32>} : memref<32x2048xf32, #tpu.memory_space<vmem>>, vector<16xf32>,
        tpu.vector_store %arg10[%parallel_loop3A_746, %parallel_loop3A_747], %parallel_loop3A_744 {add = true, strides = array<i32>} : memref<32x2048xf32, #tpu.memory_space<vmem>>, vector<16xf32>,
        %parallel_loop3A_749 = arith.constant 29 : i32
        %parallel_loop3A_750 = vector.broadcast %parallel_loop3A_749 : i32 to vector<16xi32>
        %parallel_loop3A_751 = tpu.vector_load_idx %arg7[%parallel_loop3A_750, %parallel_loop3A_322] : memref<32x512xf32, #tpu.memory_space<vmem>>[vector<16xi32>, vector<16xi32>], vector<16xf32>,
        %parallel_loop3A_752 = arith.mulf %parallel_loop3A_334, %parallel_loop3A_751 : vector<16xf32>
        %parallel_loop3A_753 = tpu.vector_load_idx %arg7[%parallel_loop3A_750, %parallel_loop3A_326] : memref<32x512xf32, #tpu.memory_space<vmem>>[vector<16xi32>, vector<16xi32>], vector<16xf32>,
        %parallel_loop3A_754 = arith.mulf %parallel_loop3A_338, %parallel_loop3A_753 : vector<16xf32>
        %parallel_loop3A_755 = arith.addf %parallel_loop3A_752, %parallel_loop3A_754 : vector<16xf32>
        %parallel_loop3A_756 = tpu.vector_load_idx %arg7[%parallel_loop3A_750, %parallel_loop3A_330] : memref<32x512xf32, #tpu.memory_space<vmem>>[vector<16xi32>, vector<16xi32>], vector<16xf32>,
        %parallel_loop3A_757 = arith.mulf %parallel_loop3A_342, %parallel_loop3A_756 : vector<16xf32>
        %parallel_loop3A_758 = arith.addf %parallel_loop3A_755, %parallel_loop3A_757 : vector<16xf32>
        %parallel_loop3A_759 = arith.constant 29 : i32
        %parallel_loop3A_760 = arith.index_cast %parallel_loop3A_759 : i32 to index
        %parallel_loop3A_761 = arith.index_cast %parallel_loop3A_318 : i32 to index
        %parallel_loop3A_762 = tpu.vector_load %arg10[%parallel_loop3A_760, %parallel_loop3A_761] {strides = array<i32>} : memref<32x2048xf32, #tpu.memory_space<vmem>>, vector<16xf32>,
        tpu.vector_store %arg10[%parallel_loop3A_760, %parallel_loop3A_761], %parallel_loop3A_758 {add = true, strides = array<i32>} : memref<32x2048xf32, #tpu.memory_space<vmem>>, vector<16xf32>,
        %parallel_loop3A_763 = arith.constant 30 : i32
        %parallel_loop3A_764 = vector.broadcast %parallel_loop3A_763 : i32 to vector<16xi32>
        %parallel_loop3A_765 = tpu.vector_load_idx %arg7[%parallel_loop3A_764, %parallel_loop3A_322] : memref<32x512xf32, #tpu.memory_space<vmem>>[vector<16xi32>, vector<16xi32>], vector<16xf32>,
        %parallel_loop3A_766 = arith.mulf %parallel_loop3A_334, %parallel_loop3A_765 : vector<16xf32>
        %parallel_loop3A_767 = tpu.vector_load_idx %arg7[%parallel_loop3A_764, %parallel_loop3A_326] : memref<32x512xf32, #tpu.memory_space<vmem>>[vector<16xi32>, vector<16xi32>], vector<16xf32>,
        %parallel_loop3A_768 = arith.mulf %parallel_loop3A_338, %parallel_loop3A_767 : vector<16xf32>
        %parallel_loop3A_769 = arith.addf %parallel_loop3A_766, %parallel_loop3A_768 : vector<16xf32>
        %parallel_loop3A_770 = tpu.vector_load_idx %arg7[%parallel_loop3A_764, %parallel_loop3A_330] : memref<32x512xf32, #tpu.memory_space<vmem>>[vector<16xi32>, vector<16xi32>], vector<16xf32>,
        %parallel_loop3A_771 = arith.mulf %parallel_loop3A_342, %parallel_loop3A_770 : vector<16xf32>
        %parallel_loop3A_772 = arith.addf %parallel_loop3A_769, %parallel_loop3A_771 : vector<16xf32>
        %parallel_loop3A_773 = arith.constant 30 : i32
        %parallel_loop3A_774 = arith.index_cast %parallel_loop3A_773 : i32 to index
        %parallel_loop3A_775 = arith.index_cast %parallel_loop3A_318 : i32 to index
        %parallel_loop3A_776 = tpu.vector_load %arg10[%parallel_loop3A_774, %parallel_loop3A_775] {strides = array<i32>} : memref<32x2048xf32, #tpu.memory_space<vmem>>, vector<16xf32>,
        tpu.vector_store %arg10[%parallel_loop3A_774, %parallel_loop3A_775], %parallel_loop3A_772 {add = true, strides = array<i32>} : memref<32x2048xf32, #tpu.memory_space<vmem>>, vector<16xf32>,
        %parallel_loop3A_777 = arith.constant 31 : i32
        %parallel_loop3A_778 = vector.broadcast %parallel_loop3A_777 : i32 to vector<16xi32>
        %parallel_loop3A_779 = tpu.vector_load_idx %arg7[%parallel_loop3A_778, %parallel_loop3A_322] : memref<32x512xf32, #tpu.memory_space<vmem>>[vector<16xi32>, vector<16xi32>], vector<16xf32>,
        %parallel_loop3A_780 = arith.mulf %parallel_loop3A_334, %parallel_loop3A_779 : vector<16xf32>
        %parallel_loop3A_781 = tpu.vector_load_idx %arg7[%parallel_loop3A_778, %parallel_loop3A_326] : memref<32x512xf32, #tpu.memory_space<vmem>>[vector<16xi32>, vector<16xi32>], vector<16xf32>,
        %parallel_loop3A_782 = arith.mulf %parallel_loop3A_338, %parallel_loop3A_781 : vector<16xf32>
        %parallel_loop3A_783 = arith.addf %parallel_loop3A_780, %parallel_loop3A_782 : vector<16xf32>
        %parallel_loop3A_784 = tpu.vector_load_idx %arg7[%parallel_loop3A_778, %parallel_loop3A_330] : memref<32x512xf32, #tpu.memory_space<vmem>>[vector<16xi32>, vector<16xi32>], vector<16xf32>,
        %parallel_loop3A_785 = arith.mulf %parallel_loop3A_342, %parallel_loop3A_784 : vector<16xf32>
        %parallel_loop3A_786 = arith.addf %parallel_loop3A_783, %parallel_loop3A_785 : vector<16xf32>
        %parallel_loop3A_787 = arith.constant 31 : i32
        %parallel_loop3A_788 = arith.index_cast %parallel_loop3A_787 : i32 to index
        %parallel_loop3A_789 = arith.index_cast %parallel_loop3A_318 : i32 to index
        %parallel_loop3A_790 = tpu.vector_load %arg10[%parallel_loop3A_788, %parallel_loop3A_789] {strides = array<i32>} : memref<32x2048xf32, #tpu.memory_space<vmem>>, vector<16xf32>,
        tpu.vector_store %arg10[%parallel_loop3A_788, %parallel_loop3A_789], %parallel_loop3A_786 {add = true, strides = array<i32>} : memref<32x2048xf32, #tpu.memory_space<vmem>>, vector<16xf32>,
      } {sc.loop_unroll_factor = 2 : i64, sc.parallel_access}
      "tpu.region"() ({
        %run_scoped3A = tpu.sem_alloc : memref<!tpu.dma_semaphore, #tpu.memory_space<semaphore_mem>>
        %dma_start3A_316 = arith.constant 0 : i32
        %dma_start3A_317 = tpu.memref_slice %arg6[%select_n3A_294, %select_n3A_310, %mul3A_312, %dma_start3A_316] : memref<8x6x128x2048xf32, #tpu.memory_space<hbm>> -> memref<1x1x32x2048xf32, #tpu.memory_space<hbm>>
        %dma_start3A_318 = tpu.memref_squeeze %dma_start3A_317 : memref<1x1x32x2048xf32, #tpu.memory_space<hbm>> -> memref<32x2048xf32, #tpu.memory_space<hbm>>
        %dma_start3A_319 = arith.constant 0 : i32
        %dma_start3A_320 = tpu.memref_slice %arg6[%select_n3A_294, %select_n3A_310, %mul3A_312, %dma_start3A_319] : memref<8x6x128x2048xf32, #tpu.memory_space<hbm>> -> memref<1x1x32x2048xf32, #tpu.memory_space<hbm>>
        %dma_start3A_321 = tpu.memref_squeeze %dma_start3A_320 : memref<1x1x32x2048xf32, #tpu.memory_space<hbm>> -> memref<32x2048xf32, #tpu.memory_space<hbm>>
        tpu.enqueue_dma source(%arg10 : memref<32x2048xf32, #tpu.memory_space<vmem>>) target(%dma_start3A_321 : memref<32x2048xf32, #tpu.memory_space<hbm>>) target_semaphore(%run_scoped3A : memref<!tpu.dma_semaphore, #tpu.memory_space<semaphore_mem>>)
        %dma_wait3A_322 = arith.constant 0 : i32
        %dma_wait3A_323 = tpu.memref_slice %arg6[%select_n3A_294, %select_n3A_310, %mul3A_312, %dma_wait3A_322] : memref<8x6x128x2048xf32, #tpu.memory_space<hbm>> -> memref<1x1x32x2048xf32, #tpu.memory_space<hbm>>
        %dma_wait3A_324 = tpu.memref_squeeze %dma_wait3A_323 : memref<1x1x32x2048xf32, #tpu.memory_space<hbm>> -> memref<32x2048xf32, #tpu.memory_space<hbm>>
        %dma_wait3A_325 = arith.constant 0 : i32
        %dma_wait3A_326 = tpu.memref_slice %arg6[%select_n3A_294, %select_n3A_310, %mul3A_312, %dma_wait3A_325] : memref<8x6x128x2048xf32, #tpu.memory_space<hbm>> -> memref<1x1x32x2048xf32, #tpu.memory_space<hbm>>
        %dma_wait3A_327 = tpu.memref_squeeze %dma_wait3A_326 : memref<1x1x32x2048xf32, #tpu.memory_space<hbm>> -> memref<32x2048xf32, #tpu.memory_space<hbm>>
        tpu.wait_dma2 semaphore(%run_scoped3A : memref<!tpu.dma_semaphore, #tpu.memory_space<semaphore_mem>>) src(%arg10 : memref<32x2048xf32, #tpu.memory_space<vmem>>) dst(%dma_wait3A_327 : memref<32x2048xf32, #tpu.memory_space<hbm>>)
        tpu.yield
      }) : () -> ()
      %scan3A_315 = arith.constant 0 : i32
      scf.yield %scan3A_315 : i32
    }
    %scan3A_6 = arith.constant 6 : i32
    return
  }
}

module attributes {stable_mosaic.version = 14 : i64} {
  func.func @_stage2_body(%arg0: i32, %arg1: i32, %arg2: memref<1x1x512x3xf32, #tpu.memory_space<vmem>>, %arg3: memref<1x1x3x2048xf32, #tpu.memory_space<vmem>>, %arg4: memref<1x1x64x2048xf32, #tpu.memory_space<vmem>>, %arg5: memref<128x64xf32, #tpu.memory_space<vmem>>, %arg6: memref<1x1x3x2048xi32, #tpu.memory_space<vmem>>, %arg7: memref<1x1x3x2048xf32, #tpu.memory_space<vmem>>, %arg8: memref<1x1x128x2048xf32, #tpu.memory_space<vmem>>) attributes {dimension_semantics = [#tpu.dimension_semantics<arbitrary>, #tpu.dimension_semantics<arbitrary>], iteration_bounds = array<i64: 8, 6>, scalar_prefetch = 0 : i64, scratch_operands = 0 : i64, tpu.core_type = #tpu.core_type<tc>, window_params = [{transform_indices = @transform_0, window_bounds = array<i64: 1, 1, 512, 3>}, {transform_indices = @transform_1, window_bounds = array<i64: 1, 1, 3, 2048>}, {transform_indices = @transform_2, window_bounds = array<i64: 1, 1, 64, 2048>}, {pipeline_mode = #tpu.pipeline_mode<synchronous>, transform_indices = @transform_3, window_bounds = array<i64: 128, 64>}, {transform_indices = @transform_4, window_bounds = array<i64: 1, 1, 3, 2048>}, {transform_indices = @transform_5, window_bounds = array<i64: 1, 1, 3, 2048>}, {transform_indices = @transform_6, window_bounds = array<i64: 1, 1, 128, 2048>}]} {
    %get3A = arith.constant 0 : index
    %get3A_0 = arith.constant 0 : index
    %get3A_1 = arith.constant 0 : index
    %get3A_2 = arith.constant 0 : index
    %get3A_3 = vector.load %arg2[%get3A, %get3A_0, %get3A_1, %get3A_2] : memref<1x1x512x3xf32, #tpu.memory_space<vmem>>, vector<1x1x512x3xf32>
    %get3A_4 = vector.shape_cast %get3A_3 : vector<1x1x512x3xf32> to vector<512x3xf32>
    %get3A_5 = arith.constant 0 : index
    %get3A_6 = arith.constant 0 : index
    %get3A_7 = arith.constant 0 : index
    %get3A_8 = arith.constant 0 : index
    %get3A_9 = vector.load %arg3[%get3A_5, %get3A_6, %get3A_7, %get3A_8] : memref<1x1x3x2048xf32, #tpu.memory_space<vmem>>, vector<1x1x3x2048xf32>
    %get3A_10 = vector.shape_cast %get3A_9 : vector<1x1x3x2048xf32> to vector<3x2048xf32>
    %slice3A = vector.extract_strided_slice %get3A_4 {offsets = [0, 0], sizes = [512, 1], strides = [1, 1]} : vector<512x3xf32> to vector<512x1xf32>
    %slice3A_11 = vector.extract_strided_slice %get3A_10 {offsets = [0, 0], sizes = [1, 2048], strides = [1, 1]} : vector<3x2048xf32> to vector<1x2048xf32>
    %sub3A = vector.broadcast %slice3A : vector<512x1xf32> to vector<512x2048xf32>
    %sub3A_12 = vector.broadcast %slice3A_11 : vector<1x2048xf32> to vector<512x2048xf32>
    %sub3A_13 = arith.subf %sub3A, %sub3A_12 : vector<512x2048xf32>
    %slice3A_14 = vector.extract_strided_slice %get3A_4 {offsets = [0, 1], sizes = [512, 1], strides = [1, 1]} : vector<512x3xf32> to vector<512x1xf32>
    %slice3A_15 = vector.extract_strided_slice %get3A_10 {offsets = [1, 0], sizes = [1, 2048], strides = [1, 1]} : vector<3x2048xf32> to vector<1x2048xf32>
    %sub3A_16 = vector.broadcast %slice3A_14 : vector<512x1xf32> to vector<512x2048xf32>
    %sub3A_17 = vector.broadcast %slice3A_15 : vector<1x2048xf32> to vector<512x2048xf32>
    %sub3A_18 = arith.subf %sub3A_16, %sub3A_17 : vector<512x2048xf32>
    %slice3A_19 = vector.extract_strided_slice %get3A_4 {offsets = [0, 2], sizes = [512, 1], strides = [1, 1]} : vector<512x3xf32> to vector<512x1xf32>
    %slice3A_20 = vector.extract_strided_slice %get3A_10 {offsets = [2, 0], sizes = [1, 2048], strides = [1, 1]} : vector<3x2048xf32> to vector<1x2048xf32>
    %sub3A_21 = vector.broadcast %slice3A_19 : vector<512x1xf32> to vector<512x2048xf32>
    %sub3A_22 = vector.broadcast %slice3A_20 : vector<1x2048xf32> to vector<512x2048xf32>
    %sub3A_23 = arith.subf %sub3A_21, %sub3A_22 : vector<512x2048xf32>
    %mul3A = arith.mulf %sub3A_13, %sub3A_13 : vector<512x2048xf32>
    %mul3A_24 = arith.mulf %sub3A_18, %sub3A_18 : vector<512x2048xf32>
    %add3A = arith.addf %mul3A, %mul3A_24 : vector<512x2048xf32>
    %mul3A_25 = arith.mulf %sub3A_23, %sub3A_23 : vector<512x2048xf32>
    %add3A_26 = arith.addf %add3A, %mul3A_25 : vector<512x2048xf32>
    %iota3A = tpu.iota {dimensions = array<i32: 1>} : vector<1x512xi32>
    %and3A = arith.constant 15 : i32
    %and3A_27 = vector.broadcast %and3A : i32 to vector<1x512xi32>
    %and3A_28 = arith.andi %iota3A, %and3A_27 : vector<1x512xi32>
    %convert_element_type3A = arith.sitofp %and3A_28 : vector<1x512xi32> to vector<1x512xf32>
    %shift_right_arithmetic3A = arith.constant 4 : i32
    %shift_right_arithmetic3A_29 = vector.broadcast %shift_right_arithmetic3A : i32 to vector<1x512xi32>
    %shift_right_arithmetic3A_30 = arith.shrsi %iota3A, %shift_right_arithmetic3A_29 : vector<1x512xi32>
    %convert_element_type3A_31 = arith.sitofp %shift_right_arithmetic3A_30 : vector<1x512xi32> to vector<1x512xf32>
    %reduce_min3A = arith.constant dense<0x7F800000> : vector<2048xf32>
    %reduce_min3A_32 = vector.multi_reduction <minimumf>, %add3A_26, %reduce_min3A [0] : vector<512x2048xf32> to vector<2048xf32>
    %broadcast_in_dim3A = vector.shape_cast %reduce_min3A_32 : vector<2048xf32> to vector<1x2048xf32>
    %eq3A = vector.broadcast %broadcast_in_dim3A : vector<1x2048xf32> to vector<512x2048xf32>
    %eq3A_33 = arith.cmpf oeq, %add3A_26, %eq3A : vector<512x2048xf32>
    %add3A_34 = arith.constant 9.99999993E-9 : f32
    %add3A_35 = vector.broadcast %add3A_34 : f32 to vector<1x2048xf32>
    %add3A_36 = arith.addf %broadcast_in_dim3A, %add3A_35 : vector<1x2048xf32>
    %div3A = arith.constant 1.000000e+00 : f32
    %div3A_37 = vector.broadcast %div3A : f32 to vector<1x2048xf32>
    %div3A_38 = arith.divf %div3A_37, %add3A_36 : vector<1x2048xf32>
    %convert_element_type3A_39 = arith.extui %eq3A_33 : vector<512x2048xi1> to vector<512x2048xi32>
    %convert_element_type3A_40 = arith.sitofp %convert_element_type3A_39 : vector<512x2048xi32> to vector<512x2048xf32>
    %dot_general3A = arith.constant dense<0.000000e+00> : vector<1x2048xf32>
    %dot_general3A_41 = tpu.matmul %convert_element_type3A, %convert_element_type3A_40, %dot_general3A {dimension_numbers = #tpu.dot_dimension_numbers<[1], [0], [0], [1], [0, 0, 1, 1], [], []>, transpose_lhs_hint = false} : vector<1x512xf32>, vector<512x2048xf32>, vector<1x2048xf32> -> vector<1x2048xf32>
    %dot_general3A_42 = arith.constant dense<0.000000e+00> : vector<1x2048xf32>
    %dot_general3A_43 = tpu.matmul %convert_element_type3A_31, %convert_element_type3A_40, %dot_general3A_42 {dimension_numbers = #tpu.dot_dimension_numbers<[1], [0], [0], [1], [0, 0, 1, 1], [], []>, transpose_lhs_hint = false} : vector<1x512xf32>, vector<512x2048xf32>, vector<1x2048xf32> -> vector<1x2048xf32>
    %mul3A_44 = arith.constant 1.600000e+01 : f32
    %mul3A_45 = vector.broadcast %mul3A_44 : f32 to vector<1x2048xf32>
    %mul3A_46 = arith.mulf %mul3A_45, %dot_general3A_43 : vector<1x2048xf32>
    %add3A_47 = arith.addf %dot_general3A_41, %mul3A_46 : vector<1x2048xf32>
    %add3A_48 = arith.constant 5.000000e-01 : f32
    %add3A_49 = vector.broadcast %add3A_48 : f32 to vector<1x2048xf32>
    %add3A_50 = arith.addf %add3A_47, %add3A_49 : vector<1x2048xf32>
    %convert_element_type3A_51 = arith.fptosi %add3A_50 : vector<1x2048xf32> to vector<1x2048xi32>
    %min3A = arith.constant 511 : i32
    %min3A_52 = vector.broadcast %min3A : i32 to vector<1x2048xi32>
    %min3A_53 = arith.minsi %convert_element_type3A_51, %min3A_52 : vector<1x2048xi32>
    %swap3A = arith.constant 0 : index
    %swap3A_54 = arith.constant 0 : index
    %swap3A_55 = arith.constant 0 : index
    %swap3A_56 = arith.constant 0 : index
    %swap3A_57 = vector.load %arg6[%swap3A, %swap3A_54, %swap3A_55, %swap3A_56] : memref<1x1x3x2048xi32, #tpu.memory_space<vmem>>, vector<1x1x1x2048xi32>
    %swap3A_58 = vector.shape_cast %swap3A_57 : vector<1x1x1x2048xi32> to vector<1x2048xi32>
    %swap3A_59 = vector.shape_cast %min3A_53 : vector<1x2048xi32> to vector<1x1x1x2048xi32>
    tpu.vector_store %arg6[%swap3A, %swap3A_54, %swap3A_55, %swap3A_56], %swap3A_59 {strides = array<i32>} : memref<1x1x3x2048xi32, #tpu.memory_space<vmem>>, vector<1x1x1x2048xi32>,
    %jit3A = arith.constant 0x7F800000 : f32
    %broadcast_in_dim3A_60 = vector.broadcast %jit3A : f32 to vector<512x2048xf32>
    %select_n3A = arith.select %eq3A_33, %broadcast_in_dim3A_60, %add3A_26 : vector<512x2048xi1>, vector<512x2048xf32>
    %reduce_min3A_61 = arith.constant dense<0x7F800000> : vector<2048xf32>
    %reduce_min3A_62 = vector.multi_reduction <minimumf>, %select_n3A, %reduce_min3A_61 [0] : vector<512x2048xf32> to vector<2048xf32>
    %broadcast_in_dim3A_63 = vector.shape_cast %reduce_min3A_62 : vector<2048xf32> to vector<1x2048xf32>
    %eq3A_64 = vector.broadcast %broadcast_in_dim3A_63 : vector<1x2048xf32> to vector<512x2048xf32>
    %eq3A_65 = arith.cmpf oeq, %select_n3A, %eq3A_64 : vector<512x2048xf32>
    %add3A_66 = arith.constant 9.99999993E-9 : f32
    %add3A_67 = vector.broadcast %add3A_66 : f32 to vector<1x2048xf32>
    %add3A_68 = arith.addf %broadcast_in_dim3A_63, %add3A_67 : vector<1x2048xf32>
    %div3A_69 = arith.constant 1.000000e+00 : f32
    %div3A_70 = vector.broadcast %div3A_69 : f32 to vector<1x2048xf32>
    %div3A_71 = arith.divf %div3A_70, %add3A_68 : vector<1x2048xf32>
    %convert_element_type3A_72 = arith.extui %eq3A_65 : vector<512x2048xi1> to vector<512x2048xi32>
    %convert_element_type3A_73 = arith.sitofp %convert_element_type3A_72 : vector<512x2048xi32> to vector<512x2048xf32>
    %dot_general3A_74 = arith.constant dense<0.000000e+00> : vector<1x2048xf32>
    %dot_general3A_75 = tpu.matmul %convert_element_type3A, %convert_element_type3A_73, %dot_general3A_74 {dimension_numbers = #tpu.dot_dimension_numbers<[1], [0], [0], [1], [0, 0, 1, 1], [], []>, transpose_lhs_hint = false} : vector<1x512xf32>, vector<512x2048xf32>, vector<1x2048xf32> -> vector<1x2048xf32>
    %dot_general3A_76 = arith.constant dense<0.000000e+00> : vector<1x2048xf32>
    %dot_general3A_77 = tpu.matmul %convert_element_type3A_31, %convert_element_type3A_73, %dot_general3A_76 {dimension_numbers = #tpu.dot_dimension_numbers<[1], [0], [0], [1], [0, 0, 1, 1], [], []>, transpose_lhs_hint = false} : vector<1x512xf32>, vector<512x2048xf32>, vector<1x2048xf32> -> vector<1x2048xf32>
    %mul3A_78 = arith.constant 1.600000e+01 : f32
    %mul3A_79 = vector.broadcast %mul3A_78 : f32 to vector<1x2048xf32>
    %mul3A_80 = arith.mulf %mul3A_79, %dot_general3A_77 : vector<1x2048xf32>
    %add3A_81 = arith.addf %dot_general3A_75, %mul3A_80 : vector<1x2048xf32>
    %add3A_82 = arith.constant 5.000000e-01 : f32
    %add3A_83 = vector.broadcast %add3A_82 : f32 to vector<1x2048xf32>
    %add3A_84 = arith.addf %add3A_81, %add3A_83 : vector<1x2048xf32>
    %convert_element_type3A_85 = arith.fptosi %add3A_84 : vector<1x2048xf32> to vector<1x2048xi32>
    %min3A_86 = arith.constant 511 : i32
    %min3A_87 = vector.broadcast %min3A_86 : i32 to vector<1x2048xi32>
    %min3A_88 = arith.minsi %convert_element_type3A_85, %min3A_87 : vector<1x2048xi32>
    %swap3A_89 = arith.constant 0 : index
    %swap3A_90 = arith.constant 0 : index
    %swap3A_91 = arith.constant 1 : index
    %swap3A_92 = arith.constant 0 : index
    %swap3A_93 = vector.load %arg6[%swap3A_89, %swap3A_90, %swap3A_91, %swap3A_92] : memref<1x1x3x2048xi32, #tpu.memory_space<vmem>>, vector<1x1x1x2048xi32>
    %swap3A_94 = vector.shape_cast %swap3A_93 : vector<1x1x1x2048xi32> to vector<1x2048xi32>
    %swap3A_95 = vector.shape_cast %min3A_88 : vector<1x2048xi32> to vector<1x1x1x2048xi32>
    tpu.vector_store %arg6[%swap3A_89, %swap3A_90, %swap3A_91, %swap3A_92], %swap3A_95 {strides = array<i32>} : memref<1x1x3x2048xi32, #tpu.memory_space<vmem>>, vector<1x1x1x2048xi32>,
    %jit3A_96 = arith.constant 0x7F800000 : f32
    %broadcast_in_dim3A_97 = vector.broadcast %jit3A_96 : f32 to vector<512x2048xf32>
    %select_n3A_98 = arith.select %eq3A_65, %broadcast_in_dim3A_97, %select_n3A : vector<512x2048xi1>, vector<512x2048xf32>
    %reduce_min3A_99 = arith.constant dense<0x7F800000> : vector<2048xf32>
    %reduce_min3A_100 = vector.multi_reduction <minimumf>, %select_n3A_98, %reduce_min3A_99 [0] : vector<512x2048xf32> to vector<2048xf32>
    %broadcast_in_dim3A_101 = vector.shape_cast %reduce_min3A_100 : vector<2048xf32> to vector<1x2048xf32>
    %eq3A_102 = vector.broadcast %broadcast_in_dim3A_101 : vector<1x2048xf32> to vector<512x2048xf32>
    %eq3A_103 = arith.cmpf oeq, %select_n3A_98, %eq3A_102 : vector<512x2048xf32>
    %add3A_104 = arith.constant 9.99999993E-9 : f32
    %add3A_105 = vector.broadcast %add3A_104 : f32 to vector<1x2048xf32>
    %add3A_106 = arith.addf %broadcast_in_dim3A_101, %add3A_105 : vector<1x2048xf32>
    %div3A_107 = arith.constant 1.000000e+00 : f32
    %div3A_108 = vector.broadcast %div3A_107 : f32 to vector<1x2048xf32>
    %div3A_109 = arith.divf %div3A_108, %add3A_106 : vector<1x2048xf32>
    %convert_element_type3A_110 = arith.extui %eq3A_103 : vector<512x2048xi1> to vector<512x2048xi32>
    %convert_element_type3A_111 = arith.sitofp %convert_element_type3A_110 : vector<512x2048xi32> to vector<512x2048xf32>
    %dot_general3A_112 = arith.constant dense<0.000000e+00> : vector<1x2048xf32>
    %dot_general3A_113 = tpu.matmul %convert_element_type3A, %convert_element_type3A_111, %dot_general3A_112 {dimension_numbers = #tpu.dot_dimension_numbers<[1], [0], [0], [1], [0, 0, 1, 1], [], []>, transpose_lhs_hint = false} : vector<1x512xf32>, vector<512x2048xf32>, vector<1x2048xf32> -> vector<1x2048xf32>
    %dot_general3A_114 = arith.constant dense<0.000000e+00> : vector<1x2048xf32>
    %dot_general3A_115 = tpu.matmul %convert_element_type3A_31, %convert_element_type3A_111, %dot_general3A_114 {dimension_numbers = #tpu.dot_dimension_numbers<[1], [0], [0], [1], [0, 0, 1, 1], [], []>, transpose_lhs_hint = false} : vector<1x512xf32>, vector<512x2048xf32>, vector<1x2048xf32> -> vector<1x2048xf32>
    %mul3A_116 = arith.constant 1.600000e+01 : f32
    %mul3A_117 = vector.broadcast %mul3A_116 : f32 to vector<1x2048xf32>
    %mul3A_118 = arith.mulf %mul3A_117, %dot_general3A_115 : vector<1x2048xf32>
    %add3A_119 = arith.addf %dot_general3A_113, %mul3A_118 : vector<1x2048xf32>
    %add3A_120 = arith.constant 5.000000e-01 : f32
    %add3A_121 = vector.broadcast %add3A_120 : f32 to vector<1x2048xf32>
    %add3A_122 = arith.addf %add3A_119, %add3A_121 : vector<1x2048xf32>
    %convert_element_type3A_123 = arith.fptosi %add3A_122 : vector<1x2048xf32> to vector<1x2048xi32>
    %min3A_124 = arith.constant 511 : i32
    %min3A_125 = vector.broadcast %min3A_124 : i32 to vector<1x2048xi32>
    %min3A_126 = arith.minsi %convert_element_type3A_123, %min3A_125 : vector<1x2048xi32>
    %swap3A_127 = arith.constant 0 : index
    %swap3A_128 = arith.constant 0 : index
    %swap3A_129 = arith.constant 2 : index
    %swap3A_130 = arith.constant 0 : index
    %swap3A_131 = vector.load %arg6[%swap3A_127, %swap3A_128, %swap3A_129, %swap3A_130] : memref<1x1x3x2048xi32, #tpu.memory_space<vmem>>, vector<1x1x1x2048xi32>
    %swap3A_132 = vector.shape_cast %swap3A_131 : vector<1x1x1x2048xi32> to vector<1x2048xi32>
    %swap3A_133 = vector.shape_cast %min3A_126 : vector<1x2048xi32> to vector<1x1x1x2048xi32>
    tpu.vector_store %arg6[%swap3A_127, %swap3A_128, %swap3A_129, %swap3A_130], %swap3A_133 {strides = array<i32>} : memref<1x1x3x2048xi32, #tpu.memory_space<vmem>>, vector<1x1x1x2048xi32>,
    %add3A_134 = arith.addf %div3A_38, %div3A_71 : vector<1x2048xf32>
    %add3A_135 = arith.addf %add3A_134, %div3A_109 : vector<1x2048xf32>
    %div3A_136 = arith.divf %div3A_38, %add3A_135 : vector<1x2048xf32>
    %swap3A_137 = arith.constant 0 : index
    %swap3A_138 = arith.constant 0 : index
    %swap3A_139 = arith.constant 0 : index
    %swap3A_140 = arith.constant 0 : index
    %swap3A_141 = vector.load %arg7[%swap3A_137, %swap3A_138, %swap3A_139, %swap3A_140] : memref<1x1x3x2048xf32, #tpu.memory_space<vmem>>, vector<1x1x1x2048xf32>
    %swap3A_142 = vector.shape_cast %swap3A_141 : vector<1x1x1x2048xf32> to vector<1x2048xf32>
    %swap3A_143 = vector.shape_cast %div3A_136 : vector<1x2048xf32> to vector<1x1x1x2048xf32>
    tpu.vector_store %arg7[%swap3A_137, %swap3A_138, %swap3A_139, %swap3A_140], %swap3A_143 {strides = array<i32>} : memref<1x1x3x2048xf32, #tpu.memory_space<vmem>>, vector<1x1x1x2048xf32>,
    %div3A_144 = arith.divf %div3A_71, %add3A_135 : vector<1x2048xf32>
    %swap3A_145 = arith.constant 0 : index
    %swap3A_146 = arith.constant 0 : index
    %swap3A_147 = arith.constant 1 : index
    %swap3A_148 = arith.constant 0 : index
    %swap3A_149 = vector.load %arg7[%swap3A_145, %swap3A_146, %swap3A_147, %swap3A_148] : memref<1x1x3x2048xf32, #tpu.memory_space<vmem>>, vector<1x1x1x2048xf32>
    %swap3A_150 = vector.shape_cast %swap3A_149 : vector<1x1x1x2048xf32> to vector<1x2048xf32>
    %swap3A_151 = vector.shape_cast %div3A_144 : vector<1x2048xf32> to vector<1x1x1x2048xf32>
    tpu.vector_store %arg7[%swap3A_145, %swap3A_146, %swap3A_147, %swap3A_148], %swap3A_151 {strides = array<i32>} : memref<1x1x3x2048xf32, #tpu.memory_space<vmem>>, vector<1x1x1x2048xf32>,
    %div3A_152 = arith.divf %div3A_109, %add3A_135 : vector<1x2048xf32>
    %swap3A_153 = arith.constant 0 : index
    %swap3A_154 = arith.constant 0 : index
    %swap3A_155 = arith.constant 2 : index
    %swap3A_156 = arith.constant 0 : index
    %swap3A_157 = vector.load %arg7[%swap3A_153, %swap3A_154, %swap3A_155, %swap3A_156] : memref<1x1x3x2048xf32, #tpu.memory_space<vmem>>, vector<1x1x1x2048xf32>
    %swap3A_158 = vector.shape_cast %swap3A_157 : vector<1x1x1x2048xf32> to vector<1x2048xf32>
    %swap3A_159 = vector.shape_cast %div3A_152 : vector<1x2048xf32> to vector<1x1x1x2048xf32>
    tpu.vector_store %arg7[%swap3A_153, %swap3A_154, %swap3A_155, %swap3A_156], %swap3A_159 {strides = array<i32>} : memref<1x1x3x2048xf32, #tpu.memory_space<vmem>>, vector<1x1x1x2048xf32>,
    %get3A_160 = arith.constant 0 : index
    %get3A_161 = arith.constant 0 : index
    %get3A_162 = vector.load %arg5[%get3A_160, %get3A_161] : memref<128x64xf32, #tpu.memory_space<vmem>>, vector<128x64xf32>
    %get3A_163 = arith.constant 0 : index
    %get3A_164 = arith.constant 0 : index
    %get3A_165 = arith.constant 0 : index
    %get3A_166 = arith.constant 0 : index
    %get3A_167 = vector.load %arg4[%get3A_163, %get3A_164, %get3A_165, %get3A_166] : memref<1x1x64x2048xf32, #tpu.memory_space<vmem>>, vector<1x1x64x2048xf32>
    %get3A_168 = vector.shape_cast %get3A_167 : vector<1x1x64x2048xf32> to vector<64x2048xf32>
    %dot_general3A_169 = arith.constant dense<0.000000e+00> : vector<128x2048xf32>
    %dot_general3A_170 = tpu.matmul %get3A_162, %get3A_168, %dot_general3A_169 {dimension_numbers = #tpu.dot_dimension_numbers<[1], [0], [0], [1], [0, 0, 1, 1], [], []>, transpose_lhs_hint = false} : vector<128x64xf32>, vector<64x2048xf32>, vector<128x2048xf32> -> vector<128x2048xf32>
    %swap3A_171 = arith.constant 0 : index
    %swap3A_172 = arith.constant 0 : index
    %swap3A_173 = arith.constant 0 : index
    %swap3A_174 = arith.constant 0 : index
    %swap3A_175 = vector.load %arg8[%swap3A_171, %swap3A_172, %swap3A_173, %swap3A_174] : memref<1x1x128x2048xf32, #tpu.memory_space<vmem>>, vector<1x1x128x2048xf32>
    %swap3A_176 = vector.shape_cast %swap3A_175 : vector<1x1x128x2048xf32> to vector<128x2048xf32>
    %swap3A_177 = vector.shape_cast %dot_general3A_170 : vector<128x2048xf32> to vector<1x1x128x2048xf32>
    tpu.vector_store %arg8[%swap3A_171, %swap3A_172, %swap3A_173, %swap3A_174], %swap3A_177 {strides = array<i32>} : memref<1x1x128x2048xf32, #tpu.memory_space<vmem>>, vector<1x1x128x2048xf32>,
    return
  }
  func.func @transform_0(%arg0: i32, %arg1: i32) -> (i32, i32, i32, i32) {
    %jit3A = arith.constant 2 : i32
    %div3A = arith.divsi %arg1, %jit3A : i32
    %sign3A = arith.constant 0 : i32
    %sign3A_0 = arith.cmpi sgt, %arg1, %sign3A : i32
    %sign3A_1 = arith.extui %sign3A_0 : i1 to i32
    %sign3A_2 = arith.constant 0 : i32
    %sign3A_3 = arith.cmpi slt, %arg1, %sign3A_2 : i32
    %sign3A_4 = arith.extui %sign3A_3 : i1 to i32
    %sign3A_5 = arith.subi %sign3A_1, %sign3A_4 : i32
    %sign3A_6 = arith.constant 0 : i32
    %sign3A_7 = arith.cmpi sgt, %jit3A, %sign3A_6 : i32
    %sign3A_8 = arith.extui %sign3A_7 : i1 to i32
    %sign3A_9 = arith.constant 0 : i32
    %sign3A_10 = arith.cmpi slt, %jit3A, %sign3A_9 : i32
    %sign3A_11 = arith.extui %sign3A_10 : i1 to i32
    %sign3A_12 = arith.subi %sign3A_8, %sign3A_11 : i32
    %ne3A = arith.cmpi ne, %sign3A_5, %sign3A_12 : i32
    %rem3A = arith.remsi %arg1, %jit3A : i32
    %ne3A_13 = arith.constant 0 : i32
    %ne3A_14 = arith.cmpi ne, %rem3A, %ne3A_13 : i32
    %and3A = arith.andi %ne3A, %ne3A_14 : i1
    %sub3A = arith.constant 1 : i32
    %sub3A_15 = arith.subi %div3A, %sub3A : i32
    %select_n3A = arith.select %and3A, %sub3A_15, %div3A : i32
    %c0_i32 = arith.constant 0 : i32
    %c0_i32_16 = arith.constant 0 : i32
    %c0_i32_17 = arith.constant 0 : i32
    return %arg0, %select_n3A, %c0_i32, %c0_i32_16 : i32, i32, i32, i32
  }
  func.func @transform_1(%arg0: i32, %arg1: i32) -> (i32, i32, i32, i32) {
    %c0_i32 = arith.constant 0 : i32
    %c0_i32_0 = arith.constant 0 : i32
    %c0_i32_1 = arith.constant 0 : i32
    return %arg0, %arg1, %c0_i32, %c0_i32_0 : i32, i32, i32, i32
  }
  func.func @transform_2(%arg0: i32, %arg1: i32) -> (i32, i32, i32, i32) {
    %c0_i32 = arith.constant 0 : i32
    %c0_i32_0 = arith.constant 0 : i32
    %c0_i32_1 = arith.constant 0 : i32
    return %arg0, %arg1, %c0_i32, %c0_i32_0 : i32, i32, i32, i32
  }
  func.func @transform_3(%arg0: i32, %arg1: i32) -> (i32, i32) {
    %c0_i32 = arith.constant 0 : i32
    %c0_i32_0 = arith.constant 0 : i32
    %c0_i32_1 = arith.constant 0 : i32
    return %c0_i32, %c0_i32_0 : i32, i32
  }
  func.func @transform_4(%arg0: i32, %arg1: i32) -> (i32, i32, i32, i32) {
    %c0_i32 = arith.constant 0 : i32
    %c0_i32_0 = arith.constant 0 : i32
    %c0_i32_1 = arith.constant 0 : i32
    return %arg0, %arg1, %c0_i32, %c0_i32_0 : i32, i32, i32, i32
  }
  func.func @transform_5(%arg0: i32, %arg1: i32) -> (i32, i32, i32, i32) {
    %c0_i32 = arith.constant 0 : i32
    %c0_i32_0 = arith.constant 0 : i32
    %c0_i32_1 = arith.constant 0 : i32
    return %arg0, %arg1, %c0_i32, %c0_i32_0 : i32, i32, i32, i32
  }
  func.func @transform_6(%arg0: i32, %arg1: i32) -> (i32, i32, i32, i32) {
    %c0_i32 = arith.constant 0 : i32
    %c0_i32_0 = arith.constant 0 : i32
    %c0_i32_1 = arith.constant 0 : i32
    return %arg0, %arg1, %c0_i32, %c0_i32_0 : i32, i32, i32, i32
  }
}

module attributes {stable_mosaic.version = 14 : i64} {
  func.func @_stage1_body(%arg0: i32, %arg1: memref<8x1x256x512xf32, #tpu.memory_space<vmem>>, %arg2: memref<1x128x256xf32, #tpu.memory_space<vmem>>, %arg3: memref<128x128xf32, #tpu.memory_space<vmem>>, %arg4: memref<128x1xf32, #tpu.memory_space<vmem>>, %arg5: memref<128x1xf32, #tpu.memory_space<vmem>>, %arg6: memref<1x8x128x512xf32, #tpu.memory_space<vmem>>) attributes {dimension_semantics = [#tpu.dimension_semantics<arbitrary>], iteration_bounds = array<i64: 6>, scalar_prefetch = 0 : i64, scratch_operands = 0 : i64, tpu.core_type = #tpu.core_type<tc>, window_params = [{transform_indices = @transform_0, window_bounds = array<i64: 8, 1, 256, 512>}, {transform_indices = @transform_1, window_bounds = array<i64: 1, 128, 256>}, {pipeline_mode = #tpu.pipeline_mode<synchronous>, transform_indices = @transform_2, window_bounds = array<i64: 128, 128>}, {pipeline_mode = #tpu.pipeline_mode<synchronous>, transform_indices = @transform_3, window_bounds = array<i64: 128, 1>}, {pipeline_mode = #tpu.pipeline_mode<synchronous>, transform_indices = @transform_4, window_bounds = array<i64: 128, 1>}, {transform_indices = @transform_5, window_bounds = array<i64: 1, 8, 128, 512>}]} {
    %get3A = arith.constant 0 : index
    %get3A_0 = arith.constant 0 : index
    %get3A_1 = arith.constant 0 : index
    %get3A_2 = vector.load %arg2[%get3A, %get3A_0, %get3A_1] : memref<1x128x256xf32, #tpu.memory_space<vmem>>, vector<1x128x256xf32>
    %get3A_3 = vector.shape_cast %get3A_2 : vector<1x128x256xf32> to vector<128x256xf32>
    %broadcast_in_dim3A = arith.constant 0.000000e+00 : f32
    %broadcast_in_dim3A_4 = vector.broadcast %broadcast_in_dim3A : f32 to vector<128x1xf32>
    %broadcast_in_dim3A_5 = arith.constant 0.000000e+00 : f32
    %broadcast_in_dim3A_6 = vector.broadcast %broadcast_in_dim3A_5 : f32 to vector<128x1xf32>
    %get3A_7 = arith.constant 0 : index
    %get3A_8 = arith.constant 0 : index
    %get3A_9 = arith.constant 0 : index
    %get3A_10 = arith.constant 0 : index
    %get3A_11 = vector.load %arg1[%get3A_7, %get3A_8, %get3A_9, %get3A_10] : memref<8x1x256x512xf32, #tpu.memory_space<vmem>>, vector<1x1x256x512xf32>
    %get3A_12 = vector.shape_cast %get3A_11 : vector<1x1x256x512xf32> to vector<256x512xf32>
    %dot_general3A = arith.constant dense<0.000000e+00> : vector<128x512xf32>
    %dot_general3A_13 = tpu.matmul %get3A_3, %get3A_12, %dot_general3A {dimension_numbers = #tpu.dot_dimension_numbers<[1], [0], [0], [1], [0, 0, 1, 1], [], []>, transpose_lhs_hint = false} : vector<128x256xf32>, vector<256x512xf32>, vector<128x512xf32> -> vector<128x512xf32>
    %swap3A = arith.constant 0 : index
    %swap3A_14 = arith.constant 0 : index
    %swap3A_15 = arith.constant 0 : index
    %swap3A_16 = arith.constant 0 : index
    %swap3A_17 = vector.load %arg6[%swap3A, %swap3A_14, %swap3A_15, %swap3A_16] : memref<1x8x128x512xf32, #tpu.memory_space<vmem>>, vector<1x1x128x512xf32>
    %swap3A_18 = vector.shape_cast %swap3A_17 : vector<1x1x128x512xf32> to vector<128x512xf32>
    %swap3A_19 = vector.shape_cast %dot_general3A_13 : vector<128x512xf32> to vector<1x1x128x512xf32>
    tpu.vector_store %arg6[%swap3A, %swap3A_14, %swap3A_15, %swap3A_16], %swap3A_19 {strides = array<i32>} : memref<1x8x128x512xf32, #tpu.memory_space<vmem>>, vector<1x1x128x512xf32>,
    %reduce_sum3A = arith.constant dense<0.000000e+00> : vector<128xf32>
    %reduce_sum3A_20 = vector.multi_reduction <add>, %dot_general3A_13, %reduce_sum3A [1] : vector<128x512xf32> to vector<128xf32>
    %broadcast_in_dim3A_21 = vector.shape_cast %reduce_sum3A_20 : vector<128xf32> to vector<128x1xf32>
    %add3A = arith.addf %broadcast_in_dim3A_4, %broadcast_in_dim3A_21 : vector<128x1xf32>
    %mul3A = arith.mulf %dot_general3A_13, %dot_general3A_13 : vector<128x512xf32>
    %reduce_sum3A_22 = arith.constant dense<0.000000e+00> : vector<128xf32>
    %reduce_sum3A_23 = vector.multi_reduction <add>, %mul3A, %reduce_sum3A_22 [1] : vector<128x512xf32> to vector<128xf32>
    %broadcast_in_dim3A_24 = vector.shape_cast %reduce_sum3A_23 : vector<128xf32> to vector<128x1xf32>
    %add3A_25 = arith.addf %broadcast_in_dim3A_6, %broadcast_in_dim3A_24 : vector<128x1xf32>
    %get3A_26 = arith.constant 1 : index
    %get3A_27 = arith.constant 0 : index
    %get3A_28 = arith.constant 0 : index
    %get3A_29 = arith.constant 0 : index
    %get3A_30 = vector.load %arg1[%get3A_26, %get3A_27, %get3A_28, %get3A_29] : memref<8x1x256x512xf32, #tpu.memory_space<vmem>>, vector<1x1x256x512xf32>
    %get3A_31 = vector.shape_cast %get3A_30 : vector<1x1x256x512xf32> to vector<256x512xf32>
    %dot_general3A_32 = arith.constant dense<0.000000e+00> : vector<128x512xf32>
    %dot_general3A_33 = tpu.matmul %get3A_3, %get3A_31, %dot_general3A_32 {dimension_numbers = #tpu.dot_dimension_numbers<[1], [0], [0], [1], [0, 0, 1, 1], [], []>, transpose_lhs_hint = false} : vector<128x256xf32>, vector<256x512xf32>, vector<128x512xf32> -> vector<128x512xf32>
    %swap3A_34 = arith.constant 0 : index
    %swap3A_35 = arith.constant 1 : index
    %swap3A_36 = arith.constant 0 : index
    %swap3A_37 = arith.constant 0 : index
    %swap3A_38 = vector.load %arg6[%swap3A_34, %swap3A_35, %swap3A_36, %swap3A_37] : memref<1x8x128x512xf32, #tpu.memory_space<vmem>>, vector<1x1x128x512xf32>
    %swap3A_39 = vector.shape_cast %swap3A_38 : vector<1x1x128x512xf32> to vector<128x512xf32>
    %swap3A_40 = vector.shape_cast %dot_general3A_33 : vector<128x512xf32> to vector<1x1x128x512xf32>
    tpu.vector_store %arg6[%swap3A_34, %swap3A_35, %swap3A_36, %swap3A_37], %swap3A_40 {strides = array<i32>} : memref<1x8x128x512xf32, #tpu.memory_space<vmem>>, vector<1x1x128x512xf32>,
    %reduce_sum3A_41 = arith.constant dense<0.000000e+00> : vector<128xf32>
    %reduce_sum3A_42 = vector.multi_reduction <add>, %dot_general3A_33, %reduce_sum3A_41 [1] : vector<128x512xf32> to vector<128xf32>
    %broadcast_in_dim3A_43 = vector.shape_cast %reduce_sum3A_42 : vector<128xf32> to vector<128x1xf32>
    %add3A_44 = arith.addf %add3A, %broadcast_in_dim3A_43 : vector<128x1xf32>
    %mul3A_45 = arith.mulf %dot_general3A_33, %dot_general3A_33 : vector<128x512xf32>
    %reduce_sum3A_46 = arith.constant dense<0.000000e+00> : vector<128xf32>
    %reduce_sum3A_47 = vector.multi_reduction <add>, %mul3A_45, %reduce_sum3A_46 [1] : vector<128x512xf32> to vector<128xf32>
    %broadcast_in_dim3A_48 = vector.shape_cast %reduce_sum3A_47 : vector<128xf32> to vector<128x1xf32>
    %add3A_49 = arith.addf %add3A_25, %broadcast_in_dim3A_48 : vector<128x1xf32>
    %get3A_50 = arith.constant 2 : index
    %get3A_51 = arith.constant 0 : index
    %get3A_52 = arith.constant 0 : index
    %get3A_53 = arith.constant 0 : index
    %get3A_54 = vector.load %arg1[%get3A_50, %get3A_51, %get3A_52, %get3A_53] : memref<8x1x256x512xf32, #tpu.memory_space<vmem>>, vector<1x1x256x512xf32>
    %get3A_55 = vector.shape_cast %get3A_54 : vector<1x1x256x512xf32> to vector<256x512xf32>
    %dot_general3A_56 = arith.constant dense<0.000000e+00> : vector<128x512xf32>
    %dot_general3A_57 = tpu.matmul %get3A_3, %get3A_55, %dot_general3A_56 {dimension_numbers = #tpu.dot_dimension_numbers<[1], [0], [0], [1], [0, 0, 1, 1], [], []>, transpose_lhs_hint = false} : vector<128x256xf32>, vector<256x512xf32>, vector<128x512xf32> -> vector<128x512xf32>
    %swap3A_58 = arith.constant 0 : index
    %swap3A_59 = arith.constant 2 : index
    %swap3A_60 = arith.constant 0 : index
    %swap3A_61 = arith.constant 0 : index
    %swap3A_62 = vector.load %arg6[%swap3A_58, %swap3A_59, %swap3A_60, %swap3A_61] : memref<1x8x128x512xf32, #tpu.memory_space<vmem>>, vector<1x1x128x512xf32>
    %swap3A_63 = vector.shape_cast %swap3A_62 : vector<1x1x128x512xf32> to vector<128x512xf32>
    %swap3A_64 = vector.shape_cast %dot_general3A_57 : vector<128x512xf32> to vector<1x1x128x512xf32>
    tpu.vector_store %arg6[%swap3A_58, %swap3A_59, %swap3A_60, %swap3A_61], %swap3A_64 {strides = array<i32>} : memref<1x8x128x512xf32, #tpu.memory_space<vmem>>, vector<1x1x128x512xf32>,
    %reduce_sum3A_65 = arith.constant dense<0.000000e+00> : vector<128xf32>
    %reduce_sum3A_66 = vector.multi_reduction <add>, %dot_general3A_57, %reduce_sum3A_65 [1] : vector<128x512xf32> to vector<128xf32>
    %broadcast_in_dim3A_67 = vector.shape_cast %reduce_sum3A_66 : vector<128xf32> to vector<128x1xf32>
    %add3A_68 = arith.addf %add3A_44, %broadcast_in_dim3A_67 : vector<128x1xf32>
    %mul3A_69 = arith.mulf %dot_general3A_57, %dot_general3A_57 : vector<128x512xf32>
    %reduce_sum3A_70 = arith.constant dense<0.000000e+00> : vector<128xf32>
    %reduce_sum3A_71 = vector.multi_reduction <add>, %mul3A_69, %reduce_sum3A_70 [1] : vector<128x512xf32> to vector<128xf32>
    %broadcast_in_dim3A_72 = vector.shape_cast %reduce_sum3A_71 : vector<128xf32> to vector<128x1xf32>
    %add3A_73 = arith.addf %add3A_49, %broadcast_in_dim3A_72 : vector<128x1xf32>
    %get3A_74 = arith.constant 3 : index
    %get3A_75 = arith.constant 0 : index
    %get3A_76 = arith.constant 0 : index
    %get3A_77 = arith.constant 0 : index
    %get3A_78 = vector.load %arg1[%get3A_74, %get3A_75, %get3A_76, %get3A_77] : memref<8x1x256x512xf32, #tpu.memory_space<vmem>>, vector<1x1x256x512xf32>
    %get3A_79 = vector.shape_cast %get3A_78 : vector<1x1x256x512xf32> to vector<256x512xf32>
    %dot_general3A_80 = arith.constant dense<0.000000e+00> : vector<128x512xf32>
    %dot_general3A_81 = tpu.matmul %get3A_3, %get3A_79, %dot_general3A_80 {dimension_numbers = #tpu.dot_dimension_numbers<[1], [0], [0], [1], [0, 0, 1, 1], [], []>, transpose_lhs_hint = false} : vector<128x256xf32>, vector<256x512xf32>, vector<128x512xf32> -> vector<128x512xf32>
    %swap3A_82 = arith.constant 0 : index
    %swap3A_83 = arith.constant 3 : index
    %swap3A_84 = arith.constant 0 : index
    %swap3A_85 = arith.constant 0 : index
    %swap3A_86 = vector.load %arg6[%swap3A_82, %swap3A_83, %swap3A_84, %swap3A_85] : memref<1x8x128x512xf32, #tpu.memory_space<vmem>>, vector<1x1x128x512xf32>
    %swap3A_87 = vector.shape_cast %swap3A_86 : vector<1x1x128x512xf32> to vector<128x512xf32>
    %swap3A_88 = vector.shape_cast %dot_general3A_81 : vector<128x512xf32> to vector<1x1x128x512xf32>
    tpu.vector_store %arg6[%swap3A_82, %swap3A_83, %swap3A_84, %swap3A_85], %swap3A_88 {strides = array<i32>} : memref<1x8x128x512xf32, #tpu.memory_space<vmem>>, vector<1x1x128x512xf32>,
    %reduce_sum3A_89 = arith.constant dense<0.000000e+00> : vector<128xf32>
    %reduce_sum3A_90 = vector.multi_reduction <add>, %dot_general3A_81, %reduce_sum3A_89 [1] : vector<128x512xf32> to vector<128xf32>
    %broadcast_in_dim3A_91 = vector.shape_cast %reduce_sum3A_90 : vector<128xf32> to vector<128x1xf32>
    %add3A_92 = arith.addf %add3A_68, %broadcast_in_dim3A_91 : vector<128x1xf32>
    %mul3A_93 = arith.mulf %dot_general3A_81, %dot_general3A_81 : vector<128x512xf32>
    %reduce_sum3A_94 = arith.constant dense<0.000000e+00> : vector<128xf32>
    %reduce_sum3A_95 = vector.multi_reduction <add>, %mul3A_93, %reduce_sum3A_94 [1] : vector<128x512xf32> to vector<128xf32>
    %broadcast_in_dim3A_96 = vector.shape_cast %reduce_sum3A_95 : vector<128xf32> to vector<128x1xf32>
    %add3A_97 = arith.addf %add3A_73, %broadcast_in_dim3A_96 : vector<128x1xf32>
    %get3A_98 = arith.constant 4 : index
    %get3A_99 = arith.constant 0 : index
    %get3A_100 = arith.constant 0 : index
    %get3A_101 = arith.constant 0 : index
    %get3A_102 = vector.load %arg1[%get3A_98, %get3A_99, %get3A_100, %get3A_101] : memref<8x1x256x512xf32, #tpu.memory_space<vmem>>, vector<1x1x256x512xf32>
    %get3A_103 = vector.shape_cast %get3A_102 : vector<1x1x256x512xf32> to vector<256x512xf32>
    %dot_general3A_104 = arith.constant dense<0.000000e+00> : vector<128x512xf32>
    %dot_general3A_105 = tpu.matmul %get3A_3, %get3A_103, %dot_general3A_104 {dimension_numbers = #tpu.dot_dimension_numbers<[1], [0], [0], [1], [0, 0, 1, 1], [], []>, transpose_lhs_hint = false} : vector<128x256xf32>, vector<256x512xf32>, vector<128x512xf32> -> vector<128x512xf32>
    %swap3A_106 = arith.constant 0 : index
    %swap3A_107 = arith.constant 4 : index
    %swap3A_108 = arith.constant 0 : index
    %swap3A_109 = arith.constant 0 : index
    %swap3A_110 = vector.load %arg6[%swap3A_106, %swap3A_107, %swap3A_108, %swap3A_109] : memref<1x8x128x512xf32, #tpu.memory_space<vmem>>, vector<1x1x128x512xf32>
    %swap3A_111 = vector.shape_cast %swap3A_110 : vector<1x1x128x512xf32> to vector<128x512xf32>
    %swap3A_112 = vector.shape_cast %dot_general3A_105 : vector<128x512xf32> to vector<1x1x128x512xf32>
    tpu.vector_store %arg6[%swap3A_106, %swap3A_107, %swap3A_108, %swap3A_109], %swap3A_112 {strides = array<i32>} : memref<1x8x128x512xf32, #tpu.memory_space<vmem>>, vector<1x1x128x512xf32>,
    %reduce_sum3A_113 = arith.constant dense<0.000000e+00> : vector<128xf32>
    %reduce_sum3A_114 = vector.multi_reduction <add>, %dot_general3A_105, %reduce_sum3A_113 [1] : vector<128x512xf32> to vector<128xf32>
    %broadcast_in_dim3A_115 = vector.shape_cast %reduce_sum3A_114 : vector<128xf32> to vector<128x1xf32>
    %add3A_116 = arith.addf %add3A_92, %broadcast_in_dim3A_115 : vector<128x1xf32>
    %mul3A_117 = arith.mulf %dot_general3A_105, %dot_general3A_105 : vector<128x512xf32>
    %reduce_sum3A_118 = arith.constant dense<0.000000e+00> : vector<128xf32>
    %reduce_sum3A_119 = vector.multi_reduction <add>, %mul3A_117, %reduce_sum3A_118 [1] : vector<128x512xf32> to vector<128xf32>
    %broadcast_in_dim3A_120 = vector.shape_cast %reduce_sum3A_119 : vector<128xf32> to vector<128x1xf32>
    %add3A_121 = arith.addf %add3A_97, %broadcast_in_dim3A_120 : vector<128x1xf32>
    %get3A_122 = arith.constant 5 : index
    %get3A_123 = arith.constant 0 : index
    %get3A_124 = arith.constant 0 : index
    %get3A_125 = arith.constant 0 : index
    %get3A_126 = vector.load %arg1[%get3A_122, %get3A_123, %get3A_124, %get3A_125] : memref<8x1x256x512xf32, #tpu.memory_space<vmem>>, vector<1x1x256x512xf32>
    %get3A_127 = vector.shape_cast %get3A_126 : vector<1x1x256x512xf32> to vector<256x512xf32>
    %dot_general3A_128 = arith.constant dense<0.000000e+00> : vector<128x512xf32>
    %dot_general3A_129 = tpu.matmul %get3A_3, %get3A_127, %dot_general3A_128 {dimension_numbers = #tpu.dot_dimension_numbers<[1], [0], [0], [1], [0, 0, 1, 1], [], []>, transpose_lhs_hint = false} : vector<128x256xf32>, vector<256x512xf32>, vector<128x512xf32> -> vector<128x512xf32>
    %swap3A_130 = arith.constant 0 : index
    %swap3A_131 = arith.constant 5 : index
    %swap3A_132 = arith.constant 0 : index
    %swap3A_133 = arith.constant 0 : index
    %swap3A_134 = vector.load %arg6[%swap3A_130, %swap3A_131, %swap3A_132, %swap3A_133] : memref<1x8x128x512xf32, #tpu.memory_space<vmem>>, vector<1x1x128x512xf32>
    %swap3A_135 = vector.shape_cast %swap3A_134 : vector<1x1x128x512xf32> to vector<128x512xf32>
    %swap3A_136 = vector.shape_cast %dot_general3A_129 : vector<128x512xf32> to vector<1x1x128x512xf32>
    tpu.vector_store %arg6[%swap3A_130, %swap3A_131, %swap3A_132, %swap3A_133], %swap3A_136 {strides = array<i32>} : memref<1x8x128x512xf32, #tpu.memory_space<vmem>>, vector<1x1x128x512xf32>,
    %reduce_sum3A_137 = arith.constant dense<0.000000e+00> : vector<128xf32>
    %reduce_sum3A_138 = vector.multi_reduction <add>, %dot_general3A_129, %reduce_sum3A_137 [1] : vector<128x512xf32> to vector<128xf32>
    %broadcast_in_dim3A_139 = vector.shape_cast %reduce_sum3A_138 : vector<128xf32> to vector<128x1xf32>
    %add3A_140 = arith.addf %add3A_116, %broadcast_in_dim3A_139 : vector<128x1xf32>
    %mul3A_141 = arith.mulf %dot_general3A_129, %dot_general3A_129 : vector<128x512xf32>
    %reduce_sum3A_142 = arith.constant dense<0.000000e+00> : vector<128xf32>
    %reduce_sum3A_143 = vector.multi_reduction <add>, %mul3A_141, %reduce_sum3A_142 [1] : vector<128x512xf32> to vector<128xf32>
    %broadcast_in_dim3A_144 = vector.shape_cast %reduce_sum3A_143 : vector<128xf32> to vector<128x1xf32>
    %add3A_145 = arith.addf %add3A_121, %broadcast_in_dim3A_144 : vector<128x1xf32>
    %get3A_146 = arith.constant 6 : index
    %get3A_147 = arith.constant 0 : index
    %get3A_148 = arith.constant 0 : index
    %get3A_149 = arith.constant 0 : index
    %get3A_150 = vector.load %arg1[%get3A_146, %get3A_147, %get3A_148, %get3A_149] : memref<8x1x256x512xf32, #tpu.memory_space<vmem>>, vector<1x1x256x512xf32>
    %get3A_151 = vector.shape_cast %get3A_150 : vector<1x1x256x512xf32> to vector<256x512xf32>
    %dot_general3A_152 = arith.constant dense<0.000000e+00> : vector<128x512xf32>
    %dot_general3A_153 = tpu.matmul %get3A_3, %get3A_151, %dot_general3A_152 {dimension_numbers = #tpu.dot_dimension_numbers<[1], [0], [0], [1], [0, 0, 1, 1], [], []>, transpose_lhs_hint = false} : vector<128x256xf32>, vector<256x512xf32>, vector<128x512xf32> -> vector<128x512xf32>
    %swap3A_154 = arith.constant 0 : index
    %swap3A_155 = arith.constant 6 : index
    %swap3A_156 = arith.constant 0 : index
    %swap3A_157 = arith.constant 0 : index
    %swap3A_158 = vector.load %arg6[%swap3A_154, %swap3A_155, %swap3A_156, %swap3A_157] : memref<1x8x128x512xf32, #tpu.memory_space<vmem>>, vector<1x1x128x512xf32>
    %swap3A_159 = vector.shape_cast %swap3A_158 : vector<1x1x128x512xf32> to vector<128x512xf32>
    %swap3A_160 = vector.shape_cast %dot_general3A_153 : vector<128x512xf32> to vector<1x1x128x512xf32>
    tpu.vector_store %arg6[%swap3A_154, %swap3A_155, %swap3A_156, %swap3A_157], %swap3A_160 {strides = array<i32>} : memref<1x8x128x512xf32, #tpu.memory_space<vmem>>, vector<1x1x128x512xf32>,
    %reduce_sum3A_161 = arith.constant dense<0.000000e+00> : vector<128xf32>
    %reduce_sum3A_162 = vector.multi_reduction <add>, %dot_general3A_153, %reduce_sum3A_161 [1] : vector<128x512xf32> to vector<128xf32>
    %broadcast_in_dim3A_163 = vector.shape_cast %reduce_sum3A_162 : vector<128xf32> to vector<128x1xf32>
    %add3A_164 = arith.addf %add3A_140, %broadcast_in_dim3A_163 : vector<128x1xf32>
    %mul3A_165 = arith.mulf %dot_general3A_153, %dot_general3A_153 : vector<128x512xf32>
    %reduce_sum3A_166 = arith.constant dense<0.000000e+00> : vector<128xf32>
    %reduce_sum3A_167 = vector.multi_reduction <add>, %mul3A_165, %reduce_sum3A_166 [1] : vector<128x512xf32> to vector<128xf32>
    %broadcast_in_dim3A_168 = vector.shape_cast %reduce_sum3A_167 : vector<128xf32> to vector<128x1xf32>
    %add3A_169 = arith.addf %add3A_145, %broadcast_in_dim3A_168 : vector<128x1xf32>
    %get3A_170 = arith.constant 7 : index
    %get3A_171 = arith.constant 0 : index
    %get3A_172 = arith.constant 0 : index
    %get3A_173 = arith.constant 0 : index
    %get3A_174 = vector.load %arg1[%get3A_170, %get3A_171, %get3A_172, %get3A_173] : memref<8x1x256x512xf32, #tpu.memory_space<vmem>>, vector<1x1x256x512xf32>
    %get3A_175 = vector.shape_cast %get3A_174 : vector<1x1x256x512xf32> to vector<256x512xf32>
    %dot_general3A_176 = arith.constant dense<0.000000e+00> : vector<128x512xf32>
    %dot_general3A_177 = tpu.matmul %get3A_3, %get3A_175, %dot_general3A_176 {dimension_numbers = #tpu.dot_dimension_numbers<[1], [0], [0], [1], [0, 0, 1, 1], [], []>, transpose_lhs_hint = false} : vector<128x256xf32>, vector<256x512xf32>, vector<128x512xf32> -> vector<128x512xf32>
    %swap3A_178 = arith.constant 0 : index
    %swap3A_179 = arith.constant 7 : index
    %swap3A_180 = arith.constant 0 : index
    %swap3A_181 = arith.constant 0 : index
    %swap3A_182 = vector.load %arg6[%swap3A_178, %swap3A_179, %swap3A_180, %swap3A_181] : memref<1x8x128x512xf32, #tpu.memory_space<vmem>>, vector<1x1x128x512xf32>
    %swap3A_183 = vector.shape_cast %swap3A_182 : vector<1x1x128x512xf32> to vector<128x512xf32>
    %swap3A_184 = vector.shape_cast %dot_general3A_177 : vector<128x512xf32> to vector<1x1x128x512xf32>
    tpu.vector_store %arg6[%swap3A_178, %swap3A_179, %swap3A_180, %swap3A_181], %swap3A_184 {strides = array<i32>} : memref<1x8x128x512xf32, #tpu.memory_space<vmem>>, vector<1x1x128x512xf32>,
    %reduce_sum3A_185 = arith.constant dense<0.000000e+00> : vector<128xf32>
    %reduce_sum3A_186 = vector.multi_reduction <add>, %dot_general3A_177, %reduce_sum3A_185 [1] : vector<128x512xf32> to vector<128xf32>
    %broadcast_in_dim3A_187 = vector.shape_cast %reduce_sum3A_186 : vector<128xf32> to vector<128x1xf32>
    %add3A_188 = arith.addf %add3A_164, %broadcast_in_dim3A_187 : vector<128x1xf32>
    %mul3A_189 = arith.mulf %dot_general3A_177, %dot_general3A_177 : vector<128x512xf32>
    %reduce_sum3A_190 = arith.constant dense<0.000000e+00> : vector<128xf32>
    %reduce_sum3A_191 = vector.multi_reduction <add>, %mul3A_189, %reduce_sum3A_190 [1] : vector<128x512xf32> to vector<128xf32>
    %broadcast_in_dim3A_192 = vector.shape_cast %reduce_sum3A_191 : vector<128xf32> to vector<128x1xf32>
    %add3A_193 = arith.addf %add3A_169, %broadcast_in_dim3A_192 : vector<128x1xf32>
    %mul3A_194 = arith.constant 2.44140625E-4 : f32
    %mul3A_195 = vector.broadcast %mul3A_194 : f32 to vector<128x1xf32>
    %mul3A_196 = arith.mulf %add3A_188, %mul3A_195 : vector<128x1xf32>
    %mul3A_197 = arith.constant 2.44140625E-4 : f32
    %mul3A_198 = vector.broadcast %mul3A_197 : f32 to vector<128x1xf32>
    %mul3A_199 = arith.mulf %add3A_193, %mul3A_198 : vector<128x1xf32>
    %mul3A_200 = arith.mulf %mul3A_196, %mul3A_196 : vector<128x1xf32>
    %sub3A = arith.subf %mul3A_199, %mul3A_200 : vector<128x1xf32>
    %add3A_201 = arith.constant 9.99999974E-6 : f32
    %add3A_202 = vector.broadcast %add3A_201 : f32 to vector<128x1xf32>
    %add3A_203 = arith.addf %sub3A, %add3A_202 : vector<128x1xf32>
    %rsqrt3A = math.rsqrt %add3A_203 : vector<128x1xf32>
    %get3A_204 = arith.constant 0 : index
    %get3A_205 = arith.constant 0 : index
    %get3A_206 = vector.load %arg4[%get3A_204, %get3A_205] : memref<128x1xf32, #tpu.memory_space<vmem>>, vector<128x1xf32>
    %mul3A_207 = arith.mulf %get3A_206, %rsqrt3A : vector<128x1xf32>
    %get3A_208 = arith.constant 0 : index
    %get3A_209 = arith.constant 0 : index
    %get3A_210 = vector.load %arg5[%get3A_208, %get3A_209] : memref<128x1xf32, #tpu.memory_space<vmem>>, vector<128x1xf32>
    %mul3A_211 = arith.mulf %mul3A_196, %mul3A_207 : vector<128x1xf32>
    %sub3A_212 = arith.subf %get3A_210, %mul3A_211 : vector<128x1xf32>
    %get3A_213 = arith.constant 0 : index
    %get3A_214 = arith.constant 0 : index
    %get3A_215 = vector.load %arg3[%get3A_213, %get3A_214] : memref<128x128xf32, #tpu.memory_space<vmem>>, vector<128x128xf32>
    %get3A_216 = arith.constant 0 : index
    %get3A_217 = arith.constant 0 : index
    %get3A_218 = arith.constant 0 : index
    %get3A_219 = arith.constant 0 : index
    %get3A_220 = vector.load %arg6[%get3A_216, %get3A_217, %get3A_218, %get3A_219] : memref<1x8x128x512xf32, #tpu.memory_space<vmem>>, vector<1x1x128x512xf32>
    %get3A_221 = vector.shape_cast %get3A_220 : vector<1x1x128x512xf32> to vector<128x512xf32>
    %mul3A_222 = vector.broadcast %mul3A_207 : vector<128x1xf32> to vector<128x512xf32>
    %mul3A_223 = arith.mulf %get3A_221, %mul3A_222 : vector<128x512xf32>
    %add3A_224 = vector.broadcast %sub3A_212 : vector<128x1xf32> to vector<128x512xf32>
    %add3A_225 = arith.addf %mul3A_223, %add3A_224 : vector<128x512xf32>
    %max3A = arith.constant 0.000000e+00 : f32
    %max3A_226 = vector.broadcast %max3A : f32 to vector<128x512xf32>
    %max3A_227 = arith.maximumf %add3A_225, %max3A_226 : vector<128x512xf32>
    %dot_general3A_228 = arith.constant dense<0.000000e+00> : vector<128x512xf32>
    %dot_general3A_229 = tpu.matmul %get3A_215, %max3A_227, %dot_general3A_228 {dimension_numbers = #tpu.dot_dimension_numbers<[1], [0], [0], [1], [0, 0, 1, 1], [], []>, transpose_lhs_hint = false} : vector<128x128xf32>, vector<128x512xf32>, vector<128x512xf32> -> vector<128x512xf32>
    %swap3A_230 = arith.constant 0 : index
    %swap3A_231 = arith.constant 0 : index
    %swap3A_232 = arith.constant 0 : index
    %swap3A_233 = arith.constant 0 : index
    %swap3A_234 = vector.load %arg6[%swap3A_230, %swap3A_231, %swap3A_232, %swap3A_233] : memref<1x8x128x512xf32, #tpu.memory_space<vmem>>, vector<1x1x128x512xf32>
    %swap3A_235 = vector.shape_cast %swap3A_234 : vector<1x1x128x512xf32> to vector<128x512xf32>
    %swap3A_236 = vector.shape_cast %dot_general3A_229 : vector<128x512xf32> to vector<1x1x128x512xf32>
    tpu.vector_store %arg6[%swap3A_230, %swap3A_231, %swap3A_232, %swap3A_233], %swap3A_236 {strides = array<i32>} : memref<1x8x128x512xf32, #tpu.memory_space<vmem>>, vector<1x1x128x512xf32>,
    %get3A_237 = arith.constant 0 : index
    %get3A_238 = arith.constant 1 : index
    %get3A_239 = arith.constant 0 : index
    %get3A_240 = arith.constant 0 : index
    %get3A_241 = vector.load %arg6[%get3A_237, %get3A_238, %get3A_239, %get3A_240] : memref<1x8x128x512xf32, #tpu.memory_space<vmem>>, vector<1x1x128x512xf32>
    %get3A_242 = vector.shape_cast %get3A_241 : vector<1x1x128x512xf32> to vector<128x512xf32>
    %mul3A_243 = vector.broadcast %mul3A_207 : vector<128x1xf32> to vector<128x512xf32>
    %mul3A_244 = arith.mulf %get3A_242, %mul3A_243 : vector<128x512xf32>
    %add3A_245 = vector.broadcast %sub3A_212 : vector<128x1xf32> to vector<128x512xf32>
    %add3A_246 = arith.addf %mul3A_244, %add3A_245 : vector<128x512xf32>
    %max3A_247 = arith.constant 0.000000e+00 : f32
    %max3A_248 = vector.broadcast %max3A_247 : f32 to vector<128x512xf32>
    %max3A_249 = arith.maximumf %add3A_246, %max3A_248 : vector<128x512xf32>
    %dot_general3A_250 = arith.constant dense<0.000000e+00> : vector<128x512xf32>
    %dot_general3A_251 = tpu.matmul %get3A_215, %max3A_249, %dot_general3A_250 {dimension_numbers = #tpu.dot_dimension_numbers<[1], [0], [0], [1], [0, 0, 1, 1], [], []>, transpose_lhs_hint = false} : vector<128x128xf32>, vector<128x512xf32>, vector<128x512xf32> -> vector<128x512xf32>
    %swap3A_252 = arith.constant 0 : index
    %swap3A_253 = arith.constant 1 : index
    %swap3A_254 = arith.constant 0 : index
    %swap3A_255 = arith.constant 0 : index
    %swap3A_256 = vector.load %arg6[%swap3A_252, %swap3A_253, %swap3A_254, %swap3A_255] : memref<1x8x128x512xf32, #tpu.memory_space<vmem>>, vector<1x1x128x512xf32>
    %swap3A_257 = vector.shape_cast %swap3A_256 : vector<1x1x128x512xf32> to vector<128x512xf32>
    %swap3A_258 = vector.shape_cast %dot_general3A_251 : vector<128x512xf32> to vector<1x1x128x512xf32>
    tpu.vector_store %arg6[%swap3A_252, %swap3A_253, %swap3A_254, %swap3A_255], %swap3A_258 {strides = array<i32>} : memref<1x8x128x512xf32, #tpu.memory_space<vmem>>, vector<1x1x128x512xf32>,
    %get3A_259 = arith.constant 0 : index
    %get3A_260 = arith.constant 2 : index
    %get3A_261 = arith.constant 0 : index
    %get3A_262 = arith.constant 0 : index
    %get3A_263 = vector.load %arg6[%get3A_259, %get3A_260, %get3A_261, %get3A_262] : memref<1x8x128x512xf32, #tpu.memory_space<vmem>>, vector<1x1x128x512xf32>
    %get3A_264 = vector.shape_cast %get3A_263 : vector<1x1x128x512xf32> to vector<128x512xf32>
    %mul3A_265 = vector.broadcast %mul3A_207 : vector<128x1xf32> to vector<128x512xf32>
    %mul3A_266 = arith.mulf %get3A_264, %mul3A_265 : vector<128x512xf32>
    %add3A_267 = vector.broadcast %sub3A_212 : vector<128x1xf32> to vector<128x512xf32>
    %add3A_268 = arith.addf %mul3A_266, %add3A_267 : vector<128x512xf32>
    %max3A_269 = arith.constant 0.000000e+00 : f32
    %max3A_270 = vector.broadcast %max3A_269 : f32 to vector<128x512xf32>
    %max3A_271 = arith.maximumf %add3A_268, %max3A_270 : vector<128x512xf32>
    %dot_general3A_272 = arith.constant dense<0.000000e+00> : vector<128x512xf32>
    %dot_general3A_273 = tpu.matmul %get3A_215, %max3A_271, %dot_general3A_272 {dimension_numbers = #tpu.dot_dimension_numbers<[1], [0], [0], [1], [0, 0, 1, 1], [], []>, transpose_lhs_hint = false} : vector<128x128xf32>, vector<128x512xf32>, vector<128x512xf32> -> vector<128x512xf32>
    %swap3A_274 = arith.constant 0 : index
    %swap3A_275 = arith.constant 2 : index
    %swap3A_276 = arith.constant 0 : index
    %swap3A_277 = arith.constant 0 : index
    %swap3A_278 = vector.load %arg6[%swap3A_274, %swap3A_275, %swap3A_276, %swap3A_277] : memref<1x8x128x512xf32, #tpu.memory_space<vmem>>, vector<1x1x128x512xf32>
    %swap3A_279 = vector.shape_cast %swap3A_278 : vector<1x1x128x512xf32> to vector<128x512xf32>
    %swap3A_280 = vector.shape_cast %dot_general3A_273 : vector<128x512xf32> to vector<1x1x128x512xf32>
    tpu.vector_store %arg6[%swap3A_274, %swap3A_275, %swap3A_276, %swap3A_277], %swap3A_280 {strides = array<i32>} : memref<1x8x128x512xf32, #tpu.memory_space<vmem>>, vector<1x1x128x512xf32>,
    %get3A_281 = arith.constant 0 : index
    %get3A_282 = arith.constant 3 : index
    %get3A_283 = arith.constant 0 : index
    %get3A_284 = arith.constant 0 : index
    %get3A_285 = vector.load %arg6[%get3A_281, %get3A_282, %get3A_283, %get3A_284] : memref<1x8x128x512xf32, #tpu.memory_space<vmem>>, vector<1x1x128x512xf32>
    %get3A_286 = vector.shape_cast %get3A_285 : vector<1x1x128x512xf32> to vector<128x512xf32>
    %mul3A_287 = vector.broadcast %mul3A_207 : vector<128x1xf32> to vector<128x512xf32>
    %mul3A_288 = arith.mulf %get3A_286, %mul3A_287 : vector<128x512xf32>
    %add3A_289 = vector.broadcast %sub3A_212 : vector<128x1xf32> to vector<128x512xf32>
    %add3A_290 = arith.addf %mul3A_288, %add3A_289 : vector<128x512xf32>
    %max3A_291 = arith.constant 0.000000e+00 : f32
    %max3A_292 = vector.broadcast %max3A_291 : f32 to vector<128x512xf32>
    %max3A_293 = arith.maximumf %add3A_290, %max3A_292 : vector<128x512xf32>
    %dot_general3A_294 = arith.constant dense<0.000000e+00> : vector<128x512xf32>
    %dot_general3A_295 = tpu.matmul %get3A_215, %max3A_293, %dot_general3A_294 {dimension_numbers = #tpu.dot_dimension_numbers<[1], [0], [0], [1], [0, 0, 1, 1], [], []>, transpose_lhs_hint = false} : vector<128x128xf32>, vector<128x512xf32>, vector<128x512xf32> -> vector<128x512xf32>
    %swap3A_296 = arith.constant 0 : index
    %swap3A_297 = arith.constant 3 : index
    %swap3A_298 = arith.constant 0 : index
    %swap3A_299 = arith.constant 0 : index
    %swap3A_300 = vector.load %arg6[%swap3A_296, %swap3A_297, %swap3A_298, %swap3A_299] : memref<1x8x128x512xf32, #tpu.memory_space<vmem>>, vector<1x1x128x512xf32>
    %swap3A_301 = vector.shape_cast %swap3A_300 : vector<1x1x128x512xf32> to vector<128x512xf32>
    %swap3A_302 = vector.shape_cast %dot_general3A_295 : vector<128x512xf32> to vector<1x1x128x512xf32>
    tpu.vector_store %arg6[%swap3A_296, %swap3A_297, %swap3A_298, %swap3A_299], %swap3A_302 {strides = array<i32>} : memref<1x8x128x512xf32, #tpu.memory_space<vmem>>, vector<1x1x128x512xf32>,
    %get3A_303 = arith.constant 0 : index
    %get3A_304 = arith.constant 4 : index
    %get3A_305 = arith.constant 0 : index
    %get3A_306 = arith.constant 0 : index
    %get3A_307 = vector.load %arg6[%get3A_303, %get3A_304, %get3A_305, %get3A_306] : memref<1x8x128x512xf32, #tpu.memory_space<vmem>>, vector<1x1x128x512xf32>
    %get3A_308 = vector.shape_cast %get3A_307 : vector<1x1x128x512xf32> to vector<128x512xf32>
    %mul3A_309 = vector.broadcast %mul3A_207 : vector<128x1xf32> to vector<128x512xf32>
    %mul3A_310 = arith.mulf %get3A_308, %mul3A_309 : vector<128x512xf32>
    %add3A_311 = vector.broadcast %sub3A_212 : vector<128x1xf32> to vector<128x512xf32>
    %add3A_312 = arith.addf %mul3A_310, %add3A_311 : vector<128x512xf32>
    %max3A_313 = arith.constant 0.000000e+00 : f32
    %max3A_314 = vector.broadcast %max3A_313 : f32 to vector<128x512xf32>
    %max3A_315 = arith.maximumf %add3A_312, %max3A_314 : vector<128x512xf32>
    %dot_general3A_316 = arith.constant dense<0.000000e+00> : vector<128x512xf32>
    %dot_general3A_317 = tpu.matmul %get3A_215, %max3A_315, %dot_general3A_316 {dimension_numbers = #tpu.dot_dimension_numbers<[1], [0], [0], [1], [0, 0, 1, 1], [], []>, transpose_lhs_hint = false} : vector<128x128xf32>, vector<128x512xf32>, vector<128x512xf32> -> vector<128x512xf32>
    %swap3A_318 = arith.constant 0 : index
    %swap3A_319 = arith.constant 4 : index
    %swap3A_320 = arith.constant 0 : index
    %swap3A_321 = arith.constant 0 : index
    %swap3A_322 = vector.load %arg6[%swap3A_318, %swap3A_319, %swap3A_320, %swap3A_321] : memref<1x8x128x512xf32, #tpu.memory_space<vmem>>, vector<1x1x128x512xf32>
    %swap3A_323 = vector.shape_cast %swap3A_322 : vector<1x1x128x512xf32> to vector<128x512xf32>
    %swap3A_324 = vector.shape_cast %dot_general3A_317 : vector<128x512xf32> to vector<1x1x128x512xf32>
    tpu.vector_store %arg6[%swap3A_318, %swap3A_319, %swap3A_320, %swap3A_321], %swap3A_324 {strides = array<i32>} : memref<1x8x128x512xf32, #tpu.memory_space<vmem>>, vector<1x1x128x512xf32>,
    %get3A_325 = arith.constant 0 : index
    %get3A_326 = arith.constant 5 : index
    %get3A_327 = arith.constant 0 : index
    %get3A_328 = arith.constant 0 : index
    %get3A_329 = vector.load %arg6[%get3A_325, %get3A_326, %get3A_327, %get3A_328] : memref<1x8x128x512xf32, #tpu.memory_space<vmem>>, vector<1x1x128x512xf32>
    %get3A_330 = vector.shape_cast %get3A_329 : vector<1x1x128x512xf32> to vector<128x512xf32>
    %mul3A_331 = vector.broadcast %mul3A_207 : vector<128x1xf32> to vector<128x512xf32>
    %mul3A_332 = arith.mulf %get3A_330, %mul3A_331 : vector<128x512xf32>
    %add3A_333 = vector.broadcast %sub3A_212 : vector<128x1xf32> to vector<128x512xf32>
    %add3A_334 = arith.addf %mul3A_332, %add3A_333 : vector<128x512xf32>
    %max3A_335 = arith.constant 0.000000e+00 : f32
    %max3A_336 = vector.broadcast %max3A_335 : f32 to vector<128x512xf32>
    %max3A_337 = arith.maximumf %add3A_334, %max3A_336 : vector<128x512xf32>
    %dot_general3A_338 = arith.constant dense<0.000000e+00> : vector<128x512xf32>
    %dot_general3A_339 = tpu.matmul %get3A_215, %max3A_337, %dot_general3A_338 {dimension_numbers = #tpu.dot_dimension_numbers<[1], [0], [0], [1], [0, 0, 1, 1], [], []>, transpose_lhs_hint = false} : vector<128x128xf32>, vector<128x512xf32>, vector<128x512xf32> -> vector<128x512xf32>
    %swap3A_340 = arith.constant 0 : index
    %swap3A_341 = arith.constant 5 : index
    %swap3A_342 = arith.constant 0 : index
    %swap3A_343 = arith.constant 0 : index
    %swap3A_344 = vector.load %arg6[%swap3A_340, %swap3A_341, %swap3A_342, %swap3A_343] : memref<1x8x128x512xf32, #tpu.memory_space<vmem>>, vector<1x1x128x512xf32>
    %swap3A_345 = vector.shape_cast %swap3A_344 : vector<1x1x128x512xf32> to vector<128x512xf32>
    %swap3A_346 = vector.shape_cast %dot_general3A_339 : vector<128x512xf32> to vector<1x1x128x512xf32>
    tpu.vector_store %arg6[%swap3A_340, %swap3A_341, %swap3A_342, %swap3A_343], %swap3A_346 {strides = array<i32>} : memref<1x8x128x512xf32, #tpu.memory_space<vmem>>, vector<1x1x128x512xf32>,
    %get3A_347 = arith.constant 0 : index
    %get3A_348 = arith.constant 6 : index
    %get3A_349 = arith.constant 0 : index
    %get3A_350 = arith.constant 0 : index
    %get3A_351 = vector.load %arg6[%get3A_347, %get3A_348, %get3A_349, %get3A_350] : memref<1x8x128x512xf32, #tpu.memory_space<vmem>>, vector<1x1x128x512xf32>
    %get3A_352 = vector.shape_cast %get3A_351 : vector<1x1x128x512xf32> to vector<128x512xf32>
    %mul3A_353 = vector.broadcast %mul3A_207 : vector<128x1xf32> to vector<128x512xf32>
    %mul3A_354 = arith.mulf %get3A_352, %mul3A_353 : vector<128x512xf32>
    %add3A_355 = vector.broadcast %sub3A_212 : vector<128x1xf32> to vector<128x512xf32>
    %add3A_356 = arith.addf %mul3A_354, %add3A_355 : vector<128x512xf32>
    %max3A_357 = arith.constant 0.000000e+00 : f32
    %max3A_358 = vector.broadcast %max3A_357 : f32 to vector<128x512xf32>
    %max3A_359 = arith.maximumf %add3A_356, %max3A_358 : vector<128x512xf32>
    %dot_general3A_360 = arith.constant dense<0.000000e+00> : vector<128x512xf32>
    %dot_general3A_361 = tpu.matmul %get3A_215, %max3A_359, %dot_general3A_360 {dimension_numbers = #tpu.dot_dimension_numbers<[1], [0], [0], [1], [0, 0, 1, 1], [], []>, transpose_lhs_hint = false} : vector<128x128xf32>, vector<128x512xf32>, vector<128x512xf32> -> vector<128x512xf32>
    %swap3A_362 = arith.constant 0 : index
    %swap3A_363 = arith.constant 6 : index
    %swap3A_364 = arith.constant 0 : index
    %swap3A_365 = arith.constant 0 : index
    %swap3A_366 = vector.load %arg6[%swap3A_362, %swap3A_363, %swap3A_364, %swap3A_365] : memref<1x8x128x512xf32, #tpu.memory_space<vmem>>, vector<1x1x128x512xf32>
    %swap3A_367 = vector.shape_cast %swap3A_366 : vector<1x1x128x512xf32> to vector<128x512xf32>
    %swap3A_368 = vector.shape_cast %dot_general3A_361 : vector<128x512xf32> to vector<1x1x128x512xf32>
    tpu.vector_store %arg6[%swap3A_362, %swap3A_363, %swap3A_364, %swap3A_365], %swap3A_368 {strides = array<i32>} : memref<1x8x128x512xf32, #tpu.memory_space<vmem>>, vector<1x1x128x512xf32>,
    %get3A_369 = arith.constant 0 : index
    %get3A_370 = arith.constant 7 : index
    %get3A_371 = arith.constant 0 : index
    %get3A_372 = arith.constant 0 : index
    %get3A_373 = vector.load %arg6[%get3A_369, %get3A_370, %get3A_371, %get3A_372] : memref<1x8x128x512xf32, #tpu.memory_space<vmem>>, vector<1x1x128x512xf32>
    %get3A_374 = vector.shape_cast %get3A_373 : vector<1x1x128x512xf32> to vector<128x512xf32>
    %mul3A_375 = vector.broadcast %mul3A_207 : vector<128x1xf32> to vector<128x512xf32>
    %mul3A_376 = arith.mulf %get3A_374, %mul3A_375 : vector<128x512xf32>
    %add3A_377 = vector.broadcast %sub3A_212 : vector<128x1xf32> to vector<128x512xf32>
    %add3A_378 = arith.addf %mul3A_376, %add3A_377 : vector<128x512xf32>
    %max3A_379 = arith.constant 0.000000e+00 : f32
    %max3A_380 = vector.broadcast %max3A_379 : f32 to vector<128x512xf32>
    %max3A_381 = arith.maximumf %add3A_378, %max3A_380 : vector<128x512xf32>
    %dot_general3A_382 = arith.constant dense<0.000000e+00> : vector<128x512xf32>
    %dot_general3A_383 = tpu.matmul %get3A_215, %max3A_381, %dot_general3A_382 {dimension_numbers = #tpu.dot_dimension_numbers<[1], [0], [0], [1], [0, 0, 1, 1], [], []>, transpose_lhs_hint = false} : vector<128x128xf32>, vector<128x512xf32>, vector<128x512xf32> -> vector<128x512xf32>
    %swap3A_384 = arith.constant 0 : index
    %swap3A_385 = arith.constant 7 : index
    %swap3A_386 = arith.constant 0 : index
    %swap3A_387 = arith.constant 0 : index
    %swap3A_388 = vector.load %arg6[%swap3A_384, %swap3A_385, %swap3A_386, %swap3A_387] : memref<1x8x128x512xf32, #tpu.memory_space<vmem>>, vector<1x1x128x512xf32>
    %swap3A_389 = vector.shape_cast %swap3A_388 : vector<1x1x128x512xf32> to vector<128x512xf32>
    %swap3A_390 = vector.shape_cast %dot_general3A_383 : vector<128x512xf32> to vector<1x1x128x512xf32>
    tpu.vector_store %arg6[%swap3A_384, %swap3A_385, %swap3A_386, %swap3A_387], %swap3A_390 {strides = array<i32>} : memref<1x8x128x512xf32, #tpu.memory_space<vmem>>, vector<1x1x128x512xf32>,
    return
  }
  func.func @transform_0(%arg0: i32) -> (i32, i32, i32, i32) {
    %jit3A = arith.constant 2 : i32
    %div3A = arith.divsi %arg0, %jit3A : i32
    %sign3A = arith.constant 0 : i32
    %sign3A_0 = arith.cmpi sgt, %arg0, %sign3A : i32
    %sign3A_1 = arith.extui %sign3A_0 : i1 to i32
    %sign3A_2 = arith.constant 0 : i32
    %sign3A_3 = arith.cmpi slt, %arg0, %sign3A_2 : i32
    %sign3A_4 = arith.extui %sign3A_3 : i1 to i32
    %sign3A_5 = arith.subi %sign3A_1, %sign3A_4 : i32
    %sign3A_6 = arith.constant 0 : i32
    %sign3A_7 = arith.cmpi sgt, %jit3A, %sign3A_6 : i32
    %sign3A_8 = arith.extui %sign3A_7 : i1 to i32
    %sign3A_9 = arith.constant 0 : i32
    %sign3A_10 = arith.cmpi slt, %jit3A, %sign3A_9 : i32
    %sign3A_11 = arith.extui %sign3A_10 : i1 to i32
    %sign3A_12 = arith.subi %sign3A_8, %sign3A_11 : i32
    %ne3A = arith.cmpi ne, %sign3A_5, %sign3A_12 : i32
    %rem3A = arith.remsi %arg0, %jit3A : i32
    %ne3A_13 = arith.constant 0 : i32
    %ne3A_14 = arith.cmpi ne, %rem3A, %ne3A_13 : i32
    %and3A = arith.andi %ne3A, %ne3A_14 : i1
    %sub3A = arith.constant 1 : i32
    %sub3A_15 = arith.subi %div3A, %sub3A : i32
    %select_n3A = arith.select %and3A, %sub3A_15, %div3A : i32
    %c0_i32 = arith.constant 0 : i32
    %c0_i32_16 = arith.constant 0 : i32
    %c0_i32_17 = arith.constant 0 : i32
    %c0_i32_18 = arith.constant 0 : i32
    return %c0_i32, %select_n3A, %c0_i32_16, %c0_i32_17 : i32, i32, i32, i32
  }
  func.func @transform_1(%arg0: i32) -> (i32, i32, i32) {
    %jit3A = arith.constant 2 : i32
    %eq3A = arith.constant 0 : i32
    %eq3A_0 = arith.cmpi eq, %jit3A, %eq3A : i32
    %jit3A_1 = arith.constant 1 : i32
    %select_n3A = arith.select %eq3A_0, %jit3A_1, %jit3A : i32
    %rem3A = arith.remsi %arg0, %select_n3A : i32
    %ne3A = arith.constant 0 : i32
    %ne3A_2 = arith.cmpi ne, %rem3A, %ne3A : i32
    %lt3A = arith.constant 0 : i32
    %lt3A_3 = arith.cmpi slt, %rem3A, %lt3A : i32
    %lt3A_4 = arith.constant 0 : i32
    %lt3A_5 = arith.cmpi slt, %select_n3A, %lt3A_4 : i32
    %ne3A_6 = arith.xori %lt3A_3, %lt3A_5 : i1
    %and3A = arith.andi %ne3A_6, %ne3A_2 : i1
    %add3A = arith.addi %rem3A, %select_n3A : i32
    %select_n3A_7 = arith.select %and3A, %add3A, %rem3A : i32
    %c0_i32 = arith.constant 0 : i32
    %c0_i32_8 = arith.constant 0 : i32
    %c0_i32_9 = arith.constant 0 : i32
    return %select_n3A_7, %c0_i32, %c0_i32_8 : i32, i32, i32
  }
  func.func @transform_2(%arg0: i32) -> (i32, i32) {
    %c0_i32 = arith.constant 0 : i32
    %c0_i32_0 = arith.constant 0 : i32
    %c0_i32_1 = arith.constant 0 : i32
    return %c0_i32, %c0_i32_0 : i32, i32
  }
  func.func @transform_3(%arg0: i32) -> (i32, i32) {
    %c0_i32 = arith.constant 0 : i32
    %c0_i32_0 = arith.constant 0 : i32
    %c0_i32_1 = arith.constant 0 : i32
    return %c0_i32, %c0_i32_0 : i32, i32
  }
  func.func @transform_4(%arg0: i32) -> (i32, i32) {
    %c0_i32 = arith.constant 0 : i32
    %c0_i32_0 = arith.constant 0 : i32
    %c0_i32_1 = arith.constant 0 : i32
    return %c0_i32, %c0_i32_0 : i32, i32
  }
  func.func @transform_5(%arg0: i32) -> (i32, i32, i32, i32) {
    %c0_i32 = arith.constant 0 : i32
    %c0_i32_0 = arith.constant 0 : i32
    %c0_i32_1 = arith.constant 0 : i32
    %c0_i32_2 = arith.constant 0 : i32
    return %arg0, %c0_i32, %c0_i32_0, %c0_i32_1 : i32, i32, i32, i32
  }
}

</mosaic_0001>

<sc_bundles>
// kernel: kernel.5.cloned.1.call-start
scs
__scs_entry_jumppad:
0x0: {  	(pc) =	sbr.rel $0x88, $3  }
0x1: {  	(tag) =	ssettag $0x0;
	lr =	simm.s32 $0x1  }
0x2: {  	[smem:$0x3F99] =	sst lr;
	_ =	strace $0xD0000000  }
0x3: {  	_ = 	snop  }
0x4: {  	_ = 	snop  }
0x5: {  	_ = 	snop  }
0x6: {  	_ = 	snop  }
0x7: {  	_ = 	snop  }
__scs_overlays_trampoline_lowered:
0x8: {  	[smem:$0x3FA8] =	sst s0  }
0x9: {  	[smem:$0x3FA9] =	sst s1  }
0xa: {  	[smem:$0x3FAA] =	sst s2  }
0xb: {  	[smem:$0x3FAB] =	sst s3  }
0xc: {  	[smem:$0x3FAC] =	sst s4  }
0xd: {  	[smem:$0x3FAD] =	sst s5  }
0xe: {  	[smem:$0x3FAE] =	sst s6  }
0xf: {  	[smem:$0x3FAF] =	sst s7  }
0x10: {  	[smem:$0x3FB0] =	sst s8  }
0x11: {  	[smem:$0x3FB1] =	sst s9;
	s0 =	simm.s32 @!p0 $0x0  }
0x12: {  	s1 =	sld [smem:$0x3F97];
	s0 =	simm.s32 @p0 $0x1  }
0x13: {  	[smem:$0x3FB2] =	sst s0;
	s0 =	simm.s32 @!p1 $0x0  }
0x14: {  	s2 =	sld [smem:$0x3F96];
	s0 =	simm.s32 @p1 $0x1  }
0x15: {  	[smem:$0x3FB3] =	sst s0;
	s0 =	simm.s32 @!p2 $0x0  }
0x16: {  	s3 =	sld [smem:$0x3FDB];
	s0 =	simm.s32 @p2 $0x1  }
0x17: {  	s4 =	simm.s32 $0x1BF5;
	[smem:$0x3FB5] =	sst s0  }
0x18: {  	s0 =	sld [smem:$0x3F98];
	_ =	swait.ge [sflag:s4], $0x0  }
0x19: {  	s7 =	sld [smem:$0x3F99]  }
0x1a: {  	s8 =	sadd.s32 $0xFFFFE003, lr  }
0x1b: {  	s9 =	sadd.s32 $0xFFFFFEF7, lr;
	s5 =	simm.s32 $0xFFFFFFFF;
	p2 =	slt.u32 s8, $0xFFFFF086  }
0x1c: {  	p1 =	slt.u32 s9, $0xF7A;
	s5 =	simm.s32 @!p2 $0x0  }
0x1d: {  	s5 =	simm.s32 @p1 $0x1;
	p0 =	seq.s32 s7, s2  }
0x1e: {  	s7 =	smul.u32 @!p0 $0xF7A, s2;
	p2 =	seq.s32 @!p0 s5, $0x0  }
0x1f: {  	s9 =	smul.u32 $0xF7A, s1;
	s8 =	simm.s32 @!p0 $0x1BF5;
	p2 =	por !p2, p0  }
0x20: {  	[sflag:s8] =	ssyncset.s32 @!p0 $0xFFFFF086;
	s6 =	sadd.s32 @!p0 s3, s7;
	s7 =	simm.s32 @!p0 $0x108  }
0x21: {  	s3 =	sadd.s32 s3, s9;
	s6 =	sadd.s32 @!p0 $0x88, s6;
	s7 =	simm.s32 @p2 $0x1082  }
0x22: {  	[simem:s7], [sflag:s8] =	dma.local @!p0 [hbm:s6], $0xF7A  }
0x23: {  	s9 =	sor.u32 $0xD0000000, s2;
	s6 =	simm.s32 $0x108;
	_ =	swait.ge @!p0 [sflag:s8], $0x0  }
0x24: {  	s3 =	sadd.s32 $0x88, s3;
	s6 =	simm.s32 @!p1 $0x1082;
	[sflag:s4] =	ssyncset.s32 $0xFFFFF086  }
0x25: {  	[simem:s6], [sflag:s4] =	dma.local [hbm:s3], $0xF7A  }
0x26: {  	[smem:$0x3F99] =	sst s1;
	(tag) =	ssettag s2;
	_ =	strace s9  }
0x27: {  	s1 =	sld [smem:$0x3FA9]  }
0x28: {  	s2 =	sld [smem:$0x3FAA]  }
0x29: {  	s4 =	sld [smem:$0x3FAC]  }
0x2a: {  	p0 =	seq.s32 s5, $0x0;
	s5 =	sld [smem:$0x3FAD]  }
0x2b: {  	s6 =	sld [smem:$0x3FAE]  }
0x2c: {  	s7 =	sld [smem:$0x3FAF]  }
0x2d: {  	s3 =	simm.s32 $0x108;
	s8 =	sld [smem:$0x3FB0]  }
0x2e: {  	s3 =	simm.s32 @!p0 $0x1082;
	s9 =	sld [smem:$0x3FB1]  }
0x2f: {  	lr =	sadd.s32 s0, s3;
	s0 =	sld [smem:$0x3FA8]  }
0x30: {  	s3 =	sld [smem:$0x3FAB]  }
0x31: {  	[smem:$0x3FB4] =	sst s10  }
0x32: {  	s10 =	sld [smem:$0x3FB2];
	_ =	sdelay $0x3  }
0x33: {  	p0 =	seq.s32 s10, $0x1;
	s10 =	sld [smem:$0x3FB4];
	_ =	sdelay $0x3  }
0x34: {  	[smem:$0x3FB4] =	sst s10  }
0x35: {  	s10 =	sld [smem:$0x3FB3];
	_ =	sdelay $0x3  }
0x36: {  	p1 =	seq.s32 s10, $0x1;
	s10 =	sld [smem:$0x3FB4];
	_ =	sdelay $0x3  }
0x37: {  	[smem:$0x3FB4] =	sst s10  }
0x38: {  	s10 =	sld [smem:$0x3FB5]  }
0x39: {  	_ = 	snop;
	(pc) =	sbr.ind lr, $3  }
0x3a: {  	_ = 	snop  }
0x3b: {  	_ = 	snop  }
0x3c: {  	p2 =	seq.s32 s10, $0x1;
	s10 =	sld [smem:$0x3FB4]  }
0x3d: {  	_ =	shalt  }
0x3e: {  	_ =	shalt  }
0x3f: {  	_ =	shalt  }
0x40: {  	_ =	shalt  }
0x41: {  	_ =	shalt  }
0x42: {  	_ =	shalt  }
0x43: {  	_ =	shalt  }
0x44: {  	_ =	shalt  }
0x45: {  	_ =	shalt  }
0x46: {  	_ =	shalt  }
0x47: {  	_ =	shalt  }
0x48: {  	_ =	shalt  }
0x49: {  	_ =	shalt  }
0x4a: {  	_ =	shalt  }
0x4b: {  	_ =	shalt  }
0x4c: {  	_ =	shalt  }
0x4d: {  	_ =	shalt  }
0x4e: {  	_ =	shalt  }
0x4f: {  	_ =	shalt  }
0x50: {  	_ =	shalt  }
0x51: {  	_ =	shalt  }
0x52: {  	_ =	shalt  }
0x53: {  	_ =	shalt  }
0x54: {  	_ =	shalt  }
0x55: {  	_ =	shalt  }
0x56: {  	_ =	shalt  }
0x57: {  	_ =	shalt  }
0x58: {  	_ =	shalt  }
0x59: {  	_ =	shalt  }
0x5a: {  	_ =	shalt  }
0x5b: {  	_ =	shalt  }
0x5c: {  	_ =	shalt  }
0x5d: {  	_ =	shalt  }
0x5e: {  	_ =	shalt  }
0x5f: {  	_ =	shalt  }
0x60: {  	_ =	shalt  }
0x61: {  	_ =	shalt  }
0x62: {  	_ =	shalt  }
0x63: {  	_ =	shalt  }
0x64: {  	_ =	shalt  }
0x65: {  	_ =	shalt  }
0x66: {  	_ =	shalt  }
0x67: {  	_ =	shalt  }
0x68: {  	_ =	shalt  }
0x69: {  	_ =	shalt  }
0x6a: {  	_ =	shalt  }
0x6b: {  	_ =	shalt  }
0x6c: {  	_ =	shalt  }
0x6d: {  	_ =	shalt  }
0x6e: {  	_ =	shalt  }
0x6f: {  	_ =	shalt  }
0x70: {  	_ =	shalt  }
0x71: {  	_ =	shalt  }
0x72: {  	_ =	shalt  }
0x73: {  	_ =	shalt  }
0x74: {  	_ =	shalt  }
0x75: {  	_ =	shalt  }
0x76: {  	_ =	shalt  }
0x77: {  	_ =	shalt  }
0x78: {  	_ =	shalt  }
0x79: {  	_ =	shalt  }
0x7a: {  	_ =	shalt  }
0x7b: {  	_ =	shalt  }
0x7c: {  	_ =	shalt  }
0x7d: {  	_ =	shalt  }
0x7e: {  	_ =	shalt  }
0x7f: {  	_ =	shalt  }
0x80: {  	_ =	shalt  }
0x81: {  	_ =	shalt  }
0x82: {  	_ =	shalt  }
0x83: {  	_ =	shalt  }
0x84: {  	_ =	shalt  }
0x85: {  	_ =	shalt  }
0x86: {  	_ =	shalt  }
0x87: {  	_ =	shalt  }
.Lfunc_end0:
.L_simem_size_0:
called_computation_lowered:
.L_overlay_start_0:
0x88: {  	s2 =	sld [smem:$0x3FD9]  }
0x89: {  	s3 =	sld [smem:$0x3FFE];
	_ =	sdelay $0x1  }
0x8a: {  	s1 =	srdreg.scid  }
0x8b: {  	s0 =	sand.u32 $0x1, s1  }
0x8c: {  	s14 =	sshll.u32 s0, $0xA;
	s2 =	sadd.s32 s3, s2  }
0x8d: {  	s2 =	sadd.s32 s2, s14  }
0x8e: {  	[smem:$0x3FC0] =	sst s2  }
0x8f: {  	_ = 	snop  }
0x90: {  	s2 =	sld [smem:$0x3FD0];
	_ =	sdelay $0x2  }
0x91: {  	s15 =	simm.s32 $0xA;
	s4 =	simm.s32 $0x10  }
0x92: {  	[smem:s4], [sflag:s15] =	dma.local [hbm:s2], $0x1  }
0x93: {  	_ =	swait.eq [sflag:s15], $0x1  }
0x94: {  	[sflag:s15] =	ssyncset.done $0x0  }
0x95: {  	[sflag:s15] =	ssyncadd.s32 $0xFFFFFFFF  }
0x96: {  	s16 =	sld [smem:$0x11];
	(tm) =	ssettm $0x1  }
0x97: {  	s17 =	sld [smem:$0x3FFB];
	_ =	sdelay $0x3  }
0x98: {  	_ =	strace s17  }
0x99: {  	s3 =	sld [smem:$0x3FFC];
	_ =	sdelay $0x3  }
0x9a: {  	_ =	strace s3  }
0x9b: {  	s3 =	sld [smem:$0x3FFD];
	_ =	sdelay $0x3  }
0x9c: {  	_ =	strace s3  }
0x9d: {  	_ =	strace $0x8FFFFFFF  }
0x9e: {  	s18 =	sld [smem:$0x3FDB];
	_ =	sdelay $0x1  }
0x9f: {  	s19 =	simm.s32 $_scs_section_size  }
0xa0: {  	s5 =	simm.s32 $_size__tile_overlayer_lowered;
	s6 =	simm.s32 $_tile_overlayer_lowered  }
0xa1: {  	s22 =	simm.s32 $0x1BFF;
	s21 =	sshll.u32 s6, $0x1;
	s3 =	sadd.s32 s19, s18  }
0xa2: {  	s7 =	simm.s32 $0x0;
	s20 =	sshll.u32 s5, $0x1;
	s5 =	sadd.s32 s21, s3  }
0xa3: {  	[timem:s7], [sflag:s22] =	dma.local [hbm:s5], s20  }
0xa4: {  	_ =	swait.ge [sflag:s22], s20  }
0xa5: {  	s4 =	ssub.s32 $0x0, s20;
	[sflag:s22] =	ssyncset.done $0x0  }
0xa6: {  	[sflag:s22] =	ssyncadd.s32 s4;
	_ =	sdelay $0x1  }
0xa7: {  	s23 =	simm.s32 $0x1B8B  }
0xa8: {  	_ =	swait.ge [sflag:s23], $0x1  }
0xa9: {  	[sflag:s23] =	ssyncset.done $0x0  }
0xaa: {  	s25 =	simm.s32 $0x1B8E;
	s24 =	sld [smem:$0x3FFE];
	[sflag:s23] =	ssyncadd.s32 $0xFFFFFFFF  }
0xab: {  	s26 =	simm.s32 $execute0_lowered;
	[smem:$0x3FD2] =	sst s25  }
0xac: {  	s5 =	sshll.u32 s26, $0x1;
	_ =	strace $0x80000046;
	[dreg:$0x1] =	wrdreg $0xFFFFFFFF  }
0xad: {  	s28 =	simm.s32 $_size_execute0_lowered;
	s3 =	sadd.s32 s3, s5;
	[dreg:$0x0] =	wrdreg $0x0  }
0xae: {  	s5 =	sshll.u32 s28, $0x1;
	[dreg:$0x2] =	wrdreg s3  }
0xaf: {  	[dreg:$0x3] =	wrdreg s5  }
0xb0: {  	[dreg:$0x4] =	wrdreg $0xC0  }
0xb1: {  	_ =	task [dreg:s7], $0x5FFFF  }
0xb2: {  	[dreg:$0x1] =	wrdreg $0xFFFFFFFF  }
0xb3: {  	[dreg:$0x0] =	wrdreg $0x60  }
0xb4: {  	[dreg:$0x2] =	wrdreg s24  }
0xb5: {  	[dreg:$0x3] =	wrdreg s16  }
0xb6: {  	[dreg:$0x4] =	wrdreg $0x9  }
0xb7: {  	_ =	task.clear_ibuf [dreg:s7], $0x5FFFF;
	_ =	strace $0x90000046  }
0xb8: {  	s29 =	simm.s32 $0x9;
	_ =	strace $0x80000048  }
0xb9: {  	_ =	swait.ge [sflag:s29], $0x1  }
0xba: {  	[sflag:s29] =	ssyncadd.s32 $0xFFFFFFFF  }
0xbb: {  	_ =	strace $0x90000048  }
0xbc: {  	_ =	sfence  }
0xbd: {  	s30 =	sld [smem:$0x0];
	_ =	sdelay $0x2  }
0xbe: {  	s31 =	sshll.u32 s1, $0xD;
	s1 =	sshrl.u32 s1, $0x2  }
0xbf: {  	s3 =	sand.u32 $0x4000, s31;
	s1 =	sadd.s32 s1, s30  }
0xc0: {  	s0 =	sor.u32 s3, s0;
	s1 =	sshll.u32 s1, $0x11  }
0xc1: {  	s0 =	sor.u32 s1, s0  }
0xc2: {  	s0 =	sadd.s32 $0x8F2B, s0  }
0xc3: {  	[sflag:s0] =	ssyncadd.remote.s32 $0x1  }
0xc4: {  	_ =	sfence.sel $0xFFFF  }
0xc5: {  	[dreg:$0x0] =	wrdreg $0xFFFFFFFF;
	(pc) =	sbr.abs _section_cstart, $3  }
0xc6: {  	[dreg:$0x1] =	wrdreg $0xFFFFFFFF  }
0xc7: {  	_ =	task.clear_ibuf [dreg:s7], $0x2FFFF;
	_ =	strace $0x9FFFFFFF  }
0xc8: {  	(tm) =	ssettm $0x7FFFFFFF  }
0xc9: {  	_ =	shalt  }
tec
execute0_lowered:
.L_overlay_start_1:
0x0: {  	(tag) =	ssettag $0x1  }
0x1: {  	s0 =	rddreg [dreg:$0x0]  }
0x2: {  	s2 =	simm.s32 $0x0;
	s1 =	srdreg.scid;
	s5 =	stileid.u32  }
0x3: {  	[smem:$0x7FF] =	sst s2;
	s1 =	sand.u32 $0x1, s1;
	s3 =	sadd.s32 $0x199C00, s0  }
0x4: {  	s4 =	sadd.s32 $0x181C00, s0;
	s5 =	sshll.u32 s5, $0x1;
	s6 =	sadd.s32 $0x18DC00, s0  }
0x5: {  	s0 =	sadd.s32 $0x1C00, s0;
	_ =	strace $0x80000047;
	[dreg:$0x3] =	wrdreg s3  }
0x6: {  	s28 =	ssub.s32 $0x2, s1;
	[dreg:$0x4] =	wrdreg s4;
	s1 =	sor.u32 s1, s5  }
0x7: {  	[dreg:$0x5] =	wrdreg s6;
	s29 =	sshrl.u32 s28, $0x1;
	s30 =	smul.u32 $0x6, s1  }
0x8: {  	s12 =	simm.s32 $0x8000;
	[dreg:$0x6] =	wrdreg s0;
	s3 =	ssub.s32 s28, s29  }
0x9: {  	s13 =	simm.s32 $0x1;
	[dreg:$0x7] =	wrdreg s30;
	s31 =	smax.u32 s3, $0x1  }
0xa: {  	s14 =	simm.s32 $0x2;
	s1 =	simm.s32 $0x0;
	[dreg:$0x8] =	wrdreg s31  }
.LBB2_1:
0xb: {  	[dreg:$0x9] =	wrdreg s1;
	s16 =	simm.s32 $0x0  }
.LBB2_2:
0xc: {  	s0 =	rddreg [dreg:$0x7]  }
0xd: {  	s0 =	sadd.s32 s0, s16  }
0xe: {  	s1 =	sshrl.u32 s0, $0x2  }
0xf: {  	s3 =	smulhi.u32 $0x2AAAAAAB, s1  }
0x10: {  	s4 =	smulhi.u32 $0xAAAAAAAB, s0  }
0x11: {  	s6 =	rddreg [dreg:$0x3];
	s24 =	simm.s32 $0x0;
	s3 =	smul.u32 $0x6, s3  }
0x12: {  	s29 =	rddreg [dreg:$0x4];
	s7 =	simm.s32 $0x4000;
	s4 =	sshrl.u32 s4, $0x4  }
0x13: {  	s0 =	sshll.u32 s0, $0x2;
	s22 =	sshll.u32 s4, $0xD;
	s1 =	ssub.s32 s1, s3  }
0x14: {  	s0 =	sand.u32 $0xC, s0;
	s3 =	sadd.s32 s6, s22;
	s5 =	sshll.u32 s1, $0x10  }
0x15: {  	s23 =	sshll.u32 s0, $0x9;
	s25 =	smul.u32 $0xC000, s4;
	s3 =	sadd.s32 s5, s3  }
0x16: {  	s4 =	smul.u32 $0x180000, s4;
	s26 =	sshll.u32 s1, $0xD;
	s3 =	sadd.s32 s23, s3  }
0x17: {  	[tilespmem:s24], [sflag:$0x1] =	stream.linear.gather [hbm4b:s3+s24], $0x4000, $0x38;
	[tilespmem:$0x18000] =	vst v63  }
0x18: {  	s30 =	rddreg [dreg:$0x5];
	s1 =	sshll.u32 s1, $0x12;
	s3 =	sadd.s32 s25, s26  }
0x19: {  	s0 =	sshll.u32 s0, $0xE;
	s1 =	sadd.s32 s4, s1;
	s3 =	sshrl.u32 s3, $0x3  }
0x1a: {  	s31 =	simm.s32 $0x6000;
	s0 =	sor.u32 s0, s1;
	s6 =	sadd.s32 s29, s3  }
0x1b: {  	[tilespmem:s7], [sflag:$0x1] =	stream.linear.gather [hbm4b:s6+s24], $0x2000, $0x38;
	[tilespmem:$0x18000] =	vst v63  }
0x1c: {  	s17 =	sshrl.u32 s0, $0x3;
	s3 =	sadd.s32 s30, s3;
	s6 =	rddreg [dreg:$0x6]  }
0x1d: {  	[tilespmem:s31], [sflag:$0x1] =	stream.linear.gather [hbm4b:s3+s24], $0x2000, $0x38;
	[tilespmem:$0x18000] =	vst v63  }
0x1e: {  	s0 =	sadd.s32 s6, s17  }
0x1f: {  	[tilespmem:s12], [sflag:$0x1] =	stream.linear.gather [hbm4b:s0+s24], $0x10000, $0x38;
	[tilespmem:$0x18000] =	vst v63  }
0x20: {  	_ =	swait.ge [sflag:s13], $0x4000  }
0x21: {  	[sflag:s13] =	ssyncset.done $0x0  }
0x22: {  	[sflag:s13] =	ssyncadd.s32 $0xFFFFC000  }
0x23: {  	_ =	swait.ge [sflag:s13], $0x2000  }
0x24: {  	[sflag:s13] =	ssyncset.done $0x0  }
0x25: {  	[sflag:s13] =	ssyncadd.s32 $0xFFFFE000  }
0x26: {  	_ =	swait.ge [sflag:s13], $0x2000  }
0x27: {  	[sflag:s13] =	ssyncset.done $0x0  }
0x28: {  	[sflag:s13] =	ssyncadd.s32 $0xFFFFE000  }
0x29: {  	s21 =	sand.u32 $0x60, s24;
	s7 =	simm.s32 $0x0;
	_ =	swait.ge [sflag:s13], $0x10000  }
0x2a: {  	s22 =	sor.u32 $0x10, s21;
	s0 =	sand.u32 $0xFFFFFE00, s7;
	[sflag:s13] =	ssyncset.done $0x0  }
0x2b: {  	s8 =	sor.u32 s0, s22;
	[sflag:s13] =	ssyncadd.s32 $0xFFFF0000  }
0x2c: {  	v0 =	vld [tilespmem:s8+$0x4000]  }
0x2d: {  	v1 =	vld [tilespmem:s8+$0x4080];
	_ =	sdelay $0x1  }
0x2e: {  	v2 =	vld [tilespmem:s8+$0x4100]  }
0x2f: {  	s0 =	sor.u32 s21, s0  }
0x30: {  	v4 =	vld [tilespmem:s0+$0x4000];
	v3 =	vshll.u32 v0, $0x3  }
0x31: {  	v6 =	vld [tilespmem:s0+$0x4080];
	v0 =	vand.u32 $0x7F, v0;
	v5 =	vshll.u32 v1, $0x3;
	v3 =	vand.u32 $0xFFFFFC00, v3  }
0x32: {  	v18 =	vor.u32 v0, v3;
	v0 =	vand.u32 $0x7F, v1;
	v1 =	vand.u32 $0xFFFFFC00, v5  }
0x33: {  	v3 =	vshll.u32 v2, $0x3;
	v20 =	vor.u32 v0, v1  }
0x34: {  	v5 =	vld [tilespmem:s0+$0x4100];
	v0 =	vand.u32 $0x7F, v2;
	v1 =	vand.u32 $0xFFFFFC00, v3  }
0x35: {  	v17 =	vld [tilespmem:s8+$0x6000];
	v19 =	vor.u32 v0, v1  }
0x36: {  	v2 =	vshll.u32 v4, $0x3;
	v3 =	vshll.u32 v6, $0x3;
	v0 =	vld [tilespmem:s8+$0x6080]  }
0x37: {  	v6 =	vand.u32 $0x7F, v6;
	v1 =	vand.u32 $0x7F, v4;
	v3 =	vand.u32 $0xFFFFFC00, v3;
	v4 =	vld.idx.msk [tilespmem:v18+s2+$0x0], $0xffff  }
0x38: {  	v2 =	vand.u32 $0xFFFFFC00, v2;
	v23 =	vor.u32 v6, v3;
	v7 =	vld.idx.msk [tilespmem:v20+s2+$0x0], $0xffff  }
0x39: {  	v15 =	vld [tilespmem:s8+$0x6100];
	v22 =	vor.u32 v1, v2;
	v1 =	vshll.u32 v5, $0x3  }
0x3a: {  	v2 =	vand.u32 $0x7F, v5;
	v1 =	vand.u32 $0xFFFFFC00, v1;
	v3 =	vld.idx.msk [tilespmem:v19+s2+$0x0], $0xffff  }
0x3b: {  	v24 =	vld [tilespmem:s0+$0x6000];
	v21 =	vor.u32 v2, v1  }
0x3c: {  	v27 =	vld [tilespmem:s0+$0x6080]  }
0x3d: {  	v5 =	vld.idx.msk [tilespmem:v23+s2+$0x0], $0xffff;
	v1 =	vmul.f32 v4, v17;
	v2 =	vmul.f32 v7, v0  }
0x3e: {  	v4 =	vld.idx.msk [tilespmem:v22+s2+$0x0], $0xffff  }
0x3f: {  	s9 =	simm.s32 $0x0;
	v54 =	vld [tilespmem:s0+$0x6100];
	v1 =	vadd.f32 v2, v1;
	v2 =	vmul.f32 v3, v15;
	v3 =	vor.u32 $0x80, v18  }
0x40: {  	s24 =	sand.u32 $0x3FFFFC00, s9;
	v7 =	vor.u32 $0x80, v20;
	v6 =	vld.idx.msk [tilespmem:v21+s2+$0x0], $0xffff  }
0x41: {  	s1 =	sadd.s32 $0x8000, s24;
	v1 =	vadd.f32 v2, v1  }
0x42: {  	s10 =	sor.u32 s22, s1;
	v2 =	vor.u32 $0x80, v19  }
0x43: {  	[tilespmem:s10+$0x0] =	vst.add.f32.msk $0xffff, v1;
	v1 =	vmul.f32 v4, v24;
	v4 =	vmul.f32 v5, v27  }
0x44: {  	v3 =	vld.idx.msk [tilespmem:v3+s2+$0x0], $0xffff  }
0x45: {  	v5 =	vor.u32 $0x80, v22;
	v6 =	vmul.f32 v6, v54;
	v7 =	vld.idx.msk [tilespmem:v7+s2+$0x0], $0xffff;
	v1 =	vadd.f32 v4, v1  }
0x46: {  	v4 =	vor.u32 $0x80, v23  }
0x47: {  	v2 =	vld.idx.msk [tilespmem:v2+s2+$0x0], $0xffff;
	v1 =	vadd.f32 v6, v1  }
0x48: {  	s1 =	sor.u32 s21, s1;
	v6 =	vor.u32 $0x80, v21  }
0x49: {  	[tilespmem:s1+$0x0] =	vst.add.f32.msk $0xffff, v1  }
0x4a: {  	v1 =	vmul.f32 v3, v17;
	v3 =	vmul.f32 v7, v0;
	v5 =	vld.idx.msk [tilespmem:v5+s2+$0x0], $0xffff  }
0x4b: {  	v4 =	vld.idx.msk [tilespmem:v4+s2+$0x0], $0xffff  }
0x4c: {  	v1 =	vadd.f32 v3, v1;
	v2 =	vmul.f32 v2, v15;
	v3 =	vor.u32 $0x100, v18  }
0x4d: {  	v7 =	vor.u32 $0x100, v20;
	v6 =	vld.idx.msk [tilespmem:v6+s2+$0x0], $0xffff  }
0x4e: {  	v1 =	vadd.f32 v2, v1  }
0x4f: {  	s11 =	sor.u32 $0x80, s10;
	v2 =	vor.u32 $0x100, v19  }
0x50: {  	[tilespmem:s11+$0x0] =	vst.add.f32.msk $0xffff, v1;
	v1 =	vmul.f32 v5, v24;
	v4 =	vmul.f32 v4, v27  }
0x51: {  	v3 =	vld.idx.msk [tilespmem:v3+s2+$0x0], $0xffff  }
0x52: {  	v5 =	vor.u32 $0x100, v22;
	v7 =	vld.idx.msk [tilespmem:v7+s2+$0x0], $0xffff;
	v6 =	vmul.f32 v6, v54;
	v1 =	vadd.f32 v4, v1  }
0x53: {  	v4 =	vor.u32 $0x100, v23  }
0x54: {  	v2 =	vld.idx.msk [tilespmem:v2+s2+$0x0], $0xffff;
	v1 =	vadd.f32 v6, v1  }
0x55: {  	s15 =	sor.u32 $0x80, s1;
	v6 =	vor.u32 $0x100, v21  }
0x56: {  	[tilespmem:s15+$0x0] =	vst.add.f32.msk $0xffff, v1  }
0x57: {  	v1 =	vmul.f32 v3, v17;
	v3 =	vmul.f32 v7, v0;
	v5 =	vld.idx.msk [tilespmem:v5+s2+$0x0], $0xffff  }
0x58: {  	v4 =	vld.idx.msk [tilespmem:v4+s2+$0x0], $0xffff  }
0x59: {  	v1 =	vadd.f32 v3, v1;
	v2 =	vmul.f32 v2, v15;
	v3 =	vor.u32 $0x180, v18  }
0x5a: {  	v7 =	vor.u32 $0x180, v20;
	v6 =	vld.idx.msk [tilespmem:v6+s2+$0x0], $0xffff  }
0x5b: {  	v1 =	vadd.f32 v2, v1  }
0x5c: {  	s18 =	sor.u32 $0x100, s10;
	v2 =	vor.u32 $0x180, v19  }
0x5d: {  	[tilespmem:s18+$0x0] =	vst.add.f32.msk $0xffff, v1;
	v1 =	vmul.f32 v5, v24;
	v4 =	vmul.f32 v4, v27  }
0x5e: {  	v3 =	vld.idx.msk [tilespmem:v3+s2+$0x0], $0xffff  }
0x5f: {  	v5 =	vor.u32 $0x180, v22;
	v7 =	vld.idx.msk [tilespmem:v7+s2+$0x0], $0xffff;
	v6 =	vmul.f32 v6, v54;
	v1 =	vadd.f32 v4, v1  }
0x60: {  	v4 =	vor.u32 $0x180, v23  }
0x61: {  	v2 =	vld.idx.msk [tilespmem:v2+s2+$0x0], $0xffff;
	v1 =	vadd.f32 v6, v1  }
0x62: {  	s19 =	sor.u32 $0x100, s1;
	v6 =	vor.u32 $0x180, v21  }
0x63: {  	[tilespmem:s19+$0x0] =	vst.add.f32.msk $0xffff, v1  }
0x64: {  	v1 =	vmul.f32 v3, v17;
	v3 =	vmul.f32 v7, v0;
	v5 =	vld.idx.msk [tilespmem:v5+s2+$0x0], $0xffff  }
0x65: {  	v4 =	vld.idx.msk [tilespmem:v4+s2+$0x0], $0xffff  }
0x66: {  	v1 =	vadd.f32 v3, v1;
	v2 =	vmul.f32 v2, v15;
	v3 =	vor.u32 $0x200, v18  }
0x67: {  	v7 =	vor.u32 $0x200, v20;
	v6 =	vld.idx.msk [tilespmem:v6+s2+$0x0], $0xffff  }
0x68: {  	v1 =	vadd.f32 v2, v1  }
0x69: {  	s20 =	sor.u32 $0x180, s10;
	v2 =	vor.u32 $0x200, v19  }
0x6a: {  	[tilespmem:s20+$0x0] =	vst.add.f32.msk $0xffff, v1;
	v1 =	vmul.f32 v5, v24;
	v4 =	vmul.f32 v4, v27  }
0x6b: {  	v3 =	vld.idx.msk [tilespmem:v3+s2+$0x0], $0xffff  }
0x6c: {  	v5 =	vor.u32 $0x200, v22;
	v7 =	vld.idx.msk [tilespmem:v7+s2+$0x0], $0xffff;
	v6 =	vmul.f32 v6, v54;
	v1 =	vadd.f32 v4, v1  }
0x6d: {  	v4 =	vor.u32 $0x200, v23  }
0x6e: {  	v2 =	vld.idx.msk [tilespmem:v2+s2+$0x0], $0xffff;
	v1 =	vadd.f32 v6, v1  }
0x6f: {  	s23 =	sor.u32 $0x180, s1;
	v6 =	vor.u32 $0x200, v21  }
0x70: {  	[tilespmem:s23+$0x0] =	vst.add.f32.msk $0xffff, v1  }
0x71: {  	v1 =	vmul.f32 v3, v17;
	v3 =	vmul.f32 v7, v0;
	v5 =	vld.idx.msk [tilespmem:v5+s2+$0x0], $0xffff  }
0x72: {  	v4 =	vld.idx.msk [tilespmem:v4+s2+$0x0], $0xffff  }
0x73: {  	v1 =	vadd.f32 v3, v1;
	v2 =	vmul.f32 v2, v15;
	v3 =	vor.u32 $0x280, v18  }
0x74: {  	v7 =	vor.u32 $0x280, v20;
	v6 =	vld.idx.msk [tilespmem:v6+s2+$0x0], $0xffff  }
0x75: {  	v1 =	vadd.f32 v2, v1  }
0x76: {  	s25 =	sor.u32 $0x200, s10;
	v2 =	vor.u32 $0x280, v19  }
0x77: {  	[tilespmem:s25+$0x0] =	vst.add.f32.msk $0xffff, v1;
	v1 =	vmul.f32 v5, v24;
	v4 =	vmul.f32 v4, v27  }
0x78: {  	v3 =	vld.idx.msk [tilespmem:v3+s2+$0x0], $0xffff  }
0x79: {  	v5 =	vor.u32 $0x280, v22;
	v7 =	vld.idx.msk [tilespmem:v7+s2+$0x0], $0xffff;
	v6 =	vmul.f32 v6, v54;
	v1 =	vadd.f32 v4, v1  }
0x7a: {  	v4 =	vor.u32 $0x280, v23  }
0x7b: {  	v2 =	vld.idx.msk [tilespmem:v2+s2+$0x0], $0xffff;
	v1 =	vadd.f32 v6, v1  }
0x7c: {  	s26 =	sor.u32 $0x200, s1;
	v6 =	vor.u32 $0x280, v21  }
0x7d: {  	[tilespmem:s26+$0x0] =	vst.add.f32.msk $0xffff, v1  }
0x7e: {  	v1 =	vmul.f32 v3, v17;
	v3 =	vmul.f32 v7, v0;
	v5 =	vld.idx.msk [tilespmem:v5+s2+$0x0], $0xffff  }
0x7f: {  	v4 =	vld.idx.msk [tilespmem:v4+s2+$0x0], $0xffff  }
0x80: {  	v1 =	vadd.f32 v3, v1;
	v2 =	vmul.f32 v2, v15;
	v3 =	vor.u32 $0x300, v18  }
0x81: {  	v7 =	vor.u32 $0x300, v20;
	v6 =	vld.idx.msk [tilespmem:v6+s2+$0x0], $0xffff  }
0x82: {  	v1 =	vadd.f32 v2, v1  }
0x83: {  	s29 =	sor.u32 $0x280, s10;
	v2 =	vor.u32 $0x300, v19  }
0x84: {  	[tilespmem:s29+$0x0] =	vst.add.f32.msk $0xffff, v1;
	v1 =	vmul.f32 v5, v24;
	v4 =	vmul.f32 v4, v27  }
0x85: {  	v3 =	vld.idx.msk [tilespmem:v3+s2+$0x0], $0xffff  }
0x86: {  	v5 =	vor.u32 $0x300, v22;
	v7 =	vld.idx.msk [tilespmem:v7+s2+$0x0], $0xffff;
	v6 =	vmul.f32 v6, v54;
	v1 =	vadd.f32 v4, v1  }
0x87: {  	v4 =	vor.u32 $0x300, v23  }
0x88: {  	v2 =	vld.idx.msk [tilespmem:v2+s2+$0x0], $0xffff;
	v1 =	vadd.f32 v6, v1  }
0x89: {  	s30 =	sor.u32 $0x280, s1;
	v6 =	vor.u32 $0x300, v21  }
0x8a: {  	[tilespmem:s30+$0x0] =	vst.add.f32.msk $0xffff, v1  }
0x8b: {  	v1 =	vmul.f32 v3, v17;
	v3 =	vmul.f32 v7, v0;
	v5 =	vld.idx.msk [tilespmem:v5+s2+$0x0], $0xffff  }
0x8c: {  	v4 =	vld.idx.msk [tilespmem:v4+s2+$0x0], $0xffff  }
0x8d: {  	v1 =	vadd.f32 v3, v1;
	v2 =	vmul.f32 v2, v15;
	v3 =	vor.u32 $0x380, v18  }
0x8e: {  	v7 =	vor.u32 $0x380, v20;
	v6 =	vld.idx.msk [tilespmem:v6+s2+$0x0], $0xffff  }
0x8f: {  	v1 =	vadd.f32 v2, v1  }
0x90: {  	s31 =	sor.u32 $0x300, s10;
	v2 =	vor.u32 $0x380, v19  }
0x91: {  	[tilespmem:s31+$0x0] =	vst.add.f32.msk $0xffff, v1;
	v1 =	vmul.f32 v5, v24;
	v4 =	vmul.f32 v4, v27  }
0x92: {  	v3 =	vld.idx.msk [tilespmem:v3+s2+$0x0], $0xffff  }
0x93: {  	v5 =	vor.u32 $0x380, v22;
	v7 =	vld.idx.msk [tilespmem:v7+s2+$0x0], $0xffff;
	v6 =	vmul.f32 v6, v54;
	v1 =	vadd.f32 v4, v1  }
0x94: {  	v4 =	vor.u32 $0x380, v23  }
0x95: {  	v2 =	vld.idx.msk [tilespmem:v2+s2+$0x0], $0xffff;
	v1 =	vadd.f32 v6, v1  }
0x96: {  	s4 =	sor.u32 $0x300, s1;
	v6 =	vor.u32 $0x380, v21  }
0x97: {  	[tilespmem:s4+$0x0] =	vst.add.f32.msk $0xffff, v1  }
0x98: {  	v1 =	vmul.f32 v3, v17;
	v3 =	vmul.f32 v7, v0;
	v5 =	vld.idx.msk [tilespmem:v5+s2+$0x0], $0xffff  }
0x99: {  	v4 =	vld.idx.msk [tilespmem:v4+s2+$0x0], $0xffff  }
0x9a: {  	v1 =	vadd.f32 v3, v1;
	v2 =	vmul.f32 v2, v15;
	v3 =	vadd.s32 $0x1000, v18  }
0x9b: {  	v7 =	vadd.s32 $0x1000, v20;
	v6 =	vld.idx.msk [tilespmem:v6+s2+$0x0], $0xffff  }
0x9c: {  	v1 =	vadd.f32 v2, v1  }
0x9d: {  	s0 =	sor.u32 $0x380, s10;
	v2 =	vadd.s32 $0x1000, v19  }
0x9e: {  	[tilespmem:s0+$0x0] =	vst.add.f32.msk $0xffff, v1;
	v1 =	vmul.f32 v5, v24;
	v4 =	vmul.f32 v4, v27  }
0x9f: {  	v3 =	vld.idx.msk [tilespmem:v3+s2+$0x0], $0xffff  }
0xa0: {  	v5 =	vadd.s32 $0x1000, v22;
	v7 =	vld.idx.msk [tilespmem:v7+s2+$0x0], $0xffff;
	v6 =	vmul.f32 v6, v54;
	v1 =	vadd.f32 v4, v1  }
0xa1: {  	v4 =	vadd.s32 $0x1000, v23  }
0xa2: {  	v2 =	vld.idx.msk [tilespmem:v2+s2+$0x0], $0xffff;
	v1 =	vadd.f32 v6, v1  }
0xa3: {  	s5 =	sor.u32 $0x380, s1;
	v6 =	vadd.s32 $0x1000, v21  }
0xa4: {  	[tilespmem:s5+$0x0] =	vst.add.f32.msk $0xffff, v1  }
0xa5: {  	v1 =	vmul.f32 v3, v17;
	v3 =	vmul.f32 v7, v0;
	v5 =	vld.idx.msk [tilespmem:v5+s2+$0x0], $0xffff  }
0xa6: {  	v4 =	vld.idx.msk [tilespmem:v4+s2+$0x0], $0xffff  }
0xa7: {  	v1 =	vadd.f32 v3, v1;
	v2 =	vmul.f32 v2, v15;
	v3 =	vadd.s32 $0x1080, v18  }
0xa8: {  	v7 =	vadd.s32 $0x1080, v20;
	v6 =	vld.idx.msk [tilespmem:v6+s2+$0x0], $0xffff  }
0xa9: {  	s6 =	sadd.s32 $0xC000, s24;
	v1 =	vadd.f32 v2, v1  }
0xaa: {  	s7 =	sor.u32 s22, s6;
	v2 =	vadd.s32 $0x1080, v19  }
0xab: {  	[tilespmem:s7+$0x0] =	vst.add.f32.msk $0xffff, v1;
	v1 =	vmul.f32 v5, v24;
	v4 =	vmul.f32 v4, v27  }
0xac: {  	v3 =	vld.idx.msk [tilespmem:v3+s2+$0x0], $0xffff  }
0xad: {  	v5 =	vadd.s32 $0x1080, v22;
	v7 =	vld.idx.msk [tilespmem:v7+s2+$0x0], $0xffff;
	v6 =	vmul.f32 v6, v54;
	v1 =	vadd.f32 v4, v1  }
0xae: {  	v4 =	vadd.s32 $0x1080, v23  }
0xaf: {  	v2 =	vld.idx.msk [tilespmem:v2+s2+$0x0], $0xffff;
	v1 =	vadd.f32 v6, v1  }
0xb0: {  	s0 =	sor.u32 s21, s6;
	v6 =	vadd.s32 $0x1080, v21  }
0xb1: {  	[tilespmem:s0+$0x0] =	vst.add.f32.msk $0xffff, v1  }
0xb2: {  	v1 =	vmul.f32 v3, v17;
	v3 =	vmul.f32 v7, v0;
	v5 =	vld.idx.msk [tilespmem:v5+s2+$0x0], $0xffff  }
0xb3: {  	v4 =	vld.idx.msk [tilespmem:v4+s2+$0x0], $0xffff  }
0xb4: {  	v1 =	vadd.f32 v3, v1;
	v2 =	vmul.f32 v2, v15;
	v3 =	vadd.s32 $0x1100, v18  }
0xb5: {  	v7 =	vadd.s32 $0x1100, v20;
	v6 =	vld.idx.msk [tilespmem:v6+s2+$0x0], $0xffff  }
0xb6: {  	s8 =	sadd.s32 $0xC080, s24;
	v1 =	vadd.f32 v2, v1  }
0xb7: {  	s9 =	sor.u32 s22, s8;
	v2 =	vadd.s32 $0x1100, v19  }
0xb8: {  	[tilespmem:s9+$0x0] =	vst.add.f32.msk $0xffff, v1;
	v1 =	vmul.f32 v5, v24;
	v4 =	vmul.f32 v4, v27  }
0xb9: {  	v3 =	vld.idx.msk [tilespmem:v3+s2+$0x0], $0xffff  }
0xba: {  	v5 =	vadd.s32 $0x1100, v22;
	v7 =	vld.idx.msk [tilespmem:v7+s2+$0x0], $0xffff;
	v6 =	vmul.f32 v6, v54;
	v1 =	vadd.f32 v4, v1  }
0xbb: {  	v4 =	vadd.s32 $0x1100, v23  }
0xbc: {  	v2 =	vld.idx.msk [tilespmem:v2+s2+$0x0], $0xffff;
	v1 =	vadd.f32 v6, v1  }
0xbd: {  	s0 =	sor.u32 s21, s8;
	v6 =	vadd.s32 $0x1100, v21  }
0xbe: {  	[tilespmem:s0+$0x0] =	vst.add.f32.msk $0xffff, v1  }
0xbf: {  	v1 =	vmul.f32 v3, v17;
	v3 =	vmul.f32 v7, v0;
	v5 =	vld.idx.msk [tilespmem:v5+s2+$0x0], $0xffff  }
0xc0: {  	v4 =	vld.idx.msk [tilespmem:v4+s2+$0x0], $0xffff  }
0xc1: {  	v1 =	vadd.f32 v3, v1;
	v2 =	vmul.f32 v2, v15;
	v3 =	vadd.s32 $0x1180, v18  }
0xc2: {  	v7 =	vadd.s32 $0x1180, v20;
	v6 =	vld.idx.msk [tilespmem:v6+s2+$0x0], $0xffff  }
0xc3: {  	s10 =	sadd.s32 $0xC100, s24;
	v1 =	vadd.f32 v2, v1  }
0xc4: {  	s11 =	sor.u32 s22, s10;
	v2 =	vadd.s32 $0x1180, v19  }
0xc5: {  	[tilespmem:s11+$0x0] =	vst.add.f32.msk $0xffff, v1;
	v1 =	vmul.f32 v5, v24;
	v4 =	vmul.f32 v4, v27  }
0xc6: {  	v3 =	vld.idx.msk [tilespmem:v3+s2+$0x0], $0xffff  }
0xc7: {  	v5 =	vadd.s32 $0x1180, v22;
	v7 =	vld.idx.msk [tilespmem:v7+s2+$0x0], $0xffff;
	v6 =	vmul.f32 v6, v54;
	v1 =	vadd.f32 v4, v1  }
0xc8: {  	v4 =	vadd.s32 $0x1180, v23  }
0xc9: {  	v2 =	vld.idx.msk [tilespmem:v2+s2+$0x0], $0xffff;
	v1 =	vadd.f32 v6, v1  }
0xca: {  	s0 =	sor.u32 s21, s10;
	v6 =	vadd.s32 $0x1180, v21  }
0xcb: {  	[tilespmem:s0+$0x0] =	vst.add.f32.msk $0xffff, v1  }
0xcc: {  	v3 =	vmul.f32 v3, v17;
	v1 =	vld.idx.msk [tilespmem:v5+s2+$0x0], $0xffff;
	v5 =	vmul.f32 v7, v0  }
0xcd: {  	v4 =	vld.idx.msk [tilespmem:v4+s2+$0x0], $0xffff  }
0xce: {  	v2 =	vmul.f32 v2, v15;
	v3 =	vadd.f32 v5, v3  }
0xcf: {  	v7 =	vadd.s32 $0x1200, v18;
	v5 =	vld.idx.msk [tilespmem:v6+s2+$0x0], $0xffff  }
0xd0: {  	s15 =	sadd.s32 $0xC180, s24;
	v6 =	vadd.s32 $0x1200, v20;
	v2 =	vadd.f32 v2, v3  }
0xd1: {  	s18 =	sor.u32 s22, s15  }
0xd2: {  	v3 =	vadd.s32 $0x1200, v19;
	v1 =	vmul.f32 v1, v24;
	[tilespmem:s18+$0x0] =	vst.add.f32.msk $0xffff, v2;
	v2 =	vmul.f32 v4, v27;
	_ =	sdelay $0x1  }
0xd3: {  	v4 =	vld.idx.msk [tilespmem:v7+s2+$0x0], $0xffff;
	v7 =	vadd.s32 $0x1200, v22;
	v5 =	vmul.f32 v5, v54;
	v1 =	vadd.f32 v2, v1  }
0xd4: {  	v2 =	vld.idx.msk [tilespmem:v6+s2+$0x0], $0xffff;
	v6 =	vadd.s32 $0x1200, v23  }
0xd5: {  	v1 =	vadd.f32 v5, v1  }
0xd6: {  	s0 =	sor.u32 s21, s15;
	v3 =	vld.idx.msk [tilespmem:v3+s2+$0x0], $0xffff;
	v5 =	vadd.s32 $0x1200, v21  }
0xd7: {  	[tilespmem:s0+$0x0] =	vst.add.f32.msk $0xffff, v1  }
0xd8: {  	v1 =	vld.idx.msk [tilespmem:v7+s2+$0x0], $0xffff  }
0xd9: {  	v4 =	vmul.f32 v4, v17;
	v2 =	vmul.f32 v2, v0;
	v6 =	vld.idx.msk [tilespmem:v6+s2+$0x0], $0xffff;
	_ =	sdelay $0x1  }
0xda: {  	v7 =	vadd.s32 $0x1280, v18;
	v3 =	vmul.f32 v3, v15;
	v2 =	vadd.f32 v2, v4;
	v4 =	vld.idx.msk [tilespmem:v5+s2+$0x0], $0xffff  }
0xdb: {  	v5 =	vadd.s32 $0x1280, v20  }
0xdc: {  	s19 =	sadd.s32 $0xC200, s24;
	v2 =	vadd.f32 v3, v2  }
0xdd: {  	s20 =	sor.u32 s22, s19;
	v3 =	vadd.s32 $0x1280, v19;
	v1 =	vmul.f32 v1, v24;
	v6 =	vmul.f32 v6, v27  }
0xde: {  	[tilespmem:s20+$0x0] =	vst.add.f32.msk $0xffff, v2  }
0xdf: {  	v2 =	vld.idx.msk [tilespmem:v7+s2+$0x0], $0xffff;
	v7 =	vadd.s32 $0x1280, v22;
	v4 =	vmul.f32 v4, v54;
	v1 =	vadd.f32 v6, v1  }
0xe0: {  	v5 =	vld.idx.msk [tilespmem:v5+s2+$0x0], $0xffff;
	v6 =	vadd.s32 $0x1280, v23  }
0xe1: {  	v1 =	vadd.f32 v4, v1  }
0xe2: {  	s0 =	sor.u32 s21, s19;
	v3 =	vld.idx.msk [tilespmem:v3+s2+$0x0], $0xffff;
	v4 =	vadd.s32 $0x1280, v21  }
0xe3: {  	[tilespmem:s0+$0x0] =	vst.add.f32.msk $0xffff, v1  }
0xe4: {  	v1 =	vld.idx.msk [tilespmem:v7+s2+$0x0], $0xffff  }
0xe5: {  	v2 =	vmul.f32 v2, v17;
	v5 =	vmul.f32 v5, v0;
	v6 =	vld.idx.msk [tilespmem:v6+s2+$0x0], $0xffff;
	_ =	sdelay $0x1  }
0xe6: {  	v2 =	vadd.f32 v5, v2;
	v3 =	vmul.f32 v3, v15;
	v5 =	vadd.s32 $0x1300, v18;
	v4 =	vld.idx.msk [tilespmem:v4+s2+$0x0], $0xffff  }
0xe7: {  	v7 =	vadd.s32 $0x1300, v20  }
0xe8: {  	s23 =	sadd.s32 $0xC280, s24;
	v2 =	vadd.f32 v3, v2  }
0xe9: {  	s25 =	sor.u32 s22, s23;
	v3 =	vadd.s32 $0x1300, v19;
	v1 =	vmul.f32 v1, v24;
	v6 =	vmul.f32 v6, v27  }
0xea: {  	[tilespmem:s25+$0x0] =	vst.add.f32.msk $0xffff, v2  }
0xeb: {  	v2 =	vld.idx.msk [tilespmem:v5+s2+$0x0], $0xffff;
	v5 =	vadd.s32 $0x1300, v22;
	v4 =	vmul.f32 v4, v54;
	v1 =	vadd.f32 v6, v1  }
0xec: {  	v6 =	vld.idx.msk [tilespmem:v7+s2+$0x0], $0xffff;
	v7 =	vadd.s32 $0x1300, v23  }
0xed: {  	v1 =	vadd.f32 v4, v1  }
0xee: {  	s0 =	sor.u32 s21, s23;
	v3 =	vld.idx.msk [tilespmem:v3+s2+$0x0], $0xffff;
	v4 =	vadd.s32 $0x1300, v21  }
0xef: {  	[tilespmem:s0+$0x0] =	vst.add.f32.msk $0xffff, v1  }
0xf0: {  	v1 =	vld.idx.msk [tilespmem:v5+s2+$0x0], $0xffff  }
0xf1: {  	v2 =	vmul.f32 v2, v17;
	v5 =	vmul.f32 v6, v0;
	v6 =	vld.idx.msk [tilespmem:v7+s2+$0x0], $0xffff;
	_ =	sdelay $0x1  }
0xf2: {  	v2 =	vadd.f32 v5, v2;
	v3 =	vmul.f32 v3, v15;
	v5 =	vadd.s32 $0x1380, v18;
	v4 =	vld.idx.msk [tilespmem:v4+s2+$0x0], $0xffff  }
0xf3: {  	v7 =	vadd.s32 $0x1380, v20  }
0xf4: {  	s26 =	sadd.s32 $0xC300, s24;
	v2 =	vadd.f32 v3, v2  }
0xf5: {  	s29 =	sor.u32 s22, s26;
	v3 =	vadd.s32 $0x1380, v19;
	v1 =	vmul.f32 v1, v24;
	v6 =	vmul.f32 v6, v27  }
0xf6: {  	[tilespmem:s29+$0x0] =	vst.add.f32.msk $0xffff, v2  }
0xf7: {  	v2 =	vld.idx.msk [tilespmem:v5+s2+$0x0], $0xffff;
	v5 =	vadd.s32 $0x1380, v22;
	v4 =	vmul.f32 v4, v54;
	v1 =	vadd.f32 v6, v1  }
0xf8: {  	v6 =	vld.idx.msk [tilespmem:v7+s2+$0x0], $0xffff;
	v7 =	vadd.s32 $0x1380, v23  }
0xf9: {  	v1 =	vadd.f32 v4, v1  }
0xfa: {  	s0 =	sor.u32 s21, s26;
	v3 =	vld.idx.msk [tilespmem:v3+s2+$0x0], $0xffff;
	v4 =	vadd.s32 $0x1380, v21  }
0xfb: {  	[tilespmem:s0+$0x0] =	vst.add.f32.msk $0xffff, v1  }
0xfc: {  	v1 =	vld.idx.msk [tilespmem:v5+s2+$0x0], $0xffff  }
0xfd: {  	v2 =	vmul.f32 v2, v17;
	v5 =	vmul.f32 v6, v0;
	v6 =	vld.idx.msk [tilespmem:v7+s2+$0x0], $0xffff;
	_ =	sdelay $0x1  }
0xfe: {  	v2 =	vadd.f32 v5, v2;
	v3 =	vmul.f32 v3, v15;
	v5 =	vadd.s32 $0x2000, v18;
	v4 =	vld.idx.msk [tilespmem:v4+s2+$0x0], $0xffff  }
0xff: {  	v7 =	vadd.s32 $0x2000, v20  }
0x100: {  	s30 =	sadd.s32 $0xC380, s24;
	v2 =	vadd.f32 v3, v2  }
0x101: {  	s31 =	sor.u32 s22, s30;
	v3 =	vadd.s32 $0x2000, v19;
	v1 =	vmul.f32 v1, v24;
	v6 =	vmul.f32 v6, v27  }
0x102: {  	[tilespmem:s31+$0x0] =	vst.add.f32.msk $0xffff, v2  }
0x103: {  	v2 =	vld.idx.msk [tilespmem:v5+s2+$0x0], $0xffff;
	v5 =	vadd.s32 $0x2000, v22;
	v4 =	vmul.f32 v4, v54;
	v1 =	vadd.f32 v6, v1  }
0x104: {  	v6 =	vld.idx.msk [tilespmem:v7+s2+$0x0], $0xffff;
	v7 =	vadd.s32 $0x2000, v23  }
0x105: {  	v1 =	vadd.f32 v4, v1  }
0x106: {  	s0 =	sor.u32 s21, s30;
	v3 =	vld.idx.msk [tilespmem:v3+s2+$0x0], $0xffff;
	v4 =	vadd.s32 $0x2000, v21  }
0x107: {  	[tilespmem:s0+$0x0] =	vst.add.f32.msk $0xffff, v1  }
0x108: {  	v1 =	vld.idx.msk [tilespmem:v5+s2+$0x0], $0xffff  }
0x109: {  	v2 =	vmul.f32 v2, v17;
	v5 =	vmul.f32 v6, v0;
	v6 =	vld.idx.msk [tilespmem:v7+s2+$0x0], $0xffff;
	_ =	sdelay $0x1  }
0x10a: {  	v2 =	vadd.f32 v5, v2;
	v3 =	vmul.f32 v3, v15;
	v5 =	vadd.s32 $0x2080, v18;
	v4 =	vld.idx.msk [tilespmem:v4+s2+$0x0], $0xffff  }
0x10b: {  	v7 =	vadd.s32 $0x2080, v20  }
0x10c: {  	s3 =	sadd.s32 $0x10000, s24;
	v2 =	vadd.f32 v3, v2  }
0x10d: {  	s4 =	sor.u32 s22, s3;
	v3 =	vadd.s32 $0x2080, v19;
	v1 =	vmul.f32 v1, v24;
	v6 =	vmul.f32 v6, v27  }
0x10e: {  	[tilespmem:s4+$0x0] =	vst.add.f32.msk $0xffff, v2  }
0x10f: {  	v2 =	vld.idx.msk [tilespmem:v5+s2+$0x0], $0xffff;
	v5 =	vadd.s32 $0x2080, v22;
	v4 =	vmul.f32 v4, v54;
	v1 =	vadd.f32 v6, v1  }
0x110: {  	v6 =	vld.idx.msk [tilespmem:v7+s2+$0x0], $0xffff;
	v7 =	vadd.s32 $0x2080, v23  }
0x111: {  	v8 =	vadd.s32 $0x2080, v21;
	v1 =	vadd.f32 v4, v1  }
0x112: {  	s0 =	sor.u32 s21, s3;
	v3 =	vld.idx.msk [tilespmem:v3+s2+$0x0], $0xffff  }
0x113: {  	s5 =	simm.s32 $0x20;
	[tilespmem:s0+$0x0] =	vst.add.f32.msk $0xffff, v1  }
0x114: {  	s6 =	simm.s32 $0x80;
	s25 =	sand.u32 $0x60, s5;
	v1 =	vld.idx.msk [tilespmem:v5+s2+$0x0], $0xffff  }
0x115: {  	s26 =	sor.u32 $0x10, s25;
	s0 =	sand.u32 $0xFFFFFE00, s6;
	v5 =	vmul.f32 v2, v17;
	v6 =	vmul.f32 v6, v0;
	v4 =	vld.idx.msk [tilespmem:v7+s2+$0x0], $0xffff  }
0x116: {  	v2 =	vld.idx.msk [tilespmem:v8+s2+$0x0], $0xffff;
	s7 =	sor.u32 s0, s26  }
0x117: {  	v7 =	vld [tilespmem:s7+$0x4100];
	v5 =	vadd.f32 v6, v5;
	v3 =	vmul.f32 v3, v15;
	v6 =	vadd.s32 $0x2100, v18  }
0x118: {  	v8 =	vadd.s32 $0x2100, v20;
	s0 =	sor.u32 s25, s0;
	v9 =	vld [tilespmem:s7+$0x4000]  }
0x119: {  	s8 =	sadd.s32 $0x10080, s24;
	v13 =	vld [tilespmem:s0+$0x4080];
	v3 =	vadd.f32 v3, v5  }
0x11a: {  	v10 =	vadd.s32 $0x2100, v19;
	s10 =	sor.u32 s22, s8;
	v5 =	vld [tilespmem:s7+$0x4080]  }
0x11b: {  	[tilespmem:s10+$0x0] =	vst.add.f32.msk $0xffff, v3  }
0x11c: {  	v3 =	vld.idx.msk [tilespmem:v6+s2+$0x0], $0xffff  }
0x11d: {  	v6 =	vld.idx.msk [tilespmem:v8+s2+$0x0], $0xffff  }
0x11e: {  	v16 =	vld [tilespmem:s0+$0x4100];
	v11 =	vshll.u32 v9, $0x3;
	v12 =	vshll.u32 v7, $0x3  }
0x11f: {  	v9 =	vand.u32 $0x7F, v9;
	v10 =	vld.idx.msk [tilespmem:v10+s2+$0x0], $0xffff;
	v11 =	vand.u32 $0xFFFFFC00, v11;
	v14 =	vshll.u32 v5, $0x3  }
0x120: {  	v53 =	vld [tilespmem:s0+$0x6000];
	v35 =	vor.u32 v9, v11;
	v5 =	vand.u32 $0x7F, v5;
	v9 =	vand.u32 $0xFFFFFC00, v14  }
0x121: {  	v8 =	vld [tilespmem:s0+$0x4000];
	v31 =	vor.u32 v5, v9;
	v5 =	vand.u32 $0x7F, v7;
	v7 =	vand.u32 $0xFFFFFC00, v12  }
0x122: {  	v36 =	vld [tilespmem:s7+$0x6100];
	v30 =	vor.u32 v5, v7;
	v3 =	vmul.f32 v3, v17;
	v5 =	vmul.f32 v6, v0  }
0x123: {  	v29 =	vld [tilespmem:s7+$0x6000]  }
0x124: {  	v28 =	vld [tilespmem:s7+$0x6080];
	v6 =	vadd.s32 $0x2180, v18;
	v3 =	vadd.f32 v5, v3;
	v5 =	vmul.f32 v10, v15  }
0x125: {  	v14 =	vadd.s32 $0x2180, v19;
	v9 =	vld.idx.msk [tilespmem:v35+s2+$0x0], $0xffff;
	v10 =	vadd.s32 $0x2180, v20  }
0x126: {  	s5 =	sadd.s32 $0x10100, s24;
	v12 =	vand.u32 $0x7F, v13;
	v7 =	vshll.u32 v8, $0x3;
	v11 =	vld.idx.msk [tilespmem:v31+s2+$0x0], $0xffff;
	v3 =	vadd.f32 v5, v3  }
0x127: {  	s11 =	sor.u32 s22, s5;
	v8 =	vand.u32 $0x7F, v8;
	v7 =	vand.u32 $0xFFFFFC00, v7;
	v5 =	vshll.u32 v13, $0x3;
	v13 =	vld.idx.msk [tilespmem:v30+s2+$0x0], $0xffff  }
0x128: {  	v32 =	vor.u32 v8, v7;
	v7 =	vshll.u32 v16, $0x3;
	v5 =	vand.u32 $0xFFFFFC00, v5;
	[tilespmem:s11+$0x0] =	vst.add.f32.msk $0xffff, v3  }
0x129: {  	v33 =	vor.u32 v12, v5;
	v3 =	vand.u32 $0x7F, v16;
	v5 =	vand.u32 $0xFFFFFC00, v7;
	v6 =	vld.idx.msk [tilespmem:v6+s2+$0x0], $0xffff  }
0x12a: {  	v34 =	vor.u32 v3, v5;
	v3 =	vld.idx.msk [tilespmem:v10+s2+$0x0], $0xffff  }
0x12b: {  	v56 =	vld [tilespmem:s0+$0x6080];
	v5 =	vmul.f32 v9, v29;
	v7 =	vmul.f32 v11, v28  }
0x12c: {  	v8 =	vld.idx.msk [tilespmem:v14+s2+$0x0], $0xffff  }
0x12d: {  	s15 =	simm.s32 $0x100;
	v9 =	vld.idx.msk [tilespmem:v32+s2+$0x0], $0xffff;
	v10 =	vor.u32 $0x80, v35;
	v5 =	vadd.f32 v7, v5;
	v7 =	vmul.f32 v13, v36  }
0x12e: {  	s28 =	sand.u32 $0x3FFFFC00, s15;
	v12 =	vor.u32 $0x80, v31;
	v11 =	vld.idx.msk [tilespmem:v33+s2+$0x0], $0xffff;
	v13 =	vor.u32 $0x80, v30  }
0x12f: {  	s1 =	sadd.s32 $0x8000, s28;
	v14 =	vld.idx.msk [tilespmem:v34+s2+$0x0], $0xffff;
	v6 =	vmul.f32 v6, v17;
	v5 =	vadd.f32 v7, v5;
	v7 =	vmul.f32 v3, v0  }
0x130: {  	s6 =	sor.u32 s26, s1;
	v3 =	vld [tilespmem:s0+$0x6100]  }
0x131: {  	[tilespmem:s6+$0x0] =	vst.add.f32.msk $0xffff, v5;
	v5 =	vadd.f32 v7, v6;
	v6 =	vmul.f32 v8, v15;
	v7 =	vadd.s32 $0x2200, v18  }
0x132: {  	v8 =	vmul.f32 v9, v53;
	v9 =	vld.idx.msk [tilespmem:v10+s2+$0x0], $0xffff;
	v10 =	vadd.s32 $0x2200, v20  }
0x133: {  	s10 =	sadd.s32 $0x10180, s24;
	v11 =	vmul.f32 v11, v56;
	v12 =	vld.idx.msk [tilespmem:v12+s2+$0x0], $0xffff;
	v5 =	vadd.f32 v6, v5;
	v6 =	vadd.s32 $0x2200, v19  }
0x134: {  	s18 =	sor.u32 s22, s10;
	v13 =	vld.idx.msk [tilespmem:v13+s2+$0x0], $0xffff  }
0x135: {  	v16 =	vor.u32 $0x80, v32;
	v14 =	vmul.f32 v14, v3;
	v8 =	vadd.f32 v11, v8;
	[tilespmem:s18+$0x0] =	vst.add.f32.msk $0xffff, v5  }
0x136: {  	v5 =	vor.u32 $0x80, v33;
	v7 =	vld.idx.msk [tilespmem:v7+s2+$0x0], $0xffff  }
0x137: {  	v8 =	vadd.f32 v14, v8;
	v10 =	vld.idx.msk [tilespmem:v10+s2+$0x0], $0xffff  }
0x138: {  	s9 =	sor.u32 s25, s1;
	v11 =	vor.u32 $0x80, v34;
	v6 =	vld.idx.msk [tilespmem:v6+s2+$0x0], $0xffff  }
0x139: {  	v9 =	vmul.f32 v9, v29;
	v12 =	vmul.f32 v12, v28;
	[tilespmem:s9+$0x0] =	vst.add.f32.msk $0xffff, v8  }
0x13a: {  	v8 =	vld.idx.msk [tilespmem:v16+s2+$0x0], $0xffff  }
0x13b: {  	v9 =	vadd.f32 v12, v9;
	v12 =	vmul.f32 v13, v36;
	v13 =	vor.u32 $0x100, v35;
	v5 =	vld.idx.msk [tilespmem:v5+s2+$0x0], $0xffff  }
0x13c: {  	v14 =	vor.u32 $0x100, v31;
	v16 =	vor.u32 $0x100, v30  }
0x13d: {  	v11 =	vld.idx.msk [tilespmem:v11+s2+$0x0], $0xffff;
	v9 =	vadd.f32 v12, v9;
	v7 =	vmul.f32 v7, v17;
	v10 =	vmul.f32 v10, v0  }
0x13e: {  	s19 =	sor.u32 $0x80, s6  }
0x13f: {  	[tilespmem:s19+$0x0] =	vst.add.f32.msk $0xffff, v9;
	v6 =	vmul.f32 v6, v15;
	v9 =	vadd.s32 $0x2280, v18;
	v7 =	vadd.f32 v10, v7  }
0x140: {  	v12 =	vadd.s32 $0x2280, v20;
	v10 =	vld.idx.msk [tilespmem:v13+s2+$0x0], $0xffff;
	v8 =	vmul.f32 v8, v53;
	v5 =	vmul.f32 v5, v56  }
0x141: {  	s1 =	sadd.s32 $0x10200, s24;
	v13 =	vld.idx.msk [tilespmem:v14+s2+$0x0], $0xffff;
	v6 =	vadd.f32 v6, v7  }
0x142: {  	s20 =	sor.u32 s22, s1;
	v14 =	vld.idx.msk [tilespmem:v16+s2+$0x0], $0xffff;
	v11 =	vmul.f32 v11, v3;
	v7 =	vor.u32 $0x100, v32;
	v5 =	vadd.f32 v5, v8  }
0x143: {  	v8 =	vor.u32 $0x100, v33;
	[tilespmem:s20+$0x0] =	vst.add.f32.msk $0xffff, v6  }
0x144: {  	v6 =	vadd.s32 $0x2280, v19;
	v9 =	vld.idx.msk [tilespmem:v9+s2+$0x0], $0xffff;
	v5 =	vadd.f32 v11, v5  }
0x145: {  	s23 =	sor.u32 $0x80, s9;
	v11 =	vor.u32 $0x100, v34;
	v12 =	vld.idx.msk [tilespmem:v12+s2+$0x0], $0xffff  }
0x146: {  	[tilespmem:s23+$0x0] =	vst.add.f32.msk $0xffff, v5  }
0x147: {  	v5 =	vld.idx.msk [tilespmem:v7+s2+$0x0], $0xffff  }
0x148: {  	v7 =	vmul.f32 v10, v29;
	v10 =	vmul.f32 v13, v28;
	v8 =	vld.idx.msk [tilespmem:v8+s2+$0x0], $0xffff  }
0x149: {  	v6 =	vld.idx.msk [tilespmem:v6+s2+$0x0], $0xffff  }
0x14a: {  	v13 =	vor.u32 $0x180, v35;
	v7 =	vadd.f32 v10, v7;
	v10 =	vmul.f32 v14, v36;
	v11 =	vld.idx.msk [tilespmem:v11+s2+$0x0], $0xffff  }
0x14b: {  	v16 =	vor.u32 $0x180, v30;
	v14 =	vor.u32 $0x180, v31  }
0x14c: {  	v9 =	vmul.f32 v9, v17;
	v7 =	vadd.f32 v10, v7;
	v10 =	vmul.f32 v12, v0  }
0x14d: {  	s29 =	sor.u32 $0x100, s6;
	v5 =	vmul.f32 v5, v53;
	v8 =	vmul.f32 v8, v56  }
0x14e: {  	[tilespmem:s29+$0x0] =	vst.add.f32.msk $0xffff, v7;
	v7 =	vadd.f32 v10, v9;
	v6 =	vmul.f32 v6, v15  }
0x14f: {  	v9 =	vor.u32 $0x180, v32;
	v10 =	vld.idx.msk [tilespmem:v13+s2+$0x0], $0xffff;
	v11 =	vmul.f32 v11, v3;
	v5 =	vadd.f32 v8, v5  }
0x150: {  	s0 =	sadd.s32 $0x10280, s24;
	v8 =	vor.u32 $0x180, v33;
	v12 =	vld.idx.msk [tilespmem:v14+s2+$0x0], $0xffff;
	v6 =	vadd.f32 v6, v7  }
0x151: {  	s30 =	sor.u32 s22, s0;
	v13 =	vld.idx.msk [tilespmem:v16+s2+$0x0], $0xffff;
	v7 =	vadd.s32 $0x2300, v18;
	v5 =	vadd.f32 v11, v5  }
0x152: {  	s31 =	sor.u32 $0x100, s9;
	v11 =	vor.u32 $0x180, v34;
	[tilespmem:s30+$0x0] =	vst.add.f32.msk $0xffff, v6  }
0x153: {  	v1 =	vmul.f32 v1, v24;
	v4 =	vmul.f32 v4, v27;
	v6 =	vadd.s32 $0x2300, v20;
	[tilespmem:s31+$0x0] =	vst.add.f32.msk $0xffff, v5  }
0x154: {  	v5 =	vld.idx.msk [tilespmem:v9+s2+$0x0], $0xffff  }
0x155: {  	v2 =	vmul.f32 v2, v54;
	v1 =	vadd.f32 v4, v1;
	v4 =	vadd.s32 $0x2300, v19;
	v8 =	vld.idx.msk [tilespmem:v8+s2+$0x0], $0xffff  }
0x156: {  	v9 =	vadd.s32 $0x2100, v22;
	v10 =	vmul.f32 v10, v29;
	v12 =	vmul.f32 v12, v28;
	v7 =	vld.idx.msk [tilespmem:v7+s2+$0x0], $0xffff  }
0x157: {  	v1 =	vadd.f32 v2, v1;
	v2 =	vld.idx.msk [tilespmem:v11+s2+$0x0], $0xffff  }
0x158: {  	s3 =	sor.u32 s21, s8;
	v10 =	vadd.f32 v12, v10;
	v11 =	vmul.f32 v13, v36;
	v12 =	vor.u32 $0x200, v35;
	v6 =	vld.idx.msk [tilespmem:v6+s2+$0x0], $0xffff  }
0x159: {  	[tilespmem:s3+$0x0] =	vst.add.f32.msk $0xffff, v1;
	v1 =	vor.u32 $0x200, v31;
	v13 =	vor.u32 $0x200, v30  }
0x15a: {  	v4 =	vld.idx.msk [tilespmem:v4+s2+$0x0], $0xffff;
	v10 =	vadd.f32 v11, v10;
	v5 =	vmul.f32 v5, v53;
	v8 =	vmul.f32 v8, v56  }
0x15b: {  	s4 =	sor.u32 $0x180, s6;
	v9 =	vld.idx.msk [tilespmem:v9+s2+$0x0], $0xffff  }
0x15c: {  	v11 =	vor.u32 $0x200, v32;
	[tilespmem:s4+$0x0] =	vst.add.f32.msk $0xffff, v10;
	v2 =	vmul.f32 v2, v3;
	v5 =	vadd.f32 v8, v5  }
0x15d: {  	v7 =	vmul.f32 v7, v17;
	v8 =	vor.u32 $0x200, v33;
	v10 =	vld.idx.msk [tilespmem:v12+s2+$0x0], $0xffff;
	v6 =	vmul.f32 v6, v0  }
0x15e: {  	v1 =	vld.idx.msk [tilespmem:v1+s2+$0x0], $0xffff;
	v2 =	vadd.f32 v2, v5  }
0x15f: {  	s7 =	sor.u32 $0x180, s9;
	v4 =	vmul.f32 v4, v15;
	v5 =	vor.u32 $0x200, v34;
	v6 =	vadd.f32 v6, v7;
	v7 =	vld.idx.msk [tilespmem:v13+s2+$0x0], $0xffff  }
0x160: {  	v12 =	vadd.s32 $0x2380, v18;
	[tilespmem:s7+$0x0] =	vst.add.f32.msk $0xffff, v2  }
0x161: {  	s3 =	sadd.s32 $0x10300, s24;
	v2 =	vadd.s32 $0x2380, v20;
	v4 =	vadd.f32 v4, v6;
	v6 =	vld.idx.msk [tilespmem:v11+s2+$0x0], $0xffff  }
0x162: {  	s8 =	sor.u32 s22, s3;
	v11 =	vadd.s32 $0x2100, v23;
	v8 =	vld.idx.msk [tilespmem:v8+s2+$0x0], $0xffff  }
0x163: {  	v13 =	vadd.s32 $0x2380, v19;
	v1 =	vmul.f32 v1, v28;
	[tilespmem:s8+$0x0] =	vst.add.f32.msk $0xffff, v4;
	v4 =	vmul.f32 v10, v29  }
0x164: {  	v5 =	vld.idx.msk [tilespmem:v5+s2+$0x0], $0xffff  }
0x165: {  	v10 =	vld.idx.msk [tilespmem:v12+s2+$0x0], $0xffff;
	v1 =	vadd.f32 v1, v4;
	v4 =	vmul.f32 v7, v36;
	v7 =	vor.u32 $0x280, v35  }
0x166: {  	v14 =	vor.u32 $0x280, v30;
	v12 =	vor.u32 $0x280, v31;
	v2 =	vld.idx.msk [tilespmem:v2+s2+$0x0], $0xffff  }
0x167: {  	v11 =	vld.idx.msk [tilespmem:v11+s2+$0x0], $0xffff;
	v1 =	vadd.f32 v4, v1;
	v4 =	vmul.f32 v6, v53;
	v6 =	vmul.f32 v8, v56  }
0x168: {  	s11 =	sor.u32 $0x200, s6;
	v8 =	vld.idx.msk [tilespmem:v13+s2+$0x0], $0xffff  }
0x169: {  	v13 =	vor.u32 $0x280, v32;
	[tilespmem:s11+$0x0] =	vst.add.f32.msk $0xffff, v1;
	v1 =	vmul.f32 v5, v3;
	v4 =	vadd.f32 v6, v4  }
0x16a: {  	v5 =	vadd.s32 $0x2100, v21;
	v6 =	vor.u32 $0x280, v33;
	v7 =	vld.idx.msk [tilespmem:v7+s2+$0x0], $0xffff  }
0x16b: {  	v10 =	vmul.f32 v10, v17;
	v2 =	vmul.f32 v2, v0;
	v12 =	vld.idx.msk [tilespmem:v12+s2+$0x0], $0xffff;
	v1 =	vadd.f32 v1, v4  }
0x16c: {  	s15 =	sor.u32 $0x200, s9;
	v14 =	vld.idx.msk [tilespmem:v14+s2+$0x0], $0xffff;
	v4 =	vor.u32 $0x280, v34  }
0x16d: {  	v2 =	vadd.f32 v2, v10;
	v8 =	vmul.f32 v8, v15;
	[tilespmem:s15+$0x0] =	vst.add.f32.msk $0xffff, v1  }
0x16e: {  	v1 =	vadd.s32 $0x3000, v18;
	v10 =	vld.idx.msk [tilespmem:v13+s2+$0x0], $0xffff  }
0x16f: {  	v13 =	vadd.s32 $0x3000, v20;
	v2 =	vadd.f32 v8, v2;
	v6 =	vld.idx.msk [tilespmem:v6+s2+$0x0], $0xffff  }
0x170: {  	s4 =	sadd.s32 $0x10380, s24;
	v5 =	vld.idx.msk [tilespmem:v5+s2+$0x0], $0xffff;
	v8 =	vadd.s32 $0x3000, v19;
	v7 =	vmul.f32 v7, v29;
	v12 =	vmul.f32 v12, v28  }
0x171: {  	s18 =	sor.u32 s22, s4;
	v4 =	vld.idx.msk [tilespmem:v4+s2+$0x0], $0xffff  }
0x172: {  	[tilespmem:s18+$0x0] =	vst.add.f32.msk $0xffff, v2;
	v2 =	vadd.f32 v12, v7;
	v7 =	vmul.f32 v14, v36;
	v12 =	vor.u32 $0x300, v35  }
0x173: {  	v16 =	vor.u32 $0x300, v30;
	v14 =	vor.u32 $0x300, v31;
	v1 =	vld.idx.msk [tilespmem:v1+s2+$0x0], $0xffff  }
0x174: {  	v13 =	vld.idx.msk [tilespmem:v13+s2+$0x0], $0xffff;
	v2 =	vadd.f32 v7, v2;
	v7 =	vmul.f32 v10, v53;
	v6 =	vmul.f32 v6, v56  }
0x175: {  	s19 =	sor.u32 $0x280, s6;
	v8 =	vld.idx.msk [tilespmem:v8+s2+$0x0], $0xffff  }
0x176: {  	v10 =	vor.u32 $0x300, v32;
	[tilespmem:s19+$0x0] =	vst.add.f32.msk $0xffff, v2;
	v2 =	vmul.f32 v4, v3;
	v4 =	vadd.f32 v6, v7  }
0x177: {  	v6 =	vor.u32 $0x300, v33;
	v7 =	vmul.f32 v9, v24;
	v9 =	vmul.f32 v11, v27;
	v11 =	vld.idx.msk [tilespmem:v12+s2+$0x0], $0xffff  }
0x178: {  	v12 =	vld.idx.msk [tilespmem:v14+s2+$0x0], $0xffff;
	v2 =	vadd.f32 v2, v4  }
0x179: {  	s20 =	sor.u32 $0x280, s9;
	v5 =	vmul.f32 v5, v54;
	v4 =	vor.u32 $0x300, v34;
	v7 =	vadd.f32 v9, v7;
	v9 =	vld.idx.msk [tilespmem:v16+s2+$0x0], $0xffff  }
0x17a: {  	v14 =	vadd.s32 $0x2180, v22;
	v1 =	vmul.f32 v1, v17;
	[tilespmem:s20+$0x0] =	vst.add.f32.msk $0xffff, v2  }
0x17b: {  	v13 =	vmul.f32 v13, v0;
	v2 =	vadd.s32 $0x2180, v23;
	v5 =	vadd.f32 v5, v7;
	v7 =	vld.idx.msk [tilespmem:v10+s2+$0x0], $0xffff  }
0x17c: {  	s5 =	sor.u32 s21, s5;
	v8 =	vmul.f32 v8, v15;
	v10 =	vadd.s32 $0x2180, v21;
	v6 =	vld.idx.msk [tilespmem:v6+s2+$0x0], $0xffff  }
0x17d: {  	v1 =	vadd.f32 v13, v1;
	[tilespmem:s5+$0x0] =	vst.add.f32.msk $0xffff, v5;
	v5 =	vmul.f32 v11, v29;
	v11 =	vmul.f32 v12, v28  }
0x17e: {  	v4 =	vld.idx.msk [tilespmem:v4+s2+$0x0], $0xffff;
	v9 =	vmul.f32 v9, v36  }
0x17f: {  	s5 =	sadd.s32 $0x14000, s24;
	v12 =	vld.idx.msk [tilespmem:v14+s2+$0x0], $0xffff;
	v1 =	vadd.f32 v8, v1;
	v5 =	vadd.f32 v11, v5;
	v11 =	vor.u32 $0x380, v35  }
0x180: {  	v13 =	vor.u32 $0x380, v30;
	v8 =	vor.u32 $0x380, v31;
	s23 =	sor.u32 s22, s5;
	v2 =	vld.idx.msk [tilespmem:v2+s2+$0x0], $0xffff  }
0x181: {  	[tilespmem:s23+$0x0] =	vst.add.f32.msk $0xffff, v1;
	v5 =	vadd.f32 v9, v5;
	v7 =	vmul.f32 v7, v53;
	v6 =	vmul.f32 v6, v56  }
0x182: {  	s29 =	sor.u32 $0x300, s6;
	v10 =	vld.idx.msk [tilespmem:v10+s2+$0x0], $0xffff  }
0x183: {  	v1 =	vor.u32 $0x380, v32;
	[tilespmem:s29+$0x0] =	vst.add.f32.msk $0xffff, v5;
	v4 =	vmul.f32 v4, v3;
	v5 =	vadd.f32 v6, v7  }
0x184: {  	v6 =	vor.u32 $0x380, v33;
	v7 =	vld.idx.msk [tilespmem:v11+s2+$0x0], $0xffff  }
0x185: {  	v9 =	vadd.s32 $0x3080, v18;
	v8 =	vld.idx.msk [tilespmem:v8+s2+$0x0], $0xffff;
	v4 =	vadd.f32 v4, v5  }
0x186: {  	s30 =	sor.u32 $0x300, s9;
	v11 =	vld.idx.msk [tilespmem:v13+s2+$0x0], $0xffff;
	v5 =	vor.u32 $0x380, v34  }
0x187: {  	v12 =	vmul.f32 v12, v24;
	v13 =	vadd.s32 $0x3080, v20;
	v2 =	vmul.f32 v2, v27;
	[tilespmem:s30+$0x0] =	vst.add.f32.msk $0xffff, v4  }
0x188: {  	v1 =	vld.idx.msk [tilespmem:v1+s2+$0x0], $0xffff  }
0x189: {  	v2 =	vadd.f32 v2, v12;
	v4 =	vmul.f32 v10, v54;
	v10 =	vadd.s32 $0x3080, v19;
	v6 =	vld.idx.msk [tilespmem:v6+s2+$0x0], $0xffff  }
0x18a: {  	v9 =	vld.idx.msk [tilespmem:v9+s2+$0x0], $0xffff;
	v12 =	vadd.s32 $0x2200, v22;
	v7 =	vmul.f32 v7, v29;
	v8 =	vmul.f32 v8, v28  }
0x18b: {  	v2 =	vadd.f32 v4, v2;
	v4 =	vld.idx.msk [tilespmem:v5+s2+$0x0], $0xffff  }
0x18c: {  	s31 =	sor.u32 s21, s10;
	v5 =	vld.idx.msk [tilespmem:v13+s2+$0x0], $0xffff;
	v7 =	vadd.f32 v8, v7;
	v8 =	vmul.f32 v11, v36;
	v11 =	vadd.s32 $0x1000, v35  }
0x18d: {  	v13 =	vadd.s32 $0x1000, v30;
	[tilespmem:s31+$0x0] =	vst.add.f32.msk $0xffff, v2;
	v2 =	vadd.s32 $0x1000, v31  }
0x18e: {  	v10 =	vld.idx.msk [tilespmem:v10+s2+$0x0], $0xffff;
	v7 =	vadd.f32 v8, v7;
	v1 =	vmul.f32 v1, v53;
	v6 =	vmul.f32 v6, v56  }
0x18f: {  	s6 =	sor.u32 $0x380, s6;
	v8 =	vld.idx.msk [tilespmem:v12+s2+$0x0], $0xffff  }
0x190: {  	v12 =	vadd.s32 $0x1000, v32;
	[tilespmem:s6+$0x0] =	vst.add.f32.msk $0xffff, v7;
	v4 =	vmul.f32 v4, v3;
	v1 =	vadd.f32 v6, v1  }
0x191: {  	v6 =	vadd.s32 $0x1000, v33;
	v7 =	vmul.f32 v9, v17;
	v5 =	vmul.f32 v5, v0;
	v9 =	vld.idx.msk [tilespmem:v11+s2+$0x0], $0xffff  }
0x192: {  	v2 =	vld.idx.msk [tilespmem:v2+s2+$0x0], $0xffff;
	v1 =	vadd.f32 v4, v1  }
0x193: {  	s8 =	sor.u32 $0x380, s9;
	v4 =	vadd.s32 $0x1000, v34;
	v5 =	vadd.f32 v5, v7;
	v7 =	vmul.f32 v10, v15;
	v10 =	vld.idx.msk [tilespmem:v13+s2+$0x0], $0xffff  }
0x194: {  	v11 =	vadd.s32 $0x3100, v18;
	[tilespmem:s8+$0x0] =	vst.add.f32.msk $0xffff, v1  }
0x195: {  	s6 =	sadd.s32 $0x14080, s24;
	v1 =	vadd.s32 $0x3100, v20;
	v5 =	vadd.f32 v7, v5;
	v7 =	vld.idx.msk [tilespmem:v12+s2+$0x0], $0xffff  }
0x196: {  	s9 =	sor.u32 s22, s6;
	v12 =	vadd.s32 $0x2200, v23;
	v6 =	vld.idx.msk [tilespmem:v6+s2+$0x0], $0xffff  }
0x197: {  	v13 =	vadd.s32 $0x3100, v19;
	[tilespmem:s9+$0x0] =	vst.add.f32.msk $0xffff, v5;
	v5 =	vmul.f32 v9, v29;
	v2 =	vmul.f32 v2, v28  }
0x198: {  	v4 =	vld.idx.msk [tilespmem:v4+s2+$0x0], $0xffff  }
0x199: {  	v9 =	vld.idx.msk [tilespmem:v11+s2+$0x0], $0xffff;
	v2 =	vadd.f32 v2, v5;
	v5 =	vmul.f32 v10, v36;
	v10 =	vadd.s32 $0x1080, v35  }
0x19a: {  	v14 =	vadd.s32 $0x1080, v30;
	v11 =	vadd.s32 $0x1080, v31;
	v1 =	vld.idx.msk [tilespmem:v1+s2+$0x0], $0xffff  }
0x19b: {  	s10 =	sadd.s32 $0xC000, s28;
	v12 =	vld.idx.msk [tilespmem:v12+s2+$0x0], $0xffff;
	v2 =	vadd.f32 v5, v2;
	v5 =	vmul.f32 v7, v53;
	v6 =	vmul.f32 v6, v56  }
0x19c: {  	s11 =	sor.u32 s26, s10;
	v7 =	vld.idx.msk [tilespmem:v13+s2+$0x0], $0xffff  }
0x19d: {  	v13 =	vadd.s32 $0x1080, v32;
	[tilespmem:s11+$0x0] =	vst.add.f32.msk $0xffff, v2;
	v2 =	vmul.f32 v4, v3;
	v4 =	vadd.f32 v6, v5  }
0x19e: {  	v5 =	vadd.s32 $0x2200, v21;
	v6 =	vadd.s32 $0x1080, v33;
	v10 =	vld.idx.msk [tilespmem:v10+s2+$0x0], $0xffff  }
0x19f: {  	v9 =	vmul.f32 v9, v17;
	v11 =	vld.idx.msk [tilespmem:v11+s2+$0x0], $0xffff;
	v1 =	vmul.f32 v1, v0;
	v2 =	vadd.f32 v2, v4  }
0x1a0: {  	s7 =	sor.u32 s25, s10;
	v14 =	vld.idx.msk [tilespmem:v14+s2+$0x0], $0xffff;
	v4 =	vadd.s32 $0x1080, v34  }
0x1a1: {  	v7 =	vmul.f32 v7, v15;
	v1 =	vadd.f32 v1, v9;
	[tilespmem:s7+$0x0] =	vst.add.f32.msk $0xffff, v2  }
0x1a2: {  	v2 =	vadd.s32 $0x3180, v18;
	v9 =	vld.idx.msk [tilespmem:v13+s2+$0x0], $0xffff  }
0x1a3: {  	v13 =	vadd.s32 $0x3180, v20;
	v6 =	vld.idx.msk [tilespmem:v6+s2+$0x0], $0xffff;
	v1 =	vadd.f32 v7, v1  }
0x1a4: {  	s9 =	sadd.s32 $0x14100, s24;
	v5 =	vld.idx.msk [tilespmem:v5+s2+$0x0], $0xffff;
	v7 =	vadd.s32 $0x3180, v19;
	v10 =	vmul.f32 v10, v29;
	v11 =	vmul.f32 v11, v28  }
0x1a5: {  	s15 =	sor.u32 s22, s9;
	v4 =	vld.idx.msk [tilespmem:v4+s2+$0x0], $0xffff  }
0x1a6: {  	[tilespmem:s15+$0x0] =	vst.add.f32.msk $0xffff, v1;
	v1 =	vadd.f32 v11, v10;
	v10 =	vmul.f32 v14, v36;
	v11 =	vadd.s32 $0x1100, v35  }
0x1a7: {  	v16 =	vadd.s32 $0x1100, v30;
	v14 =	vadd.s32 $0x1100, v31;
	v2 =	vld.idx.msk [tilespmem:v2+s2+$0x0], $0xffff  }
0x1a8: {  	s18 =	sadd.s32 $0xC080, s28;
	v13 =	vld.idx.msk [tilespmem:v13+s2+$0x0], $0xffff;
	v1 =	vadd.f32 v10, v1;
	v9 =	vmul.f32 v9, v53;
	v6 =	vmul.f32 v6, v56  }
0x1a9: {  	s19 =	sor.u32 s26, s18;
	v7 =	vld.idx.msk [tilespmem:v7+s2+$0x0], $0xffff  }
0x1aa: {  	v10 =	vadd.s32 $0x1100, v32;
	[tilespmem:s19+$0x0] =	vst.add.f32.msk $0xffff, v1;
	v1 =	vmul.f32 v4, v3;
	v4 =	vadd.f32 v6, v9  }
0x1ab: {  	v8 =	vmul.f32 v8, v24;
	v6 =	vadd.s32 $0x1100, v33;
	v9 =	vmul.f32 v12, v27;
	v11 =	vld.idx.msk [tilespmem:v11+s2+$0x0], $0xffff  }
0x1ac: {  	v12 =	vld.idx.msk [tilespmem:v14+s2+$0x0], $0xffff;
	v1 =	vadd.f32 v1, v4  }
0x1ad: {  	s7 =	sor.u32 s25, s18;
	v5 =	vmul.f32 v5, v54;
	v4 =	vadd.s32 $0x1100, v34;
	v8 =	vadd.f32 v9, v8;
	v9 =	vld.idx.msk [tilespmem:v16+s2+$0x0], $0xffff  }
0x1ae: {  	v14 =	vadd.s32 $0x2280, v22;
	v2 =	vmul.f32 v2, v17;
	v13 =	vmul.f32 v13, v0;
	[tilespmem:s7+$0x0] =	vst.add.f32.msk $0xffff, v1  }
0x1af: {  	v1 =	vadd.f32 v5, v8;
	v5 =	vld.idx.msk [tilespmem:v10+s2+$0x0], $0xffff  }
0x1b0: {  	s1 =	sor.u32 s21, s1;
	v8 =	vadd.s32 $0x2280, v23;
	v7 =	vmul.f32 v7, v15;
	v2 =	vadd.f32 v13, v2;
	v6 =	vld.idx.msk [tilespmem:v6+s2+$0x0], $0xffff  }
0x1b1: {  	v10 =	vadd.s32 $0x2280, v21;
	[tilespmem:s1+$0x0] =	vst.add.f32.msk $0xffff, v1;
	v1 =	vmul.f32 v11, v29;
	v11 =	vmul.f32 v12, v28  }
0x1b2: {  	s1 =	sadd.s32 $0x14180, s24;
	v2 =	vadd.f32 v7, v2;
	v4 =	vld.idx.msk [tilespmem:v4+s2+$0x0], $0xffff  }
0x1b3: {  	v7 =	vld.idx.msk [tilespmem:v14+s2+$0x0], $0xffff;
	s20 =	sor.u32 s22, s1;
	v9 =	vmul.f32 v9, v36;
	v1 =	vadd.f32 v11, v1;
	v11 =	vadd.s32 $0x1180, v30  }
0x1b4: {  	v12 =	vadd.s32 $0x1180, v31;
	[tilespmem:s20+$0x0] =	vst.add.f32.msk $0xffff, v2;
	v2 =	vadd.s32 $0x1180, v35  }
0x1b5: {  	s23 =	sadd.s32 $0xC100, s28;
	v8 =	vld.idx.msk [tilespmem:v8+s2+$0x0], $0xffff;
	v1 =	vadd.f32 v9, v1;
	v5 =	vmul.f32 v5, v53;
	v6 =	vmul.f32 v6, v56  }
0x1b6: {  	s29 =	sor.u32 s26, s23;
	v9 =	vld.idx.msk [tilespmem:v10+s2+$0x0], $0xffff  }
0x1b7: {  	v10 =	vadd.s32 $0x1180, v32;
	[tilespmem:s29+$0x0] =	vst.add.f32.msk $0xffff, v1;
	v1 =	vmul.f32 v4, v3;
	v4 =	vadd.f32 v6, v5  }
0x1b8: {  	v5 =	vadd.s32 $0x1180, v33;
	v6 =	vld.idx.msk [tilespmem:v11+s2+$0x0], $0xffff  }
0x1b9: {  	v13 =	vadd.s32 $0x3200, v20;
	v12 =	vld.idx.msk [tilespmem:v12+s2+$0x0], $0xffff;
	v1 =	vadd.f32 v1, v4  }
0x1ba: {  	s7 =	sor.u32 s25, s23;
	v7 =	vmul.f32 v7, v24;
	v2 =	vld.idx.msk [tilespmem:v2+s2+$0x0], $0xffff;
	v4 =	vadd.s32 $0x1180, v34;
	v8 =	vmul.f32 v8, v27  }
0x1bb: {  	[tilespmem:s7+$0x0] =	vst.add.f32.msk $0xffff, v1  }
0x1bc: {  	v1 =	vadd.s32 $0x2300, v22;
	v7 =	vadd.f32 v8, v7;
	v8 =	vmul.f32 v9, v54;
	v9 =	vld.idx.msk [tilespmem:v10+s2+$0x0], $0xffff  }
0x1bd: {  	v10 =	vadd.s32 $0x2300, v23;
	v5 =	vld.idx.msk [tilespmem:v5+s2+$0x0], $0xffff  }
0x1be: {  	v14 =	vadd.s32 $0x3200, v19;
	v13 =	vld.idx.msk [tilespmem:v13+s2+$0x0], $0xffff;
	v7 =	vadd.f32 v8, v7  }
0x1bf: {  	s0 =	sor.u32 s21, s0;
	v8 =	vadd.s32 $0x2300, v21;
	v12 =	vmul.f32 v12, v28;
	v2 =	vmul.f32 v2, v29;
	v4 =	vld.idx.msk [tilespmem:v4+s2+$0x0], $0xffff  }
0x1c0: {  	[tilespmem:s0+$0x0] =	vst.add.f32.msk $0xffff, v7  }
0x1c1: {  	v6 =	vmul.f32 v6, v36;
	v7 =	vadd.s32 $0x1200, v35;
	v1 =	vld.idx.msk [tilespmem:v1+s2+$0x0], $0xffff;
	v2 =	vadd.f32 v12, v2  }
0x1c2: {  	v12 =	vadd.s32 $0x1200, v31;
	v10 =	vld.idx.msk [tilespmem:v10+s2+$0x0], $0xffff;
	v9 =	vmul.f32 v9, v53;
	v5 =	vmul.f32 v5, v56  }
0x1c3: {  	s30 =	sadd.s32 $0xC180, s28;
	v14 =	vld.idx.msk [tilespmem:v14+s2+$0x0], $0xffff;
	v2 =	vadd.f32 v6, v2  }
0x1c4: {  	s31 =	sor.u32 s26, s30;
	v6 =	vld.idx.msk [tilespmem:v8+s2+$0x0], $0xffff;
	v8 =	vadd.s32 $0x1200, v30;
	v4 =	vmul.f32 v4, v3;
	v5 =	vadd.f32 v5, v9  }
0x1c5: {  	v9 =	vadd.s32 $0x1200, v32;
	[tilespmem:s31+$0x0] =	vst.add.f32.msk $0xffff, v2  }
0x1c6: {  	v2 =	vadd.s32 $0x1200, v33;
	v7 =	vld.idx.msk [tilespmem:v7+s2+$0x0], $0xffff;
	v4 =	vadd.f32 v4, v5  }
0x1c7: {  	s0 =	sor.u32 s25, s30;
	v5 =	vadd.s32 $0x1200, v34;
	v1 =	vmul.f32 v1, v24;
	v12 =	vld.idx.msk [tilespmem:v12+s2+$0x0], $0xffff;
	v10 =	vmul.f32 v10, v27  }
0x1c8: {  	[tilespmem:s0+$0x0] =	vst.add.f32.msk $0xffff, v4  }
0x1c9: {  	v4 =	vadd.s32 $0x2380, v22;
	v6 =	vmul.f32 v6, v54;
	v8 =	vld.idx.msk [tilespmem:v8+s2+$0x0], $0xffff;
	v1 =	vadd.f32 v10, v1  }
0x1ca: {  	v10 =	vadd.s32 $0x2380, v23;
	v9 =	vld.idx.msk [tilespmem:v9+s2+$0x0], $0xffff  }
0x1cb: {  	v11 =	vadd.s32 $0x3200, v18;
	v2 =	vld.idx.msk [tilespmem:v2+s2+$0x0], $0xffff;
	v1 =	vadd.f32 v6, v1  }
0x1cc: {  	s7 =	sor.u32 s21, s3;
	v6 =	vadd.s32 $0x2380, v21;
	v5 =	vld.idx.msk [tilespmem:v5+s2+$0x0], $0xffff;
	v7 =	vmul.f32 v7, v29;
	v12 =	vmul.f32 v12, v28  }
0x1cd: {  	[tilespmem:s7+$0x0] =	vst.add.f32.msk $0xffff, v1  }
0x1ce: {  	v1 =	vadd.s32 $0x1280, v35;
	v7 =	vadd.f32 v12, v7;
	v8 =	vmul.f32 v8, v36;
	v4 =	vld.idx.msk [tilespmem:v4+s2+$0x0], $0xffff  }
0x1cf: {  	v12 =	vadd.s32 $0x1280, v31;
	v10 =	vld.idx.msk [tilespmem:v10+s2+$0x0], $0xffff;
	v9 =	vmul.f32 v9, v53  }
0x1d0: {  	s8 =	sadd.s32 $0xC200, s28;
	v11 =	vld.idx.msk [tilespmem:v11+s2+$0x0], $0xffff;
	v2 =	vmul.f32 v2, v56;
	v7 =	vadd.f32 v8, v7;
	v8 =	vadd.s32 $0x1280, v30  }
0x1d1: {  	s10 =	sor.u32 s26, s8;
	v6 =	vld.idx.msk [tilespmem:v6+s2+$0x0], $0xffff  }
0x1d2: {  	v16 =	vadd.s32 $0x1280, v32;
	v5 =	vmul.f32 v5, v3;
	v2 =	vadd.f32 v2, v9;
	[tilespmem:s10+$0x0] =	vst.add.f32.msk $0xffff, v7  }
0x1d3: {  	v7 =	vadd.s32 $0x1280, v33;
	v9 =	vadd.s32 $0x1280, v34;
	v1 =	vld.idx.msk [tilespmem:v1+s2+$0x0], $0xffff  }
0x1d4: {  	v4 =	vmul.f32 v4, v24;
	v2 =	vadd.f32 v5, v2;
	v5 =	vld.idx.msk [tilespmem:v12+s2+$0x0], $0xffff;
	v10 =	vmul.f32 v10, v27  }
0x1d5: {  	v13 =	vmul.f32 v13, v0;
	v11 =	vmul.f32 v11, v17;
	s0 =	sor.u32 s25, s8;
	v8 =	vld.idx.msk [tilespmem:v8+s2+$0x0], $0xffff  }
0x1d6: {  	v12 =	vadd.s32 $0x3000, v22;
	v6 =	vmul.f32 v6, v54;
	v4 =	vadd.f32 v10, v4;
	[tilespmem:s0+$0x0] =	vst.add.f32.msk $0xffff, v2  }
0x1d7: {  	v2 =	vadd.s32 $0x3000, v23;
	v10 =	vld.idx.msk [tilespmem:v16+s2+$0x0], $0xffff  }
0x1d8: {  	v11 =	vadd.f32 v13, v11;
	v13 =	vmul.f32 v14, v15;
	v4 =	vadd.f32 v6, v4;
	v6 =	vld.idx.msk [tilespmem:v7+s2+$0x0], $0xffff  }
0x1d9: {  	s11 =	sor.u32 s21, s4;
	v9 =	vld.idx.msk [tilespmem:v9+s2+$0x0], $0xffff;
	v7 =	vadd.s32 $0x3000, v21;
	v1 =	vmul.f32 v1, v29;
	v5 =	vmul.f32 v5, v28  }
0x1da: {  	v11 =	vadd.f32 v13, v11;
	[tilespmem:s11+$0x0] =	vst.add.f32.msk $0xffff, v4  }
0x1db: {  	s0 =	sadd.s32 $0x14200, s24;
	v4 =	vmul.f32 v8, v36;
	v1 =	vadd.f32 v5, v1;
	v5 =	vadd.s32 $0x1300, v35;
	v8 =	vld.idx.msk [tilespmem:v12+s2+$0x0], $0xffff  }
0x1dc: {  	s15 =	sor.u32 s22, s0;
	v12 =	vadd.s32 $0x1300, v31;
	v2 =	vld.idx.msk [tilespmem:v2+s2+$0x0], $0xffff;
	v10 =	vmul.f32 v10, v53  }
0x1dd: {  	s18 =	sadd.s32 $0xC280, s28;
	[tilespmem:s15+$0x0] =	vst.add.f32.msk $0xffff, v11;
	v1 =	vadd.f32 v4, v1;
	v4 =	vmul.f32 v6, v56;
	v6 =	vadd.s32 $0x1300, v30  }
0x1de: {  	s19 =	sor.u32 s26, s18;
	v7 =	vld.idx.msk [tilespmem:v7+s2+$0x0], $0xffff  }
0x1df: {  	v11 =	vadd.s32 $0x1300, v32;
	v9 =	vmul.f32 v9, v3;
	[tilespmem:s19+$0x0] =	vst.add.f32.msk $0xffff, v1;
	v1 =	vadd.f32 v4, v10  }
0x1e0: {  	v4 =	vadd.s32 $0x1300, v33;
	v10 =	vadd.s32 $0x1300, v34;
	v5 =	vld.idx.msk [tilespmem:v5+s2+$0x0], $0xffff  }
0x1e1: {  	v12 =	vld.idx.msk [tilespmem:v12+s2+$0x0], $0xffff;
	v8 =	vmul.f32 v8, v24;
	v2 =	vmul.f32 v2, v27;
	v1 =	vadd.f32 v9, v1  }
0x1e2: {  	s3 =	sor.u32 s25, s18;
	v6 =	vld.idx.msk [tilespmem:v6+s2+$0x0], $0xffff  }
0x1e3: {  	v9 =	vadd.s32 $0x3080, v22;
	v7 =	vmul.f32 v7, v54;
	[tilespmem:s3+$0x0] =	vst.add.f32.msk $0xffff, v1;
	v1 =	vadd.f32 v2, v8  }
0x1e4: {  	v2 =	vadd.s32 $0x3080, v23;
	v8 =	vld.idx.msk [tilespmem:v11+s2+$0x0], $0xffff  }
0x1e5: {  	v11 =	vadd.s32 $0x3280, v18;
	v4 =	vld.idx.msk [tilespmem:v4+s2+$0x0], $0xffff;
	v1 =	vadd.f32 v7, v1  }
0x1e6: {  	s20 =	sor.u32 s21, s5;
	v10 =	vld.idx.msk [tilespmem:v10+s2+$0x0], $0xffff;
	v7 =	vadd.s32 $0x3080, v21;
	v5 =	vmul.f32 v5, v29;
	v12 =	vmul.f32 v12, v28  }
0x1e7: {  	[tilespmem:s20+$0x0] =	vst.add.f32.msk $0xffff, v1  }
0x1e8: {  	v1 =	vadd.f32 v12, v5;
	v5 =	vmul.f32 v6, v36;
	v6 =	vadd.s32 $0x1380, v35;
	v9 =	vld.idx.msk [tilespmem:v9+s2+$0x0], $0xffff  }
0x1e9: {  	v12 =	vadd.s32 $0x1380, v31;
	v2 =	vld.idx.msk [tilespmem:v2+s2+$0x0], $0xffff;
	v8 =	vmul.f32 v8, v53  }
0x1ea: {  	s23 =	sadd.s32 $0xC300, s28;
	v13 =	vld.idx.msk [tilespmem:v11+s2+$0x0], $0xffff;
	v1 =	vadd.f32 v5, v1;
	v4 =	vmul.f32 v4, v56;
	v5 =	vadd.s32 $0x1380, v30  }
0x1eb: {  	s29 =	sor.u32 s26, s23;
	v7 =	vld.idx.msk [tilespmem:v7+s2+$0x0], $0xffff  }
0x1ec: {  	v11 =	vadd.s32 $0x1380, v32;
	v10 =	vmul.f32 v10, v3;
	[tilespmem:s29+$0x0] =	vst.add.f32.msk $0xffff, v1;
	v1 =	vadd.f32 v4, v8  }
0x1ed: {  	v4 =	vadd.s32 $0x1380, v33;
	v8 =	vadd.s32 $0x1380, v34;
	v6 =	vld.idx.msk [tilespmem:v6+s2+$0x0], $0xffff  }
0x1ee: {  	v12 =	vld.idx.msk [tilespmem:v12+s2+$0x0], $0xffff;
	v9 =	vmul.f32 v9, v24;
	v1 =	vadd.f32 v10, v1;
	v2 =	vmul.f32 v2, v27  }
0x1ef: {  	s3 =	sor.u32 s25, s23;
	v5 =	vld.idx.msk [tilespmem:v5+s2+$0x0], $0xffff  }
0x1f0: {  	v10 =	vadd.s32 $0x3100, v22;
	v7 =	vmul.f32 v7, v54;
	[tilespmem:s3+$0x0] =	vst.add.f32.msk $0xffff, v1;
	v1 =	vadd.f32 v2, v9  }
0x1f1: {  	v2 =	vadd.s32 $0x3100, v23;
	v9 =	vld.idx.msk [tilespmem:v11+s2+$0x0], $0xffff  }
0x1f2: {  	v11 =	vadd.s32 $0x3280, v20;
	v4 =	vld.idx.msk [tilespmem:v4+s2+$0x0], $0xffff;
	v1 =	vadd.f32 v7, v1  }
0x1f3: {  	s30 =	sor.u32 s21, s6;
	v8 =	vld.idx.msk [tilespmem:v8+s2+$0x0], $0xffff;
	v7 =	vadd.s32 $0x3100, v21;
	v6 =	vmul.f32 v6, v29;
	v12 =	vmul.f32 v12, v28  }
0x1f4: {  	[tilespmem:s30+$0x0] =	vst.add.f32.msk $0xffff, v1  }
0x1f5: {  	v1 =	vadd.f32 v12, v6;
	v5 =	vmul.f32 v5, v36;
	v6 =	vadd.s32 $0x2000, v35;
	v10 =	vld.idx.msk [tilespmem:v10+s2+$0x0], $0xffff  }
0x1f6: {  	v12 =	vadd.s32 $0x2000, v31;
	v2 =	vld.idx.msk [tilespmem:v2+s2+$0x0], $0xffff;
	v9 =	vmul.f32 v9, v53  }
0x1f7: {  	s31 =	sadd.s32 $0xC380, s28;
	v14 =	vld.idx.msk [tilespmem:v11+s2+$0x0], $0xffff;
	v1 =	vadd.f32 v5, v1;
	v4 =	vmul.f32 v4, v56;
	v5 =	vadd.s32 $0x2000, v30  }
0x1f8: {  	s5 =	sor.u32 s26, s31;
	v7 =	vld.idx.msk [tilespmem:v7+s2+$0x0], $0xffff  }
0x1f9: {  	v11 =	vadd.s32 $0x2000, v32;
	v8 =	vmul.f32 v8, v3;
	[tilespmem:s5+$0x0] =	vst.add.f32.msk $0xffff, v1;
	v1 =	vadd.f32 v4, v9  }
0x1fa: {  	v4 =	vadd.s32 $0x2000, v33;
	v9 =	vadd.s32 $0x2000, v34;
	v6 =	vld.idx.msk [tilespmem:v6+s2+$0x0], $0xffff  }
0x1fb: {  	v12 =	vld.idx.msk [tilespmem:v12+s2+$0x0], $0xffff;
	v10 =	vmul.f32 v10, v24;
	v1 =	vadd.f32 v8, v1;
	v2 =	vmul.f32 v2, v27  }
0x1fc: {  	s3 =	sor.u32 s25, s31;
	v5 =	vld.idx.msk [tilespmem:v5+s2+$0x0], $0xffff  }
0x1fd: {  	v8 =	vadd.s32 $0x3180, v22;
	v7 =	vmul.f32 v7, v54;
	[tilespmem:s3+$0x0] =	vst.add.f32.msk $0xffff, v1;
	v1 =	vadd.f32 v2, v10  }
0x1fe: {  	v2 =	vadd.s32 $0x3180, v23;
	v10 =	vld.idx.msk [tilespmem:v11+s2+$0x0], $0xffff  }
0x1ff: {  	v11 =	vadd.s32 $0x3280, v19;
	v4 =	vld.idx.msk [tilespmem:v4+s2+$0x0], $0xffff;
	v1 =	vadd.f32 v7, v1  }
0x200: {  	s6 =	sor.u32 s21, s9;
	v9 =	vld.idx.msk [tilespmem:v9+s2+$0x0], $0xffff;
	v7 =	vadd.s32 $0x3180, v21;
	v6 =	vmul.f32 v6, v29;
	v12 =	vmul.f32 v12, v28  }
0x201: {  	[tilespmem:s6+$0x0] =	vst.add.f32.msk $0xffff, v1  }
0x202: {  	v1 =	vadd.f32 v12, v6;
	v5 =	vmul.f32 v5, v36;
	v6 =	vadd.s32 $0x2080, v35;
	v8 =	vld.idx.msk [tilespmem:v8+s2+$0x0], $0xffff  }
0x203: {  	v12 =	vadd.s32 $0x2080, v31;
	v2 =	vld.idx.msk [tilespmem:v2+s2+$0x0], $0xffff;
	v10 =	vmul.f32 v10, v53  }
0x204: {  	s7 =	sadd.s32 $0x10000, s28;
	v25 =	vld.idx.msk [tilespmem:v11+s2+$0x0], $0xffff;
	v1 =	vadd.f32 v5, v1;
	v4 =	vmul.f32 v4, v56;
	v5 =	vadd.s32 $0x2080, v30  }
0x205: {  	s8 =	sor.u32 s26, s7;
	v7 =	vld.idx.msk [tilespmem:v7+s2+$0x0], $0xffff  }
0x206: {  	v11 =	vadd.s32 $0x2080, v32;
	v9 =	vmul.f32 v9, v3;
	[tilespmem:s8+$0x0] =	vst.add.f32.msk $0xffff, v1;
	v1 =	vadd.f32 v4, v10  }
0x207: {  	v4 =	vadd.s32 $0x2080, v33;
	v6 =	vld.idx.msk [tilespmem:v6+s2+$0x0], $0xffff  }
0x208: {  	v10 =	vadd.s32 $0x2080, v34;
	v12 =	vld.idx.msk [tilespmem:v12+s2+$0x0], $0xffff;
	v1 =	vadd.f32 v9, v1  }
0x209: {  	s3 =	sor.u32 s25, s7;
	v5 =	vld.idx.msk [tilespmem:v5+s2+$0x0], $0xffff  }
0x20a: {  	s23 =	simm.s32 $0x40;
	[tilespmem:s3+$0x0] =	vst.add.f32.msk $0xffff, v1  }
0x20b: {  	s9 =	simm.s32 $0x100;
	s18 =	sand.u32 $0x60, s23;
	v8 =	vmul.f32 v8, v24;
	v2 =	vmul.f32 v2, v27;
	v11 =	vld.idx.msk [tilespmem:v11+s2+$0x0], $0xffff  }
0x20c: {  	s19 =	sor.u32 $0x10, s18;
	s3 =	sand.u32 $0xFFFFFE00, s9;
	v26 =	vld.idx.msk [tilespmem:v4+s2+$0x0], $0xffff  }
0x20d: {  	v9 =	vadd.s32 $0x3200, v22;
	v7 =	vmul.f32 v7, v54;
	v1 =	vadd.f32 v2, v8;
	v37 =	vld.idx.msk [tilespmem:v10+s2+$0x0], $0xffff;
	s10 =	sor.u32 s3, s19  }
0x20e: {  	v2 =	vmul.f32 v6, v29;
	v4 =	vmul.f32 v12, v28;
	v6 =	vld [tilespmem:s10+$0x4100]  }
0x20f: {  	s3 =	sor.u32 s18, s3;
	v1 =	vadd.f32 v7, v1;
	v8 =	vld [tilespmem:s10+$0x4000]  }
0x210: {  	s1 =	sor.u32 s21, s1;
	v12 =	vld [tilespmem:s3+$0x4000];
	v2 =	vadd.f32 v4, v2;
	v4 =	vmul.f32 v5, v36;
	v5 =	vadd.s32 $0x2100, v35  }
0x211: {  	v7 =	vadd.s32 $0x2100, v31;
	[tilespmem:s1+$0x0] =	vst.add.f32.msk $0xffff, v1  }
0x212: {  	s11 =	sadd.s32 $0x10080, s28;
	v1 =	vld.idx.msk [tilespmem:v9+s2+$0x0], $0xffff;
	v2 =	vadd.f32 v4, v2  }
0x213: {  	s15 =	sor.u32 s26, s11;
	v9 =	vadd.s32 $0x2100, v30;
	v4 =	vld [tilespmem:s10+$0x4080]  }
0x214: {  	[tilespmem:s15+$0x0] =	vst.add.f32.msk $0xffff, v2  }
0x215: {  	v2 =	vld.idx.msk [tilespmem:v5+s2+$0x0], $0xffff  }
0x216: {  	v7 =	vld.idx.msk [tilespmem:v7+s2+$0x0], $0xffff  }
0x217: {  	v39 =	vld [tilespmem:s3+$0x4080];
	v16 =	vshll.u32 v6, $0x3;
	v5 =	vshll.u32 v8, $0x3  }
0x218: {  	v8 =	vand.u32 $0x7F, v8;
	v38 =	vld.idx.msk [tilespmem:v9+s2+$0x0], $0xffff;
	v5 =	vand.u32 $0xFFFFFC00, v5;
	v9 =	vshll.u32 v4, $0x3  }
0x219: {  	v40 =	vld [tilespmem:s3+$0x4100];
	v8 =	vor.u32 v8, v5;
	v5 =	vand.u32 $0x7F, v4;
	v9 =	vand.u32 $0xFFFFFC00, v9  }
0x21a: {  	v6 =	vand.u32 $0x7F, v6;
	v4 =	vld [tilespmem:s3+$0x6000];
	v10 =	vor.u32 v5, v9;
	v9 =	vand.u32 $0xFFFFFC00, v16  }
0x21b: {  	v5 =	vld [tilespmem:s10+$0x6100];
	v9 =	vor.u32 v6, v9;
	v2 =	vmul.f32 v2, v29;
	v16 =	vmul.f32 v7, v28  }
0x21c: {  	v6 =	vld [tilespmem:s10+$0x6000]  }
0x21d: {  	v41 =	vadd.s32 $0x2180, v35;
	v7 =	vld [tilespmem:s10+$0x6080];
	v2 =	vadd.f32 v16, v2;
	v16 =	vmul.f32 v38, v36  }
0x21e: {  	v43 =	vadd.s32 $0x2180, v31;
	v42 =	vld.idx.msk [tilespmem:v8+s2+$0x0], $0xffff  }
0x21f: {  	v46 =	vadd.s32 $0x2180, v30;
	s5 =	sadd.s32 $0x10100, s28;
	v58 =	vshll.u32 v12, $0x3;
	v44 =	vld.idx.msk [tilespmem:v10+s2+$0x0], $0xffff;
	v16 =	vadd.f32 v16, v2  }
0x220: {  	s20 =	sor.u32 s26, s5;
	v12 =	vand.u32 $0x7F, v12;
	v38 =	vand.u32 $0xFFFFFC00, v58;
	v2 =	vshll.u32 v39, $0x3;
	v45 =	vld.idx.msk [tilespmem:v9+s2+$0x0], $0xffff  }
0x221: {  	v39 =	vand.u32 $0x7F, v39;
	v47 =	vand.u32 $0xFFFFFC00, v2;
	v2 =	vor.u32 v12, v38;
	[tilespmem:s20+$0x0] =	vst.add.f32.msk $0xffff, v16  }
0x222: {  	v12 =	vshll.u32 v40, $0x3;
	v38 =	vor.u32 v39, v47;
	v59 =	vld.idx.msk [tilespmem:v41+s2+$0x0], $0xffff  }
0x223: {  	v16 =	vand.u32 $0x7F, v40;
	v12 =	vand.u32 $0xFFFFFC00, v12;
	v60 =	vld.idx.msk [tilespmem:v43+s2+$0x0], $0xffff  }
0x224: {  	v26 =	vmul.f32 v26, v56;
	v16 =	vor.u32 v16, v12;
	v12 =	vmul.f32 v11, v53;
	v11 =	vld [tilespmem:s3+$0x6080]  }
0x225: {  	v61 =	vmul.f32 v42, v6;
	v63 =	vld.idx.msk [tilespmem:v46+s2+$0x0], $0xffff;
	v62 =	vmul.f32 v44, v7  }
0x226: {  	v37 =	vmul.f32 v37, v3;
	v12 =	vadd.f32 v26, v12;
	v26 =	vld.idx.msk [tilespmem:v2+s2+$0x0], $0xffff  }
0x227: {  	s29 =	simm.s32 $0x200;
	v55 =	vor.u32 $0x80, v8;
	v52 =	vmul.f32 v45, v5;
	v44 =	vld.idx.msk [tilespmem:v38+s2+$0x0], $0xffff;
	v41 =	vadd.f32 v62, v61  }
0x228: {  	v57 =	vor.u32 $0x80, v10;
	s20 =	sand.u32 $0x3FFFFC00, s29;
	v37 =	vadd.f32 v37, v12;
	v12 =	vld [tilespmem:s3+$0x6100]  }
0x229: {  	s30 =	sor.u32 s25, s11;
	v48 =	vor.u32 $0x80, v9;
	s31 =	sadd.s32 $0x8000, s20;
	v46 =	vld.idx.msk [tilespmem:v16+s2+$0x0], $0xffff;
	v41 =	vadd.f32 v52, v41  }
0x22a: {  	s1 =	sor.u32 s19, s31;
	v62 =	vadd.s32 $0x2100, v32;
	v39 =	vmul.f32 v59, v29;
	v40 =	vmul.f32 v60, v28;
	[tilespmem:s30+$0x0] =	vst.add.f32.msk $0xffff, v37  }
0x22b: {  	[tilespmem:s1+$0x0] =	vst.add.f32.msk $0xffff, v41  }
0x22c: {  	v59 =	vmul.f32 v63, v36;
	v60 =	vadd.s32 $0x2200, v35;
	v58 =	vadd.f32 v40, v39;
	v41 =	vld.idx.msk [tilespmem:v55+s2+$0x0], $0xffff  }
0x22d: {  	v61 =	vadd.s32 $0x2200, v31;
	v26 =	vmul.f32 v26, v4;
	v63 =	vld.idx.msk [tilespmem:v57+s2+$0x0], $0xffff  }
0x22e: {  	s3 =	sadd.s32 $0x10180, s28;
	v37 =	vadd.f32 v59, v58;
	v52 =	vmul.f32 v44, v11;
	v55 =	vld.idx.msk [tilespmem:v48+s2+$0x0], $0xffff;
	v57 =	vadd.s32 $0x2200, v30  }
0x22f: {  	s7 =	sor.u32 s26, s3;
	v43 =	vld.idx.msk [tilespmem:v62+s2+$0x0], $0xffff  }
0x230: {  	v58 =	vor.u32 $0x80, v2;
	v46 =	vmul.f32 v46, v12;
	[tilespmem:s7+$0x0] =	vst.add.f32.msk $0xffff, v37;
	v26 =	vadd.f32 v52, v26  }
0x231: {  	v59 =	vld.idx.msk [tilespmem:v60+s2+$0x0], $0xffff;
	v60 =	vor.u32 $0x80, v38  }
0x232: {  	v42 =	vld.idx.msk [tilespmem:v61+s2+$0x0], $0xffff;
	v61 =	vor.u32 $0x80, v16;
	v26 =	vadd.f32 v46, v26  }
0x233: {  	s6 =	sor.u32 s18, s31;
	v62 =	vadd.s32 $0x2100, v33;
	v41 =	vmul.f32 v41, v6;
	v45 =	vmul.f32 v63, v7;
	v47 =	vld.idx.msk [tilespmem:v57+s2+$0x0], $0xffff  }
0x234: {  	[tilespmem:s6+$0x0] =	vst.add.f32.msk $0xffff, v26  }
0x235: {  	v52 =	vmul.f32 v55, v5;
	v55 =	vor.u32 $0x100, v8;
	v26 =	vld.idx.msk [tilespmem:v58+s2+$0x0], $0xffff;
	v63 =	vadd.f32 v45, v41  }
0x236: {  	v49 =	vor.u32 $0x100, v9;
	v57 =	vor.u32 $0x100, v10;
	v40 =	vld.idx.msk [tilespmem:v60+s2+$0x0], $0xffff  }
0x237: {  	v48 =	vld.idx.msk [tilespmem:v61+s2+$0x0], $0xffff;
	v39 =	vmul.f32 v59, v29;
	v58 =	vmul.f32 v42, v28;
	v37 =	vadd.f32 v52, v63  }
0x238: {  	s8 =	sor.u32 $0x80, s1;
	v42 =	vld.idx.msk [tilespmem:v62+s2+$0x0], $0xffff  }
0x239: {  	v63 =	vadd.s32 $0x2100, v34;
	v59 =	vadd.f32 v58, v39;
	v60 =	vmul.f32 v47, v36;
	[tilespmem:s8+$0x0] =	vst.add.f32.msk $0xffff, v37  }
0x23a: {  	v61 =	vadd.s32 $0x2280, v35;
	v44 =	vld.idx.msk [tilespmem:v55+s2+$0x0], $0xffff  }
0x23b: {  	s4 =	sadd.s32 $0x10200, s28;
	v62 =	vadd.s32 $0x2280, v31;
	v45 =	vld.idx.msk [tilespmem:v57+s2+$0x0], $0xffff;
	v37 =	vadd.f32 v60, v59  }
0x23c: {  	s9 =	sor.u32 s26, s4;
	v26 =	vmul.f32 v26, v4;
	v55 =	vld.idx.msk [tilespmem:v49+s2+$0x0], $0xffff;
	v57 =	vadd.s32 $0x2280, v30;
	v52 =	vmul.f32 v40, v11  }
0x23d: {  	[tilespmem:s9+$0x0] =	vst.add.f32.msk $0xffff, v37  }
0x23e: {  	v58 =	vor.u32 $0x100, v2;
	v48 =	vmul.f32 v48, v12;
	v47 =	vld.idx.msk [tilespmem:v63+s2+$0x0], $0xffff;
	v26 =	vadd.f32 v52, v26  }
0x23f: {  	v60 =	vor.u32 $0x100, v38;
	v59 =	vld.idx.msk [tilespmem:v61+s2+$0x0], $0xffff  }
0x240: {  	v50 =	vor.u32 $0x100, v16;
	v46 =	vld.idx.msk [tilespmem:v62+s2+$0x0], $0xffff;
	v26 =	vadd.f32 v48, v26  }
0x241: {  	s10 =	sor.u32 $0x80, s6;
	v61 =	vadd.s32 $0x3200, v23;
	v44 =	vmul.f32 v44, v6;
	v45 =	vmul.f32 v45, v7;
	v49 =	vld.idx.msk [tilespmem:v57+s2+$0x0], $0xffff  }
0x242: {  	v43 =	vmul.f32 v43, v53;
	v42 =	vmul.f32 v42, v56;
	[tilespmem:s10+$0x0] =	vst.add.f32.msk $0xffff, v26  }
0x243: {  	v40 =	vmul.f32 v55, v5;
	v26 =	vadd.f32 v45, v44;
	v37 =	vld.idx.msk [tilespmem:v58+s2+$0x0], $0xffff  }
0x244: {  	v62 =	vor.u32 $0x180, v8;
	v42 =	vadd.f32 v42, v43;
	v47 =	vmul.f32 v47, v3;
	v41 =	vld.idx.msk [tilespmem:v60+s2+$0x0], $0xffff  }
0x245: {  	v51 =	vor.u32 $0x180, v9;
	v63 =	vor.u32 $0x180, v10;
	v50 =	vld.idx.msk [tilespmem:v50+s2+$0x0], $0xffff;
	v40 =	vadd.f32 v40, v26  }
0x246: {  	s11 =	sor.u32 $0x100, s1;
	v39 =	vmul.f32 v59, v29;
	v46 =	vmul.f32 v46, v28;
	v26 =	vld.idx.msk [tilespmem:v61+s2+$0x0], $0xffff;
	v61 =	vadd.f32 v47, v42  }
0x247: {  	s5 =	sor.u32 s25, s5;
	[tilespmem:s11+$0x0] =	vst.add.f32.msk $0xffff, v40  }
0x248: {  	v55 =	vadd.s32 $0x2300, v35;
	v39 =	vadd.f32 v46, v39;
	v52 =	vmul.f32 v49, v36;
	[tilespmem:s5+$0x0] =	vst.add.f32.msk $0xffff, v61  }
0x249: {  	v57 =	vadd.s32 $0x2300, v31;
	v59 =	vadd.s32 $0x2300, v30;
	v44 =	vld.idx.msk [tilespmem:v62+s2+$0x0], $0xffff  }
0x24a: {  	s10 =	sadd.s32 $0x10280, s28;
	v43 =	vld.idx.msk [tilespmem:v63+s2+$0x0], $0xffff;
	v39 =	vadd.f32 v52, v39;
	v37 =	vmul.f32 v37, v4;
	v58 =	vmul.f32 v41, v11  }
0x24b: {  	s15 =	sor.u32 s26, s10;
	v41 =	vld.idx.msk [tilespmem:v51+s2+$0x0], $0xffff  }
0x24c: {  	v60 =	vor.u32 $0x180, v2;
	v62 =	vmul.f32 v50, v12;
	[tilespmem:s15+$0x0] =	vst.add.f32.msk $0xffff, v39;
	v37 =	vadd.f32 v58, v37  }
0x24d: {  	v63 =	vor.u32 $0x180, v38;
	v40 =	vld.idx.msk [tilespmem:v55+s2+$0x0], $0xffff  }
0x24e: {  	v52 =	vld.idx.msk [tilespmem:v57+s2+$0x0], $0xffff;
	v55 =	vor.u32 $0x180, v16;
	v37 =	vadd.f32 v62, v37  }
0x24f: {  	s29 =	sor.u32 $0x100, s6;
	v57 =	vadd.s32 $0x2180, v32;
	v59 =	vld.idx.msk [tilespmem:v59+s2+$0x0], $0xffff;
	v58 =	vmul.f32 v44, v6;
	v43 =	vmul.f32 v43, v7  }
0x250: {  	[tilespmem:s29+$0x0] =	vst.add.f32.msk $0xffff, v37  }
0x251: {  	v62 =	vor.u32 $0x200, v10;
	v41 =	vmul.f32 v41, v5;
	v42 =	vadd.f32 v43, v58;
	v37 =	vld.idx.msk [tilespmem:v60+s2+$0x0], $0xffff  }
0x252: {  	v60 =	vor.u32 $0x200, v8;
	v61 =	vld.idx.msk [tilespmem:v63+s2+$0x0], $0xffff;
	v63 =	vor.u32 $0x200, v9  }
0x253: {  	v48 =	vld.idx.msk [tilespmem:v55+s2+$0x0], $0xffff;
	v40 =	vmul.f32 v40, v29;
	v52 =	vmul.f32 v52, v28;
	v41 =	vadd.f32 v41, v42  }
0x254: {  	s30 =	sor.u32 $0x180, s1;
	v39 =	vld.idx.msk [tilespmem:v57+s2+$0x0], $0xffff  }
0x255: {  	v55 =	vmul.f32 v59, v36;
	v57 =	vadd.s32 $0x2380, v35;
	v40 =	vadd.f32 v52, v40;
	[tilespmem:s30+$0x0] =	vst.add.f32.msk $0xffff, v41  }
0x256: {  	v58 =	vadd.s32 $0x2380, v31;
	v46 =	vld.idx.msk [tilespmem:v62+s2+$0x0], $0xffff  }
0x257: {  	s11 =	sadd.s32 $0x10300, s28;
	v59 =	vadd.s32 $0x2180, v33;
	v40 =	vadd.f32 v55, v40;
	v43 =	vld.idx.msk [tilespmem:v60+s2+$0x0], $0xffff  }
0x258: {  	s31 =	sor.u32 s26, s11;
	v62 =	vadd.s32 $0x2380, v30;
	v37 =	vmul.f32 v37, v4;
	v60 =	vmul.f32 v61, v11;
	v61 =	vld.idx.msk [tilespmem:v63+s2+$0x0], $0xffff  }
0x259: {  	[tilespmem:s31+$0x0] =	vst.add.f32.msk $0xffff, v40  }
0x25a: {  	v63 =	vor.u32 $0x200, v2;
	v48 =	vmul.f32 v48, v12;
	v37 =	vadd.f32 v60, v37;
	v41 =	vld.idx.msk [tilespmem:v57+s2+$0x0], $0xffff  }
0x25b: {  	v52 =	vor.u32 $0x200, v38;
	v55 =	vor.u32 $0x200, v16;
	v44 =	vld.idx.msk [tilespmem:v58+s2+$0x0], $0xffff  }
0x25c: {  	v47 =	vld.idx.msk [tilespmem:v59+s2+$0x0], $0xffff;
	v37 =	vadd.f32 v48, v37;
	v46 =	vmul.f32 v46, v7;
	v43 =	vmul.f32 v43, v6  }
0x25d: {  	s7 =	sor.u32 $0x180, s6;
	v57 =	vld.idx.msk [tilespmem:v62+s2+$0x0], $0xffff  }
0x25e: {  	v60 =	vor.u32 $0x280, v8;
	v59 =	vmul.f32 v61, v5;
	[tilespmem:s7+$0x0] =	vst.add.f32.msk $0xffff, v37;
	v58 =	vadd.f32 v46, v43  }
0x25f: {  	v62 =	vadd.s32 $0x2180, v34;
	v61 =	vor.u32 $0x280, v10;
	v40 =	vld.idx.msk [tilespmem:v63+s2+$0x0], $0xffff  }
0x260: {  	v42 =	vld.idx.msk [tilespmem:v52+s2+$0x0], $0xffff;
	v41 =	vmul.f32 v41, v29;
	v44 =	vmul.f32 v44, v28;
	v37 =	vadd.f32 v59, v58  }
0x261: {  	s8 =	sor.u32 $0x200, s1;
	v63 =	vor.u32 $0x280, v9;
	v50 =	vld.idx.msk [tilespmem:v55+s2+$0x0], $0xffff  }
0x262: {  	v52 =	vadd.f32 v44, v41;
	v55 =	vmul.f32 v57, v36;
	[tilespmem:s8+$0x0] =	vst.add.f32.msk $0xffff, v37  }
0x263: {  	v57 =	vadd.s32 $0x3000, v35;
	v45 =	vld.idx.msk [tilespmem:v60+s2+$0x0], $0xffff  }
0x264: {  	v58 =	vadd.s32 $0x3000, v31;
	v37 =	vadd.f32 v55, v52;
	v46 =	vld.idx.msk [tilespmem:v61+s2+$0x0], $0xffff  }
0x265: {  	s15 =	sadd.s32 $0x10380, s28;
	v49 =	vld.idx.msk [tilespmem:v62+s2+$0x0], $0xffff;
	v40 =	vmul.f32 v40, v4;
	v59 =	vmul.f32 v42, v11;
	v60 =	vadd.s32 $0x3000, v30  }
0x266: {  	s9 =	sor.u32 s26, s15;
	v43 =	vld.idx.msk [tilespmem:v63+s2+$0x0], $0xffff  }
0x267: {  	v61 =	vor.u32 $0x280, v2;
	v50 =	vmul.f32 v50, v12;
	[tilespmem:s9+$0x0] =	vst.add.f32.msk $0xffff, v37;
	v62 =	vadd.f32 v59, v40  }
0x268: {  	v55 =	vor.u32 $0x280, v16;
	v63 =	vor.u32 $0x280, v38;
	v44 =	vld.idx.msk [tilespmem:v57+s2+$0x0], $0xffff  }
0x269: {  	v48 =	vld.idx.msk [tilespmem:v58+s2+$0x0], $0xffff;
	v37 =	vadd.f32 v50, v62;
	v45 =	vmul.f32 v45, v6;
	v46 =	vmul.f32 v46, v7  }
0x26a: {  	s29 =	sor.u32 $0x200, s6;
	v42 =	vld.idx.msk [tilespmem:v60+s2+$0x0], $0xffff  }
0x26b: {  	v58 =	vor.u32 $0x300, v8;
	v43 =	vmul.f32 v43, v5;
	[tilespmem:s29+$0x0] =	vst.add.f32.msk $0xffff, v37;
	v57 =	vadd.f32 v46, v45  }
0x26c: {  	v60 =	vor.u32 $0x300, v10;
	v59 =	vld.idx.msk [tilespmem:v61+s2+$0x0], $0xffff  }
0x26d: {  	v61 =	vadd.s32 $0x3200, v21;
	v40 =	vld.idx.msk [tilespmem:v63+s2+$0x0], $0xffff;
	v37 =	vadd.f32 v43, v57  }
0x26e: {  	s30 =	sor.u32 $0x280, s1;
	v62 =	vor.u32 $0x300, v9;
	v41 =	vld.idx.msk [tilespmem:v55+s2+$0x0], $0xffff;
	v44 =	vmul.f32 v44, v29;
	v48 =	vmul.f32 v48, v28  }
0x26f: {  	[tilespmem:s30+$0x0] =	vst.add.f32.msk $0xffff, v37  }
0x270: {  	v63 =	vadd.s32 $0x3080, v35;
	v44 =	vadd.f32 v48, v44;
	v42 =	vmul.f32 v42, v36;
	v45 =	vld.idx.msk [tilespmem:v58+s2+$0x0], $0xffff  }
0x271: {  	v52 =	vadd.s32 $0x3080, v31;
	v57 =	vadd.s32 $0x3080, v30;
	v50 =	vld.idx.msk [tilespmem:v60+s2+$0x0], $0xffff  }
0x272: {  	s5 =	sadd.s32 $0x14000, s28;
	v46 =	vmul.f32 v59, v4;
	v37 =	vld.idx.msk [tilespmem:v61+s2+$0x0], $0xffff;
	v42 =	vadd.f32 v42, v44;
	v40 =	vmul.f32 v40, v11  }
0x273: {  	s31 =	sor.u32 s26, s5;
	v43 =	vld.idx.msk [tilespmem:v62+s2+$0x0], $0xffff  }
0x274: {  	v58 =	vor.u32 $0x300, v2;
	v41 =	vmul.f32 v41, v12;
	[tilespmem:s31+$0x0] =	vst.add.f32.msk $0xffff, v42;
	v40 =	vadd.f32 v40, v46  }
0x275: {  	v42 =	vor.u32 $0x300, v38;
	v46 =	vor.u32 $0x300, v16;
	v48 =	vld.idx.msk [tilespmem:v63+s2+$0x0], $0xffff  }
0x276: {  	v52 =	vld.idx.msk [tilespmem:v52+s2+$0x0], $0xffff;
	v40 =	vadd.f32 v41, v40;
	v59 =	vmul.f32 v45, v6;
	v60 =	vmul.f32 v50, v7  }
0x277: {  	v39 =	vmul.f32 v39, v53;
	v47 =	vmul.f32 v47, v56;
	s8 =	sor.u32 $0x280, s6;
	v44 =	vld.idx.msk [tilespmem:v57+s2+$0x0], $0xffff  }
0x278: {  	v63 =	vor.u32 $0x380, v8;
	v62 =	vmul.f32 v43, v5;
	[tilespmem:s8+$0x0] =	vst.add.f32.msk $0xffff, v40;
	v61 =	vadd.f32 v60, v59  }
0x279: {  	v57 =	vor.u32 $0x380, v10;
	v55 =	vld.idx.msk [tilespmem:v58+s2+$0x0], $0xffff  }
0x27a: {  	v39 =	vadd.f32 v47, v39;
	v58 =	vmul.f32 v49, v3;
	v42 =	vld.idx.msk [tilespmem:v42+s2+$0x0], $0xffff;
	v40 =	vadd.f32 v62, v61  }
0x27b: {  	s9 =	sor.u32 $0x300, s1;
	v59 =	vor.u32 $0x380, v9;
	v46 =	vld.idx.msk [tilespmem:v46+s2+$0x0], $0xffff;
	v48 =	vmul.f32 v48, v29;
	v60 =	vmul.f32 v52, v28  }
0x27c: {  	v47 =	vadd.s32 $0x3100, v35;
	[tilespmem:s9+$0x0] =	vst.add.f32.msk $0xffff, v40  }
0x27d: {  	v44 =	vmul.f32 v44, v36;
	v39 =	vadd.f32 v58, v39;
	v61 =	vadd.f32 v60, v48;
	v43 =	vld.idx.msk [tilespmem:v63+s2+$0x0], $0xffff  }
0x27e: {  	s3 =	sor.u32 s25, s3;
	v62 =	vadd.s32 $0x3100, v31;
	v45 =	vmul.f32 v55, v4;
	v63 =	vld.idx.msk [tilespmem:v57+s2+$0x0], $0xffff  }
0x27f: {  	[tilespmem:s3+$0x0] =	vst.add.f32.msk $0xffff, v39;
	s9 =	sadd.s32 $0x14080, s28;
	v52 =	vadd.f32 v44, v61;
	v55 =	vmul.f32 v42, v11;
	v57 =	vadd.s32 $0x3100, v30  }
0x280: {  	v41 =	vld.idx.msk [tilespmem:v59+s2+$0x0], $0xffff;
	s29 =	sor.u32 s26, s9  }
0x281: {  	v58 =	vor.u32 $0x380, v2;
	v46 =	vmul.f32 v46, v12;
	[tilespmem:s29+$0x0] =	vst.add.f32.msk $0xffff, v52;
	v59 =	vadd.f32 v55, v45  }
0x282: {  	v60 =	vor.u32 $0x380, v38;
	v61 =	vor.u32 $0x380, v16;
	v47 =	vld.idx.msk [tilespmem:v47+s2+$0x0], $0xffff  }
0x283: {  	v48 =	vld.idx.msk [tilespmem:v62+s2+$0x0], $0xffff;
	v39 =	vadd.f32 v46, v59;
	v43 =	vmul.f32 v43, v6;
	v62 =	vmul.f32 v63, v7  }
0x284: {  	s30 =	sor.u32 $0x300, s6;
	v42 =	vld.idx.msk [tilespmem:v57+s2+$0x0], $0xffff  }
0x285: {  	v52 =	vadd.s32 $0x1000, v8;
	v41 =	vmul.f32 v41, v5;
	[tilespmem:s30+$0x0] =	vst.add.f32.msk $0xffff, v39;
	v63 =	vadd.f32 v62, v43  }
0x286: {  	v55 =	vadd.s32 $0x1000, v10;
	v44 =	vld.idx.msk [tilespmem:v58+s2+$0x0], $0xffff  }
0x287: {  	v57 =	vadd.s32 $0x2200, v32;
	v40 =	vld.idx.msk [tilespmem:v60+s2+$0x0], $0xffff;
	v39 =	vadd.f32 v41, v63  }
0x288: {  	s1 =	sor.u32 $0x380, s1;
	v58 =	vadd.s32 $0x1000, v9;
	v45 =	vld.idx.msk [tilespmem:v61+s2+$0x0], $0xffff;
	v47 =	vmul.f32 v47, v29;
	v48 =	vmul.f32 v48, v28  }
0x289: {  	[tilespmem:s1+$0x0] =	vst.add.f32.msk $0xffff, v39  }
0x28a: {  	v60 =	vadd.s32 $0x3180, v35;
	v59 =	vadd.f32 v48, v47;
	v42 =	vmul.f32 v42, v36;
	v43 =	vld.idx.msk [tilespmem:v52+s2+$0x0], $0xffff  }
0x28b: {  	v61 =	vadd.s32 $0x3180, v31;
	v62 =	vadd.s32 $0x3180, v30;
	v46 =	vld.idx.msk [tilespmem:v55+s2+$0x0], $0xffff  }
0x28c: {  	s3 =	sadd.s32 $0x14100, s28;
	v49 =	vld.idx.msk [tilespmem:v57+s2+$0x0], $0xffff;
	v44 =	vmul.f32 v44, v4;
	v39 =	vadd.f32 v42, v59;
	v40 =	vmul.f32 v40, v11  }
0x28d: {  	s31 =	sor.u32 s26, s3;
	v41 =	vld.idx.msk [tilespmem:v58+s2+$0x0], $0xffff  }
0x28e: {  	v63 =	vadd.s32 $0x1000, v2;
	v45 =	vmul.f32 v45, v12;
	[tilespmem:s31+$0x0] =	vst.add.f32.msk $0xffff, v39;
	v52 =	vadd.f32 v40, v44  }
0x28f: {  	v57 =	vadd.s32 $0x1000, v16;
	v55 =	vadd.s32 $0x1000, v38;
	v47 =	vld.idx.msk [tilespmem:v60+s2+$0x0], $0xffff  }
0x290: {  	v48 =	vld.idx.msk [tilespmem:v61+s2+$0x0], $0xffff;
	v39 =	vadd.f32 v45, v52;
	v43 =	vmul.f32 v43, v6;
	v58 =	vmul.f32 v46, v7  }
0x291: {  	s7 =	sor.u32 $0x380, s6;
	v42 =	vld.idx.msk [tilespmem:v62+s2+$0x0], $0xffff  }
0x292: {  	v60 =	vadd.s32 $0x1080, v8;
	v41 =	vmul.f32 v41, v5;
	[tilespmem:s7+$0x0] =	vst.add.f32.msk $0xffff, v39;
	v59 =	vadd.f32 v58, v43  }
0x293: {  	v62 =	vadd.s32 $0x1080, v10;
	v61 =	vld.idx.msk [tilespmem:v63+s2+$0x0], $0xffff  }
0x294: {  	s8 =	sadd.s32 $0xC000, s20;
	v63 =	vadd.s32 $0x2200, v33;
	v40 =	vld.idx.msk [tilespmem:v55+s2+$0x0], $0xffff;
	v39 =	vadd.f32 v41, v59  }
0x295: {  	s29 =	sor.u32 s19, s8;
	v55 =	vadd.s32 $0x1080, v9;
	v44 =	vld.idx.msk [tilespmem:v57+s2+$0x0], $0xffff  }
0x296: {  	v57 =	vadd.s32 $0x2200, v34;
	v47 =	vmul.f32 v47, v29;
	v48 =	vmul.f32 v48, v28;
	[tilespmem:s29+$0x0] =	vst.add.f32.msk $0xffff, v39  }
0x297: {  	v39 =	vld.idx.msk [tilespmem:v60+s2+$0x0], $0xffff  }
0x298: {  	v42 =	vmul.f32 v42, v36;
	v59 =	vadd.s32 $0x3200, v35;
	v58 =	vadd.f32 v48, v47;
	v46 =	vld.idx.msk [tilespmem:v62+s2+$0x0], $0xffff  }
0x299: {  	v48 =	vld.idx.msk [tilespmem:v63+s2+$0x0], $0xffff;
	v60 =	vadd.s32 $0x3200, v31;
	v45 =	vmul.f32 v61, v4  }
0x29a: {  	s1 =	sadd.s32 $0x14180, s28;
	v42 =	vadd.f32 v42, v58;
	v40 =	vmul.f32 v40, v11;
	v41 =	vld.idx.msk [tilespmem:v55+s2+$0x0], $0xffff;
	v61 =	vadd.s32 $0x3200, v30  }
0x29b: {  	s30 =	sor.u32 s26, s1;
	v51 =	vld.idx.msk [tilespmem:v57+s2+$0x0], $0xffff  }
0x29c: {  	v62 =	vadd.s32 $0x1080, v2;
	v44 =	vmul.f32 v44, v12;
	[tilespmem:s30+$0x0] =	vst.add.f32.msk $0xffff, v42;
	v40 =	vadd.f32 v40, v45  }
0x29d: {  	v63 =	vadd.s32 $0x1080, v38;
	v45 =	vld.idx.msk [tilespmem:v59+s2+$0x0], $0xffff;
	v59 =	vadd.s32 $0x1080, v16  }
0x29e: {  	v40 =	vadd.f32 v44, v40;
	v39 =	vmul.f32 v39, v6;
	v46 =	vmul.f32 v46, v7;
	v55 =	vld.idx.msk [tilespmem:v60+s2+$0x0], $0xffff  }
0x29f: {  	v13 =	vmul.f32 v13, v17;
	v14 =	vmul.f32 v14, v0;
	s6 =	sor.u32 s18, s8;
	v43 =	vld.idx.msk [tilespmem:v61+s2+$0x0], $0xffff  }
0x2a0: {  	v57 =	vadd.s32 $0x1100, v8;
	v41 =	vmul.f32 v41, v5;
	[tilespmem:s6+$0x0] =	vst.add.f32.msk $0xffff, v40;
	v39 =	vadd.f32 v46, v39  }
0x2a1: {  	v13 =	vadd.f32 v14, v13;
	v58 =	vadd.s32 $0x1100, v10;
	v60 =	vld.idx.msk [tilespmem:v62+s2+$0x0], $0xffff  }
0x2a2: {  	v1 =	vmul.f32 v1, v24;
	v14 =	vmul.f32 v26, v27;
	s6 =	sadd.s32 $0xC080, s20;
	v61 =	vld.idx.msk [tilespmem:v63+s2+$0x0], $0xffff;
	v39 =	vadd.f32 v41, v39  }
0x2a3: {  	v62 =	vadd.s32 $0x1100, v9;
	s31 =	sor.u32 s19, s6;
	v46 =	vld.idx.msk [tilespmem:v59+s2+$0x0], $0xffff  }
0x2a4: {  	v25 =	vmul.f32 v25, v15;
	v1 =	vadd.f32 v14, v1;
	v37 =	vmul.f32 v37, v54;
	[tilespmem:s31+$0x0] =	vst.add.f32.msk $0xffff, v39  }
0x2a5: {  	v14 =	vmul.f32 v49, v53;
	v49 =	vmul.f32 v48, v56;
	v26 =	vld.idx.msk [tilespmem:v57+s2+$0x0], $0xffff  }
0x2a6: {  	v13 =	vadd.f32 v25, v13;
	v1 =	vadd.f32 v37, v1;
	v25 =	vmul.f32 v51, v3;
	v40 =	vld.idx.msk [tilespmem:v58+s2+$0x0], $0xffff  }
0x2a7: {  	s29 =	sadd.s32 $0x14280, s24;
	v14 =	vadd.f32 v49, v14;
	v45 =	vmul.f32 v45, v29;
	v51 =	vmul.f32 v55, v28  }
0x2a8: {  	s8 =	sor.u32 s22, s29;
	v59 =	vadd.s32 $0x2280, v32;
	v42 =	vld.idx.msk [tilespmem:v62+s2+$0x0], $0xffff;
	v52 =	vmul.f32 v60, v4;
	v41 =	vmul.f32 v61, v11  }
0x2a9: {  	[tilespmem:s8+$0x0] =	vst.add.f32.msk $0xffff, v13;
	v13 =	vadd.f32 v25, v14;
	v43 =	vmul.f32 v43, v36;
	v37 =	vadd.f32 v51, v45  }
0x2aa: {  	s0 =	sor.u32 s21, s0;
	v57 =	vadd.s32 $0x3300, v20;
	v14 =	vmul.f32 v46, v12;
	v25 =	vadd.f32 v41, v52  }
0x2ab: {  	[tilespmem:s0+$0x0] =	vst.add.f32.msk $0xffff, v1;
	s30 =	sor.u32 s25, s4;
	v26 =	vmul.f32 v26, v6;
	v40 =	vmul.f32 v40, v7  }
0x2ac: {  	s4 =	sadd.s32 $0x14200, s28;
	[tilespmem:s30+$0x0] =	vst.add.f32.msk $0xffff, v13;
	v1 =	vadd.f32 v43, v37;
	v13 =	vadd.f32 v14, v25  }
0x2ad: {  	s31 =	sor.u32 s26, s4;
	v41 =	vld.idx.msk [tilespmem:v59+s2+$0x0], $0xffff;
	v25 =	vadd.s32 $0x3300, v19;
	v55 =	vmul.f32 v42, v5;
	v26 =	vadd.f32 v40, v26  }
0x2ae: {  	v58 =	vadd.s32 $0x1100, v38;
	[tilespmem:s31+$0x0] =	vst.add.f32.msk $0xffff, v1  }
0x2af: {  	s7 =	sadd.s32 $0xC100, s20;
	s6 =	sor.u32 s18, s6;
	v14 =	vld.idx.msk [tilespmem:v57+s2+$0x0], $0xffff;
	v1 =	vadd.f32 v55, v26;
	v26 =	vadd.s32 $0x1100, v2  }
0x2b0: {  	s8 =	sor.u32 s19, s7;
	v61 =	vadd.s32 $0x2280, v33;
	[tilespmem:s6+$0x0] =	vst.add.f32.msk $0xffff, v13  }
0x2b1: {  	v60 =	vadd.s32 $0x1100, v16;
	[tilespmem:s8+$0x0] =	vst.add.f32.msk $0xffff, v1  }
0x2b2: {  	v1 =	vld.idx.msk [tilespmem:v25+s2+$0x0], $0xffff;
	v25 =	vadd.s32 $0x2280, v34  }
0x2b3: {  	v63 =	vadd.s32 $0x3300, v18;
	v37 =	vld.idx.msk [tilespmem:v58+s2+$0x0], $0xffff  }
0x2b4: {  	v57 =	vadd.s32 $0x3280, v22;
	v26 =	vld.idx.msk [tilespmem:v26+s2+$0x0], $0xffff  }
0x2b5: {  	v52 =	vadd.s32 $0x1180, v8;
	v40 =	vld.idx.msk [tilespmem:v61+s2+$0x0], $0xffff  }
0x2b6: {  	v59 =	vadd.s32 $0x1180, v9;
	v39 =	vld.idx.msk [tilespmem:v60+s2+$0x0], $0xffff  }
0x2b7: {  	v55 =	vadd.s32 $0x1180, v10;
	v58 =	vld.idx.msk [tilespmem:v25+s2+$0x0], $0xffff  }
0x2b8: {  	v62 =	vadd.s32 $0x3280, v35;
	v13 =	vld.idx.msk [tilespmem:v63+s2+$0x0], $0xffff  }
0x2b9: {  	v63 =	vadd.s32 $0x3280, v31;
	v46 =	vld.idx.msk [tilespmem:v57+s2+$0x0], $0xffff;
	v37 =	vmul.f32 v37, v11;
	v60 =	vmul.f32 v26, v4  }
0x2ba: {  	v41 =	vmul.f32 v41, v53;
	v44 =	vld.idx.msk [tilespmem:v52+s2+$0x0], $0xffff;
	v40 =	vmul.f32 v40, v56  }
0x2bb: {  	v39 =	vmul.f32 v39, v12;
	v42 =	vld.idx.msk [tilespmem:v59+s2+$0x0], $0xffff;
	v37 =	vadd.f32 v37, v60  }
0x2bc: {  	v61 =	vadd.s32 $0x1180, v2;
	v45 =	vld.idx.msk [tilespmem:v55+s2+$0x0], $0xffff;
	v40 =	vadd.f32 v40, v41;
	v52 =	vmul.f32 v58, v3  }
0x2bd: {  	v25 =	vld.idx.msk [tilespmem:v62+s2+$0x0], $0xffff;
	v62 =	vadd.s32 $0x1180, v38;
	v37 =	vadd.f32 v39, v37  }
0x2be: {  	s0 =	sor.u32 s18, s7;
	v55 =	vadd.s32 $0x2300, v32;
	v26 =	vld.idx.msk [tilespmem:v63+s2+$0x0], $0xffff;
	v40 =	vadd.f32 v52, v40  }
0x2bf: {  	s10 =	sor.u32 s25, s10;
	v57 =	vadd.s32 $0x2300, v33;
	[tilespmem:s0+$0x0] =	vst.add.f32.msk $0xffff, v37  }
0x2c0: {  	v63 =	vadd.s32 $0x1180, v16;
	[tilespmem:s10+$0x0] =	vst.add.f32.msk $0xffff, v40  }
0x2c1: {  	v59 =	vadd.s32 $0x2300, v34;
	v58 =	vld.idx.msk [tilespmem:v61+s2+$0x0], $0xffff  }
0x2c2: {  	v48 =	vld.idx.msk [tilespmem:v62+s2+$0x0], $0xffff  }
0x2c3: {  	v44 =	vmul.f32 v44, v6;
	v45 =	vmul.f32 v45, v7;
	v62 =	vld.idx.msk [tilespmem:v55+s2+$0x0], $0xffff  }
0x2c4: {  	v37 =	vld.idx.msk [tilespmem:v57+s2+$0x0], $0xffff  }
0x2c5: {  	v60 =	vmul.f32 v42, v5;
	v44 =	vadd.f32 v45, v44;
	v52 =	vadd.s32 $0x3280, v30;
	v39 =	vld.idx.msk [tilespmem:v63+s2+$0x0], $0xffff  }
0x2c6: {  	v61 =	vadd.s32 $0x1200, v8;
	v43 =	vld.idx.msk [tilespmem:v59+s2+$0x0], $0xffff  }
0x2c7: {  	s30 =	sadd.s32 $0xC180, s20;
	v40 =	vadd.f32 v60, v44;
	v63 =	vadd.s32 $0x1200, v10  }
0x2c8: {  	s31 =	sor.u32 s19, s30;
	v57 =	vadd.s32 $0x1200, v9;
	v41 =	vmul.f32 v58, v4;
	v55 =	vmul.f32 v48, v11  }
0x2c9: {  	[tilespmem:s31+$0x0] =	vst.add.f32.msk $0xffff, v40;
	v45 =	vmul.f32 v62, v53;
	v37 =	vmul.f32 v37, v56  }
0x2ca: {  	v49 =	vld.idx.msk [tilespmem:v52+s2+$0x0], $0xffff;
	v39 =	vmul.f32 v39, v12;
	v41 =	vadd.f32 v55, v41  }
0x2cb: {  	v58 =	vadd.s32 $0x1200, v2;
	v42 =	vld.idx.msk [tilespmem:v61+s2+$0x0], $0xffff;
	v43 =	vmul.f32 v43, v3;
	v37 =	vadd.f32 v37, v45  }
0x2cc: {  	v59 =	vadd.s32 $0x1200, v38;
	v47 =	vld.idx.msk [tilespmem:v63+s2+$0x0], $0xffff;
	v39 =	vadd.f32 v39, v41  }
0x2cd: {  	s0 =	sor.u32 s18, s30;
	v61 =	vld.idx.msk [tilespmem:v57+s2+$0x0], $0xffff;
	v62 =	vadd.s32 $0x2380, v32;
	v37 =	vadd.f32 v43, v37  }
0x2ce: {  	s6 =	sor.u32 s25, s11;
	[tilespmem:s0+$0x0] =	vst.add.f32.msk $0xffff, v39  }
0x2cf: {  	v60 =	vadd.s32 $0x1200, v16;
	[tilespmem:s6+$0x0] =	vst.add.f32.msk $0xffff, v37  }
0x2d0: {  	v63 =	vadd.s32 $0x2380, v33;
	v40 =	vld.idx.msk [tilespmem:v58+s2+$0x0], $0xffff  }
0x2d1: {  	v52 =	vadd.s32 $0x2380, v34;
	v55 =	vld.idx.msk [tilespmem:v59+s2+$0x0], $0xffff  }
0x2d2: {  	v42 =	vmul.f32 v42, v6;
	v58 =	vmul.f32 v47, v7;
	v44 =	vld.idx.msk [tilespmem:v62+s2+$0x0], $0xffff;
	v62 =	vadd.s32 $0x3280, v23;
	_ =	sdelay $0x1  }
0x2d3: {  	v41 =	vmul.f32 v61, v5;
	v59 =	vld.idx.msk [tilespmem:v60+s2+$0x0], $0xffff;
	v60 =	vadd.s32 $0x1280, v8;
	v42 =	vadd.f32 v58, v42  }
0x2d4: {  	v61 =	vadd.s32 $0x1280, v10;
	v39 =	vld.idx.msk [tilespmem:v63+s2+$0x0], $0xffff  }
0x2d5: {  	s7 =	sadd.s32 $0xC200, s20;
	v63 =	vadd.s32 $0x1280, v9;
	v41 =	vadd.f32 v41, v42;
	v42 =	vld.idx.msk [tilespmem:v52+s2+$0x0], $0xffff  }
0x2d6: {  	s8 =	sor.u32 s19, s7;
	v57 =	vadd.s32 $0x3280, v21;
	v40 =	vmul.f32 v40, v4;
	v43 =	vmul.f32 v55, v11;
	v50 =	vld.idx.msk [tilespmem:v62+s2+$0x0], $0xffff  }
0x2d7: {  	[tilespmem:s8+$0x0] =	vst.add.f32.msk $0xffff, v41  }
0x2d8: {  	v58 =	vadd.s32 $0x1280, v2;
	v47 =	vmul.f32 v59, v12;
	v37 =	vld.idx.msk [tilespmem:v60+s2+$0x0], $0xffff;
	v40 =	vadd.f32 v43, v40  }
0x2d9: {  	v44 =	vmul.f32 v44, v53;
	v39 =	vmul.f32 v39, v56;
	v59 =	vld.idx.msk [tilespmem:v61+s2+$0x0], $0xffff;
	v60 =	vadd.s32 $0x1280, v38  }
0x2da: {  	v61 =	vadd.s32 $0x1280, v16;
	v45 =	vld.idx.msk [tilespmem:v63+s2+$0x0], $0xffff;
	v40 =	vadd.f32 v47, v40  }
0x2db: {  	s0 =	sor.u32 s18, s7;
	v39 =	vadd.f32 v39, v44;
	v47 =	vld.idx.msk [tilespmem:v57+s2+$0x0], $0xffff;
	v42 =	vmul.f32 v42, v3  }
0x2dc: {  	v14 =	vmul.f32 v14, v0;
	v62 =	vadd.s32 $0x3000, v32;
	[tilespmem:s0+$0x0] =	vst.add.f32.msk $0xffff, v40  }
0x2dd: {  	v13 =	vmul.f32 v13, v17;
	v63 =	vadd.s32 $0x3000, v33;
	v39 =	vadd.f32 v42, v39;
	v41 =	vld.idx.msk [tilespmem:v58+s2+$0x0], $0xffff  }
0x2de: {  	v37 =	vmul.f32 v37, v6;
	v43 =	vmul.f32 v59, v7;
	v55 =	vld.idx.msk [tilespmem:v60+s2+$0x0], $0xffff;
	v60 =	vadd.s32 $0x3000, v34  }
0x2df: {  	v13 =	vadd.f32 v14, v13;
	s10 =	sor.u32 s25, s15;
	v57 =	vld.idx.msk [tilespmem:v61+s2+$0x0], $0xffff  }
0x2e0: {  	v58 =	vmul.f32 v45, v5;
	v59 =	vadd.s32 $0x1300, v8;
	[tilespmem:s10+$0x0] =	vst.add.f32.msk $0xffff, v39;
	v37 =	vadd.f32 v43, v37  }
0x2e1: {  	v14 =	vmul.f32 v25, v29;
	v25 =	vmul.f32 v26, v28;
	v61 =	vadd.s32 $0x1300, v10;
	v51 =	vld.idx.msk [tilespmem:v62+s2+$0x0], $0xffff  }
0x2e2: {  	s11 =	sadd.s32 $0xC280, s20;
	v1 =	vmul.f32 v1, v15;
	v40 =	vld.idx.msk [tilespmem:v63+s2+$0x0], $0xffff;
	v37 =	vadd.f32 v58, v37  }
0x2e3: {  	s15 =	sor.u32 s19, s11;
	v14 =	vadd.f32 v25, v14;
	v25 =	vmul.f32 v49, v36;
	v62 =	vadd.s32 $0x1300, v9;
	v49 =	vld.idx.msk [tilespmem:v60+s2+$0x0], $0xffff  }
0x2e4: {  	v18 =	vadd.s32 $0x3380, v18;
	v1 =	vadd.f32 v1, v13;
	[tilespmem:s15+$0x0] =	vst.add.f32.msk $0xffff, v37  }
0x2e5: {  	v13 =	vmul.f32 v46, v24;
	v14 =	vadd.f32 v25, v14;
	s6 =	sadd.s32 $0x14280, s28;
	v63 =	vmul.f32 v50, v27;
	v26 =	vld.idx.msk [tilespmem:v59+s2+$0x0], $0xffff  }
0x2e6: {  	v20 =	vadd.s32 $0x3380, v20;
	s31 =	sor.u32 s26, s6;
	v47 =	vmul.f32 v47, v54;
	v37 =	vld.idx.msk [tilespmem:v61+s2+$0x0], $0xffff  }
0x2e7: {  	[tilespmem:s31+$0x0] =	vst.add.f32.msk $0xffff, v14;
	s0 =	sadd.s32 $0x14300, s24;
	v13 =	vadd.f32 v63, v13;
	v41 =	vmul.f32 v41, v4;
	v25 =	vmul.f32 v55, v11  }
0x2e8: {  	v19 =	vadd.s32 $0x3380, v19;
	s30 =	sor.u32 s22, s0;
	v43 =	vld.idx.msk [tilespmem:v62+s2+$0x0], $0xffff;
	v55 =	vmul.f32 v51, v53;
	v40 =	vmul.f32 v40, v56  }
0x2e9: {  	[tilespmem:s30+$0x0] =	vst.add.f32.msk $0xffff, v1;
	v52 =	vmul.f32 v57, v12;
	v1 =	vadd.f32 v47, v13  }
0x2ea: {  	v18 =	vld.idx.msk [tilespmem:v18+s2+$0x0], $0xffff;
	v25 =	vadd.f32 v25, v41;
	v39 =	vadd.f32 v40, v55;
	v13 =	vmul.f32 v49, v3  }
0x2eb: {  	s8 =	sor.u32 s21, s29;
	v20 =	vld.idx.msk [tilespmem:v20+s2+$0x0], $0xffff;
	v59 =	vadd.s32 $0x3300, v22;
	v26 =	vmul.f32 v26, v6;
	v37 =	vmul.f32 v37, v7  }
0x2ec: {  	[tilespmem:s8+$0x0] =	vst.add.f32.msk $0xffff, v1;
	v1 =	vadd.s32 $0x3300, v31;
	v13 =	vadd.f32 v13, v39  }
0x2ed: {  	s5 =	sor.u32 s25, s5;
	v19 =	vld.idx.msk [tilespmem:v19+s2+$0x0], $0xffff;
	v14 =	vadd.f32 v52, v25;
	v25 =	vadd.f32 v37, v26;
	v26 =	vmul.f32 v43, v5  }
0x2ee: {  	s7 =	sor.u32 s18, s11;
	[tilespmem:s5+$0x0] =	vst.add.f32.msk $0xffff, v13;
	v13 =	vadd.s32 $0x1300, v38  }
0x2ef: {  	s10 =	sadd.s32 $0xC300, s20;
	[tilespmem:s7+$0x0] =	vst.add.f32.msk $0xffff, v14;
	v14 =	vadd.f32 v26, v25;
	v25 =	vadd.s32 $0x1300, v2  }
0x2f0: {  	s11 =	sor.u32 s19, s10;
	v58 =	vadd.s32 $0x3080, v32;
	v41 =	vld.idx.msk [tilespmem:v59+s2+$0x0], $0xffff  }
0x2f1: {  	[tilespmem:s11+$0x0] =	vst.add.f32.msk $0xffff, v14;
	v14 =	vadd.s32 $0x1300, v16  }
0x2f2: {  	v40 =	vld.idx.msk [tilespmem:v1+s2+$0x0], $0xffff;
	v1 =	vadd.s32 $0x3080, v33  }
0x2f3: {  	v60 =	vadd.s32 $0x3080, v34;
	v13 =	vld.idx.msk [tilespmem:v13+s2+$0x0], $0xffff  }
0x2f4: {  	v57 =	vadd.s32 $0x3300, v30;
	v25 =	vld.idx.msk [tilespmem:v25+s2+$0x0], $0xffff  }
0x2f5: {  	v55 =	vadd.s32 $0x3300, v21;
	v39 =	vld.idx.msk [tilespmem:v58+s2+$0x0], $0xffff  }
0x2f6: {  	v50 =	vadd.s32 $0x3300, v35;
	v62 =	vld.idx.msk [tilespmem:v14+s2+$0x0], $0xffff  }
0x2f7: {  	v63 =	vadd.s32 $0x1380, v8;
	v1 =	vld.idx.msk [tilespmem:v1+s2+$0x0], $0xffff  }
0x2f8: {  	v52 =	vadd.s32 $0x1380, v10;
	v42 =	vld.idx.msk [tilespmem:v60+s2+$0x0], $0xffff  }
0x2f9: {  	v61 =	vadd.s32 $0x3300, v23;
	v37 =	vld.idx.msk [tilespmem:v57+s2+$0x0], $0xffff;
	v13 =	vmul.f32 v13, v11;
	v25 =	vmul.f32 v25, v4  }
0x2fa: {  	v49 =	vadd.s32 $0x3380, v22;
	v47 =	vld.idx.msk [tilespmem:v55+s2+$0x0], $0xffff  }
0x2fb: {  	v58 =	vadd.s32 $0x1380, v2;
	v26 =	vld.idx.msk [tilespmem:v50+s2+$0x0], $0xffff;
	v22 =	vmul.f32 v62, v12;
	v13 =	vadd.f32 v13, v25  }
0x2fc: {  	v59 =	vadd.s32 $0x1380, v38;
	v39 =	vmul.f32 v39, v53;
	v25 =	vld.idx.msk [tilespmem:v63+s2+$0x0], $0xffff;
	v63 =	vmul.f32 v1, v56  }
0x2fd: {  	v45 =	vld.idx.msk [tilespmem:v52+s2+$0x0], $0xffff;
	v42 =	vmul.f32 v42, v3;
	v14 =	vadd.s32 $0x3380, v23;
	v13 =	vadd.f32 v22, v13  }
0x2fe: {  	s15 =	sor.u32 s18, s10;
	v23 =	vld.idx.msk [tilespmem:v61+s2+$0x0], $0xffff;
	v1 =	vadd.s32 $0x3380, v21;
	v21 =	vadd.s32 $0x3100, v32;
	v39 =	vadd.f32 v63, v39  }
0x2ff: {  	v50 =	vadd.s32 $0x3100, v33;
	[tilespmem:s15+$0x0] =	vst.add.f32.msk $0xffff, v13  }
0x300: {  	v13 =	vadd.s32 $0x1380, v16;
	v39 =	vadd.f32 v42, v39;
	v43 =	vld.idx.msk [tilespmem:v58+s2+$0x0], $0xffff  }
0x301: {  	s29 =	sor.u32 s25, s9;
	v57 =	vadd.s32 $0x1380, v9;
	v42 =	vld.idx.msk [tilespmem:v59+s2+$0x0], $0xffff  }
0x302: {  	v46 =	vadd.s32 $0x3100, v34;
	v17 =	vmul.f32 v18, v17;
	[tilespmem:s29+$0x0] =	vst.add.f32.msk $0xffff, v39  }
0x303: {  	v35 =	vadd.s32 $0x3380, v35;
	v0 =	vmul.f32 v20, v0;
	v15 =	vmul.f32 v19, v15;
	v21 =	vld.idx.msk [tilespmem:v21+s2+$0x0], $0xffff  }
0x304: {  	v18 =	vadd.s32 $0x3380, v31;
	v44 =	vmul.f32 v40, v28;
	v26 =	vmul.f32 v26, v29;
	v40 =	vld.idx.msk [tilespmem:v50+s2+$0x0], $0xffff  }
0x305: {  	v20 =	vadd.s32 $0x3380, v30;
	v55 =	vmul.f32 v41, v24;
	v23 =	vmul.f32 v23, v27;
	v13 =	vld.idx.msk [tilespmem:v13+s2+$0x0], $0xffff  }
0x306: {  	v0 =	vadd.f32 v0, v17;
	v48 =	vld.idx.msk [tilespmem:v57+s2+$0x0], $0xffff;
	v37 =	vmul.f32 v37, v36;
	v26 =	vadd.f32 v44, v26  }
0x307: {  	v41 =	vmul.f32 v45, v7;
	v62 =	vmul.f32 v47, v54;
	v23 =	vadd.f32 v23, v55;
	v44 =	vld.idx.msk [tilespmem:v46+s2+$0x0], $0xffff  }
0x308: {  	s5 =	sadd.s32 $0x14300, s28;
	v26 =	vadd.f32 v37, v26;
	v55 =	vmul.f32 v43, v4;
	v42 =	vmul.f32 v42, v11  }
0x309: {  	s30 =	sor.u32 s26, s5;
	v23 =	vadd.f32 v62, v23;
	v25 =	vmul.f32 v25, v6;
	v21 =	vmul.f32 v21, v53  }
0x30a: {  	[tilespmem:s30+$0x0] =	vst.add.f32.msk $0xffff, v26;
	v40 =	vmul.f32 v40, v56;
	v62 =	vadd.f32 v42, v55;
	v13 =	vmul.f32 v13, v12  }
0x30b: {  	v0 =	vadd.f32 v15, v0;
	v19 =	vld.idx.msk [tilespmem:v35+s2+$0x0], $0xffff;
	v50 =	vmul.f32 v48, v5;
	v25 =	vadd.f32 v41, v25  }
0x30c: {  	s31 =	sadd.s32 $0xC380, s20;
	s0 =	sor.u32 s21, s0;
	v15 =	vld.idx.msk [tilespmem:v18+s2+$0x0], $0xffff;
	v26 =	vmul.f32 v44, v3;
	v21 =	vadd.f32 v40, v21;
	v13 =	vadd.f32 v13, v62  }
0x30d: {  	s9 =	sor.u32 s18, s31;
	[tilespmem:s0+$0x0] =	vst.add.f32.msk $0xffff, v23;
	v25 =	vadd.f32 v50, v25  }
0x30e: {  	s8 =	sor.u32 s19, s31;
	v21 =	vadd.f32 v26, v21;
	[tilespmem:s9+$0x0] =	vst.add.f32.msk $0xffff, v13;
	v13 =	vadd.s32 $0x2000, v8  }
0x30f: {  	s10 =	sor.u32 s25, s3;
	[tilespmem:s8+$0x0] =	vst.add.f32.msk $0xffff, v25  }
0x310: {  	[tilespmem:s10+$0x0] =	vst.add.f32.msk $0xffff, v21;
	v21 =	vadd.s32 $0x2080, v38  }
0x311: {  	v17 =	vadd.s32 $0x2000, v10;
	v20 =	vld.idx.msk [tilespmem:v20+s2+$0x0], $0xffff;
	[tilespmem:$0x1FEE0] =	vst v21;
	v21 =	vadd.s32 $0x2100, v2  }
0x312: {  	[tilespmem:$0x1FEF0] =	vst v21;
	v21 =	vadd.s32 $0x2100, v38  }
0x313: {  	v13 =	vld.idx.msk [tilespmem:v13+s2+$0x0], $0xffff;
	[tilespmem:$0x1FF00] =	vst v21;
	v21 =	vadd.s32 $0x2180, v2  }
0x314: {  	[tilespmem:$0x1FF10] =	vst v21;
	v21 =	vadd.s32 $0x2180, v38  }
0x315: {  	[tilespmem:$0x1FF20] =	vst v21;
	v21 =	vadd.s32 $0x2200, v2  }
0x316: {  	v17 =	vld.idx.msk [tilespmem:v17+s2+$0x0], $0xffff;
	[tilespmem:$0x1FF30] =	vst v21;
	v21 =	vadd.s32 $0x2200, v38  }
0x317: {  	v18 =	vadd.s32 $0x2000, v9;
	[tilespmem:$0x1FF40] =	vst v21;
	v21 =	vadd.s32 $0x2280, v2  }
0x318: {  	v23 =	vadd.s32 $0x2000, v2;
	[tilespmem:$0x1FF50] =	vst v21;
	v21 =	vadd.s32 $0x2280, v38  }
0x319: {  	v25 =	vadd.s32 $0x2000, v38;
	v31 =	vld.idx.msk [tilespmem:v49+s2+$0x0], $0xffff;
	[tilespmem:$0x1FF60] =	vst v21;
	v21 =	vadd.s32 $0x2300, v2  }
0x31a: {  	v51 =	vadd.s32 $0x3180, v32;
	v26 =	vadd.s32 $0x2000, v16;
	[tilespmem:$0x1FF70] =	vst v21;
	v21 =	vadd.s32 $0x2300, v38  }
0x31b: {  	v30 =	vadd.s32 $0x2080, v2;
	v60 =	vadd.s32 $0x3200, v32;
	v52 =	vadd.s32 $0x3180, v33;
	[tilespmem:$0x1FF80] =	vst v21  }
0x31c: {  	v61 =	vadd.s32 $0x3200, v34;
	v22 =	vadd.s32 $0x3180, v34;
	v63 =	vadd.s32 $0x3200, v33;
	v18 =	vld.idx.msk [tilespmem:v18+s2+$0x0], $0xffff  }
0x31d: {  	v58 =	vadd.s32 $0x3280, v33;
	v59 =	vadd.s32 $0x3280, v34;
	v19 =	vmul.f32 v19, v29;
	v23 =	vld.idx.msk [tilespmem:v23+s2+$0x0], $0xffff  }
0x31e: {  	v15 =	vmul.f32 v15, v28;
	v20 =	vmul.f32 v20, v36;
	v36 =	vadd.s32 $0x3180, v2;
	v25 =	vld.idx.msk [tilespmem:v25+s2+$0x0], $0xffff  }
0x31f: {  	v39 =	vadd.s32 $0x3380, v33;
	v41 =	vadd.s32 $0x3300, v34;
	v46 =	vadd.s32 $0x3080, v2;
	v26 =	vld.idx.msk [tilespmem:v26+s2+$0x0], $0xffff  }
0x320: {  	v15 =	vadd.f32 v15, v19;
	v19 =	vmul.f32 v13, v6;
	v17 =	vmul.f32 v17, v7;
	v28 =	vld.idx.msk [tilespmem:v51+s2+$0x0], $0xffff  }
0x321: {  	v42 =	vadd.s32 $0x3300, v33;
	v33 =	vadd.s32 $0x3380, v34;
	v13 =	vmul.f32 v31, v24;
	v24 =	vld.idx.msk [tilespmem:v52+s2+$0x0], $0xffff  }
0x322: {  	v55 =	vadd.s32 $0x2380, v2;
	v17 =	vadd.f32 v17, v19;
	v18 =	vmul.f32 v18, v5  }
0x323: {  	s11 =	sadd.s32 $0x14380, s24;
	v19 =	vadd.f32 v20, v15;
	v20 =	vmul.f32 v23, v4;
	v23 =	vmul.f32 v25, v11  }
0x324: {  	s15 =	sor.u32 s22, s11;
	s22 =	sadd.s32 $0x14380, s28;
	v44 =	vadd.s32 $0x3100, v2;
	v34 =	vadd.s32 $0x3280, v2;
	v14 =	vld.idx.msk [tilespmem:v14+s2+$0x0], $0xffff;
	v17 =	vadd.f32 v18, v17  }
0x325: {  	s26 =	sor.u32 s26, s22;
	s29 =	sadd.s32 $0x10000, s20;
	[tilespmem:s15+$0x0] =	vst.add.f32.msk $0xffff, v0;
	v18 =	vadd.f32 v23, v20;
	v20 =	vmul.f32 v26, v12;
	v23 =	vadd.s32 $0x2080, v8  }
0x326: {  	s30 =	sor.u32 s19, s29;
	v49 =	vadd.s32 $0x3000, v2;
	[tilespmem:s26+$0x0] =	vst.add.f32.msk $0xffff, v19;
	v0 =	vmul.f32 v28, v53;
	v24 =	vmul.f32 v24, v56  }
0x327: {  	v21 =	vadd.s32 $0x3200, v2;
	v19 =	vadd.s32 $0x2080, v10;
	v18 =	vadd.f32 v20, v18;
	[tilespmem:s30+$0x0] =	vst.add.f32.msk $0xffff, v17  }
0x328: {  	s31 =	sor.u32 s18, s29;
	v28 =	vadd.s32 $0x3300, v2;
	v0 =	vadd.f32 v24, v0;
	v24 =	vadd.s32 $0x3380, v2;
	v2 =	vld.idx.msk [tilespmem:v22+s2+$0x0], $0xffff  }
0x329: {  	v57 =	vadd.s32 $0x3280, v32;
	v45 =	vadd.s32 $0x3100, v38;
	v15 =	vadd.s32 $0x2100, v16;
	[tilespmem:s31+$0x0] =	vst.add.f32.msk $0xffff, v18  }
0x32a: {  	v37 =	vadd.s32 $0x3380, v32;
	v35 =	vadd.s32 $0x3280, v38;
	v18 =	vld.idx.msk [tilespmem:v23+s2+$0x0], $0xffff;
	[tilespmem:$0x1FF90] =	vst v15;
	v15 =	vadd.s32 $0x2180, v16  }
0x32b: {  	v47 =	vadd.s32 $0x3200, v16;
	v29 =	vadd.s32 $0x3300, v38;
	[tilespmem:$0x1FFA0] =	vst v15;
	v15 =	vadd.s32 $0x2200, v16  }
0x32c: {  	v48 =	vadd.s32 $0x3080, v38;
	v17 =	vadd.s32 $0x2080, v9;
	[tilespmem:$0x1FFB0] =	vst v15;
	v15 =	vadd.s32 $0x2280, v16  }
0x32d: {  	v50 =	vadd.s32 $0x3000, v38;
	v43 =	vadd.s32 $0x3180, v38;
	v19 =	vld.idx.msk [tilespmem:v19+s2+$0x0], $0xffff;
	[tilespmem:$0x1FFC0] =	vst v15;
	v15 =	vadd.s32 $0x2300, v16  }
0x32e: {  	v40 =	vadd.s32 $0x3300, v32;
	v32 =	vadd.s32 $0x3080, v16;
	[tilespmem:$0x1FFD0] =	vst v15;
	v15 =	vadd.s32 $0x2380, v16  }
0x32f: {  	v62 =	vadd.s32 $0x2380, v38;
	v51 =	vadd.s32 $0x3100, v16;
	[tilespmem:$0x1FFE0] =	vst v15;
	v15 =	vadd.s32 $0x3000, v16  }
0x330: {  	s24 =	sor.u32 s25, s5;
	v52 =	vadd.s32 $0x3200, v38;
	v31 =	vadd.s32 $0x3280, v16;
	v14 =	vmul.f32 v14, v27;
	v1 =	vld.idx.msk [tilespmem:v1+s2+$0x0], $0xffff;
	[tilespmem:$0x1FFF0] =	vst v15  }
0x331: {  	s21 =	sor.u32 s21, s11;
	s28 =	sor.u32 s25, s4;
	s22 =	sor.u32 s25, s22;
	v25 =	vadd.s32 $0x3380, v38;
	v38 =	vadd.s32 $0x3180, v16;
	v27 =	vadd.s32 $0x3300, v16;
	v20 =	vld.idx.msk [tilespmem:v17+s2+$0x0], $0xffff  }
0x332: {  	s0 =	sor.u32 s25, s1;
	s26 =	sor.u32 s25, s6;
	s25 =	simm.s32 $0x4;
	v26 =	vadd.s32 $0x3380, v16;
	v22 =	vadd.s32 $0x2080, v16;
	v2 =	vmul.f32 v2, v3;
	v16 =	vld.idx.msk [tilespmem:v30+s2+$0x0], $0xffff  }
.LBB2_3:
0x333: {  	v15 =	vld [tilespmem:$0x1FEE0];
	_ =	sdelay $0x6  }
0x334: {  	s25 =	sadd.s32 $0x2, s25;
	s23 =	sadd.s32 $0x20, s23;
	v0 =	vadd.f32 v2, v0;
	v2 =	vadd.f32 v14, v13;
	v13 =	vld.idx.msk [tilespmem:v22+s2+$0x0], $0xffff  }
0x335: {  	[tilespmem:$0x1FB00] =	vst v55;
	s29 =	sand.u32 $0x60, s23;
	s1 =	sshll.u32 s25, $0x6;
	v14 =	vmul.f32 v18, v6;
	v18 =	vmul.f32 v19, v7;
	v17 =	vld.idx.msk [tilespmem:v15+s2+$0x0], $0xffff  }
0x336: {  	v55 =	vmov v3;
	v3 =	vmov v12;
	s1 =	sand.u32 $0xFFFFFE00, s1;
	s30 =	sor.u32 $0x10, s29;
	[tilespmem:s0+$0x0] =	vst.add.f32.msk $0xffff, v0;
	v0 =	vmul.f32 v1, v54  }
0x337: {  	s15 =	sor.u32 s29, s1;
	s1 =	sor.u32 s1, s30;
	v12 =	vmul.f32 v20, v5;
	v1 =	vadd.f32 v18, v14;
	v14 =	vadd.s32 $0x2100, v8;
	v15 =	vmovc v21;
	v18 =	vld.idx.msk [tilespmem:v60+s2+$0x0], $0xffff  }
0x338: {  	v19 =	vadd.s32 $0x2100, v10;
	[tilespmem:$0x1F990] =	vst v15;
	v15 =	vld [tilespmem:s1+$0x4100];
	v0 =	vadd.f32 v0, v2  }
0x339: {  	s3 =	sadd.s32 $0x10080, s20;
	v1 =	vadd.f32 v12, v1;
	v12 =	vld [tilespmem:s1+$0x4080]  }
0x33a: {  	s4 =	sor.u32 s18, s3;
	s3 =	sor.u32 s19, s3;
	v2 =	vmul.f32 v16, v4;
	[tilespmem:$0x1FB70] =	vst v0;
	v0 =	vld [tilespmem:s1+$0x4000];
	v16 =	vmul.f32 v17, v11  }
0x33b: {  	[tilespmem:s3+$0x0] =	vst.add.f32.msk $0xffff, v1  }
0x33c: {  	v17 =	vadd.s32 $0x2100, v9;
	v1 =	vadd.f32 v16, v2;
	v2 =	vld.idx.msk [tilespmem:v14+s2+$0x0], $0xffff  }
0x33d: {  	v13 =	vmul.f32 v13, v3;
	v14 =	vld.idx.msk [tilespmem:v19+s2+$0x0], $0xffff  }
0x33e: {  	v19 =	vld [tilespmem:s15+$0x4000]  }
0x33f: {  	v1 =	vadd.f32 v13, v1;
	v13 =	vshll.u32 v0, $0x3  }
0x340: {  	[tilespmem:$0x1FDA0] =	vst v24;
	v21 =	vld [tilespmem:s15+$0x4080];
	v16 =	vshll.u32 v12, $0x3;
	v0 =	vand.u32 $0x7F, v0;
	v13 =	vand.u32 $0xFFFFFC00, v13  }
0x341: {  	[tilespmem:$0x1FE60] =	vst v25;
	v17 =	vld.idx.msk [tilespmem:v17+s2+$0x0], $0xffff;
	v25 =	vor.u32 v0, v13;
	v0 =	vand.u32 $0x7F, v12;
	v12 =	vand.u32 $0xFFFFFC00, v16  }
0x342: {  	[tilespmem:$0x1FE30] =	vst v38;
	v22 =	vld [tilespmem:s15+$0x4100];
	v38 =	vmul.f32 v18, v53;
	v18 =	vshll.u32 v15, $0x3;
	v24 =	vor.u32 v0, v12  }
0x343: {  	v20 =	vld [tilespmem:s1+$0x6080];
	v0 =	vand.u32 $0x7F, v15;
	v12 =	vand.u32 $0xFFFFFC00, v18;
	v13 =	vshll.u32 v19, $0x3  }
0x344: {  	v16 =	vld [tilespmem:s15+$0x6000];
	v23 =	vor.u32 v0, v12;
	v0 =	vmul.f32 v2, v6;
	v2 =	vmul.f32 v14, v7  }
0x345: {  	[tilespmem:$0x1FA70] =	vst v53;
	v18 =	vld [tilespmem:s1+$0x6100];
	v12 =	vand.u32 $0x7F, v19;
	v13 =	vand.u32 $0xFFFFFC00, v13  }
0x346: {  	v54 =	vmovc v61;
	v19 =	vld [tilespmem:s1+$0x6000];
	v61 =	vor.u32 v12, v13;
	v0 =	vadd.f32 v2, v0;
	v2 =	vmul.f32 v17, v5  }
0x347: {  	[tilespmem:$0x1FEA0] =	vst v26;
	v15 =	vshll.u32 v21, $0x3;
	v21 =	vand.u32 $0x7F, v21;
	v14 =	vadd.s32 $0x2180, v8;
	v26 =	vld.idx.msk [tilespmem:v25+s2+$0x0], $0xffff  }
0x348: {  	[tilespmem:$0x1FCE0] =	vst v27;
	s5 =	sadd.s32 $0x10100, s20;
	v15 =	vand.u32 $0xFFFFFC00, v15;
	v17 =	vadd.s32 $0x2180, v10;
	v27 =	vld.idx.msk [tilespmem:v24+s2+$0x0], $0xffff;
	v0 =	vadd.f32 v2, v0  }
0x349: {  	[tilespmem:$0x1FAB0] =	vst v58;
	s1 =	sor.u32 s19, s5;
	v58 =	vor.u32 v21, v15;
	v12 =	vld.idx.msk [tilespmem:v23+s2+$0x0], $0xffff  }
0x34a: {  	v21 =	vadd.s32 $0x2180, v9;
	[tilespmem:s1+$0x0] =	vst.add.f32.msk $0xffff, v0  }
0x34b: {  	[tilespmem:$0x1FC70] =	vst v48;
	v13 =	vshll.u32 v22, $0x3;
	v48 =	vld.idx.msk [tilespmem:v61+s2+$0x0], $0xffff  }
0x34c: {  	[tilespmem:$0x1FC50] =	vst v46;
	v2 =	vand.u32 $0x7F, v22;
	v0 =	vand.u32 $0xFFFFFC00, v13;
	v14 =	vld.idx.msk [tilespmem:v14+s2+$0x0], $0xffff  }
0x34d: {  	[tilespmem:$0x1FB20] =	vst v62;
	v62 =	vor.u32 v2, v0;
	v46 =	vld.idx.msk [tilespmem:v17+s2+$0x0], $0xffff  }
0x34e: {  	[tilespmem:$0x1FBB0] =	vst v49;
	v49 =	vld.idx.msk [tilespmem:v58+s2+$0x0], $0xffff;
	v26 =	vmul.f32 v26, v19;
	v27 =	vmul.f32 v27, v20  }
0x34f: {  	[tilespmem:$0x1FBD0] =	vst v50;
	v21 =	vld.idx.msk [tilespmem:v21+s2+$0x0], $0xffff  }
0x350: {  	[tilespmem:$0x1FC00] =	vst v40;
	s6 =	sshll.u32 s25, $0x7;
	v50 =	vor.u32 $0x80, v25;
	v17 =	vld [tilespmem:s15+$0x6080];
	v26 =	vadd.f32 v27, v26;
	v27 =	vmul.f32 v12, v18  }
0x351: {  	[tilespmem:$0x1FD70] =	vst v51;
	s31 =	sand.u32 $0x3FFFFC00, s6;
	v51 =	vor.u32 $0x80, v24;
	v53 =	vor.u32 $0x80, v23;
	v12 =	vld [tilespmem:s15+$0x6100]  }
0x352: {  	s7 =	sadd.s32 $0x8000, s31;
	v40 =	vld.idx.msk [tilespmem:v62+s2+$0x0], $0xffff;
	v14 =	vmul.f32 v14, v6;
	v26 =	vadd.f32 v27, v26;
	v27 =	vmul.f32 v46, v7  }
0x353: {  	s1 =	sor.u32 s30, s7;
	[tilespmem:s4+$0x0] =	vst.add.f32.msk $0xffff, v1  }
0x354: {  	[tilespmem:s1+$0x0] =	vst.add.f32.msk $0xffff, v26;
	v1 =	vadd.f32 v27, v14;
	v14 =	vmul.f32 v21, v5  }
0x355: {  	[tilespmem:$0x1FE50] =	vst v39;
	v39 =	vld.idx.msk [tilespmem:v50+s2+$0x0], $0xffff  }
0x356: {  	[tilespmem:$0x1FC90] =	vst v32;
	s8 =	sadd.s32 $0x10180, s20;
	v32 =	vmul.f32 v48, v16;
	v48 =	vld.idx.msk [tilespmem:v51+s2+$0x0], $0xffff;
	v1 =	vadd.f32 v14, v1  }
0x357: {  	s6 =	sor.u32 s18, s8;
	s8 =	sor.u32 s19, s8;
	v14 =	vmul.f32 v40, v12;
	v40 =	vld.idx.msk [tilespmem:v53+s2+$0x0], $0xffff  }
0x358: {  	[tilespmem:s8+$0x0] =	vst.add.f32.msk $0xffff, v1;
	v1 =	vadd.s32 $0x1000, v61  }
0x359: {  	[tilespmem:$0x1F9C0] =	vst v1;
	v1 =	vadd.s32 $0x1000, v58  }
0x35a: {  	[tilespmem:$0x1F9D0] =	vst v1;
	v1 =	vadd.s32 $0x1000, v62  }
0x35b: {  	[tilespmem:$0x1F9E0] =	vst v1;
	v1 =	vadd.s32 $0x1080, v61  }
0x35c: {  	[tilespmem:$0x1F9F0] =	vst v1;
	v1 =	vadd.s32 $0x1080, v58  }
0x35d: {  	[tilespmem:$0x1FA00] =	vst v1;
	v1 =	vadd.s32 $0x1080, v62  }
0x35e: {  	[tilespmem:$0x1FA10] =	vst v1;
	v1 =	vadd.s32 $0x1100, v61  }
0x35f: {  	[tilespmem:$0x1FA40] =	vst v1;
	v1 =	vadd.s32 $0x1100, v58  }
0x360: {  	[tilespmem:$0x1FA50] =	vst v1;
	v1 =	vld [tilespmem:$0x1FEF0];
	_ =	sdelay $0x6  }
0x361: {  	[tilespmem:$0x1FD50] =	vst v45  }
0x362: {  	[tilespmem:$0x1FD30] =	vst v44;
	v50 =	vld.idx.msk [tilespmem:v1+s2+$0x0], $0xffff;
	v1 =	vadd.s32 $0x1100, v62  }
0x363: {  	[tilespmem:$0x1FA60] =	vst v1;
	v1 =	vadd.s32 $0x1180, v61  }
0x364: {  	[tilespmem:$0x1FA80] =	vst v1;
	v1 =	vadd.s32 $0x1180, v58  }
0x365: {  	[tilespmem:$0x1FA90] =	vst v1;
	v1 =	vadd.s32 $0x1180, v62  }
0x366: {  	[tilespmem:$0x1FAA0] =	vst v1;
	v1 =	vadd.s32 $0x1200, v61  }
0x367: {  	[tilespmem:$0x1FAD0] =	vst v1;
	v1 =	vadd.s32 $0x1200, v58  }
0x368: {  	v44 =	vadd.s32 $0x2200, v10;
	v46 =	vmul.f32 v49, v17;
	[tilespmem:$0x1FAE0] =	vst v1;
	v1 =	vadd.s32 $0x1200, v62  }
0x369: {  	v21 =	vadd.s32 $0x2200, v8;
	[tilespmem:$0x1FAF0] =	vst v1;
	v1 =	vadd.s32 $0x1280, v61  }
0x36a: {  	v45 =	vor.u32 $0x300, v61;
	v32 =	vadd.f32 v46, v32;
	[tilespmem:$0x1FB80] =	vst v1;
	v1 =	vld [tilespmem:$0x1FF00]  }
0x36b: {  	v53 =	vadd.s32 $0x2200, v9;
	v39 =	vmul.f32 v39, v19;
	v48 =	vmul.f32 v48, v20  }
0x36c: {  	[tilespmem:$0x1F9A0] =	vst v45  }
0x36d: {  	v32 =	vadd.f32 v14, v32;
	v44 =	vld.idx.msk [tilespmem:v44+s2+$0x0], $0xffff;
	v46 =	vmul.f32 v40, v18;
	v45 =	vadd.f32 v48, v39  }
0x36e: {  	[tilespmem:$0x1FAC0] =	vst v35;
	s3 =	sor.u32 s18, s5;
	s5 =	sor.u32 s29, s7;
	v21 =	vld.idx.msk [tilespmem:v21+s2+$0x0], $0xffff  }
0x36f: {  	[tilespmem:s5+$0x0] =	vst.add.f32.msk $0xffff, v32;
	v32 =	vadd.f32 v46, v45  }
0x370: {  	[tilespmem:$0x1FB60] =	vst v31;
	s8 =	sor.u32 $0x80, s1;
	v49 =	vld.idx.msk [tilespmem:v53+s2+$0x0], $0xffff  }
0x371: {  	[tilespmem:s8+$0x0] =	vst.add.f32.msk $0xffff, v32  }
0x372: {  	[tilespmem:$0x1FE90] =	vst v33;
	v33 =	vmul.f32 v44, v7;
	v44 =	vld.idx.msk [tilespmem:v1+s2+$0x0], $0xffff;
	v1 =	vadd.s32 $0x1280, v58  }
0x373: {  	[tilespmem:$0x1FB90] =	vst v1;
	v1 =	vadd.s32 $0x1280, v62  }
0x374: {  	[tilespmem:$0x1FBA0] =	vst v1;
	v1 =	vadd.s32 $0x1300, v61  }
0x375: {  	[tilespmem:$0x1FC20] =	vst v1;
	v1 =	vadd.s32 $0x1300, v58  }
0x376: {  	[tilespmem:$0x1FC30] =	vst v1;
	v1 =	vadd.s32 $0x1300, v62  }
0x377: {  	v22 =	vor.u32 $0x80, v61;
	[tilespmem:$0x1FC40] =	vst v1;
	v1 =	vadd.s32 $0x1380, v61  }
0x378: {  	v31 =	vor.u32 $0x80, v58;
	[tilespmem:$0x1FD00] =	vst v1;
	v1 =	vadd.s32 $0x1380, v58  }
0x379: {  	v35 =	vor.u32 $0x80, v62;
	[tilespmem:$0x1FD10] =	vst v1;
	v1 =	vadd.s32 $0x1380, v62  }
0x37a: {  	[tilespmem:$0x1FD20] =	vst v1;
	v1 =	vadd.s32 $0x2000, v61  }
0x37b: {  	v40 =	vor.u32 $0x100, v25;
	[tilespmem:$0x1FDC0] =	vst v1;
	v1 =	vadd.s32 $0x2000, v58  }
0x37c: {  	v48 =	vor.u32 $0x100, v24;
	v22 =	vld.idx.msk [tilespmem:v22+s2+$0x0], $0xffff;
	[tilespmem:$0x1FDD0] =	vst v1;
	v1 =	vadd.s32 $0x2000, v62  }
0x37d: {  	v51 =	vor.u32 $0x100, v23;
	v21 =	vmul.f32 v21, v6;
	v31 =	vld.idx.msk [tilespmem:v31+s2+$0x0], $0xffff;
	[tilespmem:$0x1FDE0] =	vst v1;
	v1 =	vadd.s32 $0x2080, v61  }
0x37e: {  	v35 =	vld.idx.msk [tilespmem:v35+s2+$0x0], $0xffff;
	[tilespmem:$0x1FED0] =	vst v1;
	v1 =	vadd.s32 $0x2080, v58  }
0x37f: {  	s11 =	sor.u32 $0x80, s5;
	v21 =	vadd.f32 v33, v21;
	v53 =	vmul.f32 v49, v5;
	v46 =	vadd.s32 $0x2280, v9;
	[tilespmem:$0x1FEE0] =	vst v1;
	v1 =	vld [tilespmem:$0x1FF90]  }
0x380: {  	s9 =	sor.u32 $0x180, s5;
	s10 =	sor.u32 $0x200, s5;
	s0 =	sor.u32 $0x380, s5;
	v39 =	vadd.s32 $0x2280, v8;
	v40 =	vld.idx.msk [tilespmem:v40+s2+$0x0], $0xffff  }
0x381: {  	s7 =	sor.u32 $0x100, s5;
	s15 =	sor.u32 $0x280, s5;
	v21 =	vadd.f32 v53, v21;
	v45 =	vadd.s32 $0x2280, v10;
	s8 =	sadd.s32 $0x10200, s20;
	v48 =	vld.idx.msk [tilespmem:v48+s2+$0x0], $0xffff  }
0x382: {  	s4 =	sor.u32 $0x300, s5;
	v32 =	vld.idx.msk [tilespmem:v51+s2+$0x0], $0xffff;
	s5 =	sor.u32 s18, s8;
	s8 =	sor.u32 s19, s8;
	v22 =	vmul.f32 v22, v16;
	v31 =	vmul.f32 v31, v17  }
0x383: {  	[tilespmem:s8+$0x0] =	vst.add.f32.msk $0xffff, v21  }
0x384: {  	[tilespmem:$0x1FCC0] =	vst v29;
	v29 =	vor.u32 $0x100, v61;
	v51 =	vld.idx.msk [tilespmem:v46+s2+$0x0], $0xffff;
	v35 =	vmul.f32 v35, v12;
	v21 =	vadd.f32 v31, v22  }
0x385: {  	v2 =	vor.u32 $0x100, v58;
	v30 =	vor.u32 $0x100, v62;
	v31 =	vld.idx.msk [tilespmem:v39+s2+$0x0], $0xffff  }
0x386: {  	v39 =	vld.idx.msk [tilespmem:v45+s2+$0x0], $0xffff;
	v40 =	vmul.f32 v40, v19;
	v48 =	vmul.f32 v48, v20;
	v35 =	vadd.f32 v35, v21  }
0x387: {  	v45 =	vld.idx.msk [tilespmem:v1+s2+$0x0], $0xffff  }
0x388: {  	v32 =	vmul.f32 v32, v18;
	v46 =	vadd.f32 v48, v40;
	[tilespmem:s11+$0x0] =	vst.add.f32.msk $0xffff, v35  }
0x389: {  	v48 =	vor.u32 $0x180, v24;
	v29 =	vld.idx.msk [tilespmem:v29+s2+$0x0], $0xffff  }
0x38a: {  	[tilespmem:$0x1FCB0] =	vst v42;
	v53 =	vor.u32 $0x180, v23;
	v32 =	vadd.f32 v32, v46;
	v1 =	vadd.s32 $0x2080, v62;
	v2 =	vld.idx.msk [tilespmem:v2+s2+$0x0], $0xffff  }
0x38b: {  	v40 =	vor.u32 $0x180, v25;
	v31 =	vmul.f32 v31, v6;
	v35 =	vmul.f32 v39, v7;
	s11 =	sor.u32 $0x100, s1;
	[tilespmem:$0x1FEC0] =	vst v1;
	v30 =	vld.idx.msk [tilespmem:v30+s2+$0x0], $0xffff  }
0x38c: {  	v14 =	vmovc v52;
	v49 =	vadd.s32 $0x2300, v10;
	v52 =	vmul.f32 v51, v5;
	v1 =	vadd.s32 $0x2100, v61;
	[tilespmem:s11+$0x0] =	vst.add.f32.msk $0xffff, v32  }
0x38d: {  	v42 =	vld.idx.msk [tilespmem:v63+s2+$0x0], $0xffff;
	[tilespmem:$0x1FEF0] =	vst v1;
	v1 =	vadd.s32 $0x2100, v58;
	v31 =	vadd.f32 v35, v31;
	v35 =	vadd.s32 $0x2300, v8  }
0x38e: {  	v50 =	vmul.f32 v50, v4;
	v39 =	vmul.f32 v44, v11;
	v48 =	vld.idx.msk [tilespmem:v48+s2+$0x0], $0xffff;
	[tilespmem:$0x1FF00] =	vst v1;
	v1 =	vadd.s32 $0x2100, v62  }
0x38f: {  	s8 =	sadd.s32 $0x10280, s20;
	v53 =	vld.idx.msk [tilespmem:v53+s2+$0x0], $0xffff;
	v31 =	vadd.f32 v52, v31;
	v63 =	vmul.f32 v29, v16;
	v2 =	vmul.f32 v2, v17  }
0x390: {  	s11 =	sor.u32 s18, s8;
	s8 =	sor.u32 s19, s8;
	v39 =	vadd.f32 v39, v50;
	v44 =	vmul.f32 v45, v3;
	v45 =	vld.idx.msk [tilespmem:v40+s2+$0x0], $0xffff  }
0x391: {  	v30 =	vmul.f32 v30, v12;
	[tilespmem:s8+$0x0] =	vst.add.f32.msk $0xffff, v31;
	v31 =	vadd.f32 v2, v63  }
0x392: {  	[tilespmem:$0x1FF90] =	vst v1;
	v1 =	vmov v47;
	v32 =	vadd.f32 v44, v39;
	v47 =	vld.idx.msk [tilespmem:v35+s2+$0x0], $0xffff  }
0x393: {  	v22 =	vld.idx.msk [tilespmem:v49+s2+$0x0], $0xffff;
	v30 =	vadd.f32 v30, v31  }
0x394: {  	[tilespmem:s3+$0x0] =	vst.add.f32.msk $0xffff, v32  }
0x395: {  	[tilespmem:s7+$0x0] =	vst.add.f32.msk $0xffff, v30;
	v30 =	vadd.s32 $0x2380, v58  }
0x396: {  	v48 =	vmul.f32 v48, v20;
	v45 =	vmul.f32 v45, v19;
	[tilespmem:$0x1FB30] =	vst v30;
	v30 =	vadd.s32 $0x2380, v62  }
0x397: {  	[tilespmem:$0x1FB40] =	vst v30;
	v30 =	vadd.s32 $0x3000, v61  }
0x398: {  	[tilespmem:$0x1FBC0] =	vst v30;
	v30 =	vadd.f32 v48, v45  }
0x399: {  	[tilespmem:$0x1FC10] =	vst v28;
	v45 =	vmul.f32 v47, v6;
	v47 =	vmul.f32 v22, v7;
	v22 =	vadd.s32 $0x3000, v62  }
0x39a: {  	v46 =	vadd.s32 $0x2300, v9;
	[tilespmem:$0x1FBF0] =	vst v22;
	v22 =	vadd.s32 $0x3080, v61  }
0x39b: {  	v15 =	vor.u32 $0x180, v61;
	[tilespmem:$0x1FC60] =	vst v22;
	v22 =	vadd.s32 $0x3080, v58  }
0x39c: {  	v28 =	vor.u32 $0x180, v58;
	[tilespmem:$0x1FC80] =	vst v22;
	v22 =	vld [tilespmem:$0x1FF10]  }
0x39d: {  	v13 =	vor.u32 $0x180, v62;
	_ =	sdelay $0x1  }
0x39e: {  	v46 =	vld.idx.msk [tilespmem:v46+s2+$0x0], $0xffff;
	v33 =	vmul.f32 v53, v18  }
0x39f: {  	[tilespmem:$0x1FA20] =	vst v57;
	v15 =	vld.idx.msk [tilespmem:v15+s2+$0x0], $0xffff;
	v48 =	vor.u32 $0x200, v25  }
0x3a0: {  	[tilespmem:$0x1FA30] =	vst v34;
	v53 =	vor.u32 $0x200, v24;
	v28 =	vld.idx.msk [tilespmem:v28+s2+$0x0], $0xffff;
	v30 =	vadd.f32 v33, v30  }
0x3a1: {  	[tilespmem:$0x1FB50] =	vst v59;
	v52 =	vor.u32 $0x200, v23;
	s7 =	sor.u32 $0x180, s1;
	v13 =	vld.idx.msk [tilespmem:v13+s2+$0x0], $0xffff  }
0x3a2: {  	v21 =	vadd.s32 $0x2180, v61;
	[tilespmem:s7+$0x0] =	vst.add.f32.msk $0xffff, v30  }
0x3a3: {  	[tilespmem:$0x1FCD0] =	vst v41;
	v30 =	vmul.f32 v46, v5;
	v33 =	vld.idx.msk [tilespmem:v22+s2+$0x0], $0xffff;
	v22 =	vmov v21;
	v21 =	vadd.f32 v47, v45  }
0x3a4: {  	[tilespmem:$0x1FD90] =	vst v37;
	v46 =	vld.idx.msk [tilespmem:v48+s2+$0x0], $0xffff  }
0x3a5: {  	s8 =	sadd.s32 $0x10300, s20;
	v15 =	vmul.f32 v15, v16;
	v28 =	vmul.f32 v28, v17;
	v48 =	vld.idx.msk [tilespmem:v53+s2+$0x0], $0xffff;
	v21 =	vadd.f32 v30, v21  }
0x3a6: {  	[tilespmem:$0x1FDF0] =	vst v36;
	s7 =	sor.u32 s19, s8;
	v52 =	vld.idx.msk [tilespmem:v52+s2+$0x0], $0xffff  }
0x3a7: {  	v41 =	vor.u32 $0x200, v58;
	v13 =	vmul.f32 v13, v12;
	[tilespmem:s7+$0x0] =	vst.add.f32.msk $0xffff, v21;
	v21 =	vadd.f32 v28, v15  }
0x3a8: {  	[tilespmem:$0x1FE10] =	vst v43;
	v59 =	vor.u32 $0x280, v61;
	v36 =	vor.u32 $0x280, v58;
	v43 =	vor.u32 $0x380, v62  }
0x3a9: {  	v34 =	vor.u32 $0x380, v58;
	v0 =	vor.u32 $0x200, v61;
	[tilespmem:$0x1F9B0] =	vst v43;
	v13 =	vadd.f32 v13, v21;
	v21 =	vld [tilespmem:$0x1FF20]  }
0x3aa: {  	v37 =	vor.u32 $0x200, v62;
	v45 =	vadd.s32 $0x2380, v8;
	[tilespmem:$0x1FF10] =	vst v22;
	v22 =	vadd.s32 $0x3080, v62  }
0x3ab: {  	v60 =	vor.u32 $0x280, v62;
	v47 =	vadd.s32 $0x2380, v10;
	[tilespmem:$0x1FCA0] =	vst v22;
	v22 =	vadd.s32 $0x3100, v61  }
0x3ac: {  	v57 =	vor.u32 $0x300, v62;
	v43 =	vadd.s32 $0x2180, v58;
	[tilespmem:$0x1FD40] =	vst v22;
	v22 =	vadd.s32 $0x3100, v58  }
0x3ad: {  	v27 =	vor.u32 $0x300, v58;
	v26 =	vor.u32 $0x380, v61;
	[tilespmem:$0x1FD60] =	vst v22;
	v22 =	vadd.s32 $0x3100, v62  }
0x3ae: {  	v51 =	vadd.s32 $0x2300, v61;
	v50 =	vadd.s32 $0x2300, v58;
	v15 =	vadd.s32 $0x3180, v62;
	[tilespmem:$0x1FD80] =	vst v22  }
0x3af: {  	v40 =	vadd.s32 $0x2180, v62;
	v30 =	vadd.s32 $0x2380, v9;
	v22 =	vadd.s32 $0x3180, v61;
	[tilespmem:$0x1FE40] =	vst v15;
	v45 =	vld.idx.msk [tilespmem:v45+s2+$0x0], $0xffff  }
0x3b0: {  	v42 =	vmul.f32 v42, v56;
	v39 =	vadd.s32 $0x2200, v61;
	v47 =	vld.idx.msk [tilespmem:v47+s2+$0x0], $0xffff;
	[tilespmem:$0x1FE00] =	vst v22;
	v22 =	vadd.s32 $0x3180, v58  }
0x3b1: {  	v63 =	vadd.s32 $0x2280, v61;
	v31 =	vadd.s32 $0x2380, v61;
	v28 =	vadd.s32 $0x3280, v61;
	[tilespmem:$0x1FE20] =	vst v22;
	v21 =	vld.idx.msk [tilespmem:v21+s2+$0x0], $0xffff  }
0x3b2: {  	v15 =	vadd.s32 $0x3200, v61;
	[tilespmem:s9+$0x0] =	vst.add.f32.msk $0xffff, v13;
	v13 =	vadd.s32 $0x3300, v61;
	v61 =	vadd.s32 $0x3380, v61  }
0x3b3: {  	v29 =	vadd.s32 $0x2200, v58;
	v22 =	vmovc v43;
	v43 =	vmul.f32 v46, v19;
	v46 =	vmul.f32 v48, v20;
	[tilespmem:$0x1FDB0] =	vst v61;
	v61 =	vld [tilespmem:$0x1FFA0]  }
0x3b4: {  	v35 =	vadd.s32 $0x2280, v58;
	v44 =	vadd.s32 $0x2280, v62;
	v42 =	vadd.f32 v42, v38;
	v30 =	vld.idx.msk [tilespmem:v30+s2+$0x0], $0xffff  }
0x3b5: {  	v38 =	vadd.f32 v46, v43;
	v43 =	vmul.f32 v52, v18;
	v46 =	vor.u32 $0x280, v25  }
0x3b6: {  	v49 =	vadd.s32 $0x2300, v62;
	[tilespmem:$0x1FB10] =	vst v31;
	v31 =	vadd.s32 $0x3000, v58;
	v33 =	vmul.f32 v33, v4;
	v0 =	vld.idx.msk [tilespmem:v0+s2+$0x0], $0xffff  }
0x3b7: {  	[tilespmem:$0x1FF20] =	vst v22;
	v22 =	vor.u32 $0x280, v24;
	v43 =	vadd.f32 v43, v38;
	v38 =	vadd.s32 $0x3300, v62;
	v52 =	vld.idx.msk [tilespmem:v41+s2+$0x0], $0xffff  }
0x3b8: {  	[tilespmem:$0x1FBE0] =	vst v31;
	v31 =	vor.u32 $0x280, v23;
	v45 =	vmul.f32 v45, v6;
	v47 =	vmul.f32 v47, v7;
	s9 =	sor.u32 $0x200, s1;
	v37 =	vld.idx.msk [tilespmem:v37+s2+$0x0], $0xffff  }
0x3b9: {  	v32 =	vadd.s32 $0x3200, v58;
	v30 =	vmul.f32 v30, v5;
	[tilespmem:s9+$0x0] =	vst.add.f32.msk $0xffff, v43;
	v21 =	vmul.f32 v21, v11  }
0x3ba: {  	v53 =	vadd.s32 $0x3280, v58;
	[tilespmem:$0x1FCF0] =	vst v38;
	v43 =	vadd.s32 $0x3000, v8;
	v38 =	vmovc v40;
	v40 =	vadd.f32 v47, v45;
	v45 =	vld.idx.msk [tilespmem:v46+s2+$0x0], $0xffff  }
0x3bb: {  	v41 =	vadd.s32 $0x3300, v58;
	v21 =	vadd.f32 v21, v33;
	v33 =	vadd.s32 $0x3000, v10;
	v61 =	vld.idx.msk [tilespmem:v61+s2+$0x0], $0xffff  }
0x3bc: {  	s3 =	sor.u32 s18, s8;
	s8 =	sadd.s32 $0x10380, s20;
	[tilespmem:$0x1FE80] =	vst v15;
	v47 =	vadd.s32 $0x3380, v58;
	v58 =	vadd.s32 $0x3380, v62;
	v22 =	vld.idx.msk [tilespmem:v22+s2+$0x0], $0xffff;
	v30 =	vadd.f32 v30, v40  }
0x3bd: {  	v2 =	vadd.s32 $0x2200, v62;
	s7 =	sor.u32 s19, s8;
	v15 =	vadd.s32 $0x3200, v62;
	v48 =	vadd.s32 $0x3280, v62;
	v31 =	vld.idx.msk [tilespmem:v31+s2+$0x0], $0xffff;
	[tilespmem:$0x1FEB0] =	vst v58  }
0x3be: {  	v58 =	vadd.s32 $0x3000, v9;
	v0 =	vmul.f32 v0, v16;
	v62 =	vmul.f32 v52, v17;
	[tilespmem:s7+$0x0] =	vst.add.f32.msk $0xffff, v30  }
0x3bf: {  	v40 =	vld.idx.msk [tilespmem:v43+s2+$0x0], $0xffff  }
0x3c0: {  	v37 =	vmul.f32 v37, v12;
	v0 =	vadd.f32 v62, v0;
	v33 =	vld.idx.msk [tilespmem:v33+s2+$0x0], $0xffff;
	v30 =	vmul.f32 v61, v3  }
0x3c1: {  	[tilespmem:$0x1FE70] =	vst v47;
	v47 =	vmovc v15;
	v15 =	vmul.f32 v45, v19;
	v22 =	vmul.f32 v22, v20;
	v61 =	vmov v1;
	v1 =	vld [tilespmem:$0x1FF30]  }
0x3c2: {  	v0 =	vadd.f32 v37, v0;
	v21 =	vadd.f32 v30, v21;
	v30 =	vld.idx.msk [tilespmem:v54+s2+$0x0], $0xffff  }
0x3c3: {  	v15 =	vadd.f32 v22, v15;
	v22 =	vmul.f32 v31, v18;
	v54 =	vld.idx.msk [tilespmem:v58+s2+$0x0], $0xffff  }
0x3c4: {  	[tilespmem:s10+$0x0] =	vst.add.f32.msk $0xffff, v0  }
0x3c5: {  	v31 =	vor.u32 $0x300, v25;
	v15 =	vadd.f32 v22, v15;
	v0 =	vld.idx.msk [tilespmem:v59+s2+$0x0], $0xffff  }
0x3c6: {  	v22 =	vmul.f32 v40, v6;
	v58 =	vor.u32 $0x300, v24;
	v36 =	vld.idx.msk [tilespmem:v36+s2+$0x0], $0xffff;
	v33 =	vmul.f32 v33, v7  }
0x3c7: {  	s10 =	sor.u32 $0x280, s1;
	v59 =	vor.u32 $0x300, v23;
	v46 =	vld.idx.msk [tilespmem:v60+s2+$0x0], $0xffff  }
0x3c8: {  	[tilespmem:s10+$0x0] =	vst.add.f32.msk $0xffff, v15;
	v15 =	vadd.f32 v33, v22  }
0x3c9: {  	[tilespmem:s6+$0x0] =	vst.add.f32.msk $0xffff, v21;
	v21 =	vmul.f32 v30, v55;
	v22 =	vmul.f32 v54, v5;
	v30 =	vadd.s32 $0x3080, v8  }
0x3ca: {  	v31 =	vld.idx.msk [tilespmem:v31+s2+$0x0], $0xffff  }
0x3cb: {  	s9 =	sor.u32 s18, s8;
	s8 =	sadd.s32 $0x14000, s20;
	v58 =	vld.idx.msk [tilespmem:v58+s2+$0x0], $0xffff;
	v15 =	vadd.f32 v22, v15  }
0x3cc: {  	s6 =	sor.u32 s19, s8;
	v59 =	vld.idx.msk [tilespmem:v59+s2+$0x0], $0xffff  }
0x3cd: {  	v54 =	vadd.s32 $0x3080, v10;
	v0 =	vmul.f32 v0, v16;
	v22 =	vmul.f32 v36, v17;
	[tilespmem:s6+$0x0] =	vst.add.f32.msk $0xffff, v15  }
0x3ce: {  	v15 =	vld.idx.msk [tilespmem:v30+s2+$0x0], $0xffff  }
0x3cf: {  	[tilespmem:$0x1FFA0] =	vst v38;
	v38 =	vmul.f32 v46, v12;
	v0 =	vadd.f32 v22, v0;
	v30 =	vld.idx.msk [tilespmem:v1+s2+$0x0], $0xffff;
	v1 =	vmov v39  }
0x3d0: {  	v62 =	vadd.s32 $0x3080, v9;
	[tilespmem:$0x1FF30] =	vst v1;
	v1 =	vld [tilespmem:$0x1FF40]  }
0x3d1: {  	v0 =	vadd.f32 v38, v0  }
0x3d2: {  	v22 =	vld.idx.msk [tilespmem:v54+s2+$0x0], $0xffff  }
0x3d3: {  	[tilespmem:s15+$0x0] =	vst.add.f32.msk $0xffff, v0  }
0x3d4: {  	v31 =	vmul.f32 v31, v19;
	v43 =	vmul.f32 v58, v20;
	v0 =	vld [tilespmem:$0x1F9A0]  }
0x3d5: {  	v37 =	vld.idx.msk [tilespmem:v62+s2+$0x0], $0xffff  }
0x3d6: {  	v46 =	vor.u32 $0x380, v25;
	v45 =	vmul.f32 v59, v18;
	v31 =	vadd.f32 v43, v31;
	v27 =	vld.idx.msk [tilespmem:v27+s2+$0x0], $0xffff  }
0x3d7: {  	v59 =	vld.idx.msk [tilespmem:v57+s2+$0x0], $0xffff  }
0x3d8: {  	v54 =	vor.u32 $0x380, v24;
	v31 =	vadd.f32 v45, v31;
	v62 =	vld.idx.msk [tilespmem:v1+s2+$0x0], $0xffff;
	v1 =	vmov v29  }
0x3d9: {  	s7 =	sor.u32 $0x300, s1;
	v58 =	vor.u32 $0x380, v23;
	v15 =	vmul.f32 v15, v6;
	v22 =	vmul.f32 v22, v7;
	[tilespmem:$0x1FF40] =	vst v1;
	v1 =	vld [tilespmem:$0x1FFB0]  }
0x3da: {  	[tilespmem:s7+$0x0] =	vst.add.f32.msk $0xffff, v31  }
0x3db: {  	v15 =	vadd.f32 v22, v15;
	v22 =	vmul.f32 v37, v5;
	v31 =	vld.idx.msk [tilespmem:v46+s2+$0x0], $0xffff  }
0x3dc: {  	v0 =	vld.idx.msk [tilespmem:v0+s2+$0x0], $0xffff  }
0x3dd: {  	s10 =	sor.u32 s18, s8;
	s8 =	sadd.s32 $0x14080, s20;
	v45 =	vld.idx.msk [tilespmem:v54+s2+$0x0], $0xffff;
	v15 =	vadd.f32 v22, v15  }
0x3de: {  	s6 =	sor.u32 s19, s8;
	v22 =	vmul.f32 v27, v17;
	v27 =	vld.idx.msk [tilespmem:v58+s2+$0x0], $0xffff  }
0x3df: {  	v30 =	vmul.f32 v30, v4;
	v46 =	vadd.s32 $0x3100, v9;
	[tilespmem:s6+$0x0] =	vst.add.f32.msk $0xffff, v15;
	v15 =	vmul.f32 v62, v11  }
0x3e0: {  	v52 =	vmov v32;
	v29 =	vadd.s32 $0x3100, v8  }
0x3e1: {  	v32 =	vadd.s32 $0x3100, v10;
	v0 =	vmul.f32 v0, v16;
	v15 =	vadd.f32 v15, v30;
	v30 =	vld.idx.msk [tilespmem:v1+s2+$0x0], $0xffff;
	v1 =	vmovc v2  }
0x3e2: {  	[tilespmem:$0x1FFB0] =	vst v1;
	v1 =	vld [tilespmem:$0x1F9B0]  }
0x3e3: {  	v54 =	vmul.f32 v59, v12;
	v0 =	vadd.f32 v22, v0  }
0x3e4: {  	v57 =	vld.idx.msk [tilespmem:v46+s2+$0x0], $0xffff  }
0x3e5: {  	v22 =	vld.idx.msk [tilespmem:v29+s2+$0x0], $0xffff;
	v0 =	vadd.f32 v54, v0  }
0x3e6: {  	v29 =	vld.idx.msk [tilespmem:v32+s2+$0x0], $0xffff;
	v2 =	vmul.f32 v31, v19;
	v31 =	vmul.f32 v45, v20  }
0x3e7: {  	[tilespmem:s4+$0x0] =	vst.add.f32.msk $0xffff, v0  }
0x3e8: {  	v2 =	vadd.f32 v31, v2;
	v0 =	vld.idx.msk [tilespmem:v26+s2+$0x0], $0xffff;
	v26 =	vmul.f32 v27, v18;
	v27 =	vadd.s32 $0x1000, v25  }
0x3e9: {  	v21 =	vadd.f32 v21, v42;
	v58 =	vadd.s32 $0x1000, v24;
	v31 =	vld.idx.msk [tilespmem:v34+s2+$0x0], $0xffff  }
0x3ea: {  	v59 =	vadd.s32 $0x1000, v23;
	v2 =	vadd.f32 v26, v2;
	v62 =	vld.idx.msk [tilespmem:v1+s2+$0x0], $0xffff  }
0x3eb: {  	s1 =	sor.u32 $0x380, s1;
	v22 =	vmul.f32 v22, v6;
	v26 =	vmul.f32 v29, v7;
	[tilespmem:s28+$0x0] =	vst.add.f32.msk $0xffff, v21  }
0x3ec: {  	v29 =	vmul.f32 v30, v3;
	[tilespmem:s1+$0x0] =	vst.add.f32.msk $0xffff, v2  }
0x3ed: {  	v2 =	vadd.f32 v26, v22;
	v21 =	vmul.f32 v57, v5;
	v22 =	vadd.s32 $0x3180, v8;
	v26 =	vld.idx.msk [tilespmem:v27+s2+$0x0], $0xffff  }
0x3ee: {  	v15 =	vadd.f32 v29, v15;
	v27 =	vadd.s32 $0x3180, v10;
	v29 =	vld.idx.msk [tilespmem:v58+s2+$0x0], $0xffff  }
0x3ef: {  	s6 =	sadd.s32 $0x14100, s20;
	v0 =	vmul.f32 v0, v16;
	v30 =	vld.idx.msk [tilespmem:v59+s2+$0x0], $0xffff;
	v2 =	vadd.f32 v21, v2;
	v21 =	vmul.f32 v31, v17  }
0x3f0: {  	s4 =	sor.u32 s19, s6;
	[tilespmem:s5+$0x0] =	vst.add.f32.msk $0xffff, v15  }
0x3f1: {  	[tilespmem:s4+$0x0] =	vst.add.f32.msk $0xffff, v2;
	v0 =	vadd.f32 v21, v0;
	v39 =	vmul.f32 v62, v12  }
0x3f2: {  	v2 =	vld.idx.msk [tilespmem:v22+s2+$0x0], $0xffff  }
0x3f3: {  	v31 =	vadd.s32 $0x3180, v9;
	v21 =	vld.idx.msk [tilespmem:v27+s2+$0x0], $0xffff;
	v0 =	vadd.f32 v39, v0  }
0x3f4: {  	v27 =	vld [tilespmem:$0x1F9D0]  }
0x3f5: {  	[tilespmem:s0+$0x0] =	vst.add.f32.msk $0xffff, v0  }
0x3f6: {  	v15 =	vmul.f32 v26, v19;
	v22 =	vmul.f32 v29, v20;
	v0 =	vld [tilespmem:$0x1F9C0];
	_ =	sdelay $0x1  }
0x3f7: {  	v26 =	vld.idx.msk [tilespmem:v31+s2+$0x0], $0xffff;
	v1 =	vadd.f32 v22, v15;
	v15 =	vmul.f32 v30, v18  }
0x3f8: {  	v31 =	vld [tilespmem:$0x1F9E0]  }
0x3f9: {  	s7 =	sadd.s32 $0xC000, s31;
	v22 =	vadd.s32 $0x1080, v25;
	v1 =	vadd.f32 v15, v1;
	v15 =	vmul.f32 v21, v7;
	v21 =	vld [tilespmem:$0x1FF50]  }
0x3fa: {  	v40 =	vmov v63;
	v63 =	vmov v14;
	v14 =	vld [tilespmem:$0x1FF60];
	v29 =	vadd.s32 $0x1080, v24;
	s0 =	sor.u32 s30, s7  }
0x3fb: {  	[tilespmem:s0+$0x0] =	vst.add.f32.msk $0xffff, v1  }
0x3fc: {  	v27 =	vld.idx.msk [tilespmem:v27+s2+$0x0], $0xffff  }
0x3fd: {  	v30 =	vadd.s32 $0x1080, v23;
	v2 =	vmul.f32 v2, v6;
	v0 =	vld.idx.msk [tilespmem:v0+s2+$0x0], $0xffff  }
0x3fe: {  	v22 =	vld.idx.msk [tilespmem:v22+s2+$0x0], $0xffff  }
0x3ff: {  	v1 =	vadd.f32 v15, v2;
	v2 =	vmul.f32 v26, v5;
	v15 =	vadd.s32 $0x3200, v8;
	v29 =	vld.idx.msk [tilespmem:v29+s2+$0x0], $0xffff  }
0x400: {  	v26 =	vadd.s32 $0x3200, v10;
	v31 =	vld.idx.msk [tilespmem:v31+s2+$0x0], $0xffff  }
0x401: {  	s1 =	sor.u32 s18, s6;
	s6 =	sadd.s32 $0x14180, s20;
	v1 =	vadd.f32 v2, v1;
	v21 =	vld.idx.msk [tilespmem:v21+s2+$0x0], $0xffff  }
0x402: {  	s5 =	sor.u32 s19, s6;
	v2 =	vmul.f32 v27, v17;
	v27 =	vld.idx.msk [tilespmem:v30+s2+$0x0], $0xffff;
	v0 =	vmul.f32 v0, v16  }
0x403: {  	[tilespmem:s5+$0x0] =	vst.add.f32.msk $0xffff, v1  }
0x404: {  	v0 =	vadd.f32 v2, v0;
	v2 =	vld.idx.msk [tilespmem:v15+s2+$0x0], $0xffff  }
0x405: {  	v22 =	vmul.f32 v22, v19;
	v15 =	vld.idx.msk [tilespmem:v26+s2+$0x0], $0xffff;
	v26 =	vmul.f32 v29, v20  }
0x406: {  	v1 =	vmul.f32 v21, v4;
	v21 =	vld.idx.msk [tilespmem:v14+s2+$0x0], $0xffff;
	v14 =	vmov v35  }
0x407: {  	v31 =	vmul.f32 v31, v12;
	[tilespmem:$0x1FF60] =	vst v14;
	v14 =	vadd.f32 v26, v22;
	v22 =	vmul.f32 v27, v18  }
0x408: {  	v30 =	vadd.s32 $0x3200, v9;
	v27 =	vld [tilespmem:$0x1FA00]  }
0x409: {  	v0 =	vadd.f32 v31, v0;
	v14 =	vadd.f32 v22, v14;
	v22 =	vld [tilespmem:$0x1FFC0]  }
0x40a: {  	s15 =	sor.u32 s18, s8;
	s8 =	sor.u32 s29, s7  }
0x40b: {  	[tilespmem:s8+$0x0] =	vst.add.f32.msk $0xffff, v0  }
0x40c: {  	v0 =	vld [tilespmem:$0x1F9F0]  }
0x40d: {  	s7 =	sadd.s32 $0xC080, s31;
	v29 =	vld.idx.msk [tilespmem:v30+s2+$0x0], $0xffff;
	v26 =	vadd.s32 $0x1100, v25  }
0x40e: {  	v42 =	vld [tilespmem:$0x1FA10];
	s4 =	sor.u32 s30, s7;
	v30 =	vadd.s32 $0x1100, v24  }
0x40f: {  	[tilespmem:s4+$0x0] =	vst.add.f32.msk $0xffff, v14  }
0x410: {  	v31 =	vadd.s32 $0x1100, v23;
	v2 =	vmul.f32 v2, v6;
	v15 =	vmul.f32 v15, v7;
	v27 =	vld.idx.msk [tilespmem:v27+s2+$0x0], $0xffff  }
0x411: {  	v22 =	vld.idx.msk [tilespmem:v22+s2+$0x0], $0xffff  }
0x412: {  	v14 =	vmul.f32 v29, v5;
	v2 =	vadd.f32 v15, v2;
	v26 =	vld.idx.msk [tilespmem:v26+s2+$0x0], $0xffff  }
0x413: {  	v29 =	vld.idx.msk [tilespmem:v30+s2+$0x0], $0xffff  }
0x414: {  	s0 =	sor.u32 s18, s6;
	s6 =	sadd.s32 $0x14200, s20;
	v21 =	vmul.f32 v21, v11;
	v2 =	vadd.f32 v14, v2;
	v0 =	vld.idx.msk [tilespmem:v0+s2+$0x0], $0xffff  }
0x415: {  	s4 =	sor.u32 s19, s6;
	v14 =	vmul.f32 v27, v17;
	v27 =	vld.idx.msk [tilespmem:v31+s2+$0x0], $0xffff  }
0x416: {  	v1 =	vadd.f32 v21, v1;
	[tilespmem:s4+$0x0] =	vst.add.f32.msk $0xffff, v2;
	v2 =	vmul.f32 v22, v3  }
0x417: {  	v43 =	vld.idx.msk [tilespmem:v42+s2+$0x0], $0xffff;
	v15 =	vadd.s32 $0x3280, v8  }
0x418: {  	v21 =	vadd.s32 $0x3280, v10;
	v1 =	vadd.f32 v2, v1;
	v2 =	vld [tilespmem:$0x1FA20];
	_ =	sdelay $0x1  }
0x419: {  	v0 =	vmul.f32 v0, v16  }
0x41a: {  	v34 =	vmov v28;
	v28 =	vld [tilespmem:$0x1FA50]  }
0x41b: {  	v0 =	vadd.f32 v14, v0;
	v14 =	vld.idx.msk [tilespmem:v15+s2+$0x0], $0xffff  }
0x41c: {  	v31 =	vmul.f32 v43, v12;
	v15 =	vld.idx.msk [tilespmem:v21+s2+$0x0], $0xffff  }
0x41d: {  	v21 =	vld [tilespmem:$0x1FA30]  }
0x41e: {  	v0 =	vadd.f32 v31, v0;
	v31 =	vld [tilespmem:$0x1FA60]  }
0x41f: {  	s8 =	sor.u32 s29, s7;
	v2 =	vld.idx.msk [tilespmem:v2+s2+$0x0], $0xffff  }
0x420: {  	[tilespmem:s8+$0x0] =	vst.add.f32.msk $0xffff, v0  }
0x421: {  	v30 =	vadd.s32 $0x3280, v9;
	v0 =	vld [tilespmem:$0x1FA40];
	_ =	sdelay $0x3  }
0x422: {  	v46 =	vld [tilespmem:$0x1FA70];
	v22 =	vmul.f32 v29, v20;
	v57 =	vmov v21;
	v21 =	vmul.f32 v26, v19  }
0x423: {  	v26 =	vld.idx.msk [tilespmem:v30+s2+$0x0], $0xffff  }
0x424: {  	v21 =	vadd.f32 v22, v21;
	v22 =	vmul.f32 v27, v18;
	v27 =	vadd.s32 $0x1180, v23;
	v28 =	vld.idx.msk [tilespmem:v28+s2+$0x0], $0xffff  }
0x425: {  	v29 =	vadd.s32 $0x1180, v25;
	v30 =	vadd.s32 $0x1180, v24;
	v31 =	vld.idx.msk [tilespmem:v31+s2+$0x0], $0xffff  }
0x426: {  	s7 =	sadd.s32 $0xC100, s31;
	v14 =	vmul.f32 v14, v6;
	v15 =	vmul.f32 v15, v7;
	v21 =	vadd.f32 v22, v21;
	v0 =	vld.idx.msk [tilespmem:v0+s2+$0x0], $0xffff  }
0x427: {  	s4 =	sor.u32 s30, s7;
	[tilespmem:s11+$0x0] =	vst.add.f32.msk $0xffff, v1;
	v1 =	vmul.f32 v2, v46  }
0x428: {  	[tilespmem:s4+$0x0] =	vst.add.f32.msk $0xffff, v21;
	v2 =	vadd.f32 v15, v14;
	v14 =	vmul.f32 v26, v5;
	v15 =	vadd.s32 $0x3300, v8  }
0x429: {  	v21 =	vld.idx.msk [tilespmem:v27+s2+$0x0], $0xffff  }
0x42a: {  	v27 =	vld.idx.msk [tilespmem:v30+s2+$0x0], $0xffff;
	s11 =	sadd.s32 $0x14280, s20;
	v2 =	vadd.f32 v14, v2  }
0x42b: {  	v26 =	vld.idx.msk [tilespmem:v29+s2+$0x0], $0xffff;
	s4 =	sor.u32 s19, s11  }
0x42c: {  	[tilespmem:s4+$0x0] =	vst.add.f32.msk $0xffff, v2  }
0x42d: {  	v22 =	vadd.s32 $0x3300, v10;
	v2 =	vld.idx.msk [tilespmem:v15+s2+$0x0], $0xffff  }
0x42e: {  	v15 =	vld [tilespmem:$0x1FF70]  }
0x42f: {  	v14 =	vmul.f32 v28, v17;
	v28 =	vadd.s32 $0x3300, v9  }
0x430: {  	v0 =	vmul.f32 v0, v16;
	_ =	sdelay $0x1  }
0x431: {  	v0 =	vadd.f32 v14, v0;
	v14 =	vld.idx.msk [tilespmem:v22+s2+$0x0], $0xffff  }
0x432: {  	v30 =	vld [tilespmem:$0x1FAA0];
	v29 =	vmul.f32 v31, v12;
	v22 =	vmov v51  }
0x433: {  	[tilespmem:$0x1FF70] =	vst v22;
	v22 =	vld.idx.msk [tilespmem:v28+s2+$0x0], $0xffff  }
0x434: {  	v28 =	vld [tilespmem:$0x1FA90];
	v0 =	vadd.f32 v29, v0  }
0x435: {  	s8 =	sor.u32 s29, s7;
	v15 =	vld.idx.msk [tilespmem:v15+s2+$0x0], $0xffff  }
0x436: {  	v2 =	vmul.f32 v2, v6;
	v14 =	vmul.f32 v14, v7;
	[tilespmem:s8+$0x0] =	vst.add.f32.msk $0xffff, v0  }
0x437: {  	v27 =	vmul.f32 v27, v20;
	v26 =	vmul.f32 v26, v19;
	v0 =	vld [tilespmem:$0x1FA80]  }
0x438: {  	v2 =	vadd.f32 v14, v2;
	v14 =	vmul.f32 v22, v5;
	v22 =	vadd.s32 $0x3380, v10;
	v10 =	vld [tilespmem:$0x1FAB0];
	_ =	sdelay $0x1  }
0x439: {  	v26 =	vadd.f32 v27, v26;
	v27 =	vld [tilespmem:$0x1FF80]  }
0x43a: {  	v31 =	vadd.s32 $0x3380, v8;
	v8 =	vmovc v25;
	v29 =	vadd.s32 $0x1200, v25;
	v25 =	vmov v50  }
0x43b: {  	[tilespmem:$0x1FF80] =	vst v25;
	v25 =	vld [tilespmem:$0x1FFD0]  }
0x43c: {  	v30 =	vld.idx.msk [tilespmem:v30+s2+$0x0], $0xffff  }
0x43d: {  	v21 =	vmul.f32 v21, v18;
	v28 =	vld.idx.msk [tilespmem:v28+s2+$0x0], $0xffff  }
0x43e: {  	v0 =	vld.idx.msk [tilespmem:v0+s2+$0x0], $0xffff  }
0x43f: {  	v21 =	vadd.f32 v21, v26;
	v26 =	vld.idx.msk [tilespmem:v10+s2+$0x0], $0xffff;
	v10 =	vmov v24;
	v24 =	vmov v49  }
0x440: {  	[tilespmem:$0x1FFD0] =	vst v24;
	v24 =	vld [tilespmem:$0x1FAC0]  }
0x441: {  	v27 =	vld.idx.msk [tilespmem:v27+s2+$0x0], $0xffff  }
0x442: {  	s7 =	sadd.s32 $0xC180, s31  }
0x443: {  	s4 =	sor.u32 s30, s7;
	v2 =	vadd.f32 v14, v2;
	v25 =	vld.idx.msk [tilespmem:v25+s2+$0x0], $0xffff;
	v14 =	vmul.f32 v28, v17;
	v0 =	vmul.f32 v0, v16  }
0x444: {  	s5 =	sor.u32 s18, s11;
	s11 =	sadd.s32 $0x14300, s20;
	[tilespmem:s4+$0x0] =	vst.add.f32.msk $0xffff, v21;
	v28 =	vadd.s32 $0x3380, v9  }
0x445: {  	s8 =	sor.u32 s29, s7;
	s7 =	sor.u32 s19, s11;
	v9 =	vmovc v23;
	v23 =	vmul.f32 v30, v12;
	v58 =	vmov v24;
	v24 =	vld.idx.msk [tilespmem:v29+s2+$0x0], $0xffff;
	v0 =	vadd.f32 v14, v0  }
0x446: {  	v15 =	vmul.f32 v15, v4;
	[tilespmem:s7+$0x0] =	vst.add.f32.msk $0xffff, v2;
	v14 =	vmul.f32 v27, v11  }
0x447: {  	v27 =	vld.idx.msk [tilespmem:v31+s2+$0x0], $0xffff;
	v0 =	vadd.f32 v23, v0  }
0x448: {  	v25 =	vmul.f32 v25, v3;
	v14 =	vadd.f32 v14, v15  }
0x449: {  	v15 =	vmul.f32 v26, v56;
	[tilespmem:s8+$0x0] =	vst.add.f32.msk $0xffff, v0  }
0x44a: {  	v0 =	vadd.f32 v25, v14;
	v14 =	vld [tilespmem:$0x1FAD0]  }
0x44b: {  	v1 =	vadd.f32 v15, v1;
	v15 =	vld [tilespmem:$0x1FAE0]  }
0x44c: {  	v25 =	vmul.f32 v27, v6;
	v6 =	vmov v19;
	v19 =	vld [tilespmem:$0x1FAF0];
	_ =	sdelay $0x2  }
0x44d: {  	v22 =	vld.idx.msk [tilespmem:v22+s2+$0x0], $0xffff;
	_ =	sdelay $0x1  }
0x44e: {  	v23 =	vld.idx.msk [tilespmem:v28+s2+$0x0], $0xffff  }
0x44f: {  	v14 =	vld.idx.msk [tilespmem:v14+s2+$0x0], $0xffff  }
0x450: {  	v15 =	vld.idx.msk [tilespmem:v15+s2+$0x0], $0xffff  }
0x451: {  	v22 =	vmul.f32 v22, v7;
	v19 =	vld.idx.msk [tilespmem:v19+s2+$0x0], $0xffff  }
0x452: {  	[tilespmem:s3+$0x0] =	vst.add.f32.msk $0xffff, v0  }
0x453: {  	v0 =	vadd.f32 v22, v25;
	v22 =	vmul.f32 v23, v5;
	v5 =	vld [tilespmem:$0x1FB00]  }
0x454: {  	v21 =	vadd.s32 $0x1200, v10;
	_ =	sdelay $0x3  }
0x455: {  	v2 =	vadd.s32 $0x1200, v9  }
0x456: {  	v21 =	vld.idx.msk [tilespmem:v21+s2+$0x0], $0xffff  }
0x457: {  	v0 =	vadd.f32 v22, v0;
	v22 =	vld [tilespmem:$0x1FFE0]  }
0x458: {  	v7 =	vmov v20;
	v20 =	vmul.f32 v24, v6;
	v24 =	vld.idx.msk [tilespmem:v5+s2+$0x0], $0xffff  }
0x459: {  	v5 =	vmov v18;
	v18 =	vld [tilespmem:$0x1FB10]  }
0x45a: {  	v2 =	vld.idx.msk [tilespmem:v2+s2+$0x0], $0xffff  }
0x45b: {  	s8 =	sadd.s32 $0x14380, s20  }
0x45c: {  	v21 =	vmul.f32 v21, v7;
	s3 =	sor.u32 s19, s8  }
0x45d: {  	[tilespmem:s3+$0x0] =	vst.add.f32.msk $0xffff, v0  }
0x45e: {  	v54 =	vmov v55;
	v55 =	vmov v18;
	v18 =	vadd.f32 v21, v20;
	v20 =	vld [tilespmem:$0x1FB20]  }
0x45f: {  	s28 =	sor.u32 s18, s6;
	v0 =	vmul.f32 v19, v12;
	v19 =	vld [tilespmem:$0x1FB50];
	v2 =	vmul.f32 v2, v5;
	v21 =	vadd.s32 $0x1280, v10  }
0x460: {  	s4 =	sor.u32 s18, s11;
	s20 =	smov.u32 s31;
	s11 =	sor.u32 s18, s8;
	v14 =	vmul.f32 v14, v16;
	v15 =	vmul.f32 v15, v17;
	v22 =	vld.idx.msk [tilespmem:v22+s2+$0x0], $0xffff  }
0x461: {  	s18 =	smov.u32 s29;
	s29 =	sadd.s32 $0xC200, s20;
	s19 =	smov.u32 s30;
	v2 =	vadd.f32 v2, v18  }
0x462: {  	s7 =	sor.u32 s19, s29;
	v14 =	vadd.f32 v15, v14  }
0x463: {  	v23 =	vadd.s32 $0x1280, v8;
	[tilespmem:s7+$0x0] =	vst.add.f32.msk $0xffff, v2  }
0x464: {  	v0 =	vadd.f32 v0, v14;
	v18 =	vadd.s32 $0x1280, v9;
	v14 =	vld.idx.msk [tilespmem:v21+s2+$0x0], $0xffff  }
0x465: {  	v21 =	vmul.f32 v22, v3;
	v22 =	vld [tilespmem:$0x1FB70]  }
0x466: {  	v20 =	vld.idx.msk [tilespmem:v20+s2+$0x0], $0xffff  }
0x467: {  	v19 =	vld.idx.msk [tilespmem:v19+s2+$0x0], $0xffff  }
0x468: {  	v2 =	vld.idx.msk [tilespmem:v23+s2+$0x0], $0xffff  }
0x469: {  	v18 =	vld.idx.msk [tilespmem:v18+s2+$0x0], $0xffff  }
0x46a: {  	s31 =	sor.u32 s18, s29;
	[tilespmem:s21+$0x0] =	vst.add.f32.msk $0xffff, v22  }
0x46b: {  	v15 =	vmul.f32 v24, v4;
	[tilespmem:s31+$0x0] =	vst.add.f32.msk $0xffff, v0;
	v20 =	vmul.f32 v20, v11  }
0x46c: {  	v0 =	vmul.f32 v19, v54;
	v19 =	vld [tilespmem:$0x1FB80]  }
0x46d: {  	v15 =	vadd.f32 v20, v15;
	v20 =	vld [tilespmem:$0x1FB90]  }
0x46e: {  	v2 =	vmul.f32 v2, v6;
	v14 =	vmul.f32 v14, v7;
	v0 =	vadd.f32 v0, v1;
	v1 =	vld [tilespmem:$0x1FBA0];
	_ =	sdelay $0x1  }
0x46f: {  	v2 =	vadd.f32 v14, v2;
	v14 =	vmul.f32 v18, v5;
	v18 =	vld [tilespmem:$0x1FBB0]  }
0x470: {  	v22 =	vld [tilespmem:$0x1FBD0]  }
0x471: {  	v2 =	vadd.f32 v14, v2;
	v14 =	vld [tilespmem:$0x1FFF0];
	_ =	sdelay $0x1  }
0x472: {  	v19 =	vld.idx.msk [tilespmem:v19+s2+$0x0], $0xffff  }
0x473: {  	v15 =	vadd.f32 v21, v15;
	v20 =	vld.idx.msk [tilespmem:v20+s2+$0x0], $0xffff  }
0x474: {  	v1 =	vld.idx.msk [tilespmem:v1+s2+$0x0], $0xffff  }
0x475: {  	[tilespmem:s9+$0x0] =	vst.add.f32.msk $0xffff, v15  }
0x476: {  	v18 =	vld.idx.msk [tilespmem:v18+s2+$0x0], $0xffff  }
0x477: {  	v22 =	vld.idx.msk [tilespmem:v22+s2+$0x0], $0xffff  }
0x478: {  	v19 =	vmul.f32 v19, v16;
	v14 =	vld.idx.msk [tilespmem:v14+s2+$0x0], $0xffff;
	v20 =	vmul.f32 v20, v17  }
0x479: {  	[tilespmem:s26+$0x0] =	vst.add.f32.msk $0xffff, v0  }
0x47a: {  	v0 =	vmul.f32 v1, v12;
	v1 =	vadd.f32 v20, v19;
	v19 =	vld [tilespmem:$0x1FC00];
	_ =	sdelay $0x2  }
0x47b: {  	v24 =	vld [tilespmem:$0x1FBF0]  }
0x47c: {  	v23 =	vld [tilespmem:$0x1FBE0];
	_ =	sdelay $0x1  }
0x47d: {  	v26 =	vld [tilespmem:$0x1FB40]  }
0x47e: {  	s8 =	sadd.s32 $0xC280, s20;
	v21 =	vld [tilespmem:$0x1FBC0];
	v0 =	vadd.f32 v0, v1  }
0x47f: {  	s9 =	sor.u32 s18, s8;
	v18 =	vmul.f32 v18, v4;
	v1 =	vmul.f32 v22, v11;
	v19 =	vld.idx.msk [tilespmem:v19+s2+$0x0], $0xffff  }
0x480: {  	v50 =	vmov v23;
	v23 =	vmov v24;
	[tilespmem:s9+$0x0] =	vst.add.f32.msk $0xffff, v0  }
0x481: {  	[tilespmem:$0x1FFF0] =	vst v23;
	v23 =	vadd.s32 $0x1300, v9;
	v14 =	vmul.f32 v14, v3;
	v0 =	vadd.f32 v1, v18;
	v1 =	vld [tilespmem:$0x1FC20]  }
0x482: {  	v15 =	vadd.s32 $0x1300, v8;
	v18 =	vld [tilespmem:$0x1FC30]  }
0x483: {  	v49 =	vmov v21;
	v21 =	vadd.s32 $0x1300, v10;
	v0 =	vadd.f32 v14, v0;
	v14 =	vld [tilespmem:$0x1FC40]  }
0x484: {  	v25 =	vld [tilespmem:$0x1FB30];
	s3 =	sor.u32 s19, s8  }
0x485: {  	[tilespmem:s3+$0x0] =	vst.add.f32.msk $0xffff, v2  }
0x486: {  	v28 =	vmov v13;
	v13 =	vld.idx.msk [tilespmem:v23+s2+$0x0], $0xffff  }
0x487: {  	v2 =	vld.idx.msk [tilespmem:v15+s2+$0x0], $0xffff  }
0x488: {  	v15 =	vld.idx.msk [tilespmem:v21+s2+$0x0], $0xffff  }
0x489: {  	v1 =	vld.idx.msk [tilespmem:v1+s2+$0x0], $0xffff  }
0x48a: {  	v18 =	vld.idx.msk [tilespmem:v18+s2+$0x0], $0xffff  }
0x48b: {  	v14 =	vld.idx.msk [tilespmem:v14+s2+$0x0], $0xffff  }
0x48c: {  	[tilespmem:s10+$0x0] =	vst.add.f32.msk $0xffff, v0  }
0x48d: {  	v0 =	vmul.f32 v19, v46;
	v19 =	vld [tilespmem:$0x1FC50];
	_ =	sdelay $0x1  }
0x48e: {  	v62 =	vmovc v25;
	v25 =	vmov v26;
	v20 =	vld [tilespmem:$0x1FC10];
	v2 =	vmul.f32 v2, v6;
	v15 =	vmul.f32 v15, v7  }
0x48f: {  	[tilespmem:$0x1FFE0] =	vst v25;
	v25 =	vld [tilespmem:$0x1FB60]  }
0x490: {  	v13 =	vmul.f32 v13, v5;
	v21 =	vld [tilespmem:$0x1FC70];
	v2 =	vadd.f32 v15, v2  }
0x491: {  	v23 =	vld [tilespmem:$0x1FCB0]  }
0x492: {  	v2 =	vadd.f32 v13, v2;
	v13 =	vld [tilespmem:$0x1FC90]  }
0x493: {  	[tilespmem:$0x1FF50] =	vst v40;
	v40 =	vmov v20;
	v20 =	vld [tilespmem:$0x1FC60]  }
0x494: {  	v19 =	vld.idx.msk [tilespmem:v19+s2+$0x0], $0xffff;
	_ =	sdelay $0x2  }
0x495: {  	v22 =	vld [tilespmem:$0x1FC80];
	v1 =	vmul.f32 v1, v16;
	v18 =	vmul.f32 v18, v17  }
0x496: {  	v59 =	vmov v25;
	v15 =	vadd.s32 $0x1380, v8;
	v21 =	vld.idx.msk [tilespmem:v21+s2+$0x0], $0xffff  }
0x497: {  	v25 =	vmovc v46;
	v46 =	vmovc v20;
	v20 =	vadd.s32 $0x1380, v10;
	v1 =	vadd.f32 v18, v1;
	v18 =	vmul.f32 v19, v4;
	v19 =	vld [tilespmem:$0x1FCD0]  }
0x498: {  	s10 =	sadd.s32 $0xC300, s20;
	v13 =	vld.idx.msk [tilespmem:v13+s2+$0x0], $0xffff  }
0x499: {  	s3 =	sor.u32 s19, s10;
	v23 =	vld.idx.msk [tilespmem:v23+s2+$0x0], $0xffff  }
0x49a: {  	[tilespmem:s3+$0x0] =	vst.add.f32.msk $0xffff, v2  }
0x49b: {  	v2 =	vld.idx.msk [tilespmem:v15+s2+$0x0], $0xffff  }
0x49c: {  	v14 =	vmul.f32 v14, v12;
	v15 =	vld.idx.msk [tilespmem:v20+s2+$0x0], $0xffff  }
0x49d: {  	v20 =	vld [tilespmem:$0x1FCE0]  }
0x49e: {  	v1 =	vadd.f32 v14, v1;
	v14 =	vmul.f32 v21, v11;
	v21 =	vld [tilespmem:$0x1FD10]  }
0x49f: {  	s21 =	smov.u32 s22;
	s22 =	smov.u32 s11;
	s11 =	sor.u32 s18, s10;
	v19 =	vld.idx.msk [tilespmem:v19+s2+$0x0], $0xffff  }
0x4a0: {  	v13 =	vmul.f32 v13, v3;
	[tilespmem:s11+$0x0] =	vst.add.f32.msk $0xffff, v1;
	v1 =	vadd.f32 v14, v18  }
0x4a1: {  	v18 =	vld [tilespmem:$0x1FD00]  }
0x4a2: {  	v1 =	vadd.f32 v13, v1;
	v13 =	vld [tilespmem:$0x1FD20];
	_ =	sdelay $0x1  }
0x4a3: {  	v31 =	vmov v48;
	v48 =	vmov v22;
	v22 =	vld [tilespmem:$0x1FCA0];
	_ =	sdelay $0x2  }
0x4a4: {  	v29 =	vmov v41;
	v41 =	vmov v20;
	v20 =	vld [tilespmem:$0x1FCF0]  }
0x4a5: {  	v21 =	vld.idx.msk [tilespmem:v21+s2+$0x0], $0xffff  }
0x4a6: {  	v32 =	vmov v22;
	v22 =	vadd.s32 $0x1380, v9;
	v14 =	vmul.f32 v23, v56;
	v18 =	vld.idx.msk [tilespmem:v18+s2+$0x0], $0xffff  }
0x4a7: {  	v13 =	vld.idx.msk [tilespmem:v13+s2+$0x0], $0xffff  }
0x4a8: {  	v0 =	vadd.f32 v14, v0;
	[tilespmem:s15+$0x0] =	vst.add.f32.msk $0xffff, v1;
	v1 =	vmul.f32 v19, v54;
	_ =	sdelay $0x1  }
0x4a9: {  	v0 =	vadd.f32 v1, v0;
	v1 =	vld [tilespmem:$0x1FD60]  }
0x4aa: {  	v27 =	vmov v20;
	v20 =	vld.idx.msk [tilespmem:v22+s2+$0x0], $0xffff  }
0x4ab: {  	v45 =	vmov v44;
	_ =	sdelay $0x1  }
0x4ac: {  	v2 =	vmul.f32 v2, v6;
	v22 =	vld [tilespmem:$0x1FD50];
	v14 =	vmul.f32 v15, v7  }
0x4ad: {  	[tilespmem:$0x1FFC0] =	vst v45;
	v45 =	vmov v1;
	v1 =	vmul.f32 v18, v16;
	v18 =	vld [tilespmem:$0x1FD80]  }
0x4ae: {  	v2 =	vadd.f32 v14, v2;
	v14 =	vmul.f32 v20, v5  }
0x4af: {  	v19 =	vld [tilespmem:$0x1FD30]  }
0x4b0: {  	v2 =	vadd.f32 v14, v2;
	v14 =	vld [tilespmem:$0x1FD70]  }
0x4b1: {  	v20 =	vld [tilespmem:$0x1FD40]  }
0x4b2: {  	v51 =	vmov v18;
	v18 =	vmul.f32 v21, v17;
	_ =	sdelay $0x1  }
0x4b3: {  	s15 =	sadd.s32 $0xC380, s20;
	v1 =	vadd.f32 v18, v1;
	v18 =	vld [tilespmem:$0x1FD90]  }
0x4b4: {  	v15 =	vadd.s32 $0x2000, v8;
	v22 =	vld.idx.msk [tilespmem:v22+s2+$0x0], $0xffff;
	s3 =	sor.u32 s19, s15  }
0x4b5: {  	v44 =	vmov v20;
	v20 =	vadd.s32 $0x2000, v10;
	[tilespmem:s3+$0x0] =	vst.add.f32.msk $0xffff, v2  }
0x4b6: {  	v19 =	vld.idx.msk [tilespmem:v19+s2+$0x0], $0xffff  }
0x4b7: {  	v14 =	vld.idx.msk [tilespmem:v14+s2+$0x0], $0xffff  }
0x4b8: {  	[tilespmem:s24+$0x0] =	vst.add.f32.msk $0xffff, v0;
	v0 =	vmul.f32 v13, v12  }
0x4b9: {  	v2 =	vld.idx.msk [tilespmem:v15+s2+$0x0], $0xffff  }
0x4ba: {  	v13 =	vld.idx.msk [tilespmem:v20+s2+$0x0], $0xffff;
	v0 =	vadd.f32 v0, v1  }
0x4bb: {  	s29 =	sor.u32 s18, s15;
	v15 =	vmul.f32 v19, v4;
	v1 =	vmul.f32 v22, v11;
	v18 =	vld.idx.msk [tilespmem:v18+s2+$0x0], $0xffff  }
0x4bc: {  	[tilespmem:s29+$0x0] =	vst.add.f32.msk $0xffff, v0  }
0x4bd: {  	v14 =	vmul.f32 v14, v3;
	v0 =	vadd.f32 v1, v15;
	v1 =	vld [tilespmem:$0x1FDC0]  }
0x4be: {  	v15 =	vld [tilespmem:$0x1FDD0]  }
0x4bf: {  	v0 =	vadd.f32 v14, v0;
	v14 =	vld [tilespmem:$0x1FDE0];
	_ =	sdelay $0x1  }
0x4c0: {  	v20 =	vmul.f32 v13, v7;
	v13 =	vmul.f32 v18, v25;
	v18 =	vld [tilespmem:$0x1FDF0];
	_ =	sdelay $0x3  }
0x4c1: {  	v1 =	vld.idx.msk [tilespmem:v1+s2+$0x0], $0xffff  }
0x4c2: {  	v15 =	vld.idx.msk [tilespmem:v15+s2+$0x0], $0xffff  }
0x4c3: {  	v2 =	vmul.f32 v2, v6;
	v14 =	vld.idx.msk [tilespmem:v14+s2+$0x0], $0xffff  }
0x4c4: {  	[tilespmem:s1+$0x0] =	vst.add.f32.msk $0xffff, v0  }
0x4c5: {  	v0 =	vadd.f32 v20, v2;
	v20 =	vld.idx.msk [tilespmem:v18+s2+$0x0], $0xffff  }
0x4c6: {  	v18 =	vld [tilespmem:$0x1FE00];
	_ =	sdelay $0x1  }
0x4c7: {  	v19 =	vld [tilespmem:$0x1FDA0];
	_ =	sdelay $0x2  }
0x4c8: {  	v36 =	vmov v18;
	v18 =	vld [tilespmem:$0x1FE10]  }
0x4c9: {  	v24 =	vld [tilespmem:$0x1FCC0]  }
0x4ca: {  	v21 =	vadd.s32 $0x2000, v9;
	v37 =	vmov v19;
	v19 =	vld [tilespmem:$0x1FDB0];
	_ =	sdelay $0x4  }
0x4cb: {  	v42 =	vmov v24;
	v24 =	vmov v19;
	v19 =	vld.idx.msk [tilespmem:v21+s2+$0x0], $0xffff  }
0x4cc: {  	v21 =	vld.idx.msk [tilespmem:v18+s2+$0x0], $0xffff  }
0x4cd: {  	v18 =	vld [tilespmem:$0x1FE20];
	_ =	sdelay $0x4  }
0x4ce: {  	v43 =	vmov v18;
	v18 =	vld [tilespmem:$0x1FE40];
	_ =	sdelay $0x4  }
0x4cf: {  	v38 =	vmov v18;
	v18 =	vld [tilespmem:$0x1FE50];
	_ =	sdelay $0x2  }
0x4d0: {  	v2 =	vmul.f32 v19, v5;
	_ =	sdelay $0x1  }
0x4d1: {  	s30 =	sadd.s32 $0x10000, s20;
	v0 =	vadd.f32 v2, v0  }
0x4d2: {  	s1 =	sor.u32 s19, s30;
	v2 =	vld [tilespmem:$0x1FE30]  }
0x4d3: {  	v35 =	vmov v53;
	v53 =	vmov v4;
	v4 =	vmov v16;
	[tilespmem:s1+$0x0] =	vst.add.f32.msk $0xffff, v0  }
0x4d4: {  	v1 =	vmul.f32 v1, v4;
	v15 =	vmul.f32 v15, v17;
	v23 =	vld.idx.msk [tilespmem:v18+s2+$0x0], $0xffff  }
0x4d5: {  	v18 =	vld [tilespmem:$0x1FE60]  }
0x4d6: {  	v0 =	vadd.f32 v15, v1;
	v1 =	vld [tilespmem:$0x1FE90];
	_ =	sdelay $0x3  }
0x4d7: {  	v16 =	vadd.s32 $0x2080, v8;
	v39 =	vmov v18;
	v18 =	vld [tilespmem:$0x1FE70];
	_ =	sdelay $0x2  }
0x4d8: {  	v14 =	vmul.f32 v14, v12;
	v2 =	vld.idx.msk [tilespmem:v2+s2+$0x0], $0xffff  }
0x4d9: {  	v1 =	vld.idx.msk [tilespmem:v1+s2+$0x0], $0xffff  }
0x4da: {  	v0 =	vadd.f32 v14, v0;
	v25 =	vmov v18;
	v18 =	vld.idx.msk [tilespmem:v16+s2+$0x0], $0xffff  }
0x4db: {  	s31 =	sor.u32 s18, s30;
	v15 =	vmul.f32 v20, v53;
	v14 =	vmul.f32 v21, v11;
	v16 =	vld [tilespmem:$0x1FEA0]  }
0x4dc: {  	v19 =	vadd.s32 $0x2080, v10;
	[tilespmem:s31+$0x0] =	vst.add.f32.msk $0xffff, v0  }
0x4dd: {  	v22 =	vadd.s32 $0x2080, v9;
	v0 =	vadd.f32 v14, v15;
	v15 =	vld [tilespmem:$0x1FED0];
	_ =	sdelay $0x1  }
0x4de: {  	v60 =	vld [tilespmem:$0x1F990]  }
0x4df: {  	p0 =	slt.u32 s25, $0x7E;
	v33 =	vmov v16;
	v16 =	vld [tilespmem:$0x1FEB0]  }
.Ltmp0:
0x4e0: {  	v19 =	vld.idx.msk [tilespmem:v19+s2+$0x0], $0xffff;
	(pc) =	sbr.rel @p0 .LBB2_3-.Ltmp0, $4  }
0x4e1: {  	v20 =	vld.idx.msk [tilespmem:v22+s2+$0x0], $0xffff  }
0x4e2: {  	v22 =	vld [tilespmem:$0x1FEC0]  }
0x4e3: {  	v2 =	vmul.f32 v2, v3;
	v21 =	vld [tilespmem:$0x1FE80]  }
0x4e4: {  	s26 =	smov.u32 s5;
	s24 =	smov.u32 s4;
	v14 =	vmul.f32 v23, v56;
	v56 =	vmovc v11;
	v11 =	vmov v17;
	v26 =	vmov v16;
	v16 =	vld.idx.msk [tilespmem:v15+s2+$0x0], $0xffff  }
0x4e5: {  	v15 =	vld [tilespmem:$0x1FEE0];
	_ =	sdelay $0x7  }
0x4e6: {  	v15 =	vld.idx.msk [tilespmem:v15+s2+$0x0], $0xffff;
	_ =	sdelay $0x1  }
0x4e7: {  	v17 =	vld.idx.msk [tilespmem:v22+s2+$0x0], $0xffff  }
0x4e8: {  	v18 =	vmul.f32 v18, v6;
	v19 =	vmul.f32 v19, v7  }
0x4e9: {  	v23 =	vadd.s32 $0x2100, v8;
	v30 =	vmul.f32 v20, v5  }
0x4ea: {  	v18 =	vadd.f32 v19, v18;
	v16 =	vmul.f32 v16, v4;
	v15 =	vmul.f32 v15, v11;
	_ =	sdelay $0x1  }
0x4eb: {  	s1 =	sadd.s32 $0x10080, s20;
	v18 =	vadd.f32 v30, v18;
	v22 =	vmul.f32 v17, v12;
	v15 =	vadd.f32 v15, v16  }
0x4ec: {  	s3 =	sor.u32 s19, s1  }
0x4ed: {  	v30 =	vadd.s32 $0x2100, v10;
	[tilespmem:s3+$0x0] =	vst.add.f32.msk $0xffff, v18;
	v15 =	vadd.f32 v22, v15  }
0x4ee: {  	s1 =	sor.u32 s18, s1;
	v16 =	vld.idx.msk [tilespmem:v23+s2+$0x0], $0xffff  }
0x4ef: {  	[tilespmem:s1+$0x0] =	vst.add.f32.msk $0xffff, v15  }
0x4f0: {  	v18 =	vld [tilespmem:$0x1FEF0]  }
0x4f1: {  	v23 =	vld [tilespmem:$0x1FF00]  }
0x4f2: {  	v17 =	vld.idx.msk [tilespmem:v30+s2+$0x0], $0xffff;
	v22 =	vadd.s32 $0x2100, v9  }
0x4f3: {  	v30 =	vld [tilespmem:$0x1FF90];
	_ =	sdelay $0x3  }
0x4f4: {  	v15 =	vld.idx.msk [tilespmem:v22+s2+$0x0], $0xffff  }
0x4f5: {  	v18 =	vld.idx.msk [tilespmem:v18+s2+$0x0], $0xffff  }
0x4f6: {  	v19 =	vld.idx.msk [tilespmem:v23+s2+$0x0], $0xffff;
	_ =	sdelay $0x1  }
0x4f7: {  	v17 =	vmul.f32 v17, v7;
	v16 =	vmul.f32 v16, v6;
	v20 =	vld.idx.msk [tilespmem:v30+s2+$0x0], $0xffff;
	_ =	sdelay $0x1  }
0x4f8: {  	v16 =	vadd.f32 v17, v16;
	v15 =	vmul.f32 v15, v5  }
0x4f9: {  	v23 =	vadd.s32 $0x2180, v10;
	v18 =	vmul.f32 v18, v4;
	v19 =	vmul.f32 v19, v11  }
0x4fa: {  	v22 =	vadd.s32 $0x2180, v8  }
0x4fb: {  	s5 =	sadd.s32 $0x10100, s20;
	v15 =	vadd.f32 v15, v16;
	v30 =	vmul.f32 v20, v12;
	v17 =	vadd.f32 v19, v18  }
0x4fc: {  	s6 =	sor.u32 s19, s5  }
0x4fd: {  	[tilespmem:s6+$0x0] =	vst.add.f32.msk $0xffff, v15;
	v17 =	vadd.f32 v30, v17  }
0x4fe: {  	s1 =	sor.u32 s18, s5;
	v16 =	vld.idx.msk [tilespmem:v23+s2+$0x0], $0xffff;
	v30 =	vadd.s32 $0x2180, v9  }
0x4ff: {  	[tilespmem:s1+$0x0] =	vst.add.f32.msk $0xffff, v17  }
0x500: {  	v17 =	vld.idx.msk [tilespmem:v22+s2+$0x0], $0xffff  }
0x501: {  	v22 =	vld [tilespmem:$0x1FF10]  }
0x502: {  	v23 =	vld [tilespmem:$0x1FF20]  }
0x503: {  	v15 =	vld.idx.msk [tilespmem:v30+s2+$0x0], $0xffff  }
0x504: {  	v30 =	vld [tilespmem:$0x1FFA0];
	_ =	sdelay $0x4  }
0x505: {  	v18 =	vld.idx.msk [tilespmem:v22+s2+$0x0], $0xffff  }
0x506: {  	v19 =	vld.idx.msk [tilespmem:v23+s2+$0x0], $0xffff;
	_ =	sdelay $0x1  }
0x507: {  	v16 =	vmul.f32 v16, v7;
	v17 =	vmul.f32 v17, v6;
	v20 =	vld.idx.msk [tilespmem:v30+s2+$0x0], $0xffff;
	_ =	sdelay $0x1  }
0x508: {  	v16 =	vadd.f32 v16, v17;
	v15 =	vmul.f32 v15, v5  }
0x509: {  	v23 =	vadd.s32 $0x2200, v10;
	v18 =	vmul.f32 v18, v4;
	v19 =	vmul.f32 v19, v11  }
0x50a: {  	v22 =	vadd.s32 $0x2200, v8  }
0x50b: {  	s7 =	sadd.s32 $0x10180, s20;
	v15 =	vadd.f32 v15, v16;
	v17 =	vadd.f32 v19, v18;
	v30 =	vmul.f32 v20, v12  }
0x50c: {  	s8 =	sor.u32 s19, s7  }
0x50d: {  	[tilespmem:s8+$0x0] =	vst.add.f32.msk $0xffff, v15;
	v17 =	vadd.f32 v30, v17  }
0x50e: {  	s1 =	sor.u32 s18, s7;
	v16 =	vld.idx.msk [tilespmem:v23+s2+$0x0], $0xffff;
	v30 =	vadd.s32 $0x2200, v9  }
0x50f: {  	[tilespmem:s1+$0x0] =	vst.add.f32.msk $0xffff, v17  }
0x510: {  	v17 =	vld.idx.msk [tilespmem:v22+s2+$0x0], $0xffff  }
0x511: {  	v22 =	vld [tilespmem:$0x1FF30]  }
0x512: {  	v23 =	vld [tilespmem:$0x1FF40]  }
0x513: {  	v15 =	vld.idx.msk [tilespmem:v30+s2+$0x0], $0xffff  }
0x514: {  	v30 =	vld [tilespmem:$0x1FFB0];
	_ =	sdelay $0x4  }
0x515: {  	v18 =	vld.idx.msk [tilespmem:v22+s2+$0x0], $0xffff  }
0x516: {  	v19 =	vld.idx.msk [tilespmem:v23+s2+$0x0], $0xffff;
	_ =	sdelay $0x1  }
0x517: {  	v16 =	vmul.f32 v16, v7;
	v17 =	vmul.f32 v17, v6;
	v20 =	vld.idx.msk [tilespmem:v30+s2+$0x0], $0xffff;
	_ =	sdelay $0x1  }
0x518: {  	v16 =	vadd.f32 v16, v17;
	v15 =	vmul.f32 v15, v5  }
0x519: {  	v23 =	vadd.s32 $0x2280, v10;
	v18 =	vmul.f32 v18, v4;
	v19 =	vmul.f32 v19, v11  }
0x51a: {  	v22 =	vadd.s32 $0x2280, v8  }
0x51b: {  	s9 =	sadd.s32 $0x10200, s20;
	v15 =	vadd.f32 v15, v16;
	v17 =	vadd.f32 v19, v18;
	v30 =	vmul.f32 v20, v12  }
0x51c: {  	s10 =	sor.u32 s19, s9  }
0x51d: {  	[tilespmem:s10+$0x0] =	vst.add.f32.msk $0xffff, v15;
	v17 =	vadd.f32 v30, v17  }
0x51e: {  	s1 =	sor.u32 s18, s9;
	v16 =	vld.idx.msk [tilespmem:v23+s2+$0x0], $0xffff;
	v30 =	vadd.s32 $0x2280, v9  }
0x51f: {  	[tilespmem:s1+$0x0] =	vst.add.f32.msk $0xffff, v17  }
0x520: {  	v17 =	vld.idx.msk [tilespmem:v22+s2+$0x0], $0xffff  }
0x521: {  	v22 =	vld [tilespmem:$0x1FF50]  }
0x522: {  	v23 =	vld [tilespmem:$0x1FF60]  }
0x523: {  	v15 =	vld.idx.msk [tilespmem:v30+s2+$0x0], $0xffff  }
0x524: {  	v30 =	vld [tilespmem:$0x1FFC0];
	_ =	sdelay $0x4  }
0x525: {  	v18 =	vld.idx.msk [tilespmem:v22+s2+$0x0], $0xffff  }
0x526: {  	v19 =	vld.idx.msk [tilespmem:v23+s2+$0x0], $0xffff;
	_ =	sdelay $0x1  }
0x527: {  	v16 =	vmul.f32 v16, v7;
	v17 =	vmul.f32 v17, v6;
	v20 =	vld.idx.msk [tilespmem:v30+s2+$0x0], $0xffff;
	_ =	sdelay $0x1  }
0x528: {  	v16 =	vadd.f32 v16, v17;
	v15 =	vmul.f32 v15, v5  }
0x529: {  	v23 =	vadd.s32 $0x2300, v10;
	v18 =	vmul.f32 v18, v4;
	v19 =	vmul.f32 v19, v11  }
0x52a: {  	v22 =	vadd.s32 $0x2300, v8  }
0x52b: {  	s11 =	sadd.s32 $0x10280, s20;
	v15 =	vadd.f32 v15, v16;
	v17 =	vadd.f32 v19, v18;
	v30 =	vmul.f32 v20, v12  }
0x52c: {  	s15 =	sor.u32 s19, s11  }
0x52d: {  	[tilespmem:s15+$0x0] =	vst.add.f32.msk $0xffff, v15;
	v17 =	vadd.f32 v30, v17  }
0x52e: {  	s1 =	sor.u32 s18, s11;
	v16 =	vld.idx.msk [tilespmem:v23+s2+$0x0], $0xffff;
	v30 =	vadd.s32 $0x2300, v9  }
0x52f: {  	[tilespmem:s1+$0x0] =	vst.add.f32.msk $0xffff, v17  }
0x530: {  	v17 =	vld.idx.msk [tilespmem:v22+s2+$0x0], $0xffff  }
0x531: {  	v22 =	vld [tilespmem:$0x1FF70]  }
0x532: {  	v23 =	vld [tilespmem:$0x1FF80]  }
0x533: {  	v15 =	vld.idx.msk [tilespmem:v30+s2+$0x0], $0xffff  }
0x534: {  	v30 =	vld [tilespmem:$0x1FFD0];
	_ =	sdelay $0x4  }
0x535: {  	v18 =	vld.idx.msk [tilespmem:v22+s2+$0x0], $0xffff  }
0x536: {  	v19 =	vld.idx.msk [tilespmem:v23+s2+$0x0], $0xffff;
	_ =	sdelay $0x1  }
0x537: {  	v20 =	vld.idx.msk [tilespmem:v30+s2+$0x0], $0xffff;
	_ =	sdelay $0x1  }
0x538: {  	v16 =	vmul.f32 v16, v7;
	v17 =	vmul.f32 v17, v6  }
0x539: {  	v18 =	vmul.f32 v18, v4;
	v19 =	vmul.f32 v19, v11  }
0x53a: {  	v16 =	vadd.f32 v16, v17;
	v15 =	vmul.f32 v15, v5  }
0x53b: {  	v23 =	vadd.f32 v19, v18;
	v18 =	vadd.s32 $0x2380, v8;
	v30 =	vmul.f32 v20, v12  }
0x53c: {  	s23 =	sadd.s32 $0x10300, s20;
	v15 =	vadd.f32 v15, v16  }
0x53d: {  	s25 =	sor.u32 s19, s23;
	v17 =	vadd.f32 v30, v23  }
0x53e: {  	s1 =	sor.u32 s18, s23;
	[tilespmem:s25+$0x0] =	vst.add.f32.msk $0xffff, v15  }
0x53f: {  	[tilespmem:s1+$0x0] =	vst.add.f32.msk $0xffff, v17  }
0x540: {  	v17 =	vld.idx.msk [tilespmem:v18+s2+$0x0], $0xffff  }
0x541: {  	v22 =	vadd.s32 $0x2380, v10;
	v18 =	vld.idx.msk [tilespmem:v55+s2+$0x0], $0xffff  }
0x542: {  	v55 =	vld [tilespmem:$0x1FFE0]  }
0x543: {  	v23 =	vadd.s32 $0x2380, v9;
	_ =	sdelay $0x2  }
0x544: {  	v16 =	vld.idx.msk [tilespmem:v22+s2+$0x0], $0xffff  }
0x545: {  	v30 =	vld.idx.msk [tilespmem:v62+s2+$0x0], $0xffff  }
0x546: {  	v15 =	vld.idx.msk [tilespmem:v23+s2+$0x0], $0xffff;
	_ =	sdelay $0x1  }
0x547: {  	v20 =	vld.idx.msk [tilespmem:v55+s2+$0x0], $0xffff  }
0x548: {  	v16 =	vmul.f32 v16, v7;
	v17 =	vmul.f32 v17, v6  }
0x549: {  	v18 =	vmul.f32 v18, v4;
	v19 =	vmul.f32 v30, v11  }
0x54a: {  	v30 =	vadd.s32 $0x3000, v10;
	v16 =	vadd.f32 v16, v17;
	v15 =	vmul.f32 v15, v5;
	_ =	sdelay $0x1  }
0x54b: {  	s29 =	sadd.s32 $0x10380, s20;
	v62 =	vadd.f32 v19, v18;
	v15 =	vadd.f32 v15, v16;
	v23 =	vmul.f32 v20, v12  }
0x54c: {  	s30 =	sor.u32 s19, s29  }
0x54d: {  	[tilespmem:s30+$0x0] =	vst.add.f32.msk $0xffff, v15;
	v17 =	vadd.f32 v23, v62  }
0x54e: {  	s1 =	sor.u32 s18, s29;
	v16 =	vld.idx.msk [tilespmem:v30+s2+$0x0], $0xffff  }
0x54f: {  	v22 =	vadd.s32 $0x3000, v8;
	[tilespmem:s1+$0x0] =	vst.add.f32.msk $0xffff, v17  }
0x550: {  	v30 =	vld.idx.msk [tilespmem:v49+s2+$0x0], $0xffff  }
0x551: {  	v55 =	vadd.s32 $0x3000, v9;
	v49 =	vld.idx.msk [tilespmem:v50+s2+$0x0], $0xffff  }
0x552: {  	v50 =	vld [tilespmem:$0x1FFF0];
	_ =	sdelay $0x1  }
0x553: {  	v62 =	vld.idx.msk [tilespmem:v22+s2+$0x0], $0xffff;
	_ =	sdelay $0x1  }
0x554: {  	v15 =	vld.idx.msk [tilespmem:v55+s2+$0x0], $0xffff;
	_ =	sdelay $0x2  }
0x555: {  	v16 =	vmul.f32 v16, v7;
	v17 =	vmul.f32 v62, v6  }
0x556: {  	v20 =	vld.idx.msk [tilespmem:v50+s2+$0x0], $0xffff  }
0x557: {  	v15 =	vmul.f32 v15, v5;
	v62 =	vadd.s32 $0x3080, v8;
	v16 =	vadd.f32 v16, v17  }
0x558: {  	v23 =	vadd.s32 $0x3080, v10;
	v18 =	vmul.f32 v30, v4  }
0x559: {  	s31 =	sadd.s32 $0x14000, s20;
	v19 =	vmul.f32 v49, v11;
	v30 =	vadd.s32 $0x3080, v9;
	v15 =	vadd.f32 v15, v16  }
0x55a: {  	s4 =	sor.u32 s19, s31  }
0x55b: {  	v55 =	vadd.f32 v19, v18;
	[tilespmem:s4+$0x0] =	vst.add.f32.msk $0xffff, v15;
	v22 =	vmul.f32 v20, v12  }
0x55c: {  	v49 =	vld.idx.msk [tilespmem:v62+s2+$0x0], $0xffff  }
0x55d: {  	v16 =	vld.idx.msk [tilespmem:v23+s2+$0x0], $0xffff;
	v17 =	vadd.f32 v22, v55  }
0x55e: {  	s1 =	sor.u32 s18, s31;
	v15 =	vld.idx.msk [tilespmem:v30+s2+$0x0], $0xffff  }
0x55f: {  	[tilespmem:s1+$0x0] =	vst.add.f32.msk $0xffff, v17  }
0x560: {  	v50 =	vld.idx.msk [tilespmem:v46+s2+$0x0], $0xffff  }
0x561: {  	v55 =	vld.idx.msk [tilespmem:v48+s2+$0x0], $0xffff  }
0x562: {  	v16 =	vmul.f32 v16, v7;
	v17 =	vmul.f32 v49, v6  }
0x563: {  	v62 =	vld.idx.msk [tilespmem:v32+s2+$0x0], $0xffff  }
0x564: {  	v23 =	vadd.s32 $0x3100, v8;
	v15 =	vmul.f32 v15, v5;
	v16 =	vadd.f32 v16, v17  }
0x565: {  	v32 =	vadd.s32 $0x3100, v10;
	v46 =	vadd.s32 $0x3100, v9  }
0x566: {  	s5 =	sadd.s32 $0x14080, s20;
	v15 =	vadd.f32 v15, v16;
	v18 =	vmul.f32 v50, v4;
	v19 =	vmul.f32 v55, v11  }
0x567: {  	s6 =	sor.u32 s19, s5  }
0x568: {  	v30 =	vmul.f32 v62, v12;
	[tilespmem:s6+$0x0] =	vst.add.f32.msk $0xffff, v15;
	v22 =	vadd.f32 v19, v18  }
0x569: {  	v48 =	vld.idx.msk [tilespmem:v23+s2+$0x0], $0xffff  }
0x56a: {  	v16 =	vld.idx.msk [tilespmem:v32+s2+$0x0], $0xffff;
	v17 =	vadd.f32 v30, v22  }
0x56b: {  	s1 =	sor.u32 s18, s5;
	v15 =	vld.idx.msk [tilespmem:v46+s2+$0x0], $0xffff  }
0x56c: {  	[tilespmem:s1+$0x0] =	vst.add.f32.msk $0xffff, v17  }
0x56d: {  	v49 =	vld.idx.msk [tilespmem:v44+s2+$0x0], $0xffff  }
0x56e: {  	v50 =	vld.idx.msk [tilespmem:v45+s2+$0x0], $0xffff  }
0x56f: {  	v17 =	vmul.f32 v48, v6;
	v16 =	vmul.f32 v16, v7  }
0x570: {  	v51 =	vld.idx.msk [tilespmem:v51+s2+$0x0], $0xffff  }
0x571: {  	v62 =	vadd.s32 $0x3180, v8;
	v15 =	vmul.f32 v15, v5;
	v16 =	vadd.f32 v16, v17  }
0x572: {  	v23 =	vadd.s32 $0x3180, v10;
	v30 =	vadd.s32 $0x3180, v9  }
0x573: {  	s7 =	sadd.s32 $0x14100, s20;
	v15 =	vadd.f32 v15, v16;
	v18 =	vmul.f32 v49, v4;
	v19 =	vmul.f32 v50, v11  }
0x574: {  	s8 =	sor.u32 s19, s7  }
0x575: {  	v22 =	vmul.f32 v51, v12;
	[tilespmem:s8+$0x0] =	vst.add.f32.msk $0xffff, v15;
	v55 =	vadd.f32 v19, v18  }
0x576: {  	v15 =	vld.idx.msk [tilespmem:v62+s2+$0x0], $0xffff  }
0x577: {  	v16 =	vld.idx.msk [tilespmem:v23+s2+$0x0], $0xffff;
	v17 =	vadd.f32 v22, v55  }
0x578: {  	s1 =	sor.u32 s18, s7;
	v32 =	vld.idx.msk [tilespmem:v30+s2+$0x0], $0xffff  }
0x579: {  	[tilespmem:s1+$0x0] =	vst.add.f32.msk $0xffff, v17  }
0x57a: {  	v44 =	vld.idx.msk [tilespmem:v36+s2+$0x0], $0xffff  }
0x57b: {  	v45 =	vld.idx.msk [tilespmem:v43+s2+$0x0], $0xffff;
	_ =	sdelay $0x1  }
0x57c: {  	v0 =	vadd.f32 v2, v0;
	v15 =	vmul.f32 v15, v6;
	v16 =	vmul.f32 v16, v7;
	v46 =	vld.idx.msk [tilespmem:v38+s2+$0x0], $0xffff;
	_ =	sdelay $0x1  }
0x57d: {  	[tilespmem:s0+$0x0] =	vst.add.f32.msk $0xffff, v0;
	v30 =	vadd.s32 $0x3200, v8;
	v49 =	vmul.f32 v32, v5;
	v48 =	vadd.f32 v16, v15  }
0x57e: {  	v62 =	vld.idx.msk [tilespmem:v60+s2+$0x0], $0xffff;
	v36 =	vadd.s32 $0x3200, v10;
	v50 =	vmul.f32 v44, v4;
	v51 =	vmul.f32 v45, v11  }
0x57f: {  	s9 =	sadd.s32 $0x14180, s20;
	v38 =	vld.idx.msk [tilespmem:v63+s2+$0x0], $0xffff;
	v55 =	vadd.f32 v49, v48  }
0x580: {  	s10 =	sor.u32 s19, s9;
	v43 =	vld.idx.msk [tilespmem:v61+s2+$0x0], $0xffff;
	v32 =	vmul.f32 v46, v12;
	v44 =	vadd.s32 $0x3200, v9;
	v23 =	vadd.f32 v51, v50  }
0x581: {  	[tilespmem:s10+$0x0] =	vst.add.f32.msk $0xffff, v55  }
0x582: {  	v16 =	vld.idx.msk [tilespmem:v30+s2+$0x0], $0xffff;
	v15 =	vadd.f32 v32, v23  }
0x583: {  	s0 =	sor.u32 s18, s9;
	v0 =	vld.idx.msk [tilespmem:v36+s2+$0x0], $0xffff  }
0x584: {  	[tilespmem:s0+$0x0] =	vst.add.f32.msk $0xffff, v15  }
0x585: {  	v2 =	vmul.f32 v62, v53;
	v17 =	vmul.f32 v38, v56;
	v15 =	vld.idx.msk [tilespmem:v44+s2+$0x0], $0xffff;
	_ =	sdelay $0x1  }
0x586: {  	v18 =	vmul.f32 v43, v3;
	v2 =	vadd.f32 v17, v2  }
0x587: {  	v16 =	vmul.f32 v16, v6;
	v0 =	vmul.f32 v0, v7  }
0x588: {  	v2 =	vadd.f32 v18, v2;
	v45 =	vld.idx.msk [tilespmem:v21+s2+$0x0], $0xffff  }
0x589: {  	v46 =	vld.idx.msk [tilespmem:v52+s2+$0x0], $0xffff;
	v52 =	vadd.s32 $0x3280, v8;
	v0 =	vadd.f32 v0, v16;
	v15 =	vmul.f32 v15, v5  }
0x58a: {  	v60 =	vadd.s32 $0x3280, v10;
	[tilespmem:s28+$0x0] =	vst.add.f32.msk $0xffff, v2  }
0x58b: {  	s11 =	sadd.s32 $0x14200, s20;
	v48 =	vld.idx.msk [tilespmem:v47+s2+$0x0], $0xffff;
	v0 =	vadd.f32 v15, v0  }
0x58c: {  	s15 =	sor.u32 s19, s11;
	v62 =	vadd.s32 $0x3280, v9;
	v30 =	vld.idx.msk [tilespmem:v57+s2+$0x0], $0xffff  }
0x58d: {  	[tilespmem:s15+$0x0] =	vst.add.f32.msk $0xffff, v0  }
0x58e: {  	v49 =	vmul.f32 v45, v4;
	v50 =	vmul.f32 v46, v11;
	v63 =	vld.idx.msk [tilespmem:v52+s2+$0x0], $0xffff  }
0x58f: {  	v15 =	vld.idx.msk [tilespmem:v60+s2+$0x0], $0xffff  }
0x590: {  	v32 =	vld.idx.msk [tilespmem:v58+s2+$0x0], $0xffff;
	v55 =	vmul.f32 v48, v12;
	v51 =	vadd.f32 v50, v49  }
0x591: {  	v0 =	vld.idx.msk [tilespmem:v62+s2+$0x0], $0xffff  }
0x592: {  	v36 =	vld.idx.msk [tilespmem:v59+s2+$0x0], $0xffff;
	v61 =	vadd.f32 v55, v51  }
0x593: {  	s0 =	sor.u32 s18, s11  }
0x594: {  	[tilespmem:s0+$0x0] =	vst.add.f32.msk $0xffff, v61;
	v2 =	vmul.f32 v63, v6;
	v15 =	vmul.f32 v15, v7  }
0x595: {  	v16 =	vmul.f32 v30, v53;
	v43 =	vmul.f32 v32, v56;
	v34 =	vld.idx.msk [tilespmem:v34+s2+$0x0], $0xffff  }
0x596: {  	v35 =	vld.idx.msk [tilespmem:v35+s2+$0x0], $0xffff;
	v0 =	vmul.f32 v0, v5;
	v2 =	vadd.f32 v15, v2  }
0x597: {  	v47 =	vmul.f32 v36, v3;
	v46 =	vadd.f32 v43, v16;
	v49 =	vadd.s32 $0x3300, v8  }
0x598: {  	s23 =	sadd.s32 $0x14280, s20;
	v51 =	vadd.s32 $0x3300, v10;
	v38 =	vld.idx.msk [tilespmem:v31+s2+$0x0], $0xffff;
	v0 =	vadd.f32 v0, v2  }
0x599: {  	s25 =	sor.u32 s19, s23;
	v55 =	vadd.s32 $0x3300, v9;
	v2 =	vadd.f32 v47, v46  }
0x59a: {  	[tilespmem:s25+$0x0] =	vst.add.f32.msk $0xffff, v0  }
0x59b: {  	v44 =	vmul.f32 v34, v4;
	v45 =	vmul.f32 v35, v11;
	[tilespmem:s26+$0x0] =	vst.add.f32.msk $0xffff, v2  }
0x59c: {  	v57 =	vld.idx.msk [tilespmem:v49+s2+$0x0], $0xffff  }
0x59d: {  	v50 =	vmul.f32 v38, v12;
	v48 =	vadd.f32 v45, v44;
	v58 =	vld.idx.msk [tilespmem:v51+s2+$0x0], $0xffff  }
0x59e: {  	v59 =	vld.idx.msk [tilespmem:v55+s2+$0x0], $0xffff  }
0x59f: {  	v52 =	vadd.f32 v50, v48;
	v60 =	vld.idx.msk [tilespmem:v40+s2+$0x0], $0xffff  }
0x5a0: {  	s0 =	sor.u32 s18, s23;
	v61 =	vld.idx.msk [tilespmem:v42+s2+$0x0], $0xffff  }
0x5a1: {  	[tilespmem:s0+$0x0] =	vst.add.f32.msk $0xffff, v52  }
0x5a2: {  	v62 =	vld.idx.msk [tilespmem:v28+s2+$0x0], $0xffff  }
0x5a3: {  	v28 =	vld.idx.msk [tilespmem:v41+s2+$0x0], $0xffff;
	_ =	sdelay $0x1  }
0x5a4: {  	v0 =	vmul.f32 v57, v6;
	v2 =	vmul.f32 v58, v7  }
0x5a5: {  	v30 =	vmul.f32 v60, v53;
	v31 =	vmul.f32 v61, v56  }
0x5a6: {  	v63 =	vld.idx.msk [tilespmem:v29+s2+$0x0], $0xffff;
	v15 =	vmul.f32 v59, v5;
	v0 =	vadd.f32 v2, v0  }
0x5a7: {  	v38 =	vadd.s32 $0x3380, v8;
	v2 =	vadd.f32 v31, v30;
	v35 =	vmul.f32 v28, v3  }
0x5a8: {  	s26 =	sadd.s32 $0x14300, s20;
	v29 =	vld.idx.msk [tilespmem:v27+s2+$0x0], $0xffff;
	v41 =	vadd.s32 $0x3380, v10;
	v0 =	vadd.f32 v15, v0  }
0x5a9: {  	v43 =	vadd.s32 $0x3380, v9;
	s28 =	sor.u32 s19, s26;
	v2 =	vadd.f32 v35, v2  }
0x5aa: {  	[tilespmem:s28+$0x0] =	vst.add.f32.msk $0xffff, v0  }
0x5ab: {  	v32 =	vmul.f32 v62, v4;
	v34 =	vmul.f32 v63, v11;
	[tilespmem:s24+$0x0] =	vst.add.f32.msk $0xffff, v2  }
0x5ac: {  	v44 =	vld.idx.msk [tilespmem:v38+s2+$0x0], $0xffff  }
0x5ad: {  	v40 =	vmul.f32 v29, v12;
	v36 =	vadd.f32 v34, v32;
	v45 =	vld.idx.msk [tilespmem:v41+s2+$0x0], $0xffff  }
0x5ae: {  	v46 =	vld.idx.msk [tilespmem:v43+s2+$0x0], $0xffff  }
0x5af: {  	v42 =	vadd.f32 v40, v36;
	v47 =	vld.idx.msk [tilespmem:v37+s2+$0x0], $0xffff  }
0x5b0: {  	s0 =	sor.u32 s18, s26;
	v48 =	vld.idx.msk [tilespmem:v39+s2+$0x0], $0xffff  }
0x5b1: {  	[tilespmem:s0+$0x0] =	vst.add.f32.msk $0xffff, v42  }
0x5b2: {  	v49 =	vld.idx.msk [tilespmem:v24+s2+$0x0], $0xffff  }
0x5b3: {  	v50 =	vld.idx.msk [tilespmem:v25+s2+$0x0], $0xffff  }
0x5b4: {  	v51 =	vld.idx.msk [tilespmem:v33+s2+$0x0], $0xffff  }
0x5b5: {  	v1 =	vmul.f32 v1, v54;
	v52 =	vld.idx.msk [tilespmem:v26+s2+$0x0], $0xffff;
	v0 =	vmul.f32 v44, v6  }
0x5b6: {  	v2 =	vmul.f32 v45, v7;
	v54 =	vmul.f32 v46, v5  }
0x5b7: {  	v57 =	vadd.f32 v14, v13;
	v55 =	vmul.f32 v47, v53;
	v56 =	vmul.f32 v48, v56  }
0x5b8: {  	v0 =	vadd.f32 v2, v0;
	v58 =	vmul.f32 v49, v4;
	v59 =	vmul.f32 v50, v11  }
0x5b9: {  	v1 =	vadd.f32 v1, v57;
	v60 =	vmul.f32 v51, v3;
	v2 =	vadd.f32 v56, v55  }
0x5ba: {  	s29 =	sadd.s32 $0x14380, s20;
	v61 =	vmul.f32 v52, v12;
	v0 =	vadd.f32 v54, v0;
	v4 =	vadd.f32 v59, v58  }
0x5bb: {  	s30 =	sor.u32 s19, s29;
	[tilespmem:s21+$0x0] =	vst.add.f32.msk $0xffff, v1;
	v62 =	vadd.f32 v60, v2  }
0x5bc: {  	s16 =	sadd.s32 $0x1, s16;
	[tilespmem:s30+$0x0] =	vst.add.f32.msk $0xffff, v0;
	v63 =	vadd.f32 v61, v4  }
0x5bd: {  	p0 =	sne.s32 s16, $0x6;
	s31 =	rddreg [dreg:$0x1];
	s0 =	sor.u32 s18, s29;
	[tilespmem:s22+$0x0] =	vst.add.f32.msk $0xffff, v62  }
.Ltmp1:
0x5be: {  	[tilespmem:s0+$0x0] =	vst.add.f32.msk $0xffff, v63;
	s0 =	sadd.s32 s31, s17;
	(pc) =	sbr.rel @p0 .LBB2_2-.Ltmp1, $4  }
0x5bf: {  	[hbm4b:s0+s2] =	stream.linear.scatter [tilespmem:s12], [sflag:$0x2], $0x10000, $0x38;
	[tilespmem:$0x18000] =	vst v63  }
0x5c0: {  	_ =	swait.ge [sflag:s14], $0x10000  }
0x5c1: {  	[sflag:s14] =	ssyncset.done $0x0  }
0x5c2: {  	[sflag:s14] =	ssyncadd.s32 $0xFFFF0000  }
0x5c3: {  	s1 =	rddreg [dreg:$0x9]  }
0x5c4: {  	s0 =	rddreg [dreg:$0x8];
	s1 =	sadd.s32 $0x1, s1  }
0x5c5: {  	p0 =	sne.s32 s1, s0  }
.Ltmp2:
0x5c6: {  	_ = 	snop;
	(pc) =	sbr.rel @p0 .LBB2_1-.Ltmp2, $1  }
0x5c7: {  	_ =	sdelay $0x3  }
0x5c8: {  	_ =	sfence.sel $0x180000  }
0x5c9: {  	[bflag:$0x0] =	sbarrier.arrive $0xFFFF  }
0x5ca: {  	_ =	strace $0x90000047  }
0x5cb: {  	s0 =	stileid.u32;
	[bflag:$0x2] =	sbarrier.arrive $0xFFFF  }
0x5cc: {  	p0 =	sne.s32 s0, $0x0;
	s0 =	rddreg [dreg:$0x2]  }
0x5cd: {  	s0 =	sadd.s32 @!p0 $0x100000, s0  }
0x5ce: {  	[sflag:s0] =	ssyncadd.tile.s32 @!p0 $0x1;
	_ =	shalt  }
.Lfunc_end2:
_tile_overlayer_lowered:
.L_overlay_start_2:
0x5cf: {  	(tag) =	ssettag $0x2  }
0x5d0: {  	s0 =	rddreg [dreg:$0x0];
	s2 =	stileid.u32  }
0x5d1: {  	s1 =	rddreg [dreg:$0x1];
	p0 =	sne.s32 s2, $0x0  }
0x5d2: {  	s3 =	rddreg [dreg:$0x2];
	[bflag:$0x3] =	sbarrier.arrive $0xFFFF;
	s2 =	simm.s32 @!p0 $0x1C02  }
0x5d3: {  	[timem:s3], [sflag:s2] =	dma.local @!p0 [hbm:s0], s1  }
0x5d4: {  	s0 =	simm.s32 @!p0 $0x2  }
0x5d5: {  	_ =	swait.ge @!p0 [sflag:s0], s1  }
0x5d6: {  	s1 =	ssub.s32 @!p0 $0x0, s1;
	[sflag:s0] =	ssyncset.done @!p0 $0x0  }
0x5d7: {  	[sflag:s0] =	ssyncadd.s32 @!p0 s1  }
0x5d8: {  	[bflag:$0x3] =	sbarrier.arrive $0xFFFF  }
0x5d9: {  	_ =	shalt  }

</sc_bundles>
